<compile_context>
chip_gen: v7x
topology: tpu7x:2x2x1
jax: 0.10.2.dev20260603
libtpu: 0.0.44.dev20260713+nightly
codegen_flags: <defaults>
</compile_context>

<pallas_src>
import functools

import jax
import jax.numpy as jnp
from jax import lax
from jax.experimental import pallas as pl
from jax.experimental.pallas import tpu as pltpu
from jax.experimental.pallas import tpu_sc as plsc

N = 50000
E = 800000
D = 64
K = 4
C = 10
G = 64
GAMMA = 0.01
NV = 100
EV = 5

NW = 32
BLK = 1568
NPAD = NW * BLK
HALF = NPAD // 2
EPW = E // NW
PC = 512
NCH_P = (EPW + PC - 1) // PC
CAP = 25600
CH = 192
AGG_ROWS = 26112
TRASH = HALF
HI = lax.Precision.HIGHEST

_mesh = plsc.VectorSubcoreMesh(core_axis_name="c", subcore_axis_name="s")


def _vlast(v):
    return lax.squeeze(lax.slice(v, (15,), (16,)), (0,))


@functools.partial(
    pl.kernel,
    out_type=(
        jax.ShapeDtypeStruct((NW, 2, CAP), jnp.int32),
        jax.ShapeDtypeStruct((NW, 2, CAP), jnp.int32),
        jax.ShapeDtypeStruct((NW, 16), jnp.int32),
    ),
    mesh=_mesh,
    compiler_params=pltpu.CompilerParams(needs_layout_passes=False),
    scratch_types=[
        pltpu.VMEM((PC,), jnp.int32),
        pltpu.VMEM((PC,), jnp.int32),
        pltpu.VMEM((PC,), jnp.int32),
        pltpu.VMEM((CAP,), jnp.int32),
        pltpu.VMEM((CAP,), jnp.int32),
        pltpu.VMEM((CAP,), jnp.int32),
        pltpu.VMEM((CAP,), jnp.int32),
        pltpu.VMEM((16,), jnp.int32),
    ],
)
def _partition(src_hbm, dst_hbm, attr_hbm, gidx_out, dstl_out, cnt_out,
               src_v, dst_v, attr_v, g0, d0, g1, d1, cnt_v):
    c = lax.axis_index("c")
    s = lax.axis_index("s")
    w = s * 2 + c
    base = w * EPW
    lane = lax.broadcasted_iota(jnp.int32, (16,), 0)

    def chunk_body(g, offs):
        off = base + g * PC
        pltpu.sync_copy(src_hbm.at[pl.ds(off, PC)], src_v)
        pltpu.sync_copy(dst_hbm.at[pl.ds(off, PC)], dst_v)
        pltpu.sync_copy(attr_hbm.at[pl.ds(off, PC)], attr_v)

        npad16 = jnp.full((16,), NPAD, jnp.int32)
        half16 = jnp.full((16,), HALF, jnp.int32)
        epw16 = jnp.full((16,), EPW, jnp.int32)
        one16 = jnp.full((16,), 1, jnp.int32)
        zro16 = jnp.full((16,), 0, jnp.int32)

        def vec_body(i, offs2):
            off0, off1 = offs2
            s16 = src_v[pl.ds(i * 16, 16)]
            d16 = dst_v[pl.ds(i * 16, 16)]
            a16 = attr_v[pl.ds(i * 16, 16)]
            gidx = a16 * npad16 + s16
            pvec = lax.broadcast_in_dim(g * PC + i * 16, (16,), ()) + lane
            valid = pvec < epw16
            m0 = valid & (d16 < half16)
            m1 = valid & (d16 >= half16)
            mi0 = jnp.where(m0, one16, zro16)
            mi1 = jnp.where(m1, one16, zro16)
            cs0 = plsc.cumsum(mi0)
            cs1 = plsc.cumsum(mi1)
            pos0 = lax.broadcast_in_dim(off0, (16,), ()) + cs0 - mi0
            pos1 = lax.broadcast_in_dim(off1, (16,), ()) + cs1 - mi1
            plsc.store_scatter(g0, [pos0], gidx, mask=m0)
            plsc.store_scatter(d0, [pos0], d16, mask=m0)
            plsc.store_scatter(g1, [pos1], gidx, mask=m1)
            plsc.store_scatter(d1, [pos1], d16 - half16, mask=m1)
            return (off0 + _vlast(cs0), off1 + _vlast(cs1))

        return lax.fori_loop(0, PC // 16, vec_body, offs)

    off0, off1 = lax.fori_loop(0, NCH_P, chunk_body,
                               (jnp.int32(0), jnp.int32(0)))

    zero16 = jnp.zeros((16,), jnp.int32)
    trash16 = jnp.full((16,), TRASH, jnp.int32)
    for j in range(CH // 16):
        g0[pl.ds(off0 + j * 16, 16)] = zero16
        d0[pl.ds(off0 + j * 16, 16)] = trash16
        g1[pl.ds(off1 + j * 16, 16)] = zero16
        d1[pl.ds(off1 + j * 16, 16)] = trash16

    pltpu.sync_copy(g0, gidx_out.at[w, 0])
    pltpu.sync_copy(d0, dstl_out.at[w, 0])
    pltpu.sync_copy(g1, gidx_out.at[w, 1])
    pltpu.sync_copy(d1, dstl_out.at[w, 1])
    zv = jnp.zeros((16,), jnp.int32)
    cnt_v[...] = jnp.where(lane == zv, lax.broadcast_in_dim(off0, (16,), ()),
                           jnp.where(lane == zv + 1,
                                     lax.broadcast_in_dim(off1, (16,), ()), zv))
    pltpu.sync_copy(cnt_v, cnt_out.at[w])


@functools.partial(
    pl.kernel,
    out_type=jax.ShapeDtypeStruct((NPAD, D), jnp.float32),
    mesh=_mesh,
    compiler_params=pltpu.CompilerParams(needs_layout_passes=False,
                                         use_tc_tiling_on_sc=False),
    scratch_types=[
        pltpu.VMEM_SHARED((AGG_ROWS, D), jnp.float32),
        pltpu.VMEM((CH, D), jnp.float32),
        pltpu.VMEM((CH, D), jnp.float32),
        pltpu.VMEM((CH,), jnp.int32),
        pltpu.VMEM((CH,), jnp.int32),
        pltpu.VMEM((CH,), jnp.int32),
        pltpu.VMEM((CH,), jnp.int32),
        pltpu.VMEM((16,), jnp.int32),
        pltpu.SemaphoreType.DMA,
        pltpu.SemaphoreType.DMA,
        pltpu.SemaphoreType.DMA,
        pltpu.SemaphoreType.DMA,
    ],
)
def _aggregate(m_hbm, gidx_hbm, dstl_hbm, cnt_hbm, zeros_hbm, agg_out,
               agg_sh, bufa, bufb, gia, gib, da, db, cnt_v,
               sga, sgb, sia, sib):
    c = lax.axis_index("c")
    s = lax.axis_index("s")
    lane = lax.broadcasted_iota(jnp.int32, (16,), 0)

    pltpu.sync_copy(zeros_hbm.at[pl.ds(s * (AGG_ROWS // 16), AGG_ROWS // 16)],
                    agg_sh.at[pl.ds(s * (AGG_ROWS // 16), AGG_ROWS // 16)])
    plsc.subcore_barrier()

    for k in range(2):
        w = s * 2 + k
        pltpu.sync_copy(cnt_hbm.at[w], cnt_v)
        cvec = lax.broadcast_in_dim(c, (16,), ())
        sel = jnp.where(lane == cvec, cnt_v[...], jnp.zeros((16,), jnp.int32))
        cnt = _vlast(plsc.cumsum(sel))
        nch = (cnt + (CH - 1)) // CH
        hi = jnp.maximum(nch - 1, 0)

        def clamp(ci):
            return jnp.clip(ci, 0, hi)

        def idx_fetch(ci, gbuf_i, dbuf, si):
            cc = clamp(ci)
            pltpu.async_copy(gidx_hbm.at[w, c, pl.ds(cc * CH, CH)], gbuf_i, si)
            pltpu.async_copy(dstl_hbm.at[w, c, pl.ds(cc * CH, CH)], dbuf, si)

        def idx_wait(gbuf_i, dbuf, si):
            pltpu.make_async_copy(gidx_hbm.at[w, c, pl.ds(0, CH)],
                                  gbuf_i, si).wait()
            pltpu.make_async_copy(dstl_hbm.at[w, c, pl.ds(0, CH)],
                                  dbuf, si).wait()

        def gather_wait(buf, sg):
            pltpu.make_async_copy(m_hbm.at[gia], buf, sg).wait()

        idx_fetch(jnp.int32(0), gia, da, sia)
        idx_wait(gia, da, sia)
        pltpu.async_copy(m_hbm.at[gia], bufa, sga)
        idx_fetch(jnp.int32(1), gib, db, sib)

        def pair_body(g, _):
            c0 = 2 * g
            c1 = c0 + 1
            idx_wait(gib, db, sib)
            pltpu.async_copy(m_hbm.at[gib], bufb, sgb)
            gather_wait(bufa, sga)

            @pl.when(c0 < nch)
            def _():
                pltpu.sync_copy(bufa, agg_sh.at[da], add=True)

            idx_fetch(c0 + 2, gia, da, sia)
            idx_wait(gia, da, sia)
            pltpu.async_copy(m_hbm.at[gia], bufa, sga)
            gather_wait(bufb, sgb)

            @pl.when(c1 < nch)
            def _():
                pltpu.sync_copy(bufb, agg_sh.at[db], add=True)

            idx_fetch(c1 + 2, gib, db, sib)
            return 0

        lax.fori_loop(0, (nch + 1) // 2, pair_body, 0)
        gather_wait(bufa, sga)
        idx_wait(gib, db, sib)

    plsc.subcore_barrier()
    pltpu.sync_copy(agg_sh.at[pl.ds(s * BLK, BLK)],
                    agg_out.at[pl.ds(c * HALF + s * BLK, BLK)])


def _embed_body(x_ref, emb_ref, o_ref):
    xv = x_ref[...].reshape(1, BLK)
    oh = (lax.broadcasted_iota(jnp.int32, (NV, BLK), 0) == xv).astype(jnp.float32)
    o_ref[...] = lax.dot_general(oh, emb_ref[...], (((0,), (0,)), ((), ())),
                                 precision=HI)


def _embed(x3d, node_emb):
    return pl.pallas_call(
        _embed_body,
        grid=(NW,),
        in_specs=[
            pl.BlockSpec((1, 1, BLK), lambda b: (b, 0, 0)),
            pl.BlockSpec((NV, D), lambda b: (0, 0)),
        ],
        out_specs=pl.BlockSpec((BLK, D), lambda b: (b, 0)),
        out_shape=jax.ShapeDtypeStruct((NPAD, D), jnp.float32),
    )(x3d, node_emb)


def _mtable_body(h_ref, e_ref, o_ref):
    a = pl.program_id(0)
    sel = (lax.broadcasted_iota(jnp.int32, (EV, 1), 0) == a).astype(jnp.float32)
    erow = jnp.sum(e_ref[...] * sel, axis=0, keepdims=True)
    o_ref[...] = jnp.maximum(h_ref[...] + erow, 0.0)[None]


def _mtable(h, eemb):
    m3 = pl.pallas_call(
        _mtable_body,
        grid=(EV, NW),
        in_specs=[
            pl.BlockSpec((BLK, D), lambda a, b: (b, 0)),
            pl.BlockSpec((EV, D), lambda a, b: (0, 0)),
        ],
        out_specs=pl.BlockSpec((1, BLK, D), lambda a, b: (a, b, 0)),
        out_shape=jax.ShapeDtypeStruct((EV, NPAD, D), jnp.float32),
    )(h, eemb)
    return m3.reshape(EV * NPAD, D)


def _mlp_body(h_ref, a_ref, w1_ref, b1_ref, w2_ref, b2_ref, ep_ref, o_ref,
              *, last):
    z = h_ref[...] * ep_ref[0, 0] + a_ref[...]
    z1 = lax.dot_general(z, w1_ref[...], (((1,), (1,)), ((), ()))) + b1_ref[0:1, :]
    z1 = jnp.maximum(z1, 0.0)
    z2 = lax.dot_general(z1, w2_ref[...], (((1,), (1,)), ((), ()))) + b2_ref[0:1, :]
    o_ref[...] = z2 if last else jnp.maximum(z2, 0.0)


def _mlp(h, agg, w1, b1bc, w2, b2bc, epbc, last):
    return pl.pallas_call(
        functools.partial(_mlp_body, last=last),
        grid=(NW,),
        in_specs=[
            pl.BlockSpec((BLK, D), lambda b: (b, 0)),
            pl.BlockSpec((BLK, D), lambda b: (b, 0)),
            pl.BlockSpec((2 * D, D), lambda b: (0, 0)),
            pl.BlockSpec((8, 2 * D), lambda b: (0, 0)),
            pl.BlockSpec((D, 2 * D), lambda b: (0, 0)),
            pl.BlockSpec((8, D), lambda b: (0, 0)),
            pl.BlockSpec((8, 128), lambda b: (0, 0)),
        ],
        out_specs=pl.BlockSpec((BLK, D), lambda b: (b, 0)),
        out_shape=jax.ShapeDtypeStruct((NPAD, D), jnp.float32),
    )(h, agg, w1, b1bc, w2, b2bc, epbc)


def _readout_body(h_ref, bt_ref, p_ref, wp_ref, bp_ref, o_ref, acc_ref):
    b = pl.program_id(0)
    hh = h_ref[...]
    t = lax.dot_general(hh, p_ref[...], (((1,), (1,)), ((), ()))) / GAMMA
    t = t - jnp.max(t, axis=1, keepdims=True)
    ex = jnp.exp(t)
    al = ex / jnp.sum(ex, axis=1, keepdims=True)
    w2 = jnp.concatenate([al[:, k:k + 1] * hh for k in range(K)], axis=1)
    bv = bt_ref[...].reshape(1, BLK)
    oh = (lax.broadcasted_iota(jnp.int32, (G, BLK), 0) == bv).astype(jnp.float32)
    contrib = lax.dot_general(oh, w2, (((1,), (0,)), ((), ())), precision=HI)

    @pl.when(b == 0)
    def _():
        acc_ref[...] = contrib

    @pl.when(b > 0)
    def _():
        acc_ref[...] = acc_ref[...] + contrib

    @pl.when(b == NW - 1)
    def _():
        o_ref[...] = lax.dot_general(acc_ref[...], wp_ref[...],
                                     (((1,), (1,)), ((), ()))) + bp_ref[0:1, :]


def _readout(h, batch3d, p, wp, bpbc):
    return pl.pallas_call(
        _readout_body,
        grid=(NW,),
        in_specs=[
            pl.BlockSpec((BLK, D), lambda b: (b, 0)),
            pl.BlockSpec((1, 1, BLK), lambda b: (b, 0, 0)),
            pl.BlockSpec((K, D), lambda b: (0, 0)),
            pl.BlockSpec((C, K * D), lambda b: (0, 0)),
            pl.BlockSpec((8, C), lambda b: (0, 0)),
        ],
        out_specs=pl.BlockSpec((G, C), lambda b: (0, 0)),
        out_shape=jax.ShapeDtypeStruct((G, C), jnp.float32),
        scratch_shapes=[pltpu.VMEM((G, K * D), jnp.float32)],
    )(h, batch3d, p, wp, bpbc)


def kernel(x, edge_index, edge_attr, batch, node_emb, edge_embs,
           W1, b1, W2, b2, eps, P, Wp, bp):
    L = W1.shape[0]
    pad_e = NCH_P * PC - EPW
    src = jnp.pad(edge_index[0].astype(jnp.int32), (0, pad_e))
    dst = jnp.pad(edge_index[1].astype(jnp.int32), (0, pad_e))
    attr = jnp.pad(edge_attr.astype(jnp.int32), (0, pad_e))
    x3d = jnp.pad(x.astype(jnp.int32), (0, NPAD - N)).reshape(NW, 1, BLK)
    batch3d = jnp.pad(batch.astype(jnp.int32), (0, NPAD - N),
                      constant_values=G).reshape(NW, 1, BLK)
    zeros_hbm = jnp.zeros((AGG_ROWS, D), jnp.float32)
    b1bc = jnp.broadcast_to(b1.reshape(L, 1, 2 * D), (L, 8, 2 * D))
    b2bc = jnp.broadcast_to(b2.reshape(L, 1, D), (L, 8, D))
    bpbc = jnp.broadcast_to(bp.reshape(1, C), (8, C))

    gidx, dstl, cnts = _partition(src, dst, attr)
    h = _embed(x3d, node_emb)
    for l in range(L):
        m2 = _mtable(h, edge_embs[l])
        agg = _aggregate(m2, gidx, dstl, cnts, zeros_hbm)
        epbc = jnp.full((8, 128), 1.0 + eps[l], jnp.float32)
        h = _mlp(h, agg, W1[l], b1bc[l], W2[l], b2bc[l], epbc, last=(l == L - 1))
    return _readout(h, batch3d, P, Wp, bpbc)

# --- scband reference (transcript-rebuilt; emitter-appended) ---
"""Pipeline reference for scband-gnn-32006096290320 (READ-ONLY COPY).

The authoritative reference and input builder live on the scoring server;
editing this copy changes nothing except your own understanding.
"""

import jax, jax.numpy as jnp
import numpy as np

N = 50000
E = 800000
D = 64
L = 3
K = 4
C = 10
NODE_VOCAB = 100
EDGE_VOCAB = 5
G = 64
GAMMA = 0.01


def setup_inputs(seed: int = 0) -> dict:
    key = jax.random.key(seed)
    ks = jax.random.split(key, 16)
    x = jax.random.randint(ks[0], (N,), 0, NODE_VOCAB)
    edge_index = jax.random.randint(ks[1], (2, E), 0, N)
    edge_attr = jax.random.randint(ks[2], (E,), 0, EDGE_VOCAB)
    batch = jnp.sort(jax.random.randint(ks[3], (N,), 0, G))
    node_emb = jax.random.normal(ks[4], (NODE_VOCAB, D), dtype=jnp.float32) * 0.1
    edge_embs = jax.random.normal(ks[5], (L, EDGE_VOCAB, D), dtype=jnp.float32) * 0.1
    W1 = jax.random.normal(ks[6], (L, 2 * D, D), dtype=jnp.float32) * 0.05
    b1 = jnp.zeros((L, 2 * D), dtype=jnp.float32)
    W2 = jax.random.normal(ks[7], (L, D, 2 * D), dtype=jnp.float32) * 0.05
    b2 = jnp.zeros((L, D), dtype=jnp.float32)
    eps = jnp.zeros((L,), dtype=jnp.float32)
    P = jax.random.normal(ks[8], (K, D), dtype=jnp.float32)
    Wp = jax.random.normal(ks[9], (C, K * D), dtype=jnp.float32) * 0.05
    bp = jnp.zeros((C,), dtype=jnp.float32)
    return {"x": x, "edge_index": edge_index, "edge_attr": edge_attr, "batch": batch,
            "node_emb": node_emb, "edge_embs": edge_embs, "W1": W1, "b1": b1,
            "W2": W2, "b2": b2, "eps": eps, "P": P, "Wp": Wp, "bp": bp}


def reference(x, edge_index, edge_attr, batch, node_emb, edge_embs, W1, b1, W2, b2, eps, P, Wp, bp):
    # GNN_node: OGB-style GIN message passing with categorical node/edge embeddings.
    h = node_emb[x]
    src = edge_index[0]
    dst = edge_index[1]
    for l in range(L):
        e = edge_embs[l][edge_attr]
        msg = jax.nn.relu(h[src] + e)
        agg = jax.ops.segment_sum(msg, dst, num_segments=N)
        z = (1.0 + eps[l]) * h + agg
        z = z @ W1[l].T + b1[l]
        z = jax.nn.relu(z)
        z = z @ W2[l].T + b2[l]
        if l < L - 1:
            h = jax.nn.relu(z)
        else:
            h = z
    # SemanticReadout: soft alignment of nodes to num_position semantic positions
    # (temperature gamma), position-wise sum readout per graph, then concat.
    align = jax.nn.softmax((h @ P.T) / GAMMA, axis=-1)
    weighted = align[:, :, None] * h[:, None, :]
    hg = jax.ops.segment_sum(weighted.reshape(N, K * D), batch, num_segments=G)
    # graph_pred_linear
    return hg @ Wp.T + bp

if __name__ == "__main__":
    import jax
    _d = setup_inputs()
    print(jax.jit(kernel)(*tuple(_d.values())))

</pallas_src>

<mosaic_0001>
#map = affine_map<(d0, d1) -> (0, 0)>
#map1 = affine_map<(d0, d1) -> (0, 0, 0)>
module attributes {stable_mosaic.version = 14 : i64} {
  func.func @_aggregate(%arg0: i32, %arg1: i32, %arg2: memref<250880x64xf32, #tpu.memory_space<hbm>>, %arg3: memref<32x2x25600xi32, #tpu.memory_space<hbm>>, %arg4: memref<32x2x25600xi32, #tpu.memory_space<hbm>>, %arg5: memref<32x16xi32, #tpu.memory_space<hbm>>, %arg6: memref<26112x64xf32, #tpu.memory_space<hbm>>, %arg7: memref<50176x64xf32, #tpu.memory_space<hbm>>, %arg8: memref<26112x64xf32, #tpu.memory_space<vmem_shared>>, %arg9: memref<192x64xf32, #tpu.memory_space<vmem>>, %arg10: memref<192x64xf32, #tpu.memory_space<vmem>>, %arg11: memref<192xi32, #tpu.memory_space<vmem>>, %arg12: memref<192xi32, #tpu.memory_space<vmem>>, %arg13: memref<192xi32, #tpu.memory_space<vmem>>, %arg14: memref<192xi32, #tpu.memory_space<vmem>>, %arg15: memref<16xi32, #tpu.memory_space<vmem>>, %arg16: memref<!tpu.dma_semaphore, #tpu.memory_space<semaphore_mem>>, %arg17: memref<!tpu.dma_semaphore, #tpu.memory_space<semaphore_mem>>, %arg18: memref<!tpu.dma_semaphore, #tpu.memory_space<semaphore_mem>>, %arg19: memref<!tpu.dma_semaphore, #tpu.memory_space<semaphore_mem>>) attributes {dimension_semantics = [#tpu.dimension_semantics<core_parallel>, #tpu.dimension_semantics<subcore_parallel>], iteration_bounds = array<i64: 2, 16>, scalar_prefetch = 0 : i64, scratch_operands = 12 : i64, tpu.core_type = #tpu.core_type<sc_vector_subcore>, window_params = [{transform_indices = #map}, {transform_indices = #map1}, {transform_indices = #map1}, {transform_indices = #map}, {transform_indices = #map}, {transform_indices = #map}]} {
    %iota3A = tpu.iota {dimensions = array<i32: 0>} : vector<16xi32>
    %mul3A = arith.constant 1632 : i32
    %mul3A_0 = arith.muli %arg1, %mul3A : i32
    %mul3A_1 = arith.constant 1632 : i32
    %mul3A_2 = arith.muli %arg1, %mul3A_1 : i32
    "tpu.region"() ({
      %run_scoped3A = tpu.sem_alloc : memref<!tpu.dma_semaphore, #tpu.memory_space<semaphore_mem>>
      %dma_start3A_283 = arith.constant 0 : i32
      %dma_start3A_284 = tpu.memref_slice %arg8[%mul3A_2, %dma_start3A_283] : memref<26112x64xf32, #tpu.memory_space<vmem_shared>> -> memref<1632x64xf32, #tpu.memory_space<vmem_shared>>
      %dma_start3A_285 = arith.constant 0 : i32
      %dma_start3A_286 = tpu.memref_slice %arg6[%mul3A_0, %dma_start3A_285] : memref<26112x64xf32, #tpu.memory_space<hbm>> -> memref<1632x64xf32, #tpu.memory_space<hbm>>
      tpu.enqueue_dma source(%dma_start3A_286 : memref<1632x64xf32, #tpu.memory_space<hbm>>) target(%dma_start3A_284 : memref<1632x64xf32, #tpu.memory_space<vmem_shared>>) target_semaphore(%run_scoped3A : memref<!tpu.dma_semaphore, #tpu.memory_space<semaphore_mem>>)
      %dma_wait3A_287 = arith.constant 0 : i32
      %dma_wait3A_288 = tpu.memref_slice %arg8[%mul3A_2, %dma_wait3A_287] : memref<26112x64xf32, #tpu.memory_space<vmem_shared>> -> memref<1632x64xf32, #tpu.memory_space<vmem_shared>>
      %dma_wait3A_289 = arith.constant 0 : i32
      %dma_wait3A_290 = tpu.memref_slice %arg6[%mul3A_0, %dma_wait3A_289] : memref<26112x64xf32, #tpu.memory_space<hbm>> -> memref<1632x64xf32, #tpu.memory_space<hbm>>
      tpu.wait_dma2 semaphore(%run_scoped3A : memref<!tpu.dma_semaphore, #tpu.memory_space<semaphore_mem>>) src(%dma_wait3A_290 : memref<1632x64xf32, #tpu.memory_space<hbm>>) dst(%dma_wait3A_288 : memref<1632x64xf32, #tpu.memory_space<vmem_shared>>)
      tpu.yield
    }) : () -> ()
    %barrier3A = arith.constant 0 : index
    tpu.barrier barrier_id(%barrier3A)
    %mul3A_3 = arith.constant 2 : i32
    %mul3A_4 = arith.muli %arg1, %mul3A_3 : i32
    %add3A = arith.constant 0 : i32
    %add3A_5 = arith.addi %mul3A_4, %add3A : i32
    "tpu.region"() ({
      %run_scoped3A = tpu.sem_alloc : memref<!tpu.dma_semaphore, #tpu.memory_space<semaphore_mem>>
      %dma_start3A_283 = arith.constant 0 : i32
      %dma_start3A_284 = tpu.memref_slice %arg5[%add3A_5, %dma_start3A_283] : memref<32x16xi32, #tpu.memory_space<hbm>> -> memref<1x16xi32, #tpu.memory_space<hbm>>
      %dma_start3A_285 = tpu.memref_squeeze %dma_start3A_284 : memref<1x16xi32, #tpu.memory_space<hbm>> -> memref<16xi32, #tpu.memory_space<hbm>>
      %dma_start3A_286 = arith.constant 0 : i32
      %dma_start3A_287 = tpu.memref_slice %arg5[%add3A_5, %dma_start3A_286] : memref<32x16xi32, #tpu.memory_space<hbm>> -> memref<1x16xi32, #tpu.memory_space<hbm>>
      %dma_start3A_288 = tpu.memref_squeeze %dma_start3A_287 : memref<1x16xi32, #tpu.memory_space<hbm>> -> memref<16xi32, #tpu.memory_space<hbm>>
      tpu.enqueue_dma source(%dma_start3A_288 : memref<16xi32, #tpu.memory_space<hbm>>) target(%arg15 : memref<16xi32, #tpu.memory_space<vmem>>) target_semaphore(%run_scoped3A : memref<!tpu.dma_semaphore, #tpu.memory_space<semaphore_mem>>)
      %dma_wait3A_289 = arith.constant 0 : i32
      %dma_wait3A_290 = tpu.memref_slice %arg5[%add3A_5, %dma_wait3A_289] : memref<32x16xi32, #tpu.memory_space<hbm>> -> memref<1x16xi32, #tpu.memory_space<hbm>>
      %dma_wait3A_291 = tpu.memref_squeeze %dma_wait3A_290 : memref<1x16xi32, #tpu.memory_space<hbm>> -> memref<16xi32, #tpu.memory_space<hbm>>
      %dma_wait3A_292 = arith.constant 0 : i32
      %dma_wait3A_293 = tpu.memref_slice %arg5[%add3A_5, %dma_wait3A_292] : memref<32x16xi32, #tpu.memory_space<hbm>> -> memref<1x16xi32, #tpu.memory_space<hbm>>
      %dma_wait3A_294 = tpu.memref_squeeze %dma_wait3A_293 : memref<1x16xi32, #tpu.memory_space<hbm>> -> memref<16xi32, #tpu.memory_space<hbm>>
      tpu.wait_dma2 semaphore(%run_scoped3A : memref<!tpu.dma_semaphore, #tpu.memory_space<semaphore_mem>>) src(%dma_wait3A_294 : memref<16xi32, #tpu.memory_space<hbm>>) dst(%arg15 : memref<16xi32, #tpu.memory_space<vmem>>)
      tpu.yield
    }) : () -> ()
    %broadcast_in_dim3A = vector.broadcast %arg0 : i32 to vector<16xi32>
    %eq3A = arith.cmpi eq, %iota3A, %broadcast_in_dim3A : vector<16xi32>
    %get3A = arith.constant 0 : index
    %get3A_6 = tpu.vector_load %arg15[%get3A] {strides = array<i32>} : memref<16xi32, #tpu.memory_space<vmem>>, vector<16xi32>,
    %broadcast_in_dim3A_7 = arith.constant 0 : i32
    %broadcast_in_dim3A_8 = vector.broadcast %broadcast_in_dim3A_7 : i32 to vector<16xi32>
    %select_n3A = arith.select %eq3A, %get3A_6, %broadcast_in_dim3A_8 : vector<16xi1>, vector<16xi32>
    %broadcast_in_dim3A_9 = arith.constant true
    %broadcast_in_dim3A_10 = vector.broadcast %broadcast_in_dim3A_9 : i1 to vector<16xi1>
    %masked_cumsum3A = tpu.scan <sum>, %select_n3A masked %broadcast_in_dim3A_10 : vector<16xi32>, vector<16xi1> -> vector<16xi32>
    %slice3A = vector.extract_strided_slice %masked_cumsum3A {offsets = [15], sizes = [1], strides = [1]} : vector<16xi32> to vector<1xi32>
    %squeeze3A = vector.extract %slice3A[0] : i32 from vector<1xi32>
    %add3A_11 = arith.constant 191 : i32
    %add3A_12 = arith.addi %squeeze3A, %add3A_11 : i32
    %jit3A = arith.constant 192 : i32
    %div3A = arith.divsi %add3A_12, %jit3A : i32
    %sign3A = arith.constant 0 : i32
    %sign3A_13 = arith.cmpi sgt, %add3A_12, %sign3A : i32
    %sign3A_14 = arith.extui %sign3A_13 : i1 to i32
    %sign3A_15 = arith.constant 0 : i32
    %sign3A_16 = arith.cmpi slt, %add3A_12, %sign3A_15 : i32
    %sign3A_17 = arith.extui %sign3A_16 : i1 to i32
    %sign3A_18 = arith.subi %sign3A_14, %sign3A_17 : i32
    %sign3A_19 = arith.constant 0 : i32
    %sign3A_20 = arith.cmpi sgt, %jit3A, %sign3A_19 : i32
    %sign3A_21 = arith.extui %sign3A_20 : i1 to i32
    %sign3A_22 = arith.constant 0 : i32
    %sign3A_23 = arith.cmpi slt, %jit3A, %sign3A_22 : i32
    %sign3A_24 = arith.extui %sign3A_23 : i1 to i32
    %sign3A_25 = arith.subi %sign3A_21, %sign3A_24 : i32
    %ne3A = arith.cmpi ne, %sign3A_18, %sign3A_25 : i32
    %rem3A = arith.remsi %add3A_12, %jit3A : i32
    %ne3A_26 = arith.constant 0 : i32
    %ne3A_27 = arith.cmpi ne, %rem3A, %ne3A_26 : i32
    %and3A = arith.andi %ne3A, %ne3A_27 : i1
    %sub3A = arith.constant 1 : i32
    %sub3A_28 = arith.subi %div3A, %sub3A : i32
    %select_n3A_29 = arith.select %and3A, %sub3A_28, %div3A : i32
    %sub3A_30 = arith.constant 1 : i32
    %sub3A_31 = arith.subi %select_n3A_29, %sub3A_30 : i32
    %max3A = arith.constant 0 : i32
    %max3A_32 = arith.maxsi %sub3A_31, %max3A : i32
    %jit3A_33 = arith.constant 0 : i32
    %jit3A_34 = arith.constant 0 : i32
    %max3A_35 = arith.maxsi %jit3A_34, %jit3A_33 : i32
    %min3A = arith.minsi %max3A_32, %max3A_35 : i32
    %mul3A_36 = arith.constant 192 : i32
    %mul3A_37 = arith.muli %min3A, %mul3A_36 : i32
    %dma_start3A = tpu.memref_slice %arg3[%add3A_5, %arg0, %mul3A_37] : memref<32x2x25600xi32, #tpu.memory_space<hbm>> -> memref<1x1x192xi32, #tpu.memory_space<hbm>>
    %dma_start3A_38 = tpu.memref_squeeze %dma_start3A : memref<1x1x192xi32, #tpu.memory_space<hbm>> -> memref<192xi32, #tpu.memory_space<hbm>>
    %dma_start3A_39 = tpu.memref_slice %arg3[%add3A_5, %arg0, %mul3A_37] : memref<32x2x25600xi32, #tpu.memory_space<hbm>> -> memref<1x1x192xi32, #tpu.memory_space<hbm>>
    %dma_start3A_40 = tpu.memref_squeeze %dma_start3A_39 : memref<1x1x192xi32, #tpu.memory_space<hbm>> -> memref<192xi32, #tpu.memory_space<hbm>>
    tpu.enqueue_dma source(%dma_start3A_40 : memref<192xi32, #tpu.memory_space<hbm>>) target(%arg11 : memref<192xi32, #tpu.memory_space<vmem>>) target_semaphore(%arg18 : memref<!tpu.dma_semaphore, #tpu.memory_space<semaphore_mem>>)
    %mul3A_41 = arith.constant 192 : i32
    %mul3A_42 = arith.muli %min3A, %mul3A_41 : i32
    %dma_start3A_43 = tpu.memref_slice %arg4[%add3A_5, %arg0, %mul3A_42] : memref<32x2x25600xi32, #tpu.memory_space<hbm>> -> memref<1x1x192xi32, #tpu.memory_space<hbm>>
    %dma_start3A_44 = tpu.memref_squeeze %dma_start3A_43 : memref<1x1x192xi32, #tpu.memory_space<hbm>> -> memref<192xi32, #tpu.memory_space<hbm>>
    %dma_start3A_45 = tpu.memref_slice %arg4[%add3A_5, %arg0, %mul3A_42] : memref<32x2x25600xi32, #tpu.memory_space<hbm>> -> memref<1x1x192xi32, #tpu.memory_space<hbm>>
    %dma_start3A_46 = tpu.memref_squeeze %dma_start3A_45 : memref<1x1x192xi32, #tpu.memory_space<hbm>> -> memref<192xi32, #tpu.memory_space<hbm>>
    tpu.enqueue_dma source(%dma_start3A_46 : memref<192xi32, #tpu.memory_space<hbm>>) target(%arg13 : memref<192xi32, #tpu.memory_space<vmem>>) target_semaphore(%arg18 : memref<!tpu.dma_semaphore, #tpu.memory_space<semaphore_mem>>)
    %dma_wait3A = arith.constant 0 : i32
    %dma_wait3A_47 = tpu.memref_slice %arg3[%add3A_5, %arg0, %dma_wait3A] : memref<32x2x25600xi32, #tpu.memory_space<hbm>> -> memref<1x1x192xi32, #tpu.memory_space<hbm>>
    %dma_wait3A_48 = tpu.memref_squeeze %dma_wait3A_47 : memref<1x1x192xi32, #tpu.memory_space<hbm>> -> memref<192xi32, #tpu.memory_space<hbm>>
    %dma_wait3A_49 = arith.constant 0 : i32
    %dma_wait3A_50 = tpu.memref_slice %arg3[%add3A_5, %arg0, %dma_wait3A_49] : memref<32x2x25600xi32, #tpu.memory_space<hbm>> -> memref<1x1x192xi32, #tpu.memory_space<hbm>>
    %dma_wait3A_51 = tpu.memref_squeeze %dma_wait3A_50 : memref<1x1x192xi32, #tpu.memory_space<hbm>> -> memref<192xi32, #tpu.memory_space<hbm>>
    tpu.wait_dma2 semaphore(%arg18 : memref<!tpu.dma_semaphore, #tpu.memory_space<semaphore_mem>>) src(%dma_wait3A_51 : memref<192xi32, #tpu.memory_space<hbm>>) dst(%arg11 : memref<192xi32, #tpu.memory_space<vmem>>)
    %dma_wait3A_52 = arith.constant 0 : i32
    %dma_wait3A_53 = tpu.memref_slice %arg4[%add3A_5, %arg0, %dma_wait3A_52] : memref<32x2x25600xi32, #tpu.memory_space<hbm>> -> memref<1x1x192xi32, #tpu.memory_space<hbm>>
    %dma_wait3A_54 = tpu.memref_squeeze %dma_wait3A_53 : memref<1x1x192xi32, #tpu.memory_space<hbm>> -> memref<192xi32, #tpu.memory_space<hbm>>
    %dma_wait3A_55 = arith.constant 0 : i32
    %dma_wait3A_56 = tpu.memref_slice %arg4[%add3A_5, %arg0, %dma_wait3A_55] : memref<32x2x25600xi32, #tpu.memory_space<hbm>> -> memref<1x1x192xi32, #tpu.memory_space<hbm>>
    %dma_wait3A_57 = tpu.memref_squeeze %dma_wait3A_56 : memref<1x1x192xi32, #tpu.memory_space<hbm>> -> memref<192xi32, #tpu.memory_space<hbm>>
    tpu.wait_dma2 semaphore(%arg18 : memref<!tpu.dma_semaphore, #tpu.memory_space<semaphore_mem>>) src(%dma_wait3A_57 : memref<192xi32, #tpu.memory_space<hbm>>) dst(%arg13 : memref<192xi32, #tpu.memory_space<vmem>>)
    %dma_start3A_58 = arith.constant 0 : i32
    %dma_start3A_59 = arith.constant 0 : i32
    %dma_start3A_60 = tpu.memref_slice %arg2[%dma_start3A_58, %dma_start3A_59] : memref<250880x64xf32, #tpu.memory_space<hbm>> -> memref<250880x64xf32, #tpu.memory_space<hbm>>
    tpu.enqueue_indirect_dma source(%dma_start3A_60 : memref<250880x64xf32, #tpu.memory_space<hbm>>) target(%arg9 : memref<192x64xf32, #tpu.memory_space<vmem>>) offsets(%arg11 : memref<192xi32, #tpu.memory_space<vmem>>) semaphore(%arg16 : memref<!tpu.dma_semaphore, #tpu.memory_space<semaphore_mem>>)
    %jit3A_61 = arith.constant 1 : i32
    %jit3A_62 = arith.constant 0 : i32
    %max3A_63 = arith.maxsi %jit3A_62, %jit3A_61 : i32
    %min3A_64 = arith.minsi %max3A_32, %max3A_63 : i32
    %mul3A_65 = arith.constant 192 : i32
    %mul3A_66 = arith.muli %min3A_64, %mul3A_65 : i32
    %dma_start3A_67 = tpu.memref_slice %arg3[%add3A_5, %arg0, %mul3A_66] : memref<32x2x25600xi32, #tpu.memory_space<hbm>> -> memref<1x1x192xi32, #tpu.memory_space<hbm>>
    %dma_start3A_68 = tpu.memref_squeeze %dma_start3A_67 : memref<1x1x192xi32, #tpu.memory_space<hbm>> -> memref<192xi32, #tpu.memory_space<hbm>>
    %dma_start3A_69 = tpu.memref_slice %arg3[%add3A_5, %arg0, %mul3A_66] : memref<32x2x25600xi32, #tpu.memory_space<hbm>> -> memref<1x1x192xi32, #tpu.memory_space<hbm>>
    %dma_start3A_70 = tpu.memref_squeeze %dma_start3A_69 : memref<1x1x192xi32, #tpu.memory_space<hbm>> -> memref<192xi32, #tpu.memory_space<hbm>>
    tpu.enqueue_dma source(%dma_start3A_70 : memref<192xi32, #tpu.memory_space<hbm>>) target(%arg12 : memref<192xi32, #tpu.memory_space<vmem>>) target_semaphore(%arg19 : memref<!tpu.dma_semaphore, #tpu.memory_space<semaphore_mem>>)
    %mul3A_71 = arith.constant 192 : i32
    %mul3A_72 = arith.muli %min3A_64, %mul3A_71 : i32
    %dma_start3A_73 = tpu.memref_slice %arg4[%add3A_5, %arg0, %mul3A_72] : memref<32x2x25600xi32, #tpu.memory_space<hbm>> -> memref<1x1x192xi32, #tpu.memory_space<hbm>>
    %dma_start3A_74 = tpu.memref_squeeze %dma_start3A_73 : memref<1x1x192xi32, #tpu.memory_space<hbm>> -> memref<192xi32, #tpu.memory_space<hbm>>
    %dma_start3A_75 = tpu.memref_slice %arg4[%add3A_5, %arg0, %mul3A_72] : memref<32x2x25600xi32, #tpu.memory_space<hbm>> -> memref<1x1x192xi32, #tpu.memory_space<hbm>>
    %dma_start3A_76 = tpu.memref_squeeze %dma_start3A_75 : memref<1x1x192xi32, #tpu.memory_space<hbm>> -> memref<192xi32, #tpu.memory_space<hbm>>
    tpu.enqueue_dma source(%dma_start3A_76 : memref<192xi32, #tpu.memory_space<hbm>>) target(%arg14 : memref<192xi32, #tpu.memory_space<vmem>>) target_semaphore(%arg19 : memref<!tpu.dma_semaphore, #tpu.memory_space<semaphore_mem>>)
    %add3A_77 = arith.constant 1 : i32
    %add3A_78 = arith.addi %select_n3A_29, %add3A_77 : i32
    %jit3A_79 = arith.constant 2 : i32
    %div3A_80 = arith.divsi %add3A_78, %jit3A_79 : i32
    %sign3A_81 = arith.constant 0 : i32
    %sign3A_82 = arith.cmpi sgt, %add3A_78, %sign3A_81 : i32
    %sign3A_83 = arith.extui %sign3A_82 : i1 to i32
    %sign3A_84 = arith.constant 0 : i32
    %sign3A_85 = arith.cmpi slt, %add3A_78, %sign3A_84 : i32
    %sign3A_86 = arith.extui %sign3A_85 : i1 to i32
    %sign3A_87 = arith.subi %sign3A_83, %sign3A_86 : i32
    %sign3A_88 = arith.constant 0 : i32
    %sign3A_89 = arith.cmpi sgt, %jit3A_79, %sign3A_88 : i32
    %sign3A_90 = arith.extui %sign3A_89 : i1 to i32
    %sign3A_91 = arith.constant 0 : i32
    %sign3A_92 = arith.cmpi slt, %jit3A_79, %sign3A_91 : i32
    %sign3A_93 = arith.extui %sign3A_92 : i1 to i32
    %sign3A_94 = arith.subi %sign3A_90, %sign3A_93 : i32
    %ne3A_95 = arith.cmpi ne, %sign3A_87, %sign3A_94 : i32
    %rem3A_96 = arith.remsi %add3A_78, %jit3A_79 : i32
    %ne3A_97 = arith.constant 0 : i32
    %ne3A_98 = arith.cmpi ne, %rem3A_96, %ne3A_97 : i32
    %and3A_99 = arith.andi %ne3A_95, %ne3A_98 : i1
    %sub3A_100 = arith.constant 1 : i32
    %sub3A_101 = arith.subi %div3A_80, %sub3A_100 : i32
    %select_n3A_102 = arith.select %and3A_99, %sub3A_101, %div3A_80 : i32
    %while3A = arith.constant 0 : i32
    %while3A_103 = arith.constant 0 : i32
    %while3A_104 = arith.subi %select_n3A_102, %while3A : i32
    %while3A_105 = arith.addi %while3A, %while3A_104 : i32
    %while3A_106 = arith.constant 1 : i32
    %while3A_107 = arith.divsi %while3A_104, %while3A_106 : i32
    %while3A_108 = arith.muli %while3A_107, %while3A_106 : i32
    %while3A_109 = arith.addi %while3A, %while3A_108 : i32
    %while3A_110 = arith.constant 1 : i32
    %while3A_111 = scf.for %while3A_283 = %while3A to %while3A_109 step %while3A_110 iter_args(%while3A_284 = %while3A_103) -> (i32)  : i32 {
      %mul3A_285 = arith.constant 2 : i32
      %mul3A_286 = arith.muli %mul3A_285, %while3A_283 : i32
      %add3A_287 = arith.constant 1 : i32
      %add3A_288 = arith.addi %mul3A_286, %add3A_287 : i32
      %dma_wait3A_289 = arith.constant 0 : i32
      %dma_wait3A_290 = tpu.memref_slice %arg3[%add3A_5, %arg0, %dma_wait3A_289] : memref<32x2x25600xi32, #tpu.memory_space<hbm>> -> memref<1x1x192xi32, #tpu.memory_space<hbm>>
      %dma_wait3A_291 = tpu.memref_squeeze %dma_wait3A_290 : memref<1x1x192xi32, #tpu.memory_space<hbm>> -> memref<192xi32, #tpu.memory_space<hbm>>
      %dma_wait3A_292 = arith.constant 0 : i32
      %dma_wait3A_293 = tpu.memref_slice %arg3[%add3A_5, %arg0, %dma_wait3A_292] : memref<32x2x25600xi32, #tpu.memory_space<hbm>> -> memref<1x1x192xi32, #tpu.memory_space<hbm>>
      %dma_wait3A_294 = tpu.memref_squeeze %dma_wait3A_293 : memref<1x1x192xi32, #tpu.memory_space<hbm>> -> memref<192xi32, #tpu.memory_space<hbm>>
      tpu.wait_dma2 semaphore(%arg19 : memref<!tpu.dma_semaphore, #tpu.memory_space<semaphore_mem>>) src(%dma_wait3A_294 : memref<192xi32, #tpu.memory_space<hbm>>) dst(%arg12 : memref<192xi32, #tpu.memory_space<vmem>>)
      %dma_wait3A_295 = arith.constant 0 : i32
      %dma_wait3A_296 = tpu.memref_slice %arg4[%add3A_5, %arg0, %dma_wait3A_295] : memref<32x2x25600xi32, #tpu.memory_space<hbm>> -> memref<1x1x192xi32, #tpu.memory_space<hbm>>
      %dma_wait3A_297 = tpu.memref_squeeze %dma_wait3A_296 : memref<1x1x192xi32, #tpu.memory_space<hbm>> -> memref<192xi32, #tpu.memory_space<hbm>>
      %dma_wait3A_298 = arith.constant 0 : i32
      %dma_wait3A_299 = tpu.memref_slice %arg4[%add3A_5, %arg0, %dma_wait3A_298] : memref<32x2x25600xi32, #tpu.memory_space<hbm>> -> memref<1x1x192xi32, #tpu.memory_space<hbm>>
      %dma_wait3A_300 = tpu.memref_squeeze %dma_wait3A_299 : memref<1x1x192xi32, #tpu.memory_space<hbm>> -> memref<192xi32, #tpu.memory_space<hbm>>
      tpu.wait_dma2 semaphore(%arg19 : memref<!tpu.dma_semaphore, #tpu.memory_space<semaphore_mem>>) src(%dma_wait3A_300 : memref<192xi32, #tpu.memory_space<hbm>>) dst(%arg14 : memref<192xi32, #tpu.memory_space<vmem>>)
      %dma_start3A_301 = arith.constant 0 : i32
      %dma_start3A_302 = arith.constant 0 : i32
      %dma_start3A_303 = tpu.memref_slice %arg2[%dma_start3A_301, %dma_start3A_302] : memref<250880x64xf32, #tpu.memory_space<hbm>> -> memref<250880x64xf32, #tpu.memory_space<hbm>>
      tpu.enqueue_indirect_dma source(%dma_start3A_303 : memref<250880x64xf32, #tpu.memory_space<hbm>>) target(%arg10 : memref<192x64xf32, #tpu.memory_space<vmem>>) offsets(%arg12 : memref<192xi32, #tpu.memory_space<vmem>>) semaphore(%arg17 : memref<!tpu.dma_semaphore, #tpu.memory_space<semaphore_mem>>)
      %dma_wait3A_304 = arith.constant 0 : i32
      %dma_wait3A_305 = arith.constant 0 : i32
      %dma_wait3A_306 = tpu.memref_slice %arg2[%dma_wait3A_304, %dma_wait3A_305] : memref<250880x64xf32, #tpu.memory_space<hbm>> -> memref<250880x64xf32, #tpu.memory_space<hbm>>
      tpu.wait_indirect_dma semaphore(%arg16 : memref<!tpu.dma_semaphore, #tpu.memory_space<semaphore_mem>>) src(%dma_wait3A_306 : memref<250880x64xf32, #tpu.memory_space<hbm>>) dst(%arg9 : memref<192x64xf32, #tpu.memory_space<vmem>>)
      %lt3A = arith.cmpi slt, %mul3A_286, %select_n3A_29 : i32
      %convert_element_type3A = arith.extui %lt3A : i1 to i32
      %cond3A = arith.constant 0 : i32
      %cond3A_307 = arith.cmpi ne, %convert_element_type3A, %cond3A : i32
      scf.if %cond3A_307 {
        "tpu.region"() ({
          %run_scoped3A = tpu.sem_alloc : memref<!tpu.dma_semaphore, #tpu.memory_space<semaphore_mem>>
          %dma_start3A_365 = arith.constant 0 : i32
          %dma_start3A_366 = arith.constant 0 : i32
          %dma_start3A_367 = tpu.memref_slice %arg8[%dma_start3A_365, %dma_start3A_366] : memref<26112x64xf32, #tpu.memory_space<vmem_shared>> -> memref<26112x64xf32, #tpu.memory_space<vmem_shared>>
          tpu.enqueue_indirect_dma source(%arg9 : memref<192x64xf32, #tpu.memory_space<vmem>>) target(%dma_start3A_367 : memref<26112x64xf32, #tpu.memory_space<vmem_shared>>) offsets(%arg13 : memref<192xi32, #tpu.memory_space<vmem>>) semaphore(%run_scoped3A : memref<!tpu.dma_semaphore, #tpu.memory_space<semaphore_mem>>) {add = true}
          %dma_wait3A_368 = arith.constant 0 : i32
          %dma_wait3A_369 = arith.constant 0 : i32
          %dma_wait3A_370 = tpu.memref_slice %arg8[%dma_wait3A_368, %dma_wait3A_369] : memref<26112x64xf32, #tpu.memory_space<vmem_shared>> -> memref<26112x64xf32, #tpu.memory_space<vmem_shared>>
          tpu.wait_indirect_dma semaphore(%run_scoped3A : memref<!tpu.dma_semaphore, #tpu.memory_space<semaphore_mem>>) src(%arg9 : memref<192x64xf32, #tpu.memory_space<vmem>>) dst(%dma_wait3A_370 : memref<26112x64xf32, #tpu.memory_space<vmem_shared>>)
          tpu.yield
        }) : () -> ()
      } else {
      }
      %add3A_308 = arith.constant 2 : i32
      %add3A_309 = arith.addi %mul3A_286, %add3A_308 : i32
      %jit3A_310 = arith.constant 0 : i32
      %max3A_311 = arith.maxsi %jit3A_310, %add3A_309 : i32
      %min3A_312 = arith.minsi %max3A_32, %max3A_311 : i32
      %mul3A_313 = arith.constant 192 : i32
      %mul3A_314 = arith.muli %min3A_312, %mul3A_313 : i32
      %dma_start3A_315 = tpu.memref_slice %arg3[%add3A_5, %arg0, %mul3A_314] : memref<32x2x25600xi32, #tpu.memory_space<hbm>> -> memref<1x1x192xi32, #tpu.memory_space<hbm>>
      %dma_start3A_316 = tpu.memref_squeeze %dma_start3A_315 : memref<1x1x192xi32, #tpu.memory_space<hbm>> -> memref<192xi32, #tpu.memory_space<hbm>>
      %dma_start3A_317 = tpu.memref_slice %arg3[%add3A_5, %arg0, %mul3A_314] : memref<32x2x25600xi32, #tpu.memory_space<hbm>> -> memref<1x1x192xi32, #tpu.memory_space<hbm>>
      %dma_start3A_318 = tpu.memref_squeeze %dma_start3A_317 : memref<1x1x192xi32, #tpu.memory_space<hbm>> -> memref<192xi32, #tpu.memory_space<hbm>>
      tpu.enqueue_dma source(%dma_start3A_318 : memref<192xi32, #tpu.memory_space<hbm>>) target(%arg11 : memref<192xi32, #tpu.memory_space<vmem>>) target_semaphore(%arg18 : memref<!tpu.dma_semaphore, #tpu.memory_space<semaphore_mem>>)
      %mul3A_319 = arith.constant 192 : i32
      %mul3A_320 = arith.muli %min3A_312, %mul3A_319 : i32
      %dma_start3A_321 = tpu.memref_slice %arg4[%add3A_5, %arg0, %mul3A_320] : memref<32x2x25600xi32, #tpu.memory_space<hbm>> -> memref<1x1x192xi32, #tpu.memory_space<hbm>>
      %dma_start3A_322 = tpu.memref_squeeze %dma_start3A_321 : memref<1x1x192xi32, #tpu.memory_space<hbm>> -> memref<192xi32, #tpu.memory_space<hbm>>
      %dma_start3A_323 = tpu.memref_slice %arg4[%add3A_5, %arg0, %mul3A_320] : memref<32x2x25600xi32, #tpu.memory_space<hbm>> -> memref<1x1x192xi32, #tpu.memory_space<hbm>>
      %dma_start3A_324 = tpu.memref_squeeze %dma_start3A_323 : memref<1x1x192xi32, #tpu.memory_space<hbm>> -> memref<192xi32, #tpu.memory_space<hbm>>
      tpu.enqueue_dma source(%dma_start3A_324 : memref<192xi32, #tpu.memory_space<hbm>>) target(%arg13 : memref<192xi32, #tpu.memory_space<vmem>>) target_semaphore(%arg18 : memref<!tpu.dma_semaphore, #tpu.memory_space<semaphore_mem>>)
      %dma_wait3A_325 = arith.constant 0 : i32
      %dma_wait3A_326 = tpu.memref_slice %arg3[%add3A_5, %arg0, %dma_wait3A_325] : memref<32x2x25600xi32, #tpu.memory_space<hbm>> -> memref<1x1x192xi32, #tpu.memory_space<hbm>>
      %dma_wait3A_327 = tpu.memref_squeeze %dma_wait3A_326 : memref<1x1x192xi32, #tpu.memory_space<hbm>> -> memref<192xi32, #tpu.memory_space<hbm>>
      %dma_wait3A_328 = arith.constant 0 : i32
      %dma_wait3A_329 = tpu.memref_slice %arg3[%add3A_5, %arg0, %dma_wait3A_328] : memref<32x2x25600xi32, #tpu.memory_space<hbm>> -> memref<1x1x192xi32, #tpu.memory_space<hbm>>
      %dma_wait3A_330 = tpu.memref_squeeze %dma_wait3A_329 : memref<1x1x192xi32, #tpu.memory_space<hbm>> -> memref<192xi32, #tpu.memory_space<hbm>>
      tpu.wait_dma2 semaphore(%arg18 : memref<!tpu.dma_semaphore, #tpu.memory_space<semaphore_mem>>) src(%dma_wait3A_330 : memref<192xi32, #tpu.memory_space<hbm>>) dst(%arg11 : memref<192xi32, #tpu.memory_space<vmem>>)
      %dma_wait3A_331 = arith.constant 0 : i32
      %dma_wait3A_332 = tpu.memref_slice %arg4[%add3A_5, %arg0, %dma_wait3A_331] : memref<32x2x25600xi32, #tpu.memory_space<hbm>> -> memref<1x1x192xi32, #tpu.memory_space<hbm>>
      %dma_wait3A_333 = tpu.memref_squeeze %dma_wait3A_332 : memref<1x1x192xi32, #tpu.memory_space<hbm>> -> memref<192xi32, #tpu.memory_space<hbm>>
      %dma_wait3A_334 = arith.constant 0 : i32
      %dma_wait3A_335 = tpu.memref_slice %arg4[%add3A_5, %arg0, %dma_wait3A_334] : memref<32x2x25600xi32, #tpu.memory_space<hbm>> -> memref<1x1x192xi32, #tpu.memory_space<hbm>>
      %dma_wait3A_336 = tpu.memref_squeeze %dma_wait3A_335 : memref<1x1x192xi32, #tpu.memory_space<hbm>> -> memref<192xi32, #tpu.memory_space<hbm>>
      tpu.wait_dma2 semaphore(%arg18 : memref<!tpu.dma_semaphore, #tpu.memory_space<semaphore_mem>>) src(%dma_wait3A_336 : memref<192xi32, #tpu.memory_space<hbm>>) dst(%arg13 : memref<192xi32, #tpu.memory_space<vmem>>)
      %dma_start3A_337 = arith.constant 0 : i32
      %dma_start3A_338 = arith.constant 0 : i32
      %dma_start3A_339 = tpu.memref_slice %arg2[%dma_start3A_337, %dma_start3A_338] : memref<250880x64xf32, #tpu.memory_space<hbm>> -> memref<250880x64xf32, #tpu.memory_space<hbm>>
      tpu.enqueue_indirect_dma source(%dma_start3A_339 : memref<250880x64xf32, #tpu.memory_space<hbm>>) target(%arg9 : memref<192x64xf32, #tpu.memory_space<vmem>>) offsets(%arg11 : memref<192xi32, #tpu.memory_space<vmem>>) semaphore(%arg16 : memref<!tpu.dma_semaphore, #tpu.memory_space<semaphore_mem>>)
      %dma_wait3A_340 = arith.constant 0 : i32
      %dma_wait3A_341 = arith.constant 0 : i32
      %dma_wait3A_342 = tpu.memref_slice %arg2[%dma_wait3A_340, %dma_wait3A_341] : memref<250880x64xf32, #tpu.memory_space<hbm>> -> memref<250880x64xf32, #tpu.memory_space<hbm>>
      tpu.wait_indirect_dma semaphore(%arg17 : memref<!tpu.dma_semaphore, #tpu.memory_space<semaphore_mem>>) src(%dma_wait3A_342 : memref<250880x64xf32, #tpu.memory_space<hbm>>) dst(%arg10 : memref<192x64xf32, #tpu.memory_space<vmem>>)
      %lt3A_343 = arith.cmpi slt, %add3A_288, %select_n3A_29 : i32
      %convert_element_type3A_344 = arith.extui %lt3A_343 : i1 to i32
      %cond3A_345 = arith.constant 0 : i32
      %cond3A_346 = arith.cmpi ne, %convert_element_type3A_344, %cond3A_345 : i32
      scf.if %cond3A_346 {
        "tpu.region"() ({
          %run_scoped3A = tpu.sem_alloc : memref<!tpu.dma_semaphore, #tpu.memory_space<semaphore_mem>>
          %dma_start3A_365 = arith.constant 0 : i32
          %dma_start3A_366 = arith.constant 0 : i32
          %dma_start3A_367 = tpu.memref_slice %arg8[%dma_start3A_365, %dma_start3A_366] : memref<26112x64xf32, #tpu.memory_space<vmem_shared>> -> memref<26112x64xf32, #tpu.memory_space<vmem_shared>>
          tpu.enqueue_indirect_dma source(%arg10 : memref<192x64xf32, #tpu.memory_space<vmem>>) target(%dma_start3A_367 : memref<26112x64xf32, #tpu.memory_space<vmem_shared>>) offsets(%arg14 : memref<192xi32, #tpu.memory_space<vmem>>) semaphore(%run_scoped3A : memref<!tpu.dma_semaphore, #tpu.memory_space<semaphore_mem>>) {add = true}
          %dma_wait3A_368 = arith.constant 0 : i32
          %dma_wait3A_369 = arith.constant 0 : i32
          %dma_wait3A_370 = tpu.memref_slice %arg8[%dma_wait3A_368, %dma_wait3A_369] : memref<26112x64xf32, #tpu.memory_space<vmem_shared>> -> memref<26112x64xf32, #tpu.memory_space<vmem_shared>>
          tpu.wait_indirect_dma semaphore(%run_scoped3A : memref<!tpu.dma_semaphore, #tpu.memory_space<semaphore_mem>>) src(%arg10 : memref<192x64xf32, #tpu.memory_space<vmem>>) dst(%dma_wait3A_370 : memref<26112x64xf32, #tpu.memory_space<vmem_shared>>)
          tpu.yield
        }) : () -> ()
      } else {
      }
      %add3A_347 = arith.constant 2 : i32
      %add3A_348 = arith.addi %add3A_288, %add3A_347 : i32
      %jit3A_349 = arith.constant 0 : i32
      %max3A_350 = arith.maxsi %jit3A_349, %add3A_348 : i32
      %min3A_351 = arith.minsi %max3A_32, %max3A_350 : i32
      %mul3A_352 = arith.constant 192 : i32
      %mul3A_353 = arith.muli %min3A_351, %mul3A_352 : i32
      %dma_start3A_354 = tpu.memref_slice %arg3[%add3A_5, %arg0, %mul3A_353] : memref<32x2x25600xi32, #tpu.memory_space<hbm>> -> memref<1x1x192xi32, #tpu.memory_space<hbm>>
      %dma_start3A_355 = tpu.memref_squeeze %dma_start3A_354 : memref<1x1x192xi32, #tpu.memory_space<hbm>> -> memref<192xi32, #tpu.memory_space<hbm>>
      %dma_start3A_356 = tpu.memref_slice %arg3[%add3A_5, %arg0, %mul3A_353] : memref<32x2x25600xi32, #tpu.memory_space<hbm>> -> memref<1x1x192xi32, #tpu.memory_space<hbm>>
      %dma_start3A_357 = tpu.memref_squeeze %dma_start3A_356 : memref<1x1x192xi32, #tpu.memory_space<hbm>> -> memref<192xi32, #tpu.memory_space<hbm>>
      tpu.enqueue_dma source(%dma_start3A_357 : memref<192xi32, #tpu.memory_space<hbm>>) target(%arg12 : memref<192xi32, #tpu.memory_space<vmem>>) target_semaphore(%arg19 : memref<!tpu.dma_semaphore, #tpu.memory_space<semaphore_mem>>)
      %mul3A_358 = arith.constant 192 : i32
      %mul3A_359 = arith.muli %min3A_351, %mul3A_358 : i32
      %dma_start3A_360 = tpu.memref_slice %arg4[%add3A_5, %arg0, %mul3A_359] : memref<32x2x25600xi32, #tpu.memory_space<hbm>> -> memref<1x1x192xi32, #tpu.memory_space<hbm>>
      %dma_start3A_361 = tpu.memref_squeeze %dma_start3A_360 : memref<1x1x192xi32, #tpu.memory_space<hbm>> -> memref<192xi32, #tpu.memory_space<hbm>>
      %dma_start3A_362 = tpu.memref_slice %arg4[%add3A_5, %arg0, %mul3A_359] : memref<32x2x25600xi32, #tpu.memory_space<hbm>> -> memref<1x1x192xi32, #tpu.memory_space<hbm>>
      %dma_start3A_363 = tpu.memref_squeeze %dma_start3A_362 : memref<1x1x192xi32, #tpu.memory_space<hbm>> -> memref<192xi32, #tpu.memory_space<hbm>>
      tpu.enqueue_dma source(%dma_start3A_363 : memref<192xi32, #tpu.memory_space<hbm>>) target(%arg14 : memref<192xi32, #tpu.memory_space<vmem>>) target_semaphore(%arg19 : memref<!tpu.dma_semaphore, #tpu.memory_space<semaphore_mem>>)
      %while3A_364 = arith.constant 0 : i32
      scf.yield %while3A_364 : i32
    }
    %while3A_112 = arith.constant 1 : i32
    %while3A_113 = scf.for %while3A_283 = %while3A_109 to %while3A_105 step %while3A_112 iter_args(%while3A_284 = %while3A_111) -> (i32)  : i32 {
      %mul3A_285 = arith.constant 2 : i32
      %mul3A_286 = arith.muli %mul3A_285, %while3A_283 : i32
      %add3A_287 = arith.constant 1 : i32
      %add3A_288 = arith.addi %mul3A_286, %add3A_287 : i32
      %dma_wait3A_289 = arith.constant 0 : i32
      %dma_wait3A_290 = tpu.memref_slice %arg3[%add3A_5, %arg0, %dma_wait3A_289] : memref<32x2x25600xi32, #tpu.memory_space<hbm>> -> memref<1x1x192xi32, #tpu.memory_space<hbm>>
      %dma_wait3A_291 = tpu.memref_squeeze %dma_wait3A_290 : memref<1x1x192xi32, #tpu.memory_space<hbm>> -> memref<192xi32, #tpu.memory_space<hbm>>
      %dma_wait3A_292 = arith.constant 0 : i32
      %dma_wait3A_293 = tpu.memref_slice %arg3[%add3A_5, %arg0, %dma_wait3A_292] : memref<32x2x25600xi32, #tpu.memory_space<hbm>> -> memref<1x1x192xi32, #tpu.memory_space<hbm>>
      %dma_wait3A_294 = tpu.memref_squeeze %dma_wait3A_293 : memref<1x1x192xi32, #tpu.memory_space<hbm>> -> memref<192xi32, #tpu.memory_space<hbm>>
      tpu.wait_dma2 semaphore(%arg19 : memref<!tpu.dma_semaphore, #tpu.memory_space<semaphore_mem>>) src(%dma_wait3A_294 : memref<192xi32, #tpu.memory_space<hbm>>) dst(%arg12 : memref<192xi32, #tpu.memory_space<vmem>>)
      %dma_wait3A_295 = arith.constant 0 : i32
      %dma_wait3A_296 = tpu.memref_slice %arg4[%add3A_5, %arg0, %dma_wait3A_295] : memref<32x2x25600xi32, #tpu.memory_space<hbm>> -> memref<1x1x192xi32, #tpu.memory_space<hbm>>
      %dma_wait3A_297 = tpu.memref_squeeze %dma_wait3A_296 : memref<1x1x192xi32, #tpu.memory_space<hbm>> -> memref<192xi32, #tpu.memory_space<hbm>>
      %dma_wait3A_298 = arith.constant 0 : i32
      %dma_wait3A_299 = tpu.memref_slice %arg4[%add3A_5, %arg0, %dma_wait3A_298] : memref<32x2x25600xi32, #tpu.memory_space<hbm>> -> memref<1x1x192xi32, #tpu.memory_space<hbm>>
      %dma_wait3A_300 = tpu.memref_squeeze %dma_wait3A_299 : memref<1x1x192xi32, #tpu.memory_space<hbm>> -> memref<192xi32, #tpu.memory_space<hbm>>
      tpu.wait_dma2 semaphore(%arg19 : memref<!tpu.dma_semaphore, #tpu.memory_space<semaphore_mem>>) src(%dma_wait3A_300 : memref<192xi32, #tpu.memory_space<hbm>>) dst(%arg14 : memref<192xi32, #tpu.memory_space<vmem>>)
      %dma_start3A_301 = arith.constant 0 : i32
      %dma_start3A_302 = arith.constant 0 : i32
      %dma_start3A_303 = tpu.memref_slice %arg2[%dma_start3A_301, %dma_start3A_302] : memref<250880x64xf32, #tpu.memory_space<hbm>> -> memref<250880x64xf32, #tpu.memory_space<hbm>>
      tpu.enqueue_indirect_dma source(%dma_start3A_303 : memref<250880x64xf32, #tpu.memory_space<hbm>>) target(%arg10 : memref<192x64xf32, #tpu.memory_space<vmem>>) offsets(%arg12 : memref<192xi32, #tpu.memory_space<vmem>>) semaphore(%arg17 : memref<!tpu.dma_semaphore, #tpu.memory_space<semaphore_mem>>)
      %dma_wait3A_304 = arith.constant 0 : i32
      %dma_wait3A_305 = arith.constant 0 : i32
      %dma_wait3A_306 = tpu.memref_slice %arg2[%dma_wait3A_304, %dma_wait3A_305] : memref<250880x64xf32, #tpu.memory_space<hbm>> -> memref<250880x64xf32, #tpu.memory_space<hbm>>
      tpu.wait_indirect_dma semaphore(%arg16 : memref<!tpu.dma_semaphore, #tpu.memory_space<semaphore_mem>>) src(%dma_wait3A_306 : memref<250880x64xf32, #tpu.memory_space<hbm>>) dst(%arg9 : memref<192x64xf32, #tpu.memory_space<vmem>>)
      %lt3A = arith.cmpi slt, %mul3A_286, %select_n3A_29 : i32
      %convert_element_type3A = arith.extui %lt3A : i1 to i32
      %cond3A = arith.constant 0 : i32
      %cond3A_307 = arith.cmpi ne, %convert_element_type3A, %cond3A : i32
      scf.if %cond3A_307 {
        "tpu.region"() ({
          %run_scoped3A = tpu.sem_alloc : memref<!tpu.dma_semaphore, #tpu.memory_space<semaphore_mem>>
          %dma_start3A_365 = arith.constant 0 : i32
          %dma_start3A_366 = arith.constant 0 : i32
          %dma_start3A_367 = tpu.memref_slice %arg8[%dma_start3A_365, %dma_start3A_366] : memref<26112x64xf32, #tpu.memory_space<vmem_shared>> -> memref<26112x64xf32, #tpu.memory_space<vmem_shared>>
          tpu.enqueue_indirect_dma source(%arg9 : memref<192x64xf32, #tpu.memory_space<vmem>>) target(%dma_start3A_367 : memref<26112x64xf32, #tpu.memory_space<vmem_shared>>) offsets(%arg13 : memref<192xi32, #tpu.memory_space<vmem>>) semaphore(%run_scoped3A : memref<!tpu.dma_semaphore, #tpu.memory_space<semaphore_mem>>) {add = true}
          %dma_wait3A_368 = arith.constant 0 : i32
          %dma_wait3A_369 = arith.constant 0 : i32
          %dma_wait3A_370 = tpu.memref_slice %arg8[%dma_wait3A_368, %dma_wait3A_369] : memref<26112x64xf32, #tpu.memory_space<vmem_shared>> -> memref<26112x64xf32, #tpu.memory_space<vmem_shared>>
          tpu.wait_indirect_dma semaphore(%run_scoped3A : memref<!tpu.dma_semaphore, #tpu.memory_space<semaphore_mem>>) src(%arg9 : memref<192x64xf32, #tpu.memory_space<vmem>>) dst(%dma_wait3A_370 : memref<26112x64xf32, #tpu.memory_space<vmem_shared>>)
          tpu.yield
        }) : () -> ()
      } else {
      }
      %add3A_308 = arith.constant 2 : i32
      %add3A_309 = arith.addi %mul3A_286, %add3A_308 : i32
      %jit3A_310 = arith.constant 0 : i32
      %max3A_311 = arith.maxsi %jit3A_310, %add3A_309 : i32
      %min3A_312 = arith.minsi %max3A_32, %max3A_311 : i32
      %mul3A_313 = arith.constant 192 : i32
      %mul3A_314 = arith.muli %min3A_312, %mul3A_313 : i32
      %dma_start3A_315 = tpu.memref_slice %arg3[%add3A_5, %arg0, %mul3A_314] : memref<32x2x25600xi32, #tpu.memory_space<hbm>> -> memref<1x1x192xi32, #tpu.memory_space<hbm>>
      %dma_start3A_316 = tpu.memref_squeeze %dma_start3A_315 : memref<1x1x192xi32, #tpu.memory_space<hbm>> -> memref<192xi32, #tpu.memory_space<hbm>>
      %dma_start3A_317 = tpu.memref_slice %arg3[%add3A_5, %arg0, %mul3A_314] : memref<32x2x25600xi32, #tpu.memory_space<hbm>> -> memref<1x1x192xi32, #tpu.memory_space<hbm>>
      %dma_start3A_318 = tpu.memref_squeeze %dma_start3A_317 : memref<1x1x192xi32, #tpu.memory_space<hbm>> -> memref<192xi32, #tpu.memory_space<hbm>>
      tpu.enqueue_dma source(%dma_start3A_318 : memref<192xi32, #tpu.memory_space<hbm>>) target(%arg11 : memref<192xi32, #tpu.memory_space<vmem>>) target_semaphore(%arg18 : memref<!tpu.dma_semaphore, #tpu.memory_space<semaphore_mem>>)
      %mul3A_319 = arith.constant 192 : i32
      %mul3A_320 = arith.muli %min3A_312, %mul3A_319 : i32
      %dma_start3A_321 = tpu.memref_slice %arg4[%add3A_5, %arg0, %mul3A_320] : memref<32x2x25600xi32, #tpu.memory_space<hbm>> -> memref<1x1x192xi32, #tpu.memory_space<hbm>>
      %dma_start3A_322 = tpu.memref_squeeze %dma_start3A_321 : memref<1x1x192xi32, #tpu.memory_space<hbm>> -> memref<192xi32, #tpu.memory_space<hbm>>
      %dma_start3A_323 = tpu.memref_slice %arg4[%add3A_5, %arg0, %mul3A_320] : memref<32x2x25600xi32, #tpu.memory_space<hbm>> -> memref<1x1x192xi32, #tpu.memory_space<hbm>>
      %dma_start3A_324 = tpu.memref_squeeze %dma_start3A_323 : memref<1x1x192xi32, #tpu.memory_space<hbm>> -> memref<192xi32, #tpu.memory_space<hbm>>
      tpu.enqueue_dma source(%dma_start3A_324 : memref<192xi32, #tpu.memory_space<hbm>>) target(%arg13 : memref<192xi32, #tpu.memory_space<vmem>>) target_semaphore(%arg18 : memref<!tpu.dma_semaphore, #tpu.memory_space<semaphore_mem>>)
      %dma_wait3A_325 = arith.constant 0 : i32
      %dma_wait3A_326 = tpu.memref_slice %arg3[%add3A_5, %arg0, %dma_wait3A_325] : memref<32x2x25600xi32, #tpu.memory_space<hbm>> -> memref<1x1x192xi32, #tpu.memory_space<hbm>>
      %dma_wait3A_327 = tpu.memref_squeeze %dma_wait3A_326 : memref<1x1x192xi32, #tpu.memory_space<hbm>> -> memref<192xi32, #tpu.memory_space<hbm>>
      %dma_wait3A_328 = arith.constant 0 : i32
      %dma_wait3A_329 = tpu.memref_slice %arg3[%add3A_5, %arg0, %dma_wait3A_328] : memref<32x2x25600xi32, #tpu.memory_space<hbm>> -> memref<1x1x192xi32, #tpu.memory_space<hbm>>
      %dma_wait3A_330 = tpu.memref_squeeze %dma_wait3A_329 : memref<1x1x192xi32, #tpu.memory_space<hbm>> -> memref<192xi32, #tpu.memory_space<hbm>>
      tpu.wait_dma2 semaphore(%arg18 : memref<!tpu.dma_semaphore, #tpu.memory_space<semaphore_mem>>) src(%dma_wait3A_330 : memref<192xi32, #tpu.memory_space<hbm>>) dst(%arg11 : memref<192xi32, #tpu.memory_space<vmem>>)
      %dma_wait3A_331 = arith.constant 0 : i32
      %dma_wait3A_332 = tpu.memref_slice %arg4[%add3A_5, %arg0, %dma_wait3A_331] : memref<32x2x25600xi32, #tpu.memory_space<hbm>> -> memref<1x1x192xi32, #tpu.memory_space<hbm>>
      %dma_wait3A_333 = tpu.memref_squeeze %dma_wait3A_332 : memref<1x1x192xi32, #tpu.memory_space<hbm>> -> memref<192xi32, #tpu.memory_space<hbm>>
      %dma_wait3A_334 = arith.constant 0 : i32
      %dma_wait3A_335 = tpu.memref_slice %arg4[%add3A_5, %arg0, %dma_wait3A_334] : memref<32x2x25600xi32, #tpu.memory_space<hbm>> -> memref<1x1x192xi32, #tpu.memory_space<hbm>>
      %dma_wait3A_336 = tpu.memref_squeeze %dma_wait3A_335 : memref<1x1x192xi32, #tpu.memory_space<hbm>> -> memref<192xi32, #tpu.memory_space<hbm>>
      tpu.wait_dma2 semaphore(%arg18 : memref<!tpu.dma_semaphore, #tpu.memory_space<semaphore_mem>>) src(%dma_wait3A_336 : memref<192xi32, #tpu.memory_space<hbm>>) dst(%arg13 : memref<192xi32, #tpu.memory_space<vmem>>)
      %dma_start3A_337 = arith.constant 0 : i32
      %dma_start3A_338 = arith.constant 0 : i32
      %dma_start3A_339 = tpu.memref_slice %arg2[%dma_start3A_337, %dma_start3A_338] : memref<250880x64xf32, #tpu.memory_space<hbm>> -> memref<250880x64xf32, #tpu.memory_space<hbm>>
      tpu.enqueue_indirect_dma source(%dma_start3A_339 : memref<250880x64xf32, #tpu.memory_space<hbm>>) target(%arg9 : memref<192x64xf32, #tpu.memory_space<vmem>>) offsets(%arg11 : memref<192xi32, #tpu.memory_space<vmem>>) semaphore(%arg16 : memref<!tpu.dma_semaphore, #tpu.memory_space<semaphore_mem>>)
      %dma_wait3A_340 = arith.constant 0 : i32
      %dma_wait3A_341 = arith.constant 0 : i32
      %dma_wait3A_342 = tpu.memref_slice %arg2[%dma_wait3A_340, %dma_wait3A_341] : memref<250880x64xf32, #tpu.memory_space<hbm>> -> memref<250880x64xf32, #tpu.memory_space<hbm>>
      tpu.wait_indirect_dma semaphore(%arg17 : memref<!tpu.dma_semaphore, #tpu.memory_space<semaphore_mem>>) src(%dma_wait3A_342 : memref<250880x64xf32, #tpu.memory_space<hbm>>) dst(%arg10 : memref<192x64xf32, #tpu.memory_space<vmem>>)
      %lt3A_343 = arith.cmpi slt, %add3A_288, %select_n3A_29 : i32
      %convert_element_type3A_344 = arith.extui %lt3A_343 : i1 to i32
      %cond3A_345 = arith.constant 0 : i32
      %cond3A_346 = arith.cmpi ne, %convert_element_type3A_344, %cond3A_345 : i32
      scf.if %cond3A_346 {
        "tpu.region"() ({
          %run_scoped3A = tpu.sem_alloc : memref<!tpu.dma_semaphore, #tpu.memory_space<semaphore_mem>>
          %dma_start3A_365 = arith.constant 0 : i32
          %dma_start3A_366 = arith.constant 0 : i32
          %dma_start3A_367 = tpu.memref_slice %arg8[%dma_start3A_365, %dma_start3A_366] : memref<26112x64xf32, #tpu.memory_space<vmem_shared>> -> memref<26112x64xf32, #tpu.memory_space<vmem_shared>>
          tpu.enqueue_indirect_dma source(%arg10 : memref<192x64xf32, #tpu.memory_space<vmem>>) target(%dma_start3A_367 : memref<26112x64xf32, #tpu.memory_space<vmem_shared>>) offsets(%arg14 : memref<192xi32, #tpu.memory_space<vmem>>) semaphore(%run_scoped3A : memref<!tpu.dma_semaphore, #tpu.memory_space<semaphore_mem>>) {add = true}
          %dma_wait3A_368 = arith.constant 0 : i32
          %dma_wait3A_369 = arith.constant 0 : i32
          %dma_wait3A_370 = tpu.memref_slice %arg8[%dma_wait3A_368, %dma_wait3A_369] : memref<26112x64xf32, #tpu.memory_space<vmem_shared>> -> memref<26112x64xf32, #tpu.memory_space<vmem_shared>>
          tpu.wait_indirect_dma semaphore(%run_scoped3A : memref<!tpu.dma_semaphore, #tpu.memory_space<semaphore_mem>>) src(%arg10 : memref<192x64xf32, #tpu.memory_space<vmem>>) dst(%dma_wait3A_370 : memref<26112x64xf32, #tpu.memory_space<vmem_shared>>)
          tpu.yield
        }) : () -> ()
      } else {
      }
      %add3A_347 = arith.constant 2 : i32
      %add3A_348 = arith.addi %add3A_288, %add3A_347 : i32
      %jit3A_349 = arith.constant 0 : i32
      %max3A_350 = arith.maxsi %jit3A_349, %add3A_348 : i32
      %min3A_351 = arith.minsi %max3A_32, %max3A_350 : i32
      %mul3A_352 = arith.constant 192 : i32
      %mul3A_353 = arith.muli %min3A_351, %mul3A_352 : i32
      %dma_start3A_354 = tpu.memref_slice %arg3[%add3A_5, %arg0, %mul3A_353] : memref<32x2x25600xi32, #tpu.memory_space<hbm>> -> memref<1x1x192xi32, #tpu.memory_space<hbm>>
      %dma_start3A_355 = tpu.memref_squeeze %dma_start3A_354 : memref<1x1x192xi32, #tpu.memory_space<hbm>> -> memref<192xi32, #tpu.memory_space<hbm>>
      %dma_start3A_356 = tpu.memref_slice %arg3[%add3A_5, %arg0, %mul3A_353] : memref<32x2x25600xi32, #tpu.memory_space<hbm>> -> memref<1x1x192xi32, #tpu.memory_space<hbm>>
      %dma_start3A_357 = tpu.memref_squeeze %dma_start3A_356 : memref<1x1x192xi32, #tpu.memory_space<hbm>> -> memref<192xi32, #tpu.memory_space<hbm>>
      tpu.enqueue_dma source(%dma_start3A_357 : memref<192xi32, #tpu.memory_space<hbm>>) target(%arg12 : memref<192xi32, #tpu.memory_space<vmem>>) target_semaphore(%arg19 : memref<!tpu.dma_semaphore, #tpu.memory_space<semaphore_mem>>)
      %mul3A_358 = arith.constant 192 : i32
      %mul3A_359 = arith.muli %min3A_351, %mul3A_358 : i32
      %dma_start3A_360 = tpu.memref_slice %arg4[%add3A_5, %arg0, %mul3A_359] : memref<32x2x25600xi32, #tpu.memory_space<hbm>> -> memref<1x1x192xi32, #tpu.memory_space<hbm>>
      %dma_start3A_361 = tpu.memref_squeeze %dma_start3A_360 : memref<1x1x192xi32, #tpu.memory_space<hbm>> -> memref<192xi32, #tpu.memory_space<hbm>>
      %dma_start3A_362 = tpu.memref_slice %arg4[%add3A_5, %arg0, %mul3A_359] : memref<32x2x25600xi32, #tpu.memory_space<hbm>> -> memref<1x1x192xi32, #tpu.memory_space<hbm>>
      %dma_start3A_363 = tpu.memref_squeeze %dma_start3A_362 : memref<1x1x192xi32, #tpu.memory_space<hbm>> -> memref<192xi32, #tpu.memory_space<hbm>>
      tpu.enqueue_dma source(%dma_start3A_363 : memref<192xi32, #tpu.memory_space<hbm>>) target(%arg14 : memref<192xi32, #tpu.memory_space<vmem>>) target_semaphore(%arg19 : memref<!tpu.dma_semaphore, #tpu.memory_space<semaphore_mem>>)
      %while3A_364 = arith.constant 0 : i32
      scf.yield %while3A_364 : i32
    }
    %dma_wait3A_114 = arith.constant 0 : i32
    %dma_wait3A_115 = arith.constant 0 : i32
    %dma_wait3A_116 = tpu.memref_slice %arg2[%dma_wait3A_114, %dma_wait3A_115] : memref<250880x64xf32, #tpu.memory_space<hbm>> -> memref<250880x64xf32, #tpu.memory_space<hbm>>
    tpu.wait_indirect_dma semaphore(%arg16 : memref<!tpu.dma_semaphore, #tpu.memory_space<semaphore_mem>>) src(%dma_wait3A_116 : memref<250880x64xf32, #tpu.memory_space<hbm>>) dst(%arg9 : memref<192x64xf32, #tpu.memory_space<vmem>>)
    %dma_wait3A_117 = arith.constant 0 : i32
    %dma_wait3A_118 = tpu.memref_slice %arg3[%add3A_5, %arg0, %dma_wait3A_117] : memref<32x2x25600xi32, #tpu.memory_space<hbm>> -> memref<1x1x192xi32, #tpu.memory_space<hbm>>
    %dma_wait3A_119 = tpu.memref_squeeze %dma_wait3A_118 : memref<1x1x192xi32, #tpu.memory_space<hbm>> -> memref<192xi32, #tpu.memory_space<hbm>>
    %dma_wait3A_120 = arith.constant 0 : i32
    %dma_wait3A_121 = tpu.memref_slice %arg3[%add3A_5, %arg0, %dma_wait3A_120] : memref<32x2x25600xi32, #tpu.memory_space<hbm>> -> memref<1x1x192xi32, #tpu.memory_space<hbm>>
    %dma_wait3A_122 = tpu.memref_squeeze %dma_wait3A_121 : memref<1x1x192xi32, #tpu.memory_space<hbm>> -> memref<192xi32, #tpu.memory_space<hbm>>
    tpu.wait_dma2 semaphore(%arg19 : memref<!tpu.dma_semaphore, #tpu.memory_space<semaphore_mem>>) src(%dma_wait3A_122 : memref<192xi32, #tpu.memory_space<hbm>>) dst(%arg12 : memref<192xi32, #tpu.memory_space<vmem>>)
    %dma_wait3A_123 = arith.constant 0 : i32
    %dma_wait3A_124 = tpu.memref_slice %arg4[%add3A_5, %arg0, %dma_wait3A_123] : memref<32x2x25600xi32, #tpu.memory_space<hbm>> -> memref<1x1x192xi32, #tpu.memory_space<hbm>>
    %dma_wait3A_125 = tpu.memref_squeeze %dma_wait3A_124 : memref<1x1x192xi32, #tpu.memory_space<hbm>> -> memref<192xi32, #tpu.memory_space<hbm>>
    %dma_wait3A_126 = arith.constant 0 : i32
    %dma_wait3A_127 = tpu.memref_slice %arg4[%add3A_5, %arg0, %dma_wait3A_126] : memref<32x2x25600xi32, #tpu.memory_space<hbm>> -> memref<1x1x192xi32, #tpu.memory_space<hbm>>
    %dma_wait3A_128 = tpu.memref_squeeze %dma_wait3A_127 : memref<1x1x192xi32, #tpu.memory_space<hbm>> -> memref<192xi32, #tpu.memory_space<hbm>>
    tpu.wait_dma2 semaphore(%arg19 : memref<!tpu.dma_semaphore, #tpu.memory_space<semaphore_mem>>) src(%dma_wait3A_128 : memref<192xi32, #tpu.memory_space<hbm>>) dst(%arg14 : memref<192xi32, #tpu.memory_space<vmem>>)
    %mul3A_129 = arith.constant 2 : i32
    %mul3A_130 = arith.muli %arg1, %mul3A_129 : i32
    %add3A_131 = arith.constant 1 : i32
    %add3A_132 = arith.addi %mul3A_130, %add3A_131 : i32
    "tpu.region"() ({
      %run_scoped3A = tpu.sem_alloc : memref<!tpu.dma_semaphore, #tpu.memory_space<semaphore_mem>>
      %dma_start3A_283 = arith.constant 0 : i32
      %dma_start3A_284 = tpu.memref_slice %arg5[%add3A_132, %dma_start3A_283] : memref<32x16xi32, #tpu.memory_space<hbm>> -> memref<1x16xi32, #tpu.memory_space<hbm>>
      %dma_start3A_285 = tpu.memref_squeeze %dma_start3A_284 : memref<1x16xi32, #tpu.memory_space<hbm>> -> memref<16xi32, #tpu.memory_space<hbm>>
      %dma_start3A_286 = arith.constant 0 : i32
      %dma_start3A_287 = tpu.memref_slice %arg5[%add3A_132, %dma_start3A_286] : memref<32x16xi32, #tpu.memory_space<hbm>> -> memref<1x16xi32, #tpu.memory_space<hbm>>
      %dma_start3A_288 = tpu.memref_squeeze %dma_start3A_287 : memref<1x16xi32, #tpu.memory_space<hbm>> -> memref<16xi32, #tpu.memory_space<hbm>>
      tpu.enqueue_dma source(%dma_start3A_288 : memref<16xi32, #tpu.memory_space<hbm>>) target(%arg15 : memref<16xi32, #tpu.memory_space<vmem>>) target_semaphore(%run_scoped3A : memref<!tpu.dma_semaphore, #tpu.memory_space<semaphore_mem>>)
      %dma_wait3A_289 = arith.constant 0 : i32
      %dma_wait3A_290 = tpu.memref_slice %arg5[%add3A_132, %dma_wait3A_289] : memref<32x16xi32, #tpu.memory_space<hbm>> -> memref<1x16xi32, #tpu.memory_space<hbm>>
      %dma_wait3A_291 = tpu.memref_squeeze %dma_wait3A_290 : memref<1x16xi32, #tpu.memory_space<hbm>> -> memref<16xi32, #tpu.memory_space<hbm>>
      %dma_wait3A_292 = arith.constant 0 : i32
      %dma_wait3A_293 = tpu.memref_slice %arg5[%add3A_132, %dma_wait3A_292] : memref<32x16xi32, #tpu.memory_space<hbm>> -> memref<1x16xi32, #tpu.memory_space<hbm>>
      %dma_wait3A_294 = tpu.memref_squeeze %dma_wait3A_293 : memref<1x16xi32, #tpu.memory_space<hbm>> -> memref<16xi32, #tpu.memory_space<hbm>>
      tpu.wait_dma2 semaphore(%run_scoped3A : memref<!tpu.dma_semaphore, #tpu.memory_space<semaphore_mem>>) src(%dma_wait3A_294 : memref<16xi32, #tpu.memory_space<hbm>>) dst(%arg15 : memref<16xi32, #tpu.memory_space<vmem>>)
      tpu.yield
    }) : () -> ()
    %broadcast_in_dim3A_133 = vector.broadcast %arg0 : i32 to vector<16xi32>
    %eq3A_134 = arith.cmpi eq, %iota3A, %broadcast_in_dim3A_133 : vector<16xi32>
    %get3A_135 = arith.constant 0 : index
    %get3A_136 = tpu.vector_load %arg15[%get3A_135] {strides = array<i32>} : memref<16xi32, #tpu.memory_space<vmem>>, vector<16xi32>,
    %broadcast_in_dim3A_137 = arith.constant 0 : i32
    %broadcast_in_dim3A_138 = vector.broadcast %broadcast_in_dim3A_137 : i32 to vector<16xi32>
    %select_n3A_139 = arith.select %eq3A_134, %get3A_136, %broadcast_in_dim3A_138 : vector<16xi1>, vector<16xi32>
    %broadcast_in_dim3A_140 = arith.constant true
    %broadcast_in_dim3A_141 = vector.broadcast %broadcast_in_dim3A_140 : i1 to vector<16xi1>
    %masked_cumsum3A_142 = tpu.scan <sum>, %select_n3A_139 masked %broadcast_in_dim3A_141 : vector<16xi32>, vector<16xi1> -> vector<16xi32>
    %slice3A_143 = vector.extract_strided_slice %masked_cumsum3A_142 {offsets = [15], sizes = [1], strides = [1]} : vector<16xi32> to vector<1xi32>
    %squeeze3A_144 = vector.extract %slice3A_143[0] : i32 from vector<1xi32>
    %add3A_145 = arith.constant 191 : i32
    %add3A_146 = arith.addi %squeeze3A_144, %add3A_145 : i32
    %jit3A_147 = arith.constant 192 : i32
    %div3A_148 = arith.divsi %add3A_146, %jit3A_147 : i32
    %sign3A_149 = arith.constant 0 : i32
    %sign3A_150 = arith.cmpi sgt, %add3A_146, %sign3A_149 : i32
    %sign3A_151 = arith.extui %sign3A_150 : i1 to i32
    %sign3A_152 = arith.constant 0 : i32
    %sign3A_153 = arith.cmpi slt, %add3A_146, %sign3A_152 : i32
    %sign3A_154 = arith.extui %sign3A_153 : i1 to i32
    %sign3A_155 = arith.subi %sign3A_151, %sign3A_154 : i32
    %sign3A_156 = arith.constant 0 : i32
    %sign3A_157 = arith.cmpi sgt, %jit3A_147, %sign3A_156 : i32
    %sign3A_158 = arith.extui %sign3A_157 : i1 to i32
    %sign3A_159 = arith.constant 0 : i32
    %sign3A_160 = arith.cmpi slt, %jit3A_147, %sign3A_159 : i32
    %sign3A_161 = arith.extui %sign3A_160 : i1 to i32
    %sign3A_162 = arith.subi %sign3A_158, %sign3A_161 : i32
    %ne3A_163 = arith.cmpi ne, %sign3A_155, %sign3A_162 : i32
    %rem3A_164 = arith.remsi %add3A_146, %jit3A_147 : i32
    %ne3A_165 = arith.constant 0 : i32
    %ne3A_166 = arith.cmpi ne, %rem3A_164, %ne3A_165 : i32
    %and3A_167 = arith.andi %ne3A_163, %ne3A_166 : i1
    %sub3A_168 = arith.constant 1 : i32
    %sub3A_169 = arith.subi %div3A_148, %sub3A_168 : i32
    %select_n3A_170 = arith.select %and3A_167, %sub3A_169, %div3A_148 : i32
    %sub3A_171 = arith.constant 1 : i32
    %sub3A_172 = arith.subi %select_n3A_170, %sub3A_171 : i32
    %max3A_173 = arith.constant 0 : i32
    %max3A_174 = arith.maxsi %sub3A_172, %max3A_173 : i32
    %jit3A_175 = arith.constant 0 : i32
    %jit3A_176 = arith.constant 0 : i32
    %max3A_177 = arith.maxsi %jit3A_176, %jit3A_175 : i32
    %min3A_178 = arith.minsi %max3A_174, %max3A_177 : i32
    %mul3A_179 = arith.constant 192 : i32
    %mul3A_180 = arith.muli %min3A_178, %mul3A_179 : i32
    %dma_start3A_181 = tpu.memref_slice %arg3[%add3A_132, %arg0, %mul3A_180] : memref<32x2x25600xi32, #tpu.memory_space<hbm>> -> memref<1x1x192xi32, #tpu.memory_space<hbm>>
    %dma_start3A_182 = tpu.memref_squeeze %dma_start3A_181 : memref<1x1x192xi32, #tpu.memory_space<hbm>> -> memref<192xi32, #tpu.memory_space<hbm>>
    %dma_start3A_183 = tpu.memref_slice %arg3[%add3A_132, %arg0, %mul3A_180] : memref<32x2x25600xi32, #tpu.memory_space<hbm>> -> memref<1x1x192xi32, #tpu.memory_space<hbm>>
    %dma_start3A_184 = tpu.memref_squeeze %dma_start3A_183 : memref<1x1x192xi32, #tpu.memory_space<hbm>> -> memref<192xi32, #tpu.memory_space<hbm>>
    tpu.enqueue_dma source(%dma_start3A_184 : memref<192xi32, #tpu.memory_space<hbm>>) target(%arg11 : memref<192xi32, #tpu.memory_space<vmem>>) target_semaphore(%arg18 : memref<!tpu.dma_semaphore, #tpu.memory_space<semaphore_mem>>)
    %mul3A_185 = arith.constant 192 : i32
    %mul3A_186 = arith.muli %min3A_178, %mul3A_185 : i32
    %dma_start3A_187 = tpu.memref_slice %arg4[%add3A_132, %arg0, %mul3A_186] : memref<32x2x25600xi32, #tpu.memory_space<hbm>> -> memref<1x1x192xi32, #tpu.memory_space<hbm>>
    %dma_start3A_188 = tpu.memref_squeeze %dma_start3A_187 : memref<1x1x192xi32, #tpu.memory_space<hbm>> -> memref<192xi32, #tpu.memory_space<hbm>>
    %dma_start3A_189 = tpu.memref_slice %arg4[%add3A_132, %arg0, %mul3A_186] : memref<32x2x25600xi32, #tpu.memory_space<hbm>> -> memref<1x1x192xi32, #tpu.memory_space<hbm>>
    %dma_start3A_190 = tpu.memref_squeeze %dma_start3A_189 : memref<1x1x192xi32, #tpu.memory_space<hbm>> -> memref<192xi32, #tpu.memory_space<hbm>>
    tpu.enqueue_dma source(%dma_start3A_190 : memref<192xi32, #tpu.memory_space<hbm>>) target(%arg13 : memref<192xi32, #tpu.memory_space<vmem>>) target_semaphore(%arg18 : memref<!tpu.dma_semaphore, #tpu.memory_space<semaphore_mem>>)
    %dma_wait3A_191 = arith.constant 0 : i32
    %dma_wait3A_192 = tpu.memref_slice %arg3[%add3A_132, %arg0, %dma_wait3A_191] : memref<32x2x25600xi32, #tpu.memory_space<hbm>> -> memref<1x1x192xi32, #tpu.memory_space<hbm>>
    %dma_wait3A_193 = tpu.memref_squeeze %dma_wait3A_192 : memref<1x1x192xi32, #tpu.memory_space<hbm>> -> memref<192xi32, #tpu.memory_space<hbm>>
    %dma_wait3A_194 = arith.constant 0 : i32
    %dma_wait3A_195 = tpu.memref_slice %arg3[%add3A_132, %arg0, %dma_wait3A_194] : memref<32x2x25600xi32, #tpu.memory_space<hbm>> -> memref<1x1x192xi32, #tpu.memory_space<hbm>>
    %dma_wait3A_196 = tpu.memref_squeeze %dma_wait3A_195 : memref<1x1x192xi32, #tpu.memory_space<hbm>> -> memref<192xi32, #tpu.memory_space<hbm>>
    tpu.wait_dma2 semaphore(%arg18 : memref<!tpu.dma_semaphore, #tpu.memory_space<semaphore_mem>>) src(%dma_wait3A_196 : memref<192xi32, #tpu.memory_space<hbm>>) dst(%arg11 : memref<192xi32, #tpu.memory_space<vmem>>)
    %dma_wait3A_197 = arith.constant 0 : i32
    %dma_wait3A_198 = tpu.memref_slice %arg4[%add3A_132, %arg0, %dma_wait3A_197] : memref<32x2x25600xi32, #tpu.memory_space<hbm>> -> memref<1x1x192xi32, #tpu.memory_space<hbm>>
    %dma_wait3A_199 = tpu.memref_squeeze %dma_wait3A_198 : memref<1x1x192xi32, #tpu.memory_space<hbm>> -> memref<192xi32, #tpu.memory_space<hbm>>
    %dma_wait3A_200 = arith.constant 0 : i32
    %dma_wait3A_201 = tpu.memref_slice %arg4[%add3A_132, %arg0, %dma_wait3A_200] : memref<32x2x25600xi32, #tpu.memory_space<hbm>> -> memref<1x1x192xi32, #tpu.memory_space<hbm>>
    %dma_wait3A_202 = tpu.memref_squeeze %dma_wait3A_201 : memref<1x1x192xi32, #tpu.memory_space<hbm>> -> memref<192xi32, #tpu.memory_space<hbm>>
    tpu.wait_dma2 semaphore(%arg18 : memref<!tpu.dma_semaphore, #tpu.memory_space<semaphore_mem>>) src(%dma_wait3A_202 : memref<192xi32, #tpu.memory_space<hbm>>) dst(%arg13 : memref<192xi32, #tpu.memory_space<vmem>>)
    %dma_start3A_203 = arith.constant 0 : i32
    %dma_start3A_204 = arith.constant 0 : i32
    %dma_start3A_205 = tpu.memref_slice %arg2[%dma_start3A_203, %dma_start3A_204] : memref<250880x64xf32, #tpu.memory_space<hbm>> -> memref<250880x64xf32, #tpu.memory_space<hbm>>
    tpu.enqueue_indirect_dma source(%dma_start3A_205 : memref<250880x64xf32, #tpu.memory_space<hbm>>) target(%arg9 : memref<192x64xf32, #tpu.memory_space<vmem>>) offsets(%arg11 : memref<192xi32, #tpu.memory_space<vmem>>) semaphore(%arg16 : memref<!tpu.dma_semaphore, #tpu.memory_space<semaphore_mem>>)
    %jit3A_206 = arith.constant 1 : i32
    %jit3A_207 = arith.constant 0 : i32
    %max3A_208 = arith.maxsi %jit3A_207, %jit3A_206 : i32
    %min3A_209 = arith.minsi %max3A_174, %max3A_208 : i32
    %mul3A_210 = arith.constant 192 : i32
    %mul3A_211 = arith.muli %min3A_209, %mul3A_210 : i32
    %dma_start3A_212 = tpu.memref_slice %arg3[%add3A_132, %arg0, %mul3A_211] : memref<32x2x25600xi32, #tpu.memory_space<hbm>> -> memref<1x1x192xi32, #tpu.memory_space<hbm>>
    %dma_start3A_213 = tpu.memref_squeeze %dma_start3A_212 : memref<1x1x192xi32, #tpu.memory_space<hbm>> -> memref<192xi32, #tpu.memory_space<hbm>>
    %dma_start3A_214 = tpu.memref_slice %arg3[%add3A_132, %arg0, %mul3A_211] : memref<32x2x25600xi32, #tpu.memory_space<hbm>> -> memref<1x1x192xi32, #tpu.memory_space<hbm>>
    %dma_start3A_215 = tpu.memref_squeeze %dma_start3A_214 : memref<1x1x192xi32, #tpu.memory_space<hbm>> -> memref<192xi32, #tpu.memory_space<hbm>>
    tpu.enqueue_dma source(%dma_start3A_215 : memref<192xi32, #tpu.memory_space<hbm>>) target(%arg12 : memref<192xi32, #tpu.memory_space<vmem>>) target_semaphore(%arg19 : memref<!tpu.dma_semaphore, #tpu.memory_space<semaphore_mem>>)
    %mul3A_216 = arith.constant 192 : i32
    %mul3A_217 = arith.muli %min3A_209, %mul3A_216 : i32
    %dma_start3A_218 = tpu.memref_slice %arg4[%add3A_132, %arg0, %mul3A_217] : memref<32x2x25600xi32, #tpu.memory_space<hbm>> -> memref<1x1x192xi32, #tpu.memory_space<hbm>>
    %dma_start3A_219 = tpu.memref_squeeze %dma_start3A_218 : memref<1x1x192xi32, #tpu.memory_space<hbm>> -> memref<192xi32, #tpu.memory_space<hbm>>
    %dma_start3A_220 = tpu.memref_slice %arg4[%add3A_132, %arg0, %mul3A_217] : memref<32x2x25600xi32, #tpu.memory_space<hbm>> -> memref<1x1x192xi32, #tpu.memory_space<hbm>>
    %dma_start3A_221 = tpu.memref_squeeze %dma_start3A_220 : memref<1x1x192xi32, #tpu.memory_space<hbm>> -> memref<192xi32, #tpu.memory_space<hbm>>
    tpu.enqueue_dma source(%dma_start3A_221 : memref<192xi32, #tpu.memory_space<hbm>>) target(%arg14 : memref<192xi32, #tpu.memory_space<vmem>>) target_semaphore(%arg19 : memref<!tpu.dma_semaphore, #tpu.memory_space<semaphore_mem>>)
    %add3A_222 = arith.constant 1 : i32
    %add3A_223 = arith.addi %select_n3A_170, %add3A_222 : i32
    %jit3A_224 = arith.constant 2 : i32
    %div3A_225 = arith.divsi %add3A_223, %jit3A_224 : i32
    %sign3A_226 = arith.constant 0 : i32
    %sign3A_227 = arith.cmpi sgt, %add3A_223, %sign3A_226 : i32
    %sign3A_228 = arith.extui %sign3A_227 : i1 to i32
    %sign3A_229 = arith.constant 0 : i32
    %sign3A_230 = arith.cmpi slt, %add3A_223, %sign3A_229 : i32
    %sign3A_231 = arith.extui %sign3A_230 : i1 to i32
    %sign3A_232 = arith.subi %sign3A_228, %sign3A_231 : i32
    %sign3A_233 = arith.constant 0 : i32
    %sign3A_234 = arith.cmpi sgt, %jit3A_224, %sign3A_233 : i32
    %sign3A_235 = arith.extui %sign3A_234 : i1 to i32
    %sign3A_236 = arith.constant 0 : i32
    %sign3A_237 = arith.cmpi slt, %jit3A_224, %sign3A_236 : i32
    %sign3A_238 = arith.extui %sign3A_237 : i1 to i32
    %sign3A_239 = arith.subi %sign3A_235, %sign3A_238 : i32
    %ne3A_240 = arith.cmpi ne, %sign3A_232, %sign3A_239 : i32
    %rem3A_241 = arith.remsi %add3A_223, %jit3A_224 : i32
    %ne3A_242 = arith.constant 0 : i32
    %ne3A_243 = arith.cmpi ne, %rem3A_241, %ne3A_242 : i32
    %and3A_244 = arith.andi %ne3A_240, %ne3A_243 : i1
    %sub3A_245 = arith.constant 1 : i32
    %sub3A_246 = arith.subi %div3A_225, %sub3A_245 : i32
    %select_n3A_247 = arith.select %and3A_244, %sub3A_246, %div3A_225 : i32
    %while3A_248 = arith.constant 0 : i32
    %while3A_249 = arith.constant 0 : i32
    %while3A_250 = arith.subi %select_n3A_247, %while3A_248 : i32
    %while3A_251 = arith.addi %while3A_248, %while3A_250 : i32
    %while3A_252 = arith.constant 1 : i32
    %while3A_253 = arith.divsi %while3A_250, %while3A_252 : i32
    %while3A_254 = arith.muli %while3A_253, %while3A_252 : i32
    %while3A_255 = arith.addi %while3A_248, %while3A_254 : i32
    %while3A_256 = arith.constant 1 : i32
    %while3A_257 = scf.for %while3A_283 = %while3A_248 to %while3A_255 step %while3A_256 iter_args(%while3A_284 = %while3A_249) -> (i32)  : i32 {
      %mul3A_285 = arith.constant 2 : i32
      %mul3A_286 = arith.muli %mul3A_285, %while3A_283 : i32
      %add3A_287 = arith.constant 1 : i32
      %add3A_288 = arith.addi %mul3A_286, %add3A_287 : i32
      %dma_wait3A_289 = arith.constant 0 : i32
      %dma_wait3A_290 = tpu.memref_slice %arg3[%add3A_132, %arg0, %dma_wait3A_289] : memref<32x2x25600xi32, #tpu.memory_space<hbm>> -> memref<1x1x192xi32, #tpu.memory_space<hbm>>
      %dma_wait3A_291 = tpu.memref_squeeze %dma_wait3A_290 : memref<1x1x192xi32, #tpu.memory_space<hbm>> -> memref<192xi32, #tpu.memory_space<hbm>>
      %dma_wait3A_292 = arith.constant 0 : i32
      %dma_wait3A_293 = tpu.memref_slice %arg3[%add3A_132, %arg0, %dma_wait3A_292] : memref<32x2x25600xi32, #tpu.memory_space<hbm>> -> memref<1x1x192xi32, #tpu.memory_space<hbm>>
      %dma_wait3A_294 = tpu.memref_squeeze %dma_wait3A_293 : memref<1x1x192xi32, #tpu.memory_space<hbm>> -> memref<192xi32, #tpu.memory_space<hbm>>
      tpu.wait_dma2 semaphore(%arg19 : memref<!tpu.dma_semaphore, #tpu.memory_space<semaphore_mem>>) src(%dma_wait3A_294 : memref<192xi32, #tpu.memory_space<hbm>>) dst(%arg12 : memref<192xi32, #tpu.memory_space<vmem>>)
      %dma_wait3A_295 = arith.constant 0 : i32
      %dma_wait3A_296 = tpu.memref_slice %arg4[%add3A_132, %arg0, %dma_wait3A_295] : memref<32x2x25600xi32, #tpu.memory_space<hbm>> -> memref<1x1x192xi32, #tpu.memory_space<hbm>>
      %dma_wait3A_297 = tpu.memref_squeeze %dma_wait3A_296 : memref<1x1x192xi32, #tpu.memory_space<hbm>> -> memref<192xi32, #tpu.memory_space<hbm>>
      %dma_wait3A_298 = arith.constant 0 : i32
      %dma_wait3A_299 = tpu.memref_slice %arg4[%add3A_132, %arg0, %dma_wait3A_298] : memref<32x2x25600xi32, #tpu.memory_space<hbm>> -> memref<1x1x192xi32, #tpu.memory_space<hbm>>
      %dma_wait3A_300 = tpu.memref_squeeze %dma_wait3A_299 : memref<1x1x192xi32, #tpu.memory_space<hbm>> -> memref<192xi32, #tpu.memory_space<hbm>>
      tpu.wait_dma2 semaphore(%arg19 : memref<!tpu.dma_semaphore, #tpu.memory_space<semaphore_mem>>) src(%dma_wait3A_300 : memref<192xi32, #tpu.memory_space<hbm>>) dst(%arg14 : memref<192xi32, #tpu.memory_space<vmem>>)
      %dma_start3A_301 = arith.constant 0 : i32
      %dma_start3A_302 = arith.constant 0 : i32
      %dma_start3A_303 = tpu.memref_slice %arg2[%dma_start3A_301, %dma_start3A_302] : memref<250880x64xf32, #tpu.memory_space<hbm>> -> memref<250880x64xf32, #tpu.memory_space<hbm>>
      tpu.enqueue_indirect_dma source(%dma_start3A_303 : memref<250880x64xf32, #tpu.memory_space<hbm>>) target(%arg10 : memref<192x64xf32, #tpu.memory_space<vmem>>) offsets(%arg12 : memref<192xi32, #tpu.memory_space<vmem>>) semaphore(%arg17 : memref<!tpu.dma_semaphore, #tpu.memory_space<semaphore_mem>>)
      %dma_wait3A_304 = arith.constant 0 : i32
      %dma_wait3A_305 = arith.constant 0 : i32
      %dma_wait3A_306 = tpu.memref_slice %arg2[%dma_wait3A_304, %dma_wait3A_305] : memref<250880x64xf32, #tpu.memory_space<hbm>> -> memref<250880x64xf32, #tpu.memory_space<hbm>>
      tpu.wait_indirect_dma semaphore(%arg16 : memref<!tpu.dma_semaphore, #tpu.memory_space<semaphore_mem>>) src(%dma_wait3A_306 : memref<250880x64xf32, #tpu.memory_space<hbm>>) dst(%arg9 : memref<192x64xf32, #tpu.memory_space<vmem>>)
      %lt3A = arith.cmpi slt, %mul3A_286, %select_n3A_170 : i32
      %convert_element_type3A = arith.extui %lt3A : i1 to i32
      %cond3A = arith.constant 0 : i32
      %cond3A_307 = arith.cmpi ne, %convert_element_type3A, %cond3A : i32
      scf.if %cond3A_307 {
        "tpu.region"() ({
          %run_scoped3A = tpu.sem_alloc : memref<!tpu.dma_semaphore, #tpu.memory_space<semaphore_mem>>
          %dma_start3A_365 = arith.constant 0 : i32
          %dma_start3A_366 = arith.constant 0 : i32
          %dma_start3A_367 = tpu.memref_slice %arg8[%dma_start3A_365, %dma_start3A_366] : memref<26112x64xf32, #tpu.memory_space<vmem_shared>> -> memref<26112x64xf32, #tpu.memory_space<vmem_shared>>
          tpu.enqueue_indirect_dma source(%arg9 : memref<192x64xf32, #tpu.memory_space<vmem>>) target(%dma_start3A_367 : memref<26112x64xf32, #tpu.memory_space<vmem_shared>>) offsets(%arg13 : memref<192xi32, #tpu.memory_space<vmem>>) semaphore(%run_scoped3A : memref<!tpu.dma_semaphore, #tpu.memory_space<semaphore_mem>>) {add = true}
          %dma_wait3A_368 = arith.constant 0 : i32
          %dma_wait3A_369 = arith.constant 0 : i32
          %dma_wait3A_370 = tpu.memref_slice %arg8[%dma_wait3A_368, %dma_wait3A_369] : memref<26112x64xf32, #tpu.memory_space<vmem_shared>> -> memref<26112x64xf32, #tpu.memory_space<vmem_shared>>
          tpu.wait_indirect_dma semaphore(%run_scoped3A : memref<!tpu.dma_semaphore, #tpu.memory_space<semaphore_mem>>) src(%arg9 : memref<192x64xf32, #tpu.memory_space<vmem>>) dst(%dma_wait3A_370 : memref<26112x64xf32, #tpu.memory_space<vmem_shared>>)
          tpu.yield
        }) : () -> ()
      } else {
      }
      %add3A_308 = arith.constant 2 : i32
      %add3A_309 = arith.addi %mul3A_286, %add3A_308 : i32
      %jit3A_310 = arith.constant 0 : i32
      %max3A_311 = arith.maxsi %jit3A_310, %add3A_309 : i32
      %min3A_312 = arith.minsi %max3A_174, %max3A_311 : i32
      %mul3A_313 = arith.constant 192 : i32
      %mul3A_314 = arith.muli %min3A_312, %mul3A_313 : i32
      %dma_start3A_315 = tpu.memref_slice %arg3[%add3A_132, %arg0, %mul3A_314] : memref<32x2x25600xi32, #tpu.memory_space<hbm>> -> memref<1x1x192xi32, #tpu.memory_space<hbm>>
      %dma_start3A_316 = tpu.memref_squeeze %dma_start3A_315 : memref<1x1x192xi32, #tpu.memory_space<hbm>> -> memref<192xi32, #tpu.memory_space<hbm>>
      %dma_start3A_317 = tpu.memref_slice %arg3[%add3A_132, %arg0, %mul3A_314] : memref<32x2x25600xi32, #tpu.memory_space<hbm>> -> memref<1x1x192xi32, #tpu.memory_space<hbm>>
      %dma_start3A_318 = tpu.memref_squeeze %dma_start3A_317 : memref<1x1x192xi32, #tpu.memory_space<hbm>> -> memref<192xi32, #tpu.memory_space<hbm>>
      tpu.enqueue_dma source(%dma_start3A_318 : memref<192xi32, #tpu.memory_space<hbm>>) target(%arg11 : memref<192xi32, #tpu.memory_space<vmem>>) target_semaphore(%arg18 : memref<!tpu.dma_semaphore, #tpu.memory_space<semaphore_mem>>)
      %mul3A_319 = arith.constant 192 : i32
      %mul3A_320 = arith.muli %min3A_312, %mul3A_319 : i32
      %dma_start3A_321 = tpu.memref_slice %arg4[%add3A_132, %arg0, %mul3A_320] : memref<32x2x25600xi32, #tpu.memory_space<hbm>> -> memref<1x1x192xi32, #tpu.memory_space<hbm>>
      %dma_start3A_322 = tpu.memref_squeeze %dma_start3A_321 : memref<1x1x192xi32, #tpu.memory_space<hbm>> -> memref<192xi32, #tpu.memory_space<hbm>>
      %dma_start3A_323 = tpu.memref_slice %arg4[%add3A_132, %arg0, %mul3A_320] : memref<32x2x25600xi32, #tpu.memory_space<hbm>> -> memref<1x1x192xi32, #tpu.memory_space<hbm>>
      %dma_start3A_324 = tpu.memref_squeeze %dma_start3A_323 : memref<1x1x192xi32, #tpu.memory_space<hbm>> -> memref<192xi32, #tpu.memory_space<hbm>>
      tpu.enqueue_dma source(%dma_start3A_324 : memref<192xi32, #tpu.memory_space<hbm>>) target(%arg13 : memref<192xi32, #tpu.memory_space<vmem>>) target_semaphore(%arg18 : memref<!tpu.dma_semaphore, #tpu.memory_space<semaphore_mem>>)
      %dma_wait3A_325 = arith.constant 0 : i32
      %dma_wait3A_326 = tpu.memref_slice %arg3[%add3A_132, %arg0, %dma_wait3A_325] : memref<32x2x25600xi32, #tpu.memory_space<hbm>> -> memref<1x1x192xi32, #tpu.memory_space<hbm>>
      %dma_wait3A_327 = tpu.memref_squeeze %dma_wait3A_326 : memref<1x1x192xi32, #tpu.memory_space<hbm>> -> memref<192xi32, #tpu.memory_space<hbm>>
      %dma_wait3A_328 = arith.constant 0 : i32
      %dma_wait3A_329 = tpu.memref_slice %arg3[%add3A_132, %arg0, %dma_wait3A_328] : memref<32x2x25600xi32, #tpu.memory_space<hbm>> -> memref<1x1x192xi32, #tpu.memory_space<hbm>>
      %dma_wait3A_330 = tpu.memref_squeeze %dma_wait3A_329 : memref<1x1x192xi32, #tpu.memory_space<hbm>> -> memref<192xi32, #tpu.memory_space<hbm>>
      tpu.wait_dma2 semaphore(%arg18 : memref<!tpu.dma_semaphore, #tpu.memory_space<semaphore_mem>>) src(%dma_wait3A_330 : memref<192xi32, #tpu.memory_space<hbm>>) dst(%arg11 : memref<192xi32, #tpu.memory_space<vmem>>)
      %dma_wait3A_331 = arith.constant 0 : i32
      %dma_wait3A_332 = tpu.memref_slice %arg4[%add3A_132, %arg0, %dma_wait3A_331] : memref<32x2x25600xi32, #tpu.memory_space<hbm>> -> memref<1x1x192xi32, #tpu.memory_space<hbm>>
      %dma_wait3A_333 = tpu.memref_squeeze %dma_wait3A_332 : memref<1x1x192xi32, #tpu.memory_space<hbm>> -> memref<192xi32, #tpu.memory_space<hbm>>
      %dma_wait3A_334 = arith.constant 0 : i32
      %dma_wait3A_335 = tpu.memref_slice %arg4[%add3A_132, %arg0, %dma_wait3A_334] : memref<32x2x25600xi32, #tpu.memory_space<hbm>> -> memref<1x1x192xi32, #tpu.memory_space<hbm>>
      %dma_wait3A_336 = tpu.memref_squeeze %dma_wait3A_335 : memref<1x1x192xi32, #tpu.memory_space<hbm>> -> memref<192xi32, #tpu.memory_space<hbm>>
      tpu.wait_dma2 semaphore(%arg18 : memref<!tpu.dma_semaphore, #tpu.memory_space<semaphore_mem>>) src(%dma_wait3A_336 : memref<192xi32, #tpu.memory_space<hbm>>) dst(%arg13 : memref<192xi32, #tpu.memory_space<vmem>>)
      %dma_start3A_337 = arith.constant 0 : i32
      %dma_start3A_338 = arith.constant 0 : i32
      %dma_start3A_339 = tpu.memref_slice %arg2[%dma_start3A_337, %dma_start3A_338] : memref<250880x64xf32, #tpu.memory_space<hbm>> -> memref<250880x64xf32, #tpu.memory_space<hbm>>
      tpu.enqueue_indirect_dma source(%dma_start3A_339 : memref<250880x64xf32, #tpu.memory_space<hbm>>) target(%arg9 : memref<192x64xf32, #tpu.memory_space<vmem>>) offsets(%arg11 : memref<192xi32, #tpu.memory_space<vmem>>) semaphore(%arg16 : memref<!tpu.dma_semaphore, #tpu.memory_space<semaphore_mem>>)
      %dma_wait3A_340 = arith.constant 0 : i32
      %dma_wait3A_341 = arith.constant 0 : i32
      %dma_wait3A_342 = tpu.memref_slice %arg2[%dma_wait3A_340, %dma_wait3A_341] : memref<250880x64xf32, #tpu.memory_space<hbm>> -> memref<250880x64xf32, #tpu.memory_space<hbm>>
      tpu.wait_indirect_dma semaphore(%arg17 : memref<!tpu.dma_semaphore, #tpu.memory_space<semaphore_mem>>) src(%dma_wait3A_342 : memref<250880x64xf32, #tpu.memory_space<hbm>>) dst(%arg10 : memref<192x64xf32, #tpu.memory_space<vmem>>)
      %lt3A_343 = arith.cmpi slt, %add3A_288, %select_n3A_170 : i32
      %convert_element_type3A_344 = arith.extui %lt3A_343 : i1 to i32
      %cond3A_345 = arith.constant 0 : i32
      %cond3A_346 = arith.cmpi ne, %convert_element_type3A_344, %cond3A_345 : i32
      scf.if %cond3A_346 {
        "tpu.region"() ({
          %run_scoped3A = tpu.sem_alloc : memref<!tpu.dma_semaphore, #tpu.memory_space<semaphore_mem>>
          %dma_start3A_365 = arith.constant 0 : i32
          %dma_start3A_366 = arith.constant 0 : i32
          %dma_start3A_367 = tpu.memref_slice %arg8[%dma_start3A_365, %dma_start3A_366] : memref<26112x64xf32, #tpu.memory_space<vmem_shared>> -> memref<26112x64xf32, #tpu.memory_space<vmem_shared>>
          tpu.enqueue_indirect_dma source(%arg10 : memref<192x64xf32, #tpu.memory_space<vmem>>) target(%dma_start3A_367 : memref<26112x64xf32, #tpu.memory_space<vmem_shared>>) offsets(%arg14 : memref<192xi32, #tpu.memory_space<vmem>>) semaphore(%run_scoped3A : memref<!tpu.dma_semaphore, #tpu.memory_space<semaphore_mem>>) {add = true}
          %dma_wait3A_368 = arith.constant 0 : i32
          %dma_wait3A_369 = arith.constant 0 : i32
          %dma_wait3A_370 = tpu.memref_slice %arg8[%dma_wait3A_368, %dma_wait3A_369] : memref<26112x64xf32, #tpu.memory_space<vmem_shared>> -> memref<26112x64xf32, #tpu.memory_space<vmem_shared>>
          tpu.wait_indirect_dma semaphore(%run_scoped3A : memref<!tpu.dma_semaphore, #tpu.memory_space<semaphore_mem>>) src(%arg10 : memref<192x64xf32, #tpu.memory_space<vmem>>) dst(%dma_wait3A_370 : memref<26112x64xf32, #tpu.memory_space<vmem_shared>>)
          tpu.yield
        }) : () -> ()
      } else {
      }
      %add3A_347 = arith.constant 2 : i32
      %add3A_348 = arith.addi %add3A_288, %add3A_347 : i32
      %jit3A_349 = arith.constant 0 : i32
      %max3A_350 = arith.maxsi %jit3A_349, %add3A_348 : i32
      %min3A_351 = arith.minsi %max3A_174, %max3A_350 : i32
      %mul3A_352 = arith.constant 192 : i32
      %mul3A_353 = arith.muli %min3A_351, %mul3A_352 : i32
      %dma_start3A_354 = tpu.memref_slice %arg3[%add3A_132, %arg0, %mul3A_353] : memref<32x2x25600xi32, #tpu.memory_space<hbm>> -> memref<1x1x192xi32, #tpu.memory_space<hbm>>
      %dma_start3A_355 = tpu.memref_squeeze %dma_start3A_354 : memref<1x1x192xi32, #tpu.memory_space<hbm>> -> memref<192xi32, #tpu.memory_space<hbm>>
      %dma_start3A_356 = tpu.memref_slice %arg3[%add3A_132, %arg0, %mul3A_353] : memref<32x2x25600xi32, #tpu.memory_space<hbm>> -> memref<1x1x192xi32, #tpu.memory_space<hbm>>
      %dma_start3A_357 = tpu.memref_squeeze %dma_start3A_356 : memref<1x1x192xi32, #tpu.memory_space<hbm>> -> memref<192xi32, #tpu.memory_space<hbm>>
      tpu.enqueue_dma source(%dma_start3A_357 : memref<192xi32, #tpu.memory_space<hbm>>) target(%arg12 : memref<192xi32, #tpu.memory_space<vmem>>) target_semaphore(%arg19 : memref<!tpu.dma_semaphore, #tpu.memory_space<semaphore_mem>>)
      %mul3A_358 = arith.constant 192 : i32
      %mul3A_359 = arith.muli %min3A_351, %mul3A_358 : i32
      %dma_start3A_360 = tpu.memref_slice %arg4[%add3A_132, %arg0, %mul3A_359] : memref<32x2x25600xi32, #tpu.memory_space<hbm>> -> memref<1x1x192xi32, #tpu.memory_space<hbm>>
      %dma_start3A_361 = tpu.memref_squeeze %dma_start3A_360 : memref<1x1x192xi32, #tpu.memory_space<hbm>> -> memref<192xi32, #tpu.memory_space<hbm>>
      %dma_start3A_362 = tpu.memref_slice %arg4[%add3A_132, %arg0, %mul3A_359] : memref<32x2x25600xi32, #tpu.memory_space<hbm>> -> memref<1x1x192xi32, #tpu.memory_space<hbm>>
      %dma_start3A_363 = tpu.memref_squeeze %dma_start3A_362 : memref<1x1x192xi32, #tpu.memory_space<hbm>> -> memref<192xi32, #tpu.memory_space<hbm>>
      tpu.enqueue_dma source(%dma_start3A_363 : memref<192xi32, #tpu.memory_space<hbm>>) target(%arg14 : memref<192xi32, #tpu.memory_space<vmem>>) target_semaphore(%arg19 : memref<!tpu.dma_semaphore, #tpu.memory_space<semaphore_mem>>)
      %while3A_364 = arith.constant 0 : i32
      scf.yield %while3A_364 : i32
    }
    %while3A_258 = arith.constant 1 : i32
    %while3A_259 = scf.for %while3A_283 = %while3A_255 to %while3A_251 step %while3A_258 iter_args(%while3A_284 = %while3A_257) -> (i32)  : i32 {
      %mul3A_285 = arith.constant 2 : i32
      %mul3A_286 = arith.muli %mul3A_285, %while3A_283 : i32
      %add3A_287 = arith.constant 1 : i32
      %add3A_288 = arith.addi %mul3A_286, %add3A_287 : i32
      %dma_wait3A_289 = arith.constant 0 : i32
      %dma_wait3A_290 = tpu.memref_slice %arg3[%add3A_132, %arg0, %dma_wait3A_289] : memref<32x2x25600xi32, #tpu.memory_space<hbm>> -> memref<1x1x192xi32, #tpu.memory_space<hbm>>
      %dma_wait3A_291 = tpu.memref_squeeze %dma_wait3A_290 : memref<1x1x192xi32, #tpu.memory_space<hbm>> -> memref<192xi32, #tpu.memory_space<hbm>>
      %dma_wait3A_292 = arith.constant 0 : i32
      %dma_wait3A_293 = tpu.memref_slice %arg3[%add3A_132, %arg0, %dma_wait3A_292] : memref<32x2x25600xi32, #tpu.memory_space<hbm>> -> memref<1x1x192xi32, #tpu.memory_space<hbm>>
      %dma_wait3A_294 = tpu.memref_squeeze %dma_wait3A_293 : memref<1x1x192xi32, #tpu.memory_space<hbm>> -> memref<192xi32, #tpu.memory_space<hbm>>
      tpu.wait_dma2 semaphore(%arg19 : memref<!tpu.dma_semaphore, #tpu.memory_space<semaphore_mem>>) src(%dma_wait3A_294 : memref<192xi32, #tpu.memory_space<hbm>>) dst(%arg12 : memref<192xi32, #tpu.memory_space<vmem>>)
      %dma_wait3A_295 = arith.constant 0 : i32
      %dma_wait3A_296 = tpu.memref_slice %arg4[%add3A_132, %arg0, %dma_wait3A_295] : memref<32x2x25600xi32, #tpu.memory_space<hbm>> -> memref<1x1x192xi32, #tpu.memory_space<hbm>>
      %dma_wait3A_297 = tpu.memref_squeeze %dma_wait3A_296 : memref<1x1x192xi32, #tpu.memory_space<hbm>> -> memref<192xi32, #tpu.memory_space<hbm>>
      %dma_wait3A_298 = arith.constant 0 : i32
      %dma_wait3A_299 = tpu.memref_slice %arg4[%add3A_132, %arg0, %dma_wait3A_298] : memref<32x2x25600xi32, #tpu.memory_space<hbm>> -> memref<1x1x192xi32, #tpu.memory_space<hbm>>
      %dma_wait3A_300 = tpu.memref_squeeze %dma_wait3A_299 : memref<1x1x192xi32, #tpu.memory_space<hbm>> -> memref<192xi32, #tpu.memory_space<hbm>>
      tpu.wait_dma2 semaphore(%arg19 : memref<!tpu.dma_semaphore, #tpu.memory_space<semaphore_mem>>) src(%dma_wait3A_300 : memref<192xi32, #tpu.memory_space<hbm>>) dst(%arg14 : memref<192xi32, #tpu.memory_space<vmem>>)
      %dma_start3A_301 = arith.constant 0 : i32
      %dma_start3A_302 = arith.constant 0 : i32
      %dma_start3A_303 = tpu.memref_slice %arg2[%dma_start3A_301, %dma_start3A_302] : memref<250880x64xf32, #tpu.memory_space<hbm>> -> memref<250880x64xf32, #tpu.memory_space<hbm>>
      tpu.enqueue_indirect_dma source(%dma_start3A_303 : memref<250880x64xf32, #tpu.memory_space<hbm>>) target(%arg10 : memref<192x64xf32, #tpu.memory_space<vmem>>) offsets(%arg12 : memref<192xi32, #tpu.memory_space<vmem>>) semaphore(%arg17 : memref<!tpu.dma_semaphore, #tpu.memory_space<semaphore_mem>>)
      %dma_wait3A_304 = arith.constant 0 : i32
      %dma_wait3A_305 = arith.constant 0 : i32
      %dma_wait3A_306 = tpu.memref_slice %arg2[%dma_wait3A_304, %dma_wait3A_305] : memref<250880x64xf32, #tpu.memory_space<hbm>> -> memref<250880x64xf32, #tpu.memory_space<hbm>>
      tpu.wait_indirect_dma semaphore(%arg16 : memref<!tpu.dma_semaphore, #tpu.memory_space<semaphore_mem>>) src(%dma_wait3A_306 : memref<250880x64xf32, #tpu.memory_space<hbm>>) dst(%arg9 : memref<192x64xf32, #tpu.memory_space<vmem>>)
      %lt3A = arith.cmpi slt, %mul3A_286, %select_n3A_170 : i32
      %convert_element_type3A = arith.extui %lt3A : i1 to i32
      %cond3A = arith.constant 0 : i32
      %cond3A_307 = arith.cmpi ne, %convert_element_type3A, %cond3A : i32
      scf.if %cond3A_307 {
        "tpu.region"() ({
          %run_scoped3A = tpu.sem_alloc : memref<!tpu.dma_semaphore, #tpu.memory_space<semaphore_mem>>
          %dma_start3A_365 = arith.constant 0 : i32
          %dma_start3A_366 = arith.constant 0 : i32
          %dma_start3A_367 = tpu.memref_slice %arg8[%dma_start3A_365, %dma_start3A_366] : memref<26112x64xf32, #tpu.memory_space<vmem_shared>> -> memref<26112x64xf32, #tpu.memory_space<vmem_shared>>
          tpu.enqueue_indirect_dma source(%arg9 : memref<192x64xf32, #tpu.memory_space<vmem>>) target(%dma_start3A_367 : memref<26112x64xf32, #tpu.memory_space<vmem_shared>>) offsets(%arg13 : memref<192xi32, #tpu.memory_space<vmem>>) semaphore(%run_scoped3A : memref<!tpu.dma_semaphore, #tpu.memory_space<semaphore_mem>>) {add = true}
          %dma_wait3A_368 = arith.constant 0 : i32
          %dma_wait3A_369 = arith.constant 0 : i32
          %dma_wait3A_370 = tpu.memref_slice %arg8[%dma_wait3A_368, %dma_wait3A_369] : memref<26112x64xf32, #tpu.memory_space<vmem_shared>> -> memref<26112x64xf32, #tpu.memory_space<vmem_shared>>
          tpu.wait_indirect_dma semaphore(%run_scoped3A : memref<!tpu.dma_semaphore, #tpu.memory_space<semaphore_mem>>) src(%arg9 : memref<192x64xf32, #tpu.memory_space<vmem>>) dst(%dma_wait3A_370 : memref<26112x64xf32, #tpu.memory_space<vmem_shared>>)
          tpu.yield
        }) : () -> ()
      } else {
      }
      %add3A_308 = arith.constant 2 : i32
      %add3A_309 = arith.addi %mul3A_286, %add3A_308 : i32
      %jit3A_310 = arith.constant 0 : i32
      %max3A_311 = arith.maxsi %jit3A_310, %add3A_309 : i32
      %min3A_312 = arith.minsi %max3A_174, %max3A_311 : i32
      %mul3A_313 = arith.constant 192 : i32
      %mul3A_314 = arith.muli %min3A_312, %mul3A_313 : i32
      %dma_start3A_315 = tpu.memref_slice %arg3[%add3A_132, %arg0, %mul3A_314] : memref<32x2x25600xi32, #tpu.memory_space<hbm>> -> memref<1x1x192xi32, #tpu.memory_space<hbm>>
      %dma_start3A_316 = tpu.memref_squeeze %dma_start3A_315 : memref<1x1x192xi32, #tpu.memory_space<hbm>> -> memref<192xi32, #tpu.memory_space<hbm>>
      %dma_start3A_317 = tpu.memref_slice %arg3[%add3A_132, %arg0, %mul3A_314] : memref<32x2x25600xi32, #tpu.memory_space<hbm>> -> memref<1x1x192xi32, #tpu.memory_space<hbm>>
      %dma_start3A_318 = tpu.memref_squeeze %dma_start3A_317 : memref<1x1x192xi32, #tpu.memory_space<hbm>> -> memref<192xi32, #tpu.memory_space<hbm>>
      tpu.enqueue_dma source(%dma_start3A_318 : memref<192xi32, #tpu.memory_space<hbm>>) target(%arg11 : memref<192xi32, #tpu.memory_space<vmem>>) target_semaphore(%arg18 : memref<!tpu.dma_semaphore, #tpu.memory_space<semaphore_mem>>)
      %mul3A_319 = arith.constant 192 : i32
      %mul3A_320 = arith.muli %min3A_312, %mul3A_319 : i32
      %dma_start3A_321 = tpu.memref_slice %arg4[%add3A_132, %arg0, %mul3A_320] : memref<32x2x25600xi32, #tpu.memory_space<hbm>> -> memref<1x1x192xi32, #tpu.memory_space<hbm>>
      %dma_start3A_322 = tpu.memref_squeeze %dma_start3A_321 : memref<1x1x192xi32, #tpu.memory_space<hbm>> -> memref<192xi32, #tpu.memory_space<hbm>>
      %dma_start3A_323 = tpu.memref_slice %arg4[%add3A_132, %arg0, %mul3A_320] : memref<32x2x25600xi32, #tpu.memory_space<hbm>> -> memref<1x1x192xi32, #tpu.memory_space<hbm>>
      %dma_start3A_324 = tpu.memref_squeeze %dma_start3A_323 : memref<1x1x192xi32, #tpu.memory_space<hbm>> -> memref<192xi32, #tpu.memory_space<hbm>>
      tpu.enqueue_dma source(%dma_start3A_324 : memref<192xi32, #tpu.memory_space<hbm>>) target(%arg13 : memref<192xi32, #tpu.memory_space<vmem>>) target_semaphore(%arg18 : memref<!tpu.dma_semaphore, #tpu.memory_space<semaphore_mem>>)
      %dma_wait3A_325 = arith.constant 0 : i32
      %dma_wait3A_326 = tpu.memref_slice %arg3[%add3A_132, %arg0, %dma_wait3A_325] : memref<32x2x25600xi32, #tpu.memory_space<hbm>> -> memref<1x1x192xi32, #tpu.memory_space<hbm>>
      %dma_wait3A_327 = tpu.memref_squeeze %dma_wait3A_326 : memref<1x1x192xi32, #tpu.memory_space<hbm>> -> memref<192xi32, #tpu.memory_space<hbm>>
      %dma_wait3A_328 = arith.constant 0 : i32
      %dma_wait3A_329 = tpu.memref_slice %arg3[%add3A_132, %arg0, %dma_wait3A_328] : memref<32x2x25600xi32, #tpu.memory_space<hbm>> -> memref<1x1x192xi32, #tpu.memory_space<hbm>>
      %dma_wait3A_330 = tpu.memref_squeeze %dma_wait3A_329 : memref<1x1x192xi32, #tpu.memory_space<hbm>> -> memref<192xi32, #tpu.memory_space<hbm>>
      tpu.wait_dma2 semaphore(%arg18 : memref<!tpu.dma_semaphore, #tpu.memory_space<semaphore_mem>>) src(%dma_wait3A_330 : memref<192xi32, #tpu.memory_space<hbm>>) dst(%arg11 : memref<192xi32, #tpu.memory_space<vmem>>)
      %dma_wait3A_331 = arith.constant 0 : i32
      %dma_wait3A_332 = tpu.memref_slice %arg4[%add3A_132, %arg0, %dma_wait3A_331] : memref<32x2x25600xi32, #tpu.memory_space<hbm>> -> memref<1x1x192xi32, #tpu.memory_space<hbm>>
      %dma_wait3A_333 = tpu.memref_squeeze %dma_wait3A_332 : memref<1x1x192xi32, #tpu.memory_space<hbm>> -> memref<192xi32, #tpu.memory_space<hbm>>
      %dma_wait3A_334 = arith.constant 0 : i32
      %dma_wait3A_335 = tpu.memref_slice %arg4[%add3A_132, %arg0, %dma_wait3A_334] : memref<32x2x25600xi32, #tpu.memory_space<hbm>> -> memref<1x1x192xi32, #tpu.memory_space<hbm>>
      %dma_wait3A_336 = tpu.memref_squeeze %dma_wait3A_335 : memref<1x1x192xi32, #tpu.memory_space<hbm>> -> memref<192xi32, #tpu.memory_space<hbm>>
      tpu.wait_dma2 semaphore(%arg18 : memref<!tpu.dma_semaphore, #tpu.memory_space<semaphore_mem>>) src(%dma_wait3A_336 : memref<192xi32, #tpu.memory_space<hbm>>) dst(%arg13 : memref<192xi32, #tpu.memory_space<vmem>>)
      %dma_start3A_337 = arith.constant 0 : i32
      %dma_start3A_338 = arith.constant 0 : i32
      %dma_start3A_339 = tpu.memref_slice %arg2[%dma_start3A_337, %dma_start3A_338] : memref<250880x64xf32, #tpu.memory_space<hbm>> -> memref<250880x64xf32, #tpu.memory_space<hbm>>
      tpu.enqueue_indirect_dma source(%dma_start3A_339 : memref<250880x64xf32, #tpu.memory_space<hbm>>) target(%arg9 : memref<192x64xf32, #tpu.memory_space<vmem>>) offsets(%arg11 : memref<192xi32, #tpu.memory_space<vmem>>) semaphore(%arg16 : memref<!tpu.dma_semaphore, #tpu.memory_space<semaphore_mem>>)
      %dma_wait3A_340 = arith.constant 0 : i32
      %dma_wait3A_341 = arith.constant 0 : i32
      %dma_wait3A_342 = tpu.memref_slice %arg2[%dma_wait3A_340, %dma_wait3A_341] : memref<250880x64xf32, #tpu.memory_space<hbm>> -> memref<250880x64xf32, #tpu.memory_space<hbm>>
      tpu.wait_indirect_dma semaphore(%arg17 : memref<!tpu.dma_semaphore, #tpu.memory_space<semaphore_mem>>) src(%dma_wait3A_342 : memref<250880x64xf32, #tpu.memory_space<hbm>>) dst(%arg10 : memref<192x64xf32, #tpu.memory_space<vmem>>)
      %lt3A_343 = arith.cmpi slt, %add3A_288, %select_n3A_170 : i32
      %convert_element_type3A_344 = arith.extui %lt3A_343 : i1 to i32
      %cond3A_345 = arith.constant 0 : i32
      %cond3A_346 = arith.cmpi ne, %convert_element_type3A_344, %cond3A_345 : i32
      scf.if %cond3A_346 {
        "tpu.region"() ({
          %run_scoped3A = tpu.sem_alloc : memref<!tpu.dma_semaphore, #tpu.memory_space<semaphore_mem>>
          %dma_start3A_365 = arith.constant 0 : i32
          %dma_start3A_366 = arith.constant 0 : i32
          %dma_start3A_367 = tpu.memref_slice %arg8[%dma_start3A_365, %dma_start3A_366] : memref<26112x64xf32, #tpu.memory_space<vmem_shared>> -> memref<26112x64xf32, #tpu.memory_space<vmem_shared>>
          tpu.enqueue_indirect_dma source(%arg10 : memref<192x64xf32, #tpu.memory_space<vmem>>) target(%dma_start3A_367 : memref<26112x64xf32, #tpu.memory_space<vmem_shared>>) offsets(%arg14 : memref<192xi32, #tpu.memory_space<vmem>>) semaphore(%run_scoped3A : memref<!tpu.dma_semaphore, #tpu.memory_space<semaphore_mem>>) {add = true}
          %dma_wait3A_368 = arith.constant 0 : i32
          %dma_wait3A_369 = arith.constant 0 : i32
          %dma_wait3A_370 = tpu.memref_slice %arg8[%dma_wait3A_368, %dma_wait3A_369] : memref<26112x64xf32, #tpu.memory_space<vmem_shared>> -> memref<26112x64xf32, #tpu.memory_space<vmem_shared>>
          tpu.wait_indirect_dma semaphore(%run_scoped3A : memref<!tpu.dma_semaphore, #tpu.memory_space<semaphore_mem>>) src(%arg10 : memref<192x64xf32, #tpu.memory_space<vmem>>) dst(%dma_wait3A_370 : memref<26112x64xf32, #tpu.memory_space<vmem_shared>>)
          tpu.yield
        }) : () -> ()
      } else {
      }
      %add3A_347 = arith.constant 2 : i32
      %add3A_348 = arith.addi %add3A_288, %add3A_347 : i32
      %jit3A_349 = arith.constant 0 : i32
      %max3A_350 = arith.maxsi %jit3A_349, %add3A_348 : i32
      %min3A_351 = arith.minsi %max3A_174, %max3A_350 : i32
      %mul3A_352 = arith.constant 192 : i32
      %mul3A_353 = arith.muli %min3A_351, %mul3A_352 : i32
      %dma_start3A_354 = tpu.memref_slice %arg3[%add3A_132, %arg0, %mul3A_353] : memref<32x2x25600xi32, #tpu.memory_space<hbm>> -> memref<1x1x192xi32, #tpu.memory_space<hbm>>
      %dma_start3A_355 = tpu.memref_squeeze %dma_start3A_354 : memref<1x1x192xi32, #tpu.memory_space<hbm>> -> memref<192xi32, #tpu.memory_space<hbm>>
      %dma_start3A_356 = tpu.memref_slice %arg3[%add3A_132, %arg0, %mul3A_353] : memref<32x2x25600xi32, #tpu.memory_space<hbm>> -> memref<1x1x192xi32, #tpu.memory_space<hbm>>
      %dma_start3A_357 = tpu.memref_squeeze %dma_start3A_356 : memref<1x1x192xi32, #tpu.memory_space<hbm>> -> memref<192xi32, #tpu.memory_space<hbm>>
      tpu.enqueue_dma source(%dma_start3A_357 : memref<192xi32, #tpu.memory_space<hbm>>) target(%arg12 : memref<192xi32, #tpu.memory_space<vmem>>) target_semaphore(%arg19 : memref<!tpu.dma_semaphore, #tpu.memory_space<semaphore_mem>>)
      %mul3A_358 = arith.constant 192 : i32
      %mul3A_359 = arith.muli %min3A_351, %mul3A_358 : i32
      %dma_start3A_360 = tpu.memref_slice %arg4[%add3A_132, %arg0, %mul3A_359] : memref<32x2x25600xi32, #tpu.memory_space<hbm>> -> memref<1x1x192xi32, #tpu.memory_space<hbm>>
      %dma_start3A_361 = tpu.memref_squeeze %dma_start3A_360 : memref<1x1x192xi32, #tpu.memory_space<hbm>> -> memref<192xi32, #tpu.memory_space<hbm>>
      %dma_start3A_362 = tpu.memref_slice %arg4[%add3A_132, %arg0, %mul3A_359] : memref<32x2x25600xi32, #tpu.memory_space<hbm>> -> memref<1x1x192xi32, #tpu.memory_space<hbm>>
      %dma_start3A_363 = tpu.memref_squeeze %dma_start3A_362 : memref<1x1x192xi32, #tpu.memory_space<hbm>> -> memref<192xi32, #tpu.memory_space<hbm>>
      tpu.enqueue_dma source(%dma_start3A_363 : memref<192xi32, #tpu.memory_space<hbm>>) target(%arg14 : memref<192xi32, #tpu.memory_space<vmem>>) target_semaphore(%arg19 : memref<!tpu.dma_semaphore, #tpu.memory_space<semaphore_mem>>)
      %while3A_364 = arith.constant 0 : i32
      scf.yield %while3A_364 : i32
    }
    %dma_wait3A_260 = arith.constant 0 : i32
    %dma_wait3A_261 = arith.constant 0 : i32
    %dma_wait3A_262 = tpu.memref_slice %arg2[%dma_wait3A_260, %dma_wait3A_261] : memref<250880x64xf32, #tpu.memory_space<hbm>> -> memref<250880x64xf32, #tpu.memory_space<hbm>>
    tpu.wait_indirect_dma semaphore(%arg16 : memref<!tpu.dma_semaphore, #tpu.memory_space<semaphore_mem>>) src(%dma_wait3A_262 : memref<250880x64xf32, #tpu.memory_space<hbm>>) dst(%arg9 : memref<192x64xf32, #tpu.memory_space<vmem>>)
    %dma_wait3A_263 = arith.constant 0 : i32
    %dma_wait3A_264 = tpu.memref_slice %arg3[%add3A_132, %arg0, %dma_wait3A_263] : memref<32x2x25600xi32, #tpu.memory_space<hbm>> -> memref<1x1x192xi32, #tpu.memory_space<hbm>>
    %dma_wait3A_265 = tpu.memref_squeeze %dma_wait3A_264 : memref<1x1x192xi32, #tpu.memory_space<hbm>> -> memref<192xi32, #tpu.memory_space<hbm>>
    %dma_wait3A_266 = arith.constant 0 : i32
    %dma_wait3A_267 = tpu.memref_slice %arg3[%add3A_132, %arg0, %dma_wait3A_266] : memref<32x2x25600xi32, #tpu.memory_space<hbm>> -> memref<1x1x192xi32, #tpu.memory_space<hbm>>
    %dma_wait3A_268 = tpu.memref_squeeze %dma_wait3A_267 : memref<1x1x192xi32, #tpu.memory_space<hbm>> -> memref<192xi32, #tpu.memory_space<hbm>>
    tpu.wait_dma2 semaphore(%arg19 : memref<!tpu.dma_semaphore, #tpu.memory_space<semaphore_mem>>) src(%dma_wait3A_268 : memref<192xi32, #tpu.memory_space<hbm>>) dst(%arg12 : memref<192xi32, #tpu.memory_space<vmem>>)
    %dma_wait3A_269 = arith.constant 0 : i32
    %dma_wait3A_270 = tpu.memref_slice %arg4[%add3A_132, %arg0, %dma_wait3A_269] : memref<32x2x25600xi32, #tpu.memory_space<hbm>> -> memref<1x1x192xi32, #tpu.memory_space<hbm>>
    %dma_wait3A_271 = tpu.memref_squeeze %dma_wait3A_270 : memref<1x1x192xi32, #tpu.memory_space<hbm>> -> memref<192xi32, #tpu.memory_space<hbm>>
    %dma_wait3A_272 = arith.constant 0 : i32
    %dma_wait3A_273 = tpu.memref_slice %arg4[%add3A_132, %arg0, %dma_wait3A_272] : memref<32x2x25600xi32, #tpu.memory_space<hbm>> -> memref<1x1x192xi32, #tpu.memory_space<hbm>>
    %dma_wait3A_274 = tpu.memref_squeeze %dma_wait3A_273 : memref<1x1x192xi32, #tpu.memory_space<hbm>> -> memref<192xi32, #tpu.memory_space<hbm>>
    tpu.wait_dma2 semaphore(%arg19 : memref<!tpu.dma_semaphore, #tpu.memory_space<semaphore_mem>>) src(%dma_wait3A_274 : memref<192xi32, #tpu.memory_space<hbm>>) dst(%arg14 : memref<192xi32, #tpu.memory_space<vmem>>)
    %barrier3A_275 = arith.constant 0 : index
    tpu.barrier barrier_id(%barrier3A_275)
    %mul3A_276 = arith.constant 1568 : i32
    %mul3A_277 = arith.muli %arg1, %mul3A_276 : i32
    %mul3A_278 = arith.constant 25088 : i32
    %mul3A_279 = arith.muli %arg0, %mul3A_278 : i32
    %mul3A_280 = arith.constant 1568 : i32
    %mul3A_281 = arith.muli %arg1, %mul3A_280 : i32
    %add3A_282 = arith.addi %mul3A_279, %mul3A_281 : i32
    "tpu.region"() ({
      %run_scoped3A = tpu.sem_alloc : memref<!tpu.dma_semaphore, #tpu.memory_space<semaphore_mem>>
      %dma_start3A_283 = arith.constant 0 : i32
      %dma_start3A_284 = tpu.memref_slice %arg7[%add3A_282, %dma_start3A_283] : memref<50176x64xf32, #tpu.memory_space<hbm>> -> memref<1568x64xf32, #tpu.memory_space<hbm>>
      %dma_start3A_285 = arith.constant 0 : i32
      %dma_start3A_286 = tpu.memref_slice %arg8[%mul3A_277, %dma_start3A_285] : memref<26112x64xf32, #tpu.memory_space<vmem_shared>> -> memref<1568x64xf32, #tpu.memory_space<vmem_shared>>
      tpu.enqueue_dma source(%dma_start3A_286 : memref<1568x64xf32, #tpu.memory_space<vmem_shared>>) target(%dma_start3A_284 : memref<1568x64xf32, #tpu.memory_space<hbm>>) target_semaphore(%run_scoped3A : memref<!tpu.dma_semaphore, #tpu.memory_space<semaphore_mem>>)
      %dma_wait3A_287 = arith.constant 0 : i32
      %dma_wait3A_288 = tpu.memref_slice %arg7[%add3A_282, %dma_wait3A_287] : memref<50176x64xf32, #tpu.memory_space<hbm>> -> memref<1568x64xf32, #tpu.memory_space<hbm>>
      %dma_wait3A_289 = arith.constant 0 : i32
      %dma_wait3A_290 = tpu.memref_slice %arg8[%mul3A_277, %dma_wait3A_289] : memref<26112x64xf32, #tpu.memory_space<vmem_shared>> -> memref<1568x64xf32, #tpu.memory_space<vmem_shared>>
      tpu.wait_dma2 semaphore(%run_scoped3A : memref<!tpu.dma_semaphore, #tpu.memory_space<semaphore_mem>>) src(%dma_wait3A_290 : memref<1568x64xf32, #tpu.memory_space<vmem_shared>>) dst(%dma_wait3A_288 : memref<1568x64xf32, #tpu.memory_space<hbm>>)
      tpu.yield
    }) : () -> ()
    return
  }
}

#map = affine_map<(d0, d1) -> (0)>
#map1 = affine_map<(d0, d1) -> (0, 0, 0)>
#map2 = affine_map<(d0, d1) -> (0, 0)>
module attributes {stable_mosaic.version = 14 : i64} {
  func.func @_partition(%arg0: i32, %arg1: i32, %arg2: memref<800088xi32, #tpu.memory_space<hbm>>, %arg3: memref<800088xi32, #tpu.memory_space<hbm>>, %arg4: memref<800088xi32, #tpu.memory_space<hbm>>, %arg5: memref<32x2x25600xi32, #tpu.memory_space<hbm>>, %arg6: memref<32x2x25600xi32, #tpu.memory_space<hbm>>, %arg7: memref<32x16xi32, #tpu.memory_space<hbm>>, %arg8: memref<512xi32, #tpu.memory_space<vmem>>, %arg9: memref<512xi32, #tpu.memory_space<vmem>>, %arg10: memref<512xi32, #tpu.memory_space<vmem>>, %arg11: memref<25600xi32, #tpu.memory_space<vmem>>, %arg12: memref<25600xi32, #tpu.memory_space<vmem>>, %arg13: memref<25600xi32, #tpu.memory_space<vmem>>, %arg14: memref<25600xi32, #tpu.memory_space<vmem>>, %arg15: memref<16xi32, #tpu.memory_space<vmem>>) attributes {dimension_semantics = [#tpu.dimension_semantics<core_parallel>, #tpu.dimension_semantics<subcore_parallel>], iteration_bounds = array<i64: 2, 16>, scalar_prefetch = 0 : i64, scratch_operands = 8 : i64, tpu.core_type = #tpu.core_type<sc_vector_subcore>, window_params = [{transform_indices = #map}, {transform_indices = #map}, {transform_indices = #map}, {transform_indices = #map1}, {transform_indices = #map1}, {transform_indices = #map2}]} {
    %mul3A = arith.constant 2 : i32
    %mul3A_0 = arith.muli %arg1, %mul3A : i32
    %add3A = arith.addi %mul3A_0, %arg0 : i32
    %mul3A_1 = arith.constant 25000 : i32
    %mul3A_2 = arith.muli %add3A, %mul3A_1 : i32
    %iota3A = tpu.iota {dimensions = array<i32: 0>} : vector<16xi32>
    %scan3A = arith.constant 0 : i32
    %scan3A_3 = arith.constant 0 : i32
    %scan3A_4 = arith.constant 0 : i32
    %scan3A_5 = arith.constant 49 : i32
    %scan3A_6 = arith.addi %scan3A_4, %scan3A_5 : i32
    %scan3A_7 = arith.constant 1 : i32
    %scan3A_8:2 = scf.for %scan3A_218 = %scan3A_4 to %scan3A_6 step %scan3A_7 iter_args(%scan3A_219 = %scan3A, %scan3A_220 = %scan3A_3) -> (i32, i32)  : i32 {
      %mul3A_221 = arith.constant 512 : i32
      %mul3A_222 = arith.muli %scan3A_218, %mul3A_221 : i32
      %add3A_223 = arith.addi %mul3A_2, %mul3A_222 : i32
      "tpu.region"() ({
        %run_scoped3A_240 = tpu.sem_alloc : memref<!tpu.dma_semaphore, #tpu.memory_space<semaphore_mem>>
        %dma_start3A = tpu.memref_slice %arg2[%add3A_223] : memref<800088xi32, #tpu.memory_space<hbm>> -> memref<512xi32, #tpu.memory_space<hbm>>
        %dma_start3A_241 = tpu.memref_slice %arg2[%add3A_223] : memref<800088xi32, #tpu.memory_space<hbm>> -> memref<512xi32, #tpu.memory_space<hbm>>
        tpu.enqueue_dma source(%dma_start3A_241 : memref<512xi32, #tpu.memory_space<hbm>>) target(%arg8 : memref<512xi32, #tpu.memory_space<vmem>>) target_semaphore(%run_scoped3A_240 : memref<!tpu.dma_semaphore, #tpu.memory_space<semaphore_mem>>)
        %dma_wait3A = tpu.memref_slice %arg2[%add3A_223] : memref<800088xi32, #tpu.memory_space<hbm>> -> memref<512xi32, #tpu.memory_space<hbm>>
        %dma_wait3A_242 = tpu.memref_slice %arg2[%add3A_223] : memref<800088xi32, #tpu.memory_space<hbm>> -> memref<512xi32, #tpu.memory_space<hbm>>
        tpu.wait_dma2 semaphore(%run_scoped3A_240 : memref<!tpu.dma_semaphore, #tpu.memory_space<semaphore_mem>>) src(%dma_wait3A_242 : memref<512xi32, #tpu.memory_space<hbm>>) dst(%arg8 : memref<512xi32, #tpu.memory_space<vmem>>)
        tpu.yield
      }) : () -> ()
      "tpu.region"() ({
        %run_scoped3A_240 = tpu.sem_alloc : memref<!tpu.dma_semaphore, #tpu.memory_space<semaphore_mem>>
        %dma_start3A = tpu.memref_slice %arg3[%add3A_223] : memref<800088xi32, #tpu.memory_space<hbm>> -> memref<512xi32, #tpu.memory_space<hbm>>
        %dma_start3A_241 = tpu.memref_slice %arg3[%add3A_223] : memref<800088xi32, #tpu.memory_space<hbm>> -> memref<512xi32, #tpu.memory_space<hbm>>
        tpu.enqueue_dma source(%dma_start3A_241 : memref<512xi32, #tpu.memory_space<hbm>>) target(%arg9 : memref<512xi32, #tpu.memory_space<vmem>>) target_semaphore(%run_scoped3A_240 : memref<!tpu.dma_semaphore, #tpu.memory_space<semaphore_mem>>)
        %dma_wait3A = tpu.memref_slice %arg3[%add3A_223] : memref<800088xi32, #tpu.memory_space<hbm>> -> memref<512xi32, #tpu.memory_space<hbm>>
        %dma_wait3A_242 = tpu.memref_slice %arg3[%add3A_223] : memref<800088xi32, #tpu.memory_space<hbm>> -> memref<512xi32, #tpu.memory_space<hbm>>
        tpu.wait_dma2 semaphore(%run_scoped3A_240 : memref<!tpu.dma_semaphore, #tpu.memory_space<semaphore_mem>>) src(%dma_wait3A_242 : memref<512xi32, #tpu.memory_space<hbm>>) dst(%arg9 : memref<512xi32, #tpu.memory_space<vmem>>)
        tpu.yield
      }) : () -> ()
      "tpu.region"() ({
        %run_scoped3A_240 = tpu.sem_alloc : memref<!tpu.dma_semaphore, #tpu.memory_space<semaphore_mem>>
        %dma_start3A = tpu.memref_slice %arg4[%add3A_223] : memref<800088xi32, #tpu.memory_space<hbm>> -> memref<512xi32, #tpu.memory_space<hbm>>
        %dma_start3A_241 = tpu.memref_slice %arg4[%add3A_223] : memref<800088xi32, #tpu.memory_space<hbm>> -> memref<512xi32, #tpu.memory_space<hbm>>
        tpu.enqueue_dma source(%dma_start3A_241 : memref<512xi32, #tpu.memory_space<hbm>>) target(%arg10 : memref<512xi32, #tpu.memory_space<vmem>>) target_semaphore(%run_scoped3A_240 : memref<!tpu.dma_semaphore, #tpu.memory_space<semaphore_mem>>)
        %dma_wait3A = tpu.memref_slice %arg4[%add3A_223] : memref<800088xi32, #tpu.memory_space<hbm>> -> memref<512xi32, #tpu.memory_space<hbm>>
        %dma_wait3A_242 = tpu.memref_slice %arg4[%add3A_223] : memref<800088xi32, #tpu.memory_space<hbm>> -> memref<512xi32, #tpu.memory_space<hbm>>
        tpu.wait_dma2 semaphore(%run_scoped3A_240 : memref<!tpu.dma_semaphore, #tpu.memory_space<semaphore_mem>>) src(%dma_wait3A_242 : memref<512xi32, #tpu.memory_space<hbm>>) dst(%arg10 : memref<512xi32, #tpu.memory_space<vmem>>)
        tpu.yield
      }) : () -> ()
      %broadcast_in_dim3A_224 = arith.constant 50176 : i32
      %broadcast_in_dim3A_225 = vector.broadcast %broadcast_in_dim3A_224 : i32 to vector<16xi32>
      %broadcast_in_dim3A_226 = arith.constant 25088 : i32
      %broadcast_in_dim3A_227 = vector.broadcast %broadcast_in_dim3A_226 : i32 to vector<16xi32>
      %broadcast_in_dim3A_228 = arith.constant 25000 : i32
      %broadcast_in_dim3A_229 = vector.broadcast %broadcast_in_dim3A_228 : i32 to vector<16xi32>
      %broadcast_in_dim3A_230 = arith.constant 1 : i32
      %broadcast_in_dim3A_231 = vector.broadcast %broadcast_in_dim3A_230 : i32 to vector<16xi32>
      %broadcast_in_dim3A_232 = arith.constant 0 : i32
      %broadcast_in_dim3A_233 = vector.broadcast %broadcast_in_dim3A_232 : i32 to vector<16xi32>
      %scan3A_234 = arith.constant 0 : i32
      %scan3A_235 = arith.constant 32 : i32
      %scan3A_236 = arith.addi %scan3A_234, %scan3A_235 : i32
      %scan3A_237 = arith.constant 1 : i32
      %scan3A_238:2 = scf.for %scan3A_240 = %scan3A_234 to %scan3A_236 step %scan3A_237 iter_args(%scan3A_241 = %scan3A_219, %scan3A_242 = %scan3A_220) -> (i32, i32)  : i32 {
        %mul3A_243 = arith.constant 16 : i32
        %mul3A_244 = arith.muli %scan3A_240, %mul3A_243 : i32
        %get3A = arith.index_cast %mul3A_244 : i32 to index
        %get3A_245 = tpu.vector_load %arg8[%get3A] {strides = array<i32>} : memref<512xi32, #tpu.memory_space<vmem>>, vector<16xi32>,
        %mul3A_246 = arith.constant 16 : i32
        %mul3A_247 = arith.muli %scan3A_240, %mul3A_246 : i32
        %get3A_248 = arith.index_cast %mul3A_247 : i32 to index
        %get3A_249 = tpu.vector_load %arg9[%get3A_248] {strides = array<i32>} : memref<512xi32, #tpu.memory_space<vmem>>, vector<16xi32>,
        %mul3A_250 = arith.constant 16 : i32
        %mul3A_251 = arith.muli %scan3A_240, %mul3A_250 : i32
        %get3A_252 = arith.index_cast %mul3A_251 : i32 to index
        %get3A_253 = tpu.vector_load %arg10[%get3A_252] {strides = array<i32>} : memref<512xi32, #tpu.memory_space<vmem>>, vector<16xi32>,
        %mul3A_254 = arith.muli %get3A_253, %broadcast_in_dim3A_225 : vector<16xi32>
        %add3A_255 = arith.addi %mul3A_254, %get3A_245 : vector<16xi32>
        %mul3A_256 = arith.constant 512 : i32
        %mul3A_257 = arith.muli %scan3A_218, %mul3A_256 : i32
        %mul3A_258 = arith.constant 16 : i32
        %mul3A_259 = arith.muli %scan3A_240, %mul3A_258 : i32
        %add3A_260 = arith.addi %mul3A_257, %mul3A_259 : i32
        %broadcast_in_dim3A_261 = vector.broadcast %add3A_260 : i32 to vector<16xi32>
        %add3A_262 = arith.addi %broadcast_in_dim3A_261, %iota3A : vector<16xi32>
        %lt3A = arith.cmpi slt, %add3A_262, %broadcast_in_dim3A_229 : vector<16xi32>
        %lt3A_263 = arith.cmpi slt, %get3A_249, %broadcast_in_dim3A_227 : vector<16xi32>
        %and3A = arith.andi %lt3A, %lt3A_263 : vector<16xi1>
        %ge3A = arith.cmpi sge, %get3A_249, %broadcast_in_dim3A_227 : vector<16xi32>
        %and3A_264 = arith.andi %lt3A, %ge3A : vector<16xi1>
        %select_n3A_265 = arith.select %and3A, %broadcast_in_dim3A_231, %broadcast_in_dim3A_233 : vector<16xi1>, vector<16xi32>
        %select_n3A_266 = arith.select %and3A_264, %broadcast_in_dim3A_231, %broadcast_in_dim3A_233 : vector<16xi1>, vector<16xi32>
        %broadcast_in_dim3A_267 = arith.constant true
        %broadcast_in_dim3A_268 = vector.broadcast %broadcast_in_dim3A_267 : i1 to vector<16xi1>
        %masked_cumsum3A = tpu.scan <sum>, %select_n3A_265 masked %broadcast_in_dim3A_268 : vector<16xi32>, vector<16xi1> -> vector<16xi32>
        %broadcast_in_dim3A_269 = arith.constant true
        %broadcast_in_dim3A_270 = vector.broadcast %broadcast_in_dim3A_269 : i1 to vector<16xi1>
        %masked_cumsum3A_271 = tpu.scan <sum>, %select_n3A_266 masked %broadcast_in_dim3A_270 : vector<16xi32>, vector<16xi1> -> vector<16xi32>
        %broadcast_in_dim3A_272 = vector.broadcast %scan3A_241 : i32 to vector<16xi32>
        %add3A_273 = arith.addi %broadcast_in_dim3A_272, %masked_cumsum3A : vector<16xi32>
        %sub3A = arith.subi %add3A_273, %select_n3A_265 : vector<16xi32>
        %broadcast_in_dim3A_274 = vector.broadcast %scan3A_242 : i32 to vector<16xi32>
        %add3A_275 = arith.addi %broadcast_in_dim3A_274, %masked_cumsum3A_271 : vector<16xi32>
        %sub3A_276 = arith.subi %add3A_275, %select_n3A_266 : vector<16xi32>
        tpu.vector_store_idx %arg11[%sub3A], %add3A_255 masked %and3A : memref<25600xi32, #tpu.memory_space<vmem>>[vector<16xi32>], vector<16xi32>, vector<16xi1>
        tpu.vector_store_idx %arg12[%sub3A], %get3A_249 masked %and3A : memref<25600xi32, #tpu.memory_space<vmem>>[vector<16xi32>], vector<16xi32>, vector<16xi1>
        tpu.vector_store_idx %arg13[%sub3A_276], %add3A_255 masked %and3A_264 : memref<25600xi32, #tpu.memory_space<vmem>>[vector<16xi32>], vector<16xi32>, vector<16xi1>
        %sub3A_277 = arith.subi %get3A_249, %broadcast_in_dim3A_227 : vector<16xi32>
        tpu.vector_store_idx %arg14[%sub3A_276], %sub3A_277 masked %and3A_264 : memref<25600xi32, #tpu.memory_space<vmem>>[vector<16xi32>], vector<16xi32>, vector<16xi1>
        %slice3A = vector.extract_strided_slice %masked_cumsum3A {offsets = [15], sizes = [1], strides = [1]} : vector<16xi32> to vector<1xi32>
        %squeeze3A = vector.extract %slice3A[0] : i32 from vector<1xi32>
        %add3A_278 = arith.addi %scan3A_241, %squeeze3A : i32
        %slice3A_279 = vector.extract_strided_slice %masked_cumsum3A_271 {offsets = [15], sizes = [1], strides = [1]} : vector<16xi32> to vector<1xi32>
        %squeeze3A_280 = vector.extract %slice3A_279[0] : i32 from vector<1xi32>
        %add3A_281 = arith.addi %scan3A_242, %squeeze3A_280 : i32
        scf.yield %add3A_278, %add3A_281 : i32, i32
      }
      %scan3A_239 = arith.constant 32 : i32
      scf.yield %scan3A_238#0, %scan3A_238#1 : i32, i32
    }
    %scan3A_9 = arith.constant 49 : i32
    %broadcast_in_dim3A = arith.constant 0 : i32
    %broadcast_in_dim3A_10 = vector.broadcast %broadcast_in_dim3A : i32 to vector<16xi32>
    %broadcast_in_dim3A_11 = arith.constant 25088 : i32
    %broadcast_in_dim3A_12 = vector.broadcast %broadcast_in_dim3A_11 : i32 to vector<16xi32>
    %add3A_13 = arith.constant 0 : i32
    %add3A_14 = arith.addi %scan3A_8#0, %add3A_13 : i32
    %swap3A = arith.index_cast %add3A_14 : i32 to index
    %swap3A_15 = tpu.vector_load %arg11[%swap3A] {strides = array<i32>} : memref<25600xi32, #tpu.memory_space<vmem>>, vector<16xi32>,
    tpu.vector_store %arg11[%swap3A], %broadcast_in_dim3A_10 {strides = array<i32>} : memref<25600xi32, #tpu.memory_space<vmem>>, vector<16xi32>,
    %add3A_16 = arith.constant 0 : i32
    %add3A_17 = arith.addi %scan3A_8#0, %add3A_16 : i32
    %swap3A_18 = arith.index_cast %add3A_17 : i32 to index
    %swap3A_19 = tpu.vector_load %arg12[%swap3A_18] {strides = array<i32>} : memref<25600xi32, #tpu.memory_space<vmem>>, vector<16xi32>,
    tpu.vector_store %arg12[%swap3A_18], %broadcast_in_dim3A_12 {strides = array<i32>} : memref<25600xi32, #tpu.memory_space<vmem>>, vector<16xi32>,
    %add3A_20 = arith.constant 0 : i32
    %add3A_21 = arith.addi %scan3A_8#1, %add3A_20 : i32
    %swap3A_22 = arith.index_cast %add3A_21 : i32 to index
    %swap3A_23 = tpu.vector_load %arg13[%swap3A_22] {strides = array<i32>} : memref<25600xi32, #tpu.memory_space<vmem>>, vector<16xi32>,
    tpu.vector_store %arg13[%swap3A_22], %broadcast_in_dim3A_10 {strides = array<i32>} : memref<25600xi32, #tpu.memory_space<vmem>>, vector<16xi32>,
    %add3A_24 = arith.constant 0 : i32
    %add3A_25 = arith.addi %scan3A_8#1, %add3A_24 : i32
    %swap3A_26 = arith.index_cast %add3A_25 : i32 to index
    %swap3A_27 = tpu.vector_load %arg14[%swap3A_26] {strides = array<i32>} : memref<25600xi32, #tpu.memory_space<vmem>>, vector<16xi32>,
    tpu.vector_store %arg14[%swap3A_26], %broadcast_in_dim3A_12 {strides = array<i32>} : memref<25600xi32, #tpu.memory_space<vmem>>, vector<16xi32>,
    %add3A_28 = arith.constant 16 : i32
    %add3A_29 = arith.addi %scan3A_8#0, %add3A_28 : i32
    %swap3A_30 = arith.index_cast %add3A_29 : i32 to index
    %swap3A_31 = tpu.vector_load %arg11[%swap3A_30] {strides = array<i32>} : memref<25600xi32, #tpu.memory_space<vmem>>, vector<16xi32>,
    tpu.vector_store %arg11[%swap3A_30], %broadcast_in_dim3A_10 {strides = array<i32>} : memref<25600xi32, #tpu.memory_space<vmem>>, vector<16xi32>,
    %add3A_32 = arith.constant 16 : i32
    %add3A_33 = arith.addi %scan3A_8#0, %add3A_32 : i32
    %swap3A_34 = arith.index_cast %add3A_33 : i32 to index
    %swap3A_35 = tpu.vector_load %arg12[%swap3A_34] {strides = array<i32>} : memref<25600xi32, #tpu.memory_space<vmem>>, vector<16xi32>,
    tpu.vector_store %arg12[%swap3A_34], %broadcast_in_dim3A_12 {strides = array<i32>} : memref<25600xi32, #tpu.memory_space<vmem>>, vector<16xi32>,
    %add3A_36 = arith.constant 16 : i32
    %add3A_37 = arith.addi %scan3A_8#1, %add3A_36 : i32
    %swap3A_38 = arith.index_cast %add3A_37 : i32 to index
    %swap3A_39 = tpu.vector_load %arg13[%swap3A_38] {strides = array<i32>} : memref<25600xi32, #tpu.memory_space<vmem>>, vector<16xi32>,
    tpu.vector_store %arg13[%swap3A_38], %broadcast_in_dim3A_10 {strides = array<i32>} : memref<25600xi32, #tpu.memory_space<vmem>>, vector<16xi32>,
    %add3A_40 = arith.constant 16 : i32
    %add3A_41 = arith.addi %scan3A_8#1, %add3A_40 : i32
    %swap3A_42 = arith.index_cast %add3A_41 : i32 to index
    %swap3A_43 = tpu.vector_load %arg14[%swap3A_42] {strides = array<i32>} : memref<25600xi32, #tpu.memory_space<vmem>>, vector<16xi32>,
    tpu.vector_store %arg14[%swap3A_42], %broadcast_in_dim3A_12 {strides = array<i32>} : memref<25600xi32, #tpu.memory_space<vmem>>, vector<16xi32>,
    %add3A_44 = arith.constant 32 : i32
    %add3A_45 = arith.addi %scan3A_8#0, %add3A_44 : i32
    %swap3A_46 = arith.index_cast %add3A_45 : i32 to index
    %swap3A_47 = tpu.vector_load %arg11[%swap3A_46] {strides = array<i32>} : memref<25600xi32, #tpu.memory_space<vmem>>, vector<16xi32>,
    tpu.vector_store %arg11[%swap3A_46], %broadcast_in_dim3A_10 {strides = array<i32>} : memref<25600xi32, #tpu.memory_space<vmem>>, vector<16xi32>,
    %add3A_48 = arith.constant 32 : i32
    %add3A_49 = arith.addi %scan3A_8#0, %add3A_48 : i32
    %swap3A_50 = arith.index_cast %add3A_49 : i32 to index
    %swap3A_51 = tpu.vector_load %arg12[%swap3A_50] {strides = array<i32>} : memref<25600xi32, #tpu.memory_space<vmem>>, vector<16xi32>,
    tpu.vector_store %arg12[%swap3A_50], %broadcast_in_dim3A_12 {strides = array<i32>} : memref<25600xi32, #tpu.memory_space<vmem>>, vector<16xi32>,
    %add3A_52 = arith.constant 32 : i32
    %add3A_53 = arith.addi %scan3A_8#1, %add3A_52 : i32
    %swap3A_54 = arith.index_cast %add3A_53 : i32 to index
    %swap3A_55 = tpu.vector_load %arg13[%swap3A_54] {strides = array<i32>} : memref<25600xi32, #tpu.memory_space<vmem>>, vector<16xi32>,
    tpu.vector_store %arg13[%swap3A_54], %broadcast_in_dim3A_10 {strides = array<i32>} : memref<25600xi32, #tpu.memory_space<vmem>>, vector<16xi32>,
    %add3A_56 = arith.constant 32 : i32
    %add3A_57 = arith.addi %scan3A_8#1, %add3A_56 : i32
    %swap3A_58 = arith.index_cast %add3A_57 : i32 to index
    %swap3A_59 = tpu.vector_load %arg14[%swap3A_58] {strides = array<i32>} : memref<25600xi32, #tpu.memory_space<vmem>>, vector<16xi32>,
    tpu.vector_store %arg14[%swap3A_58], %broadcast_in_dim3A_12 {strides = array<i32>} : memref<25600xi32, #tpu.memory_space<vmem>>, vector<16xi32>,
    %add3A_60 = arith.constant 48 : i32
    %add3A_61 = arith.addi %scan3A_8#0, %add3A_60 : i32
    %swap3A_62 = arith.index_cast %add3A_61 : i32 to index
    %swap3A_63 = tpu.vector_load %arg11[%swap3A_62] {strides = array<i32>} : memref<25600xi32, #tpu.memory_space<vmem>>, vector<16xi32>,
    tpu.vector_store %arg11[%swap3A_62], %broadcast_in_dim3A_10 {strides = array<i32>} : memref<25600xi32, #tpu.memory_space<vmem>>, vector<16xi32>,
    %add3A_64 = arith.constant 48 : i32
    %add3A_65 = arith.addi %scan3A_8#0, %add3A_64 : i32
    %swap3A_66 = arith.index_cast %add3A_65 : i32 to index
    %swap3A_67 = tpu.vector_load %arg12[%swap3A_66] {strides = array<i32>} : memref<25600xi32, #tpu.memory_space<vmem>>, vector<16xi32>,
    tpu.vector_store %arg12[%swap3A_66], %broadcast_in_dim3A_12 {strides = array<i32>} : memref<25600xi32, #tpu.memory_space<vmem>>, vector<16xi32>,
    %add3A_68 = arith.constant 48 : i32
    %add3A_69 = arith.addi %scan3A_8#1, %add3A_68 : i32
    %swap3A_70 = arith.index_cast %add3A_69 : i32 to index
    %swap3A_71 = tpu.vector_load %arg13[%swap3A_70] {strides = array<i32>} : memref<25600xi32, #tpu.memory_space<vmem>>, vector<16xi32>,
    tpu.vector_store %arg13[%swap3A_70], %broadcast_in_dim3A_10 {strides = array<i32>} : memref<25600xi32, #tpu.memory_space<vmem>>, vector<16xi32>,
    %add3A_72 = arith.constant 48 : i32
    %add3A_73 = arith.addi %scan3A_8#1, %add3A_72 : i32
    %swap3A_74 = arith.index_cast %add3A_73 : i32 to index
    %swap3A_75 = tpu.vector_load %arg14[%swap3A_74] {strides = array<i32>} : memref<25600xi32, #tpu.memory_space<vmem>>, vector<16xi32>,
    tpu.vector_store %arg14[%swap3A_74], %broadcast_in_dim3A_12 {strides = array<i32>} : memref<25600xi32, #tpu.memory_space<vmem>>, vector<16xi32>,
    %add3A_76 = arith.constant 64 : i32
    %add3A_77 = arith.addi %scan3A_8#0, %add3A_76 : i32
    %swap3A_78 = arith.index_cast %add3A_77 : i32 to index
    %swap3A_79 = tpu.vector_load %arg11[%swap3A_78] {strides = array<i32>} : memref<25600xi32, #tpu.memory_space<vmem>>, vector<16xi32>,
    tpu.vector_store %arg11[%swap3A_78], %broadcast_in_dim3A_10 {strides = array<i32>} : memref<25600xi32, #tpu.memory_space<vmem>>, vector<16xi32>,
    %add3A_80 = arith.constant 64 : i32
    %add3A_81 = arith.addi %scan3A_8#0, %add3A_80 : i32
    %swap3A_82 = arith.index_cast %add3A_81 : i32 to index
    %swap3A_83 = tpu.vector_load %arg12[%swap3A_82] {strides = array<i32>} : memref<25600xi32, #tpu.memory_space<vmem>>, vector<16xi32>,
    tpu.vector_store %arg12[%swap3A_82], %broadcast_in_dim3A_12 {strides = array<i32>} : memref<25600xi32, #tpu.memory_space<vmem>>, vector<16xi32>,
    %add3A_84 = arith.constant 64 : i32
    %add3A_85 = arith.addi %scan3A_8#1, %add3A_84 : i32
    %swap3A_86 = arith.index_cast %add3A_85 : i32 to index
    %swap3A_87 = tpu.vector_load %arg13[%swap3A_86] {strides = array<i32>} : memref<25600xi32, #tpu.memory_space<vmem>>, vector<16xi32>,
    tpu.vector_store %arg13[%swap3A_86], %broadcast_in_dim3A_10 {strides = array<i32>} : memref<25600xi32, #tpu.memory_space<vmem>>, vector<16xi32>,
    %add3A_88 = arith.constant 64 : i32
    %add3A_89 = arith.addi %scan3A_8#1, %add3A_88 : i32
    %swap3A_90 = arith.index_cast %add3A_89 : i32 to index
    %swap3A_91 = tpu.vector_load %arg14[%swap3A_90] {strides = array<i32>} : memref<25600xi32, #tpu.memory_space<vmem>>, vector<16xi32>,
    tpu.vector_store %arg14[%swap3A_90], %broadcast_in_dim3A_12 {strides = array<i32>} : memref<25600xi32, #tpu.memory_space<vmem>>, vector<16xi32>,
    %add3A_92 = arith.constant 80 : i32
    %add3A_93 = arith.addi %scan3A_8#0, %add3A_92 : i32
    %swap3A_94 = arith.index_cast %add3A_93 : i32 to index
    %swap3A_95 = tpu.vector_load %arg11[%swap3A_94] {strides = array<i32>} : memref<25600xi32, #tpu.memory_space<vmem>>, vector<16xi32>,
    tpu.vector_store %arg11[%swap3A_94], %broadcast_in_dim3A_10 {strides = array<i32>} : memref<25600xi32, #tpu.memory_space<vmem>>, vector<16xi32>,
    %add3A_96 = arith.constant 80 : i32
    %add3A_97 = arith.addi %scan3A_8#0, %add3A_96 : i32
    %swap3A_98 = arith.index_cast %add3A_97 : i32 to index
    %swap3A_99 = tpu.vector_load %arg12[%swap3A_98] {strides = array<i32>} : memref<25600xi32, #tpu.memory_space<vmem>>, vector<16xi32>,
    tpu.vector_store %arg12[%swap3A_98], %broadcast_in_dim3A_12 {strides = array<i32>} : memref<25600xi32, #tpu.memory_space<vmem>>, vector<16xi32>,
    %add3A_100 = arith.constant 80 : i32
    %add3A_101 = arith.addi %scan3A_8#1, %add3A_100 : i32
    %swap3A_102 = arith.index_cast %add3A_101 : i32 to index
    %swap3A_103 = tpu.vector_load %arg13[%swap3A_102] {strides = array<i32>} : memref<25600xi32, #tpu.memory_space<vmem>>, vector<16xi32>,
    tpu.vector_store %arg13[%swap3A_102], %broadcast_in_dim3A_10 {strides = array<i32>} : memref<25600xi32, #tpu.memory_space<vmem>>, vector<16xi32>,
    %add3A_104 = arith.constant 80 : i32
    %add3A_105 = arith.addi %scan3A_8#1, %add3A_104 : i32
    %swap3A_106 = arith.index_cast %add3A_105 : i32 to index
    %swap3A_107 = tpu.vector_load %arg14[%swap3A_106] {strides = array<i32>} : memref<25600xi32, #tpu.memory_space<vmem>>, vector<16xi32>,
    tpu.vector_store %arg14[%swap3A_106], %broadcast_in_dim3A_12 {strides = array<i32>} : memref<25600xi32, #tpu.memory_space<vmem>>, vector<16xi32>,
    %add3A_108 = arith.constant 96 : i32
    %add3A_109 = arith.addi %scan3A_8#0, %add3A_108 : i32
    %swap3A_110 = arith.index_cast %add3A_109 : i32 to index
    %swap3A_111 = tpu.vector_load %arg11[%swap3A_110] {strides = array<i32>} : memref<25600xi32, #tpu.memory_space<vmem>>, vector<16xi32>,
    tpu.vector_store %arg11[%swap3A_110], %broadcast_in_dim3A_10 {strides = array<i32>} : memref<25600xi32, #tpu.memory_space<vmem>>, vector<16xi32>,
    %add3A_112 = arith.constant 96 : i32
    %add3A_113 = arith.addi %scan3A_8#0, %add3A_112 : i32
    %swap3A_114 = arith.index_cast %add3A_113 : i32 to index
    %swap3A_115 = tpu.vector_load %arg12[%swap3A_114] {strides = array<i32>} : memref<25600xi32, #tpu.memory_space<vmem>>, vector<16xi32>,
    tpu.vector_store %arg12[%swap3A_114], %broadcast_in_dim3A_12 {strides = array<i32>} : memref<25600xi32, #tpu.memory_space<vmem>>, vector<16xi32>,
    %add3A_116 = arith.constant 96 : i32
    %add3A_117 = arith.addi %scan3A_8#1, %add3A_116 : i32
    %swap3A_118 = arith.index_cast %add3A_117 : i32 to index
    %swap3A_119 = tpu.vector_load %arg13[%swap3A_118] {strides = array<i32>} : memref<25600xi32, #tpu.memory_space<vmem>>, vector<16xi32>,
    tpu.vector_store %arg13[%swap3A_118], %broadcast_in_dim3A_10 {strides = array<i32>} : memref<25600xi32, #tpu.memory_space<vmem>>, vector<16xi32>,
    %add3A_120 = arith.constant 96 : i32
    %add3A_121 = arith.addi %scan3A_8#1, %add3A_120 : i32
    %swap3A_122 = arith.index_cast %add3A_121 : i32 to index
    %swap3A_123 = tpu.vector_load %arg14[%swap3A_122] {strides = array<i32>} : memref<25600xi32, #tpu.memory_space<vmem>>, vector<16xi32>,
    tpu.vector_store %arg14[%swap3A_122], %broadcast_in_dim3A_12 {strides = array<i32>} : memref<25600xi32, #tpu.memory_space<vmem>>, vector<16xi32>,
    %add3A_124 = arith.constant 112 : i32
    %add3A_125 = arith.addi %scan3A_8#0, %add3A_124 : i32
    %swap3A_126 = arith.index_cast %add3A_125 : i32 to index
    %swap3A_127 = tpu.vector_load %arg11[%swap3A_126] {strides = array<i32>} : memref<25600xi32, #tpu.memory_space<vmem>>, vector<16xi32>,
    tpu.vector_store %arg11[%swap3A_126], %broadcast_in_dim3A_10 {strides = array<i32>} : memref<25600xi32, #tpu.memory_space<vmem>>, vector<16xi32>,
    %add3A_128 = arith.constant 112 : i32
    %add3A_129 = arith.addi %scan3A_8#0, %add3A_128 : i32
    %swap3A_130 = arith.index_cast %add3A_129 : i32 to index
    %swap3A_131 = tpu.vector_load %arg12[%swap3A_130] {strides = array<i32>} : memref<25600xi32, #tpu.memory_space<vmem>>, vector<16xi32>,
    tpu.vector_store %arg12[%swap3A_130], %broadcast_in_dim3A_12 {strides = array<i32>} : memref<25600xi32, #tpu.memory_space<vmem>>, vector<16xi32>,
    %add3A_132 = arith.constant 112 : i32
    %add3A_133 = arith.addi %scan3A_8#1, %add3A_132 : i32
    %swap3A_134 = arith.index_cast %add3A_133 : i32 to index
    %swap3A_135 = tpu.vector_load %arg13[%swap3A_134] {strides = array<i32>} : memref<25600xi32, #tpu.memory_space<vmem>>, vector<16xi32>,
    tpu.vector_store %arg13[%swap3A_134], %broadcast_in_dim3A_10 {strides = array<i32>} : memref<25600xi32, #tpu.memory_space<vmem>>, vector<16xi32>,
    %add3A_136 = arith.constant 112 : i32
    %add3A_137 = arith.addi %scan3A_8#1, %add3A_136 : i32
    %swap3A_138 = arith.index_cast %add3A_137 : i32 to index
    %swap3A_139 = tpu.vector_load %arg14[%swap3A_138] {strides = array<i32>} : memref<25600xi32, #tpu.memory_space<vmem>>, vector<16xi32>,
    tpu.vector_store %arg14[%swap3A_138], %broadcast_in_dim3A_12 {strides = array<i32>} : memref<25600xi32, #tpu.memory_space<vmem>>, vector<16xi32>,
    %add3A_140 = arith.constant 128 : i32
    %add3A_141 = arith.addi %scan3A_8#0, %add3A_140 : i32
    %swap3A_142 = arith.index_cast %add3A_141 : i32 to index
    %swap3A_143 = tpu.vector_load %arg11[%swap3A_142] {strides = array<i32>} : memref<25600xi32, #tpu.memory_space<vmem>>, vector<16xi32>,
    tpu.vector_store %arg11[%swap3A_142], %broadcast_in_dim3A_10 {strides = array<i32>} : memref<25600xi32, #tpu.memory_space<vmem>>, vector<16xi32>,
    %add3A_144 = arith.constant 128 : i32
    %add3A_145 = arith.addi %scan3A_8#0, %add3A_144 : i32
    %swap3A_146 = arith.index_cast %add3A_145 : i32 to index
    %swap3A_147 = tpu.vector_load %arg12[%swap3A_146] {strides = array<i32>} : memref<25600xi32, #tpu.memory_space<vmem>>, vector<16xi32>,
    tpu.vector_store %arg12[%swap3A_146], %broadcast_in_dim3A_12 {strides = array<i32>} : memref<25600xi32, #tpu.memory_space<vmem>>, vector<16xi32>,
    %add3A_148 = arith.constant 128 : i32
    %add3A_149 = arith.addi %scan3A_8#1, %add3A_148 : i32
    %swap3A_150 = arith.index_cast %add3A_149 : i32 to index
    %swap3A_151 = tpu.vector_load %arg13[%swap3A_150] {strides = array<i32>} : memref<25600xi32, #tpu.memory_space<vmem>>, vector<16xi32>,
    tpu.vector_store %arg13[%swap3A_150], %broadcast_in_dim3A_10 {strides = array<i32>} : memref<25600xi32, #tpu.memory_space<vmem>>, vector<16xi32>,
    %add3A_152 = arith.constant 128 : i32
    %add3A_153 = arith.addi %scan3A_8#1, %add3A_152 : i32
    %swap3A_154 = arith.index_cast %add3A_153 : i32 to index
    %swap3A_155 = tpu.vector_load %arg14[%swap3A_154] {strides = array<i32>} : memref<25600xi32, #tpu.memory_space<vmem>>, vector<16xi32>,
    tpu.vector_store %arg14[%swap3A_154], %broadcast_in_dim3A_12 {strides = array<i32>} : memref<25600xi32, #tpu.memory_space<vmem>>, vector<16xi32>,
    %add3A_156 = arith.constant 144 : i32
    %add3A_157 = arith.addi %scan3A_8#0, %add3A_156 : i32
    %swap3A_158 = arith.index_cast %add3A_157 : i32 to index
    %swap3A_159 = tpu.vector_load %arg11[%swap3A_158] {strides = array<i32>} : memref<25600xi32, #tpu.memory_space<vmem>>, vector<16xi32>,
    tpu.vector_store %arg11[%swap3A_158], %broadcast_in_dim3A_10 {strides = array<i32>} : memref<25600xi32, #tpu.memory_space<vmem>>, vector<16xi32>,
    %add3A_160 = arith.constant 144 : i32
    %add3A_161 = arith.addi %scan3A_8#0, %add3A_160 : i32
    %swap3A_162 = arith.index_cast %add3A_161 : i32 to index
    %swap3A_163 = tpu.vector_load %arg12[%swap3A_162] {strides = array<i32>} : memref<25600xi32, #tpu.memory_space<vmem>>, vector<16xi32>,
    tpu.vector_store %arg12[%swap3A_162], %broadcast_in_dim3A_12 {strides = array<i32>} : memref<25600xi32, #tpu.memory_space<vmem>>, vector<16xi32>,
    %add3A_164 = arith.constant 144 : i32
    %add3A_165 = arith.addi %scan3A_8#1, %add3A_164 : i32
    %swap3A_166 = arith.index_cast %add3A_165 : i32 to index
    %swap3A_167 = tpu.vector_load %arg13[%swap3A_166] {strides = array<i32>} : memref<25600xi32, #tpu.memory_space<vmem>>, vector<16xi32>,
    tpu.vector_store %arg13[%swap3A_166], %broadcast_in_dim3A_10 {strides = array<i32>} : memref<25600xi32, #tpu.memory_space<vmem>>, vector<16xi32>,
    %add3A_168 = arith.constant 144 : i32
    %add3A_169 = arith.addi %scan3A_8#1, %add3A_168 : i32
    %swap3A_170 = arith.index_cast %add3A_169 : i32 to index
    %swap3A_171 = tpu.vector_load %arg14[%swap3A_170] {strides = array<i32>} : memref<25600xi32, #tpu.memory_space<vmem>>, vector<16xi32>,
    tpu.vector_store %arg14[%swap3A_170], %broadcast_in_dim3A_12 {strides = array<i32>} : memref<25600xi32, #tpu.memory_space<vmem>>, vector<16xi32>,
    %add3A_172 = arith.constant 160 : i32
    %add3A_173 = arith.addi %scan3A_8#0, %add3A_172 : i32
    %swap3A_174 = arith.index_cast %add3A_173 : i32 to index
    %swap3A_175 = tpu.vector_load %arg11[%swap3A_174] {strides = array<i32>} : memref<25600xi32, #tpu.memory_space<vmem>>, vector<16xi32>,
    tpu.vector_store %arg11[%swap3A_174], %broadcast_in_dim3A_10 {strides = array<i32>} : memref<25600xi32, #tpu.memory_space<vmem>>, vector<16xi32>,
    %add3A_176 = arith.constant 160 : i32
    %add3A_177 = arith.addi %scan3A_8#0, %add3A_176 : i32
    %swap3A_178 = arith.index_cast %add3A_177 : i32 to index
    %swap3A_179 = tpu.vector_load %arg12[%swap3A_178] {strides = array<i32>} : memref<25600xi32, #tpu.memory_space<vmem>>, vector<16xi32>,
    tpu.vector_store %arg12[%swap3A_178], %broadcast_in_dim3A_12 {strides = array<i32>} : memref<25600xi32, #tpu.memory_space<vmem>>, vector<16xi32>,
    %add3A_180 = arith.constant 160 : i32
    %add3A_181 = arith.addi %scan3A_8#1, %add3A_180 : i32
    %swap3A_182 = arith.index_cast %add3A_181 : i32 to index
    %swap3A_183 = tpu.vector_load %arg13[%swap3A_182] {strides = array<i32>} : memref<25600xi32, #tpu.memory_space<vmem>>, vector<16xi32>,
    tpu.vector_store %arg13[%swap3A_182], %broadcast_in_dim3A_10 {strides = array<i32>} : memref<25600xi32, #tpu.memory_space<vmem>>, vector<16xi32>,
    %add3A_184 = arith.constant 160 : i32
    %add3A_185 = arith.addi %scan3A_8#1, %add3A_184 : i32
    %swap3A_186 = arith.index_cast %add3A_185 : i32 to index
    %swap3A_187 = tpu.vector_load %arg14[%swap3A_186] {strides = array<i32>} : memref<25600xi32, #tpu.memory_space<vmem>>, vector<16xi32>,
    tpu.vector_store %arg14[%swap3A_186], %broadcast_in_dim3A_12 {strides = array<i32>} : memref<25600xi32, #tpu.memory_space<vmem>>, vector<16xi32>,
    %add3A_188 = arith.constant 176 : i32
    %add3A_189 = arith.addi %scan3A_8#0, %add3A_188 : i32
    %swap3A_190 = arith.index_cast %add3A_189 : i32 to index
    %swap3A_191 = tpu.vector_load %arg11[%swap3A_190] {strides = array<i32>} : memref<25600xi32, #tpu.memory_space<vmem>>, vector<16xi32>,
    tpu.vector_store %arg11[%swap3A_190], %broadcast_in_dim3A_10 {strides = array<i32>} : memref<25600xi32, #tpu.memory_space<vmem>>, vector<16xi32>,
    %add3A_192 = arith.constant 176 : i32
    %add3A_193 = arith.addi %scan3A_8#0, %add3A_192 : i32
    %swap3A_194 = arith.index_cast %add3A_193 : i32 to index
    %swap3A_195 = tpu.vector_load %arg12[%swap3A_194] {strides = array<i32>} : memref<25600xi32, #tpu.memory_space<vmem>>, vector<16xi32>,
    tpu.vector_store %arg12[%swap3A_194], %broadcast_in_dim3A_12 {strides = array<i32>} : memref<25600xi32, #tpu.memory_space<vmem>>, vector<16xi32>,
    %add3A_196 = arith.constant 176 : i32
    %add3A_197 = arith.addi %scan3A_8#1, %add3A_196 : i32
    %swap3A_198 = arith.index_cast %add3A_197 : i32 to index
    %swap3A_199 = tpu.vector_load %arg13[%swap3A_198] {strides = array<i32>} : memref<25600xi32, #tpu.memory_space<vmem>>, vector<16xi32>,
    tpu.vector_store %arg13[%swap3A_198], %broadcast_in_dim3A_10 {strides = array<i32>} : memref<25600xi32, #tpu.memory_space<vmem>>, vector<16xi32>,
    %add3A_200 = arith.constant 176 : i32
    %add3A_201 = arith.addi %scan3A_8#1, %add3A_200 : i32
    %swap3A_202 = arith.index_cast %add3A_201 : i32 to index
    %swap3A_203 = tpu.vector_load %arg14[%swap3A_202] {strides = array<i32>} : memref<25600xi32, #tpu.memory_space<vmem>>, vector<16xi32>,
    tpu.vector_store %arg14[%swap3A_202], %broadcast_in_dim3A_12 {strides = array<i32>} : memref<25600xi32, #tpu.memory_space<vmem>>, vector<16xi32>,
    %run_scoped3A = arith.constant 0 : i32
    "tpu.region"() ({
      %run_scoped3A_218 = tpu.sem_alloc : memref<!tpu.dma_semaphore, #tpu.memory_space<semaphore_mem>>
      %dma_start3A = arith.constant 0 : i32
      %dma_start3A_219 = tpu.memref_slice %arg5[%add3A, %run_scoped3A, %dma_start3A] : memref<32x2x25600xi32, #tpu.memory_space<hbm>> -> memref<1x1x25600xi32, #tpu.memory_space<hbm>>
      %dma_start3A_220 = tpu.memref_squeeze %dma_start3A_219 : memref<1x1x25600xi32, #tpu.memory_space<hbm>> -> memref<25600xi32, #tpu.memory_space<hbm>>
      %dma_start3A_221 = arith.constant 0 : i32
      %dma_start3A_222 = tpu.memref_slice %arg5[%add3A, %run_scoped3A, %dma_start3A_221] : memref<32x2x25600xi32, #tpu.memory_space<hbm>> -> memref<1x1x25600xi32, #tpu.memory_space<hbm>>
      %dma_start3A_223 = tpu.memref_squeeze %dma_start3A_222 : memref<1x1x25600xi32, #tpu.memory_space<hbm>> -> memref<25600xi32, #tpu.memory_space<hbm>>
      tpu.enqueue_dma source(%arg11 : memref<25600xi32, #tpu.memory_space<vmem>>) target(%dma_start3A_223 : memref<25600xi32, #tpu.memory_space<hbm>>) target_semaphore(%run_scoped3A_218 : memref<!tpu.dma_semaphore, #tpu.memory_space<semaphore_mem>>)
      %dma_wait3A = arith.constant 0 : i32
      %dma_wait3A_224 = tpu.memref_slice %arg5[%add3A, %run_scoped3A, %dma_wait3A] : memref<32x2x25600xi32, #tpu.memory_space<hbm>> -> memref<1x1x25600xi32, #tpu.memory_space<hbm>>
      %dma_wait3A_225 = tpu.memref_squeeze %dma_wait3A_224 : memref<1x1x25600xi32, #tpu.memory_space<hbm>> -> memref<25600xi32, #tpu.memory_space<hbm>>
      %dma_wait3A_226 = arith.constant 0 : i32
      %dma_wait3A_227 = tpu.memref_slice %arg5[%add3A, %run_scoped3A, %dma_wait3A_226] : memref<32x2x25600xi32, #tpu.memory_space<hbm>> -> memref<1x1x25600xi32, #tpu.memory_space<hbm>>
      %dma_wait3A_228 = tpu.memref_squeeze %dma_wait3A_227 : memref<1x1x25600xi32, #tpu.memory_space<hbm>> -> memref<25600xi32, #tpu.memory_space<hbm>>
      tpu.wait_dma2 semaphore(%run_scoped3A_218 : memref<!tpu.dma_semaphore, #tpu.memory_space<semaphore_mem>>) src(%arg11 : memref<25600xi32, #tpu.memory_space<vmem>>) dst(%dma_wait3A_228 : memref<25600xi32, #tpu.memory_space<hbm>>)
      tpu.yield
    }) : () -> ()
    %run_scoped3A_204 = arith.constant 0 : i32
    "tpu.region"() ({
      %run_scoped3A_218 = tpu.sem_alloc : memref<!tpu.dma_semaphore, #tpu.memory_space<semaphore_mem>>
      %dma_start3A = arith.constant 0 : i32
      %dma_start3A_219 = tpu.memref_slice %arg6[%add3A, %run_scoped3A_204, %dma_start3A] : memref<32x2x25600xi32, #tpu.memory_space<hbm>> -> memref<1x1x25600xi32, #tpu.memory_space<hbm>>
      %dma_start3A_220 = tpu.memref_squeeze %dma_start3A_219 : memref<1x1x25600xi32, #tpu.memory_space<hbm>> -> memref<25600xi32, #tpu.memory_space<hbm>>
      %dma_start3A_221 = arith.constant 0 : i32
      %dma_start3A_222 = tpu.memref_slice %arg6[%add3A, %run_scoped3A_204, %dma_start3A_221] : memref<32x2x25600xi32, #tpu.memory_space<hbm>> -> memref<1x1x25600xi32, #tpu.memory_space<hbm>>
      %dma_start3A_223 = tpu.memref_squeeze %dma_start3A_222 : memref<1x1x25600xi32, #tpu.memory_space<hbm>> -> memref<25600xi32, #tpu.memory_space<hbm>>
      tpu.enqueue_dma source(%arg12 : memref<25600xi32, #tpu.memory_space<vmem>>) target(%dma_start3A_223 : memref<25600xi32, #tpu.memory_space<hbm>>) target_semaphore(%run_scoped3A_218 : memref<!tpu.dma_semaphore, #tpu.memory_space<semaphore_mem>>)
      %dma_wait3A = arith.constant 0 : i32
      %dma_wait3A_224 = tpu.memref_slice %arg6[%add3A, %run_scoped3A_204, %dma_wait3A] : memref<32x2x25600xi32, #tpu.memory_space<hbm>> -> memref<1x1x25600xi32, #tpu.memory_space<hbm>>
      %dma_wait3A_225 = tpu.memref_squeeze %dma_wait3A_224 : memref<1x1x25600xi32, #tpu.memory_space<hbm>> -> memref<25600xi32, #tpu.memory_space<hbm>>
      %dma_wait3A_226 = arith.constant 0 : i32
      %dma_wait3A_227 = tpu.memref_slice %arg6[%add3A, %run_scoped3A_204, %dma_wait3A_226] : memref<32x2x25600xi32, #tpu.memory_space<hbm>> -> memref<1x1x25600xi32, #tpu.memory_space<hbm>>
      %dma_wait3A_228 = tpu.memref_squeeze %dma_wait3A_227 : memref<1x1x25600xi32, #tpu.memory_space<hbm>> -> memref<25600xi32, #tpu.memory_space<hbm>>
      tpu.wait_dma2 semaphore(%run_scoped3A_218 : memref<!tpu.dma_semaphore, #tpu.memory_space<semaphore_mem>>) src(%arg12 : memref<25600xi32, #tpu.memory_space<vmem>>) dst(%dma_wait3A_228 : memref<25600xi32, #tpu.memory_space<hbm>>)
      tpu.yield
    }) : () -> ()
    %run_scoped3A_205 = arith.constant 1 : i32
    "tpu.region"() ({
      %run_scoped3A_218 = tpu.sem_alloc : memref<!tpu.dma_semaphore, #tpu.memory_space<semaphore_mem>>
      %dma_start3A = arith.constant 0 : i32
      %dma_start3A_219 = tpu.memref_slice %arg5[%add3A, %run_scoped3A_205, %dma_start3A] : memref<32x2x25600xi32, #tpu.memory_space<hbm>> -> memref<1x1x25600xi32, #tpu.memory_space<hbm>>
      %dma_start3A_220 = tpu.memref_squeeze %dma_start3A_219 : memref<1x1x25600xi32, #tpu.memory_space<hbm>> -> memref<25600xi32, #tpu.memory_space<hbm>>
      %dma_start3A_221 = arith.constant 0 : i32
      %dma_start3A_222 = tpu.memref_slice %arg5[%add3A, %run_scoped3A_205, %dma_start3A_221] : memref<32x2x25600xi32, #tpu.memory_space<hbm>> -> memref<1x1x25600xi32, #tpu.memory_space<hbm>>
      %dma_start3A_223 = tpu.memref_squeeze %dma_start3A_222 : memref<1x1x25600xi32, #tpu.memory_space<hbm>> -> memref<25600xi32, #tpu.memory_space<hbm>>
      tpu.enqueue_dma source(%arg13 : memref<25600xi32, #tpu.memory_space<vmem>>) target(%dma_start3A_223 : memref<25600xi32, #tpu.memory_space<hbm>>) target_semaphore(%run_scoped3A_218 : memref<!tpu.dma_semaphore, #tpu.memory_space<semaphore_mem>>)
      %dma_wait3A = arith.constant 0 : i32
      %dma_wait3A_224 = tpu.memref_slice %arg5[%add3A, %run_scoped3A_205, %dma_wait3A] : memref<32x2x25600xi32, #tpu.memory_space<hbm>> -> memref<1x1x25600xi32, #tpu.memory_space<hbm>>
      %dma_wait3A_225 = tpu.memref_squeeze %dma_wait3A_224 : memref<1x1x25600xi32, #tpu.memory_space<hbm>> -> memref<25600xi32, #tpu.memory_space<hbm>>
      %dma_wait3A_226 = arith.constant 0 : i32
      %dma_wait3A_227 = tpu.memref_slice %arg5[%add3A, %run_scoped3A_205, %dma_wait3A_226] : memref<32x2x25600xi32, #tpu.memory_space<hbm>> -> memref<1x1x25600xi32, #tpu.memory_space<hbm>>
      %dma_wait3A_228 = tpu.memref_squeeze %dma_wait3A_227 : memref<1x1x25600xi32, #tpu.memory_space<hbm>> -> memref<25600xi32, #tpu.memory_space<hbm>>
      tpu.wait_dma2 semaphore(%run_scoped3A_218 : memref<!tpu.dma_semaphore, #tpu.memory_space<semaphore_mem>>) src(%arg13 : memref<25600xi32, #tpu.memory_space<vmem>>) dst(%dma_wait3A_228 : memref<25600xi32, #tpu.memory_space<hbm>>)
      tpu.yield
    }) : () -> ()
    %run_scoped3A_206 = arith.constant 1 : i32
    "tpu.region"() ({
      %run_scoped3A_218 = tpu.sem_alloc : memref<!tpu.dma_semaphore, #tpu.memory_space<semaphore_mem>>
      %dma_start3A = arith.constant 0 : i32
      %dma_start3A_219 = tpu.memref_slice %arg6[%add3A, %run_scoped3A_206, %dma_start3A] : memref<32x2x25600xi32, #tpu.memory_space<hbm>> -> memref<1x1x25600xi32, #tpu.memory_space<hbm>>
      %dma_start3A_220 = tpu.memref_squeeze %dma_start3A_219 : memref<1x1x25600xi32, #tpu.memory_space<hbm>> -> memref<25600xi32, #tpu.memory_space<hbm>>
      %dma_start3A_221 = arith.constant 0 : i32
      %dma_start3A_222 = tpu.memref_slice %arg6[%add3A, %run_scoped3A_206, %dma_start3A_221] : memref<32x2x25600xi32, #tpu.memory_space<hbm>> -> memref<1x1x25600xi32, #tpu.memory_space<hbm>>
      %dma_start3A_223 = tpu.memref_squeeze %dma_start3A_222 : memref<1x1x25600xi32, #tpu.memory_space<hbm>> -> memref<25600xi32, #tpu.memory_space<hbm>>
      tpu.enqueue_dma source(%arg14 : memref<25600xi32, #tpu.memory_space<vmem>>) target(%dma_start3A_223 : memref<25600xi32, #tpu.memory_space<hbm>>) target_semaphore(%run_scoped3A_218 : memref<!tpu.dma_semaphore, #tpu.memory_space<semaphore_mem>>)
      %dma_wait3A = arith.constant 0 : i32
      %dma_wait3A_224 = tpu.memref_slice %arg6[%add3A, %run_scoped3A_206, %dma_wait3A] : memref<32x2x25600xi32, #tpu.memory_space<hbm>> -> memref<1x1x25600xi32, #tpu.memory_space<hbm>>
      %dma_wait3A_225 = tpu.memref_squeeze %dma_wait3A_224 : memref<1x1x25600xi32, #tpu.memory_space<hbm>> -> memref<25600xi32, #tpu.memory_space<hbm>>
      %dma_wait3A_226 = arith.constant 0 : i32
      %dma_wait3A_227 = tpu.memref_slice %arg6[%add3A, %run_scoped3A_206, %dma_wait3A_226] : memref<32x2x25600xi32, #tpu.memory_space<hbm>> -> memref<1x1x25600xi32, #tpu.memory_space<hbm>>
      %dma_wait3A_228 = tpu.memref_squeeze %dma_wait3A_227 : memref<1x1x25600xi32, #tpu.memory_space<hbm>> -> memref<25600xi32, #tpu.memory_space<hbm>>
      tpu.wait_dma2 semaphore(%run_scoped3A_218 : memref<!tpu.dma_semaphore, #tpu.memory_space<semaphore_mem>>) src(%arg14 : memref<25600xi32, #tpu.memory_space<vmem>>) dst(%dma_wait3A_228 : memref<25600xi32, #tpu.memory_space<hbm>>)
      tpu.yield
    }) : () -> ()
    %broadcast_in_dim3A_207 = arith.constant 0 : i32
    %broadcast_in_dim3A_208 = vector.broadcast %broadcast_in_dim3A_207 : i32 to vector<16xi32>
    %eq3A = arith.cmpi eq, %iota3A, %broadcast_in_dim3A_208 : vector<16xi32>
    %broadcast_in_dim3A_209 = vector.broadcast %scan3A_8#0 : i32 to vector<16xi32>
    %add3A_210 = arith.constant 1 : i32
    %add3A_211 = vector.broadcast %add3A_210 : i32 to vector<16xi32>
    %add3A_212 = arith.addi %broadcast_in_dim3A_208, %add3A_211 : vector<16xi32>
    %eq3A_213 = arith.cmpi eq, %iota3A, %add3A_212 : vector<16xi32>
    %broadcast_in_dim3A_214 = vector.broadcast %scan3A_8#1 : i32 to vector<16xi32>
    %select_n3A = arith.select %eq3A_213, %broadcast_in_dim3A_214, %broadcast_in_dim3A_208 : vector<16xi1>, vector<16xi32>
    %select_n3A_215 = arith.select %eq3A, %broadcast_in_dim3A_209, %select_n3A : vector<16xi1>, vector<16xi32>
    %swap3A_216 = arith.constant 0 : index
    %swap3A_217 = tpu.vector_load %arg15[%swap3A_216] {strides = array<i32>} : memref<16xi32, #tpu.memory_space<vmem>>, vector<16xi32>,
    tpu.vector_store %arg15[%swap3A_216], %select_n3A_215 {strides = array<i32>} : memref<16xi32, #tpu.memory_space<vmem>>, vector<16xi32>,
    "tpu.region"() ({
      %run_scoped3A_218 = tpu.sem_alloc : memref<!tpu.dma_semaphore, #tpu.memory_space<semaphore_mem>>
      %dma_start3A = arith.constant 0 : i32
      %dma_start3A_219 = tpu.memref_slice %arg7[%add3A, %dma_start3A] : memref<32x16xi32, #tpu.memory_space<hbm>> -> memref<1x16xi32, #tpu.memory_space<hbm>>
      %dma_start3A_220 = tpu.memref_squeeze %dma_start3A_219 : memref<1x16xi32, #tpu.memory_space<hbm>> -> memref<16xi32, #tpu.memory_space<hbm>>
      %dma_start3A_221 = arith.constant 0 : i32
      %dma_start3A_222 = tpu.memref_slice %arg7[%add3A, %dma_start3A_221] : memref<32x16xi32, #tpu.memory_space<hbm>> -> memref<1x16xi32, #tpu.memory_space<hbm>>
      %dma_start3A_223 = tpu.memref_squeeze %dma_start3A_222 : memref<1x16xi32, #tpu.memory_space<hbm>> -> memref<16xi32, #tpu.memory_space<hbm>>
      tpu.enqueue_dma source(%arg15 : memref<16xi32, #tpu.memory_space<vmem>>) target(%dma_start3A_223 : memref<16xi32, #tpu.memory_space<hbm>>) target_semaphore(%run_scoped3A_218 : memref<!tpu.dma_semaphore, #tpu.memory_space<semaphore_mem>>)
      %dma_wait3A = arith.constant 0 : i32
      %dma_wait3A_224 = tpu.memref_slice %arg7[%add3A, %dma_wait3A] : memref<32x16xi32, #tpu.memory_space<hbm>> -> memref<1x16xi32, #tpu.memory_space<hbm>>
      %dma_wait3A_225 = tpu.memref_squeeze %dma_wait3A_224 : memref<1x16xi32, #tpu.memory_space<hbm>> -> memref<16xi32, #tpu.memory_space<hbm>>
      %dma_wait3A_226 = arith.constant 0 : i32
      %dma_wait3A_227 = tpu.memref_slice %arg7[%add3A, %dma_wait3A_226] : memref<32x16xi32, #tpu.memory_space<hbm>> -> memref<1x16xi32, #tpu.memory_space<hbm>>
      %dma_wait3A_228 = tpu.memref_squeeze %dma_wait3A_227 : memref<1x16xi32, #tpu.memory_space<hbm>> -> memref<16xi32, #tpu.memory_space<hbm>>
      tpu.wait_dma2 semaphore(%run_scoped3A_218 : memref<!tpu.dma_semaphore, #tpu.memory_space<semaphore_mem>>) src(%arg15 : memref<16xi32, #tpu.memory_space<vmem>>) dst(%dma_wait3A_228 : memref<16xi32, #tpu.memory_space<hbm>>)
      tpu.yield
    }) : () -> ()
    return
  }
}

#map = affine_map<(d0, d1) -> (0, 0)>
#map1 = affine_map<(d0, d1) -> (0, 0, 0)>
module attributes {stable_mosaic.version = 14 : i64} {
  func.func @_aggregate(%arg0: i32, %arg1: i32, %arg2: memref<250880x64xf32, #tpu.memory_space<hbm>>, %arg3: memref<32x2x25600xi32, #tpu.memory_space<hbm>>, %arg4: memref<32x2x25600xi32, #tpu.memory_space<hbm>>, %arg5: memref<32x16xi32, #tpu.memory_space<hbm>>, %arg6: memref<26112x64xf32, #tpu.memory_space<hbm>>, %arg7: memref<50176x64xf32, #tpu.memory_space<hbm>>, %arg8: memref<26112x64xf32, #tpu.memory_space<vmem_shared>>, %arg9: memref<192x64xf32, #tpu.memory_space<vmem>>, %arg10: memref<192x64xf32, #tpu.memory_space<vmem>>, %arg11: memref<192xi32, #tpu.memory_space<vmem>>, %arg12: memref<192xi32, #tpu.memory_space<vmem>>, %arg13: memref<192xi32, #tpu.memory_space<vmem>>, %arg14: memref<192xi32, #tpu.memory_space<vmem>>, %arg15: memref<16xi32, #tpu.memory_space<vmem>>, %arg16: memref<!tpu.dma_semaphore, #tpu.memory_space<semaphore_mem>>, %arg17: memref<!tpu.dma_semaphore, #tpu.memory_space<semaphore_mem>>, %arg18: memref<!tpu.dma_semaphore, #tpu.memory_space<semaphore_mem>>, %arg19: memref<!tpu.dma_semaphore, #tpu.memory_space<semaphore_mem>>) attributes {dimension_semantics = [#tpu.dimension_semantics<core_parallel>, #tpu.dimension_semantics<subcore_parallel>], iteration_bounds = array<i64: 2, 16>, scalar_prefetch = 0 : i64, scratch_operands = 12 : i64, tpu.core_type = #tpu.core_type<sc_vector_subcore>, window_params = [{transform_indices = #map}, {transform_indices = #map1}, {transform_indices = #map1}, {transform_indices = #map}, {transform_indices = #map}, {transform_indices = #map}]} {
    %iota3A = tpu.iota {dimensions = array<i32: 0>} : vector<16xi32>
    %mul3A = arith.constant 1632 : i32
    %mul3A_0 = arith.muli %arg1, %mul3A : i32
    %mul3A_1 = arith.constant 1632 : i32
    %mul3A_2 = arith.muli %arg1, %mul3A_1 : i32
    "tpu.region"() ({
      %run_scoped3A = tpu.sem_alloc : memref<!tpu.dma_semaphore, #tpu.memory_space<semaphore_mem>>
      %dma_start3A_283 = arith.constant 0 : i32
      %dma_start3A_284 = tpu.memref_slice %arg8[%mul3A_2, %dma_start3A_283] : memref<26112x64xf32, #tpu.memory_space<vmem_shared>> -> memref<1632x64xf32, #tpu.memory_space<vmem_shared>>
      %dma_start3A_285 = arith.constant 0 : i32
      %dma_start3A_286 = tpu.memref_slice %arg6[%mul3A_0, %dma_start3A_285] : memref<26112x64xf32, #tpu.memory_space<hbm>> -> memref<1632x64xf32, #tpu.memory_space<hbm>>
      tpu.enqueue_dma source(%dma_start3A_286 : memref<1632x64xf32, #tpu.memory_space<hbm>>) target(%dma_start3A_284 : memref<1632x64xf32, #tpu.memory_space<vmem_shared>>) target_semaphore(%run_scoped3A : memref<!tpu.dma_semaphore, #tpu.memory_space<semaphore_mem>>)
      %dma_wait3A_287 = arith.constant 0 : i32
      %dma_wait3A_288 = tpu.memref_slice %arg8[%mul3A_2, %dma_wait3A_287] : memref<26112x64xf32, #tpu.memory_space<vmem_shared>> -> memref<1632x64xf32, #tpu.memory_space<vmem_shared>>
      %dma_wait3A_289 = arith.constant 0 : i32
      %dma_wait3A_290 = tpu.memref_slice %arg6[%mul3A_0, %dma_wait3A_289] : memref<26112x64xf32, #tpu.memory_space<hbm>> -> memref<1632x64xf32, #tpu.memory_space<hbm>>
      tpu.wait_dma2 semaphore(%run_scoped3A : memref<!tpu.dma_semaphore, #tpu.memory_space<semaphore_mem>>) src(%dma_wait3A_290 : memref<1632x64xf32, #tpu.memory_space<hbm>>) dst(%dma_wait3A_288 : memref<1632x64xf32, #tpu.memory_space<vmem_shared>>)
      tpu.yield
    }) : () -> ()
    %barrier3A = arith.constant 0 : index
    tpu.barrier barrier_id(%barrier3A)
    %mul3A_3 = arith.constant 2 : i32
    %mul3A_4 = arith.muli %arg1, %mul3A_3 : i32
    %add3A = arith.constant 0 : i32
    %add3A_5 = arith.addi %mul3A_4, %add3A : i32
    "tpu.region"() ({
      %run_scoped3A = tpu.sem_alloc : memref<!tpu.dma_semaphore, #tpu.memory_space<semaphore_mem>>
      %dma_start3A_283 = arith.constant 0 : i32
      %dma_start3A_284 = tpu.memref_slice %arg5[%add3A_5, %dma_start3A_283] : memref<32x16xi32, #tpu.memory_space<hbm>> -> memref<1x16xi32, #tpu.memory_space<hbm>>
      %dma_start3A_285 = tpu.memref_squeeze %dma_start3A_284 : memref<1x16xi32, #tpu.memory_space<hbm>> -> memref<16xi32, #tpu.memory_space<hbm>>
      %dma_start3A_286 = arith.constant 0 : i32
      %dma_start3A_287 = tpu.memref_slice %arg5[%add3A_5, %dma_start3A_286] : memref<32x16xi32, #tpu.memory_space<hbm>> -> memref<1x16xi32, #tpu.memory_space<hbm>>
      %dma_start3A_288 = tpu.memref_squeeze %dma_start3A_287 : memref<1x16xi32, #tpu.memory_space<hbm>> -> memref<16xi32, #tpu.memory_space<hbm>>
      tpu.enqueue_dma source(%dma_start3A_288 : memref<16xi32, #tpu.memory_space<hbm>>) target(%arg15 : memref<16xi32, #tpu.memory_space<vmem>>) target_semaphore(%run_scoped3A : memref<!tpu.dma_semaphore, #tpu.memory_space<semaphore_mem>>)
      %dma_wait3A_289 = arith.constant 0 : i32
      %dma_wait3A_290 = tpu.memref_slice %arg5[%add3A_5, %dma_wait3A_289] : memref<32x16xi32, #tpu.memory_space<hbm>> -> memref<1x16xi32, #tpu.memory_space<hbm>>
      %dma_wait3A_291 = tpu.memref_squeeze %dma_wait3A_290 : memref<1x16xi32, #tpu.memory_space<hbm>> -> memref<16xi32, #tpu.memory_space<hbm>>
      %dma_wait3A_292 = arith.constant 0 : i32
      %dma_wait3A_293 = tpu.memref_slice %arg5[%add3A_5, %dma_wait3A_292] : memref<32x16xi32, #tpu.memory_space<hbm>> -> memref<1x16xi32, #tpu.memory_space<hbm>>
      %dma_wait3A_294 = tpu.memref_squeeze %dma_wait3A_293 : memref<1x16xi32, #tpu.memory_space<hbm>> -> memref<16xi32, #tpu.memory_space<hbm>>
      tpu.wait_dma2 semaphore(%run_scoped3A : memref<!tpu.dma_semaphore, #tpu.memory_space<semaphore_mem>>) src(%dma_wait3A_294 : memref<16xi32, #tpu.memory_space<hbm>>) dst(%arg15 : memref<16xi32, #tpu.memory_space<vmem>>)
      tpu.yield
    }) : () -> ()
    %broadcast_in_dim3A = vector.broadcast %arg0 : i32 to vector<16xi32>
    %eq3A = arith.cmpi eq, %iota3A, %broadcast_in_dim3A : vector<16xi32>
    %get3A = arith.constant 0 : index
    %get3A_6 = tpu.vector_load %arg15[%get3A] {strides = array<i32>} : memref<16xi32, #tpu.memory_space<vmem>>, vector<16xi32>,
    %broadcast_in_dim3A_7 = arith.constant 0 : i32
    %broadcast_in_dim3A_8 = vector.broadcast %broadcast_in_dim3A_7 : i32 to vector<16xi32>
    %select_n3A = arith.select %eq3A, %get3A_6, %broadcast_in_dim3A_8 : vector<16xi1>, vector<16xi32>
    %broadcast_in_dim3A_9 = arith.constant true
    %broadcast_in_dim3A_10 = vector.broadcast %broadcast_in_dim3A_9 : i1 to vector<16xi1>
    %masked_cumsum3A = tpu.scan <sum>, %select_n3A masked %broadcast_in_dim3A_10 : vector<16xi32>, vector<16xi1> -> vector<16xi32>
    %slice3A = vector.extract_strided_slice %masked_cumsum3A {offsets = [15], sizes = [1], strides = [1]} : vector<16xi32> to vector<1xi32>
    %squeeze3A = vector.extract %slice3A[0] : i32 from vector<1xi32>
    %add3A_11 = arith.constant 191 : i32
    %add3A_12 = arith.addi %squeeze3A, %add3A_11 : i32
    %jit3A = arith.constant 192 : i32
    %div3A = arith.divsi %add3A_12, %jit3A : i32
    %sign3A = arith.constant 0 : i32
    %sign3A_13 = arith.cmpi sgt, %add3A_12, %sign3A : i32
    %sign3A_14 = arith.extui %sign3A_13 : i1 to i32
    %sign3A_15 = arith.constant 0 : i32
    %sign3A_16 = arith.cmpi slt, %add3A_12, %sign3A_15 : i32
    %sign3A_17 = arith.extui %sign3A_16 : i1 to i32
    %sign3A_18 = arith.subi %sign3A_14, %sign3A_17 : i32
    %sign3A_19 = arith.constant 0 : i32
    %sign3A_20 = arith.cmpi sgt, %jit3A, %sign3A_19 : i32
    %sign3A_21 = arith.extui %sign3A_20 : i1 to i32
    %sign3A_22 = arith.constant 0 : i32
    %sign3A_23 = arith.cmpi slt, %jit3A, %sign3A_22 : i32
    %sign3A_24 = arith.extui %sign3A_23 : i1 to i32
    %sign3A_25 = arith.subi %sign3A_21, %sign3A_24 : i32
    %ne3A = arith.cmpi ne, %sign3A_18, %sign3A_25 : i32
    %rem3A = arith.remsi %add3A_12, %jit3A : i32
    %ne3A_26 = arith.constant 0 : i32
    %ne3A_27 = arith.cmpi ne, %rem3A, %ne3A_26 : i32
    %and3A = arith.andi %ne3A, %ne3A_27 : i1
    %sub3A = arith.constant 1 : i32
    %sub3A_28 = arith.subi %div3A, %sub3A : i32
    %select_n3A_29 = arith.select %and3A, %sub3A_28, %div3A : i32
    %sub3A_30 = arith.constant 1 : i32
    %sub3A_31 = arith.subi %select_n3A_29, %sub3A_30 : i32
    %max3A = arith.constant 0 : i32
    %max3A_32 = arith.maxsi %sub3A_31, %max3A : i32
    %jit3A_33 = arith.constant 0 : i32
    %jit3A_34 = arith.constant 0 : i32
    %max3A_35 = arith.maxsi %jit3A_34, %jit3A_33 : i32
    %min3A = arith.minsi %max3A_32, %max3A_35 : i32
    %mul3A_36 = arith.constant 192 : i32
    %mul3A_37 = arith.muli %min3A, %mul3A_36 : i32
    %dma_start3A = tpu.memref_slice %arg3[%add3A_5, %arg0, %mul3A_37] : memref<32x2x25600xi32, #tpu.memory_space<hbm>> -> memref<1x1x192xi32, #tpu.memory_space<hbm>>
    %dma_start3A_38 = tpu.memref_squeeze %dma_start3A : memref<1x1x192xi32, #tpu.memory_space<hbm>> -> memref<192xi32, #tpu.memory_space<hbm>>
    %dma_start3A_39 = tpu.memref_slice %arg3[%add3A_5, %arg0, %mul3A_37] : memref<32x2x25600xi32, #tpu.memory_space<hbm>> -> memref<1x1x192xi32, #tpu.memory_space<hbm>>
    %dma_start3A_40 = tpu.memref_squeeze %dma_start3A_39 : memref<1x1x192xi32, #tpu.memory_space<hbm>> -> memref<192xi32, #tpu.memory_space<hbm>>
    tpu.enqueue_dma source(%dma_start3A_40 : memref<192xi32, #tpu.memory_space<hbm>>) target(%arg11 : memref<192xi32, #tpu.memory_space<vmem>>) target_semaphore(%arg18 : memref<!tpu.dma_semaphore, #tpu.memory_space<semaphore_mem>>)
    %mul3A_41 = arith.constant 192 : i32
    %mul3A_42 = arith.muli %min3A, %mul3A_41 : i32
    %dma_start3A_43 = tpu.memref_slice %arg4[%add3A_5, %arg0, %mul3A_42] : memref<32x2x25600xi32, #tpu.memory_space<hbm>> -> memref<1x1x192xi32, #tpu.memory_space<hbm>>
    %dma_start3A_44 = tpu.memref_squeeze %dma_start3A_43 : memref<1x1x192xi32, #tpu.memory_space<hbm>> -> memref<192xi32, #tpu.memory_space<hbm>>
    %dma_start3A_45 = tpu.memref_slice %arg4[%add3A_5, %arg0, %mul3A_42] : memref<32x2x25600xi32, #tpu.memory_space<hbm>> -> memref<1x1x192xi32, #tpu.memory_space<hbm>>
    %dma_start3A_46 = tpu.memref_squeeze %dma_start3A_45 : memref<1x1x192xi32, #tpu.memory_space<hbm>> -> memref<192xi32, #tpu.memory_space<hbm>>
    tpu.enqueue_dma source(%dma_start3A_46 : memref<192xi32, #tpu.memory_space<hbm>>) target(%arg13 : memref<192xi32, #tpu.memory_space<vmem>>) target_semaphore(%arg18 : memref<!tpu.dma_semaphore, #tpu.memory_space<semaphore_mem>>)
    %dma_wait3A = arith.constant 0 : i32
    %dma_wait3A_47 = tpu.memref_slice %arg3[%add3A_5, %arg0, %dma_wait3A] : memref<32x2x25600xi32, #tpu.memory_space<hbm>> -> memref<1x1x192xi32, #tpu.memory_space<hbm>>
    %dma_wait3A_48 = tpu.memref_squeeze %dma_wait3A_47 : memref<1x1x192xi32, #tpu.memory_space<hbm>> -> memref<192xi32, #tpu.memory_space<hbm>>
    %dma_wait3A_49 = arith.constant 0 : i32
    %dma_wait3A_50 = tpu.memref_slice %arg3[%add3A_5, %arg0, %dma_wait3A_49] : memref<32x2x25600xi32, #tpu.memory_space<hbm>> -> memref<1x1x192xi32, #tpu.memory_space<hbm>>
    %dma_wait3A_51 = tpu.memref_squeeze %dma_wait3A_50 : memref<1x1x192xi32, #tpu.memory_space<hbm>> -> memref<192xi32, #tpu.memory_space<hbm>>
    tpu.wait_dma2 semaphore(%arg18 : memref<!tpu.dma_semaphore, #tpu.memory_space<semaphore_mem>>) src(%dma_wait3A_51 : memref<192xi32, #tpu.memory_space<hbm>>) dst(%arg11 : memref<192xi32, #tpu.memory_space<vmem>>)
    %dma_wait3A_52 = arith.constant 0 : i32
    %dma_wait3A_53 = tpu.memref_slice %arg4[%add3A_5, %arg0, %dma_wait3A_52] : memref<32x2x25600xi32, #tpu.memory_space<hbm>> -> memref<1x1x192xi32, #tpu.memory_space<hbm>>
    %dma_wait3A_54 = tpu.memref_squeeze %dma_wait3A_53 : memref<1x1x192xi32, #tpu.memory_space<hbm>> -> memref<192xi32, #tpu.memory_space<hbm>>
    %dma_wait3A_55 = arith.constant 0 : i32
    %dma_wait3A_56 = tpu.memref_slice %arg4[%add3A_5, %arg0, %dma_wait3A_55] : memref<32x2x25600xi32, #tpu.memory_space<hbm>> -> memref<1x1x192xi32, #tpu.memory_space<hbm>>
    %dma_wait3A_57 = tpu.memref_squeeze %dma_wait3A_56 : memref<1x1x192xi32, #tpu.memory_space<hbm>> -> memref<192xi32, #tpu.memory_space<hbm>>
    tpu.wait_dma2 semaphore(%arg18 : memref<!tpu.dma_semaphore, #tpu.memory_space<semaphore_mem>>) src(%dma_wait3A_57 : memref<192xi32, #tpu.memory_space<hbm>>) dst(%arg13 : memref<192xi32, #tpu.memory_space<vmem>>)
    %dma_start3A_58 = arith.constant 0 : i32
    %dma_start3A_59 = arith.constant 0 : i32
    %dma_start3A_60 = tpu.memref_slice %arg2[%dma_start3A_58, %dma_start3A_59] : memref<250880x64xf32, #tpu.memory_space<hbm>> -> memref<250880x64xf32, #tpu.memory_space<hbm>>
    tpu.enqueue_indirect_dma source(%dma_start3A_60 : memref<250880x64xf32, #tpu.memory_space<hbm>>) target(%arg9 : memref<192x64xf32, #tpu.memory_space<vmem>>) offsets(%arg11 : memref<192xi32, #tpu.memory_space<vmem>>) semaphore(%arg16 : memref<!tpu.dma_semaphore, #tpu.memory_space<semaphore_mem>>)
    %jit3A_61 = arith.constant 1 : i32
    %jit3A_62 = arith.constant 0 : i32
    %max3A_63 = arith.maxsi %jit3A_62, %jit3A_61 : i32
    %min3A_64 = arith.minsi %max3A_32, %max3A_63 : i32
    %mul3A_65 = arith.constant 192 : i32
    %mul3A_66 = arith.muli %min3A_64, %mul3A_65 : i32
    %dma_start3A_67 = tpu.memref_slice %arg3[%add3A_5, %arg0, %mul3A_66] : memref<32x2x25600xi32, #tpu.memory_space<hbm>> -> memref<1x1x192xi32, #tpu.memory_space<hbm>>
    %dma_start3A_68 = tpu.memref_squeeze %dma_start3A_67 : memref<1x1x192xi32, #tpu.memory_space<hbm>> -> memref<192xi32, #tpu.memory_space<hbm>>
    %dma_start3A_69 = tpu.memref_slice %arg3[%add3A_5, %arg0, %mul3A_66] : memref<32x2x25600xi32, #tpu.memory_space<hbm>> -> memref<1x1x192xi32, #tpu.memory_space<hbm>>
    %dma_start3A_70 = tpu.memref_squeeze %dma_start3A_69 : memref<1x1x192xi32, #tpu.memory_space<hbm>> -> memref<192xi32, #tpu.memory_space<hbm>>
    tpu.enqueue_dma source(%dma_start3A_70 : memref<192xi32, #tpu.memory_space<hbm>>) target(%arg12 : memref<192xi32, #tpu.memory_space<vmem>>) target_semaphore(%arg19 : memref<!tpu.dma_semaphore, #tpu.memory_space<semaphore_mem>>)
    %mul3A_71 = arith.constant 192 : i32
    %mul3A_72 = arith.muli %min3A_64, %mul3A_71 : i32
    %dma_start3A_73 = tpu.memref_slice %arg4[%add3A_5, %arg0, %mul3A_72] : memref<32x2x25600xi32, #tpu.memory_space<hbm>> -> memref<1x1x192xi32, #tpu.memory_space<hbm>>
    %dma_start3A_74 = tpu.memref_squeeze %dma_start3A_73 : memref<1x1x192xi32, #tpu.memory_space<hbm>> -> memref<192xi32, #tpu.memory_space<hbm>>
    %dma_start3A_75 = tpu.memref_slice %arg4[%add3A_5, %arg0, %mul3A_72] : memref<32x2x25600xi32, #tpu.memory_space<hbm>> -> memref<1x1x192xi32, #tpu.memory_space<hbm>>
    %dma_start3A_76 = tpu.memref_squeeze %dma_start3A_75 : memref<1x1x192xi32, #tpu.memory_space<hbm>> -> memref<192xi32, #tpu.memory_space<hbm>>
    tpu.enqueue_dma source(%dma_start3A_76 : memref<192xi32, #tpu.memory_space<hbm>>) target(%arg14 : memref<192xi32, #tpu.memory_space<vmem>>) target_semaphore(%arg19 : memref<!tpu.dma_semaphore, #tpu.memory_space<semaphore_mem>>)
    %add3A_77 = arith.constant 1 : i32
    %add3A_78 = arith.addi %select_n3A_29, %add3A_77 : i32
    %jit3A_79 = arith.constant 2 : i32
    %div3A_80 = arith.divsi %add3A_78, %jit3A_79 : i32
    %sign3A_81 = arith.constant 0 : i32
    %sign3A_82 = arith.cmpi sgt, %add3A_78, %sign3A_81 : i32
    %sign3A_83 = arith.extui %sign3A_82 : i1 to i32
    %sign3A_84 = arith.constant 0 : i32
    %sign3A_85 = arith.cmpi slt, %add3A_78, %sign3A_84 : i32
    %sign3A_86 = arith.extui %sign3A_85 : i1 to i32
    %sign3A_87 = arith.subi %sign3A_83, %sign3A_86 : i32
    %sign3A_88 = arith.constant 0 : i32
    %sign3A_89 = arith.cmpi sgt, %jit3A_79, %sign3A_88 : i32
    %sign3A_90 = arith.extui %sign3A_89 : i1 to i32
    %sign3A_91 = arith.constant 0 : i32
    %sign3A_92 = arith.cmpi slt, %jit3A_79, %sign3A_91 : i32
    %sign3A_93 = arith.extui %sign3A_92 : i1 to i32
    %sign3A_94 = arith.subi %sign3A_90, %sign3A_93 : i32
    %ne3A_95 = arith.cmpi ne, %sign3A_87, %sign3A_94 : i32
    %rem3A_96 = arith.remsi %add3A_78, %jit3A_79 : i32
    %ne3A_97 = arith.constant 0 : i32
    %ne3A_98 = arith.cmpi ne, %rem3A_96, %ne3A_97 : i32
    %and3A_99 = arith.andi %ne3A_95, %ne3A_98 : i1
    %sub3A_100 = arith.constant 1 : i32
    %sub3A_101 = arith.subi %div3A_80, %sub3A_100 : i32
    %select_n3A_102 = arith.select %and3A_99, %sub3A_101, %div3A_80 : i32
    %while3A = arith.constant 0 : i32
    %while3A_103 = arith.constant 0 : i32
    %while3A_104 = arith.subi %select_n3A_102, %while3A : i32
    %while3A_105 = arith.addi %while3A, %while3A_104 : i32
    %while3A_106 = arith.constant 1 : i32
    %while3A_107 = arith.divsi %while3A_104, %while3A_106 : i32
    %while3A_108 = arith.muli %while3A_107, %while3A_106 : i32
    %while3A_109 = arith.addi %while3A, %while3A_108 : i32
    %while3A_110 = arith.constant 1 : i32
    %while3A_111 = scf.for %while3A_283 = %while3A to %while3A_109 step %while3A_110 iter_args(%while3A_284 = %while3A_103) -> (i32)  : i32 {
      %mul3A_285 = arith.constant 2 : i32
      %mul3A_286 = arith.muli %mul3A_285, %while3A_283 : i32
      %add3A_287 = arith.constant 1 : i32
      %add3A_288 = arith.addi %mul3A_286, %add3A_287 : i32
      %dma_wait3A_289 = arith.constant 0 : i32
      %dma_wait3A_290 = tpu.memref_slice %arg3[%add3A_5, %arg0, %dma_wait3A_289] : memref<32x2x25600xi32, #tpu.memory_space<hbm>> -> memref<1x1x192xi32, #tpu.memory_space<hbm>>
      %dma_wait3A_291 = tpu.memref_squeeze %dma_wait3A_290 : memref<1x1x192xi32, #tpu.memory_space<hbm>> -> memref<192xi32, #tpu.memory_space<hbm>>
      %dma_wait3A_292 = arith.constant 0 : i32
      %dma_wait3A_293 = tpu.memref_slice %arg3[%add3A_5, %arg0, %dma_wait3A_292] : memref<32x2x25600xi32, #tpu.memory_space<hbm>> -> memref<1x1x192xi32, #tpu.memory_space<hbm>>
      %dma_wait3A_294 = tpu.memref_squeeze %dma_wait3A_293 : memref<1x1x192xi32, #tpu.memory_space<hbm>> -> memref<192xi32, #tpu.memory_space<hbm>>
      tpu.wait_dma2 semaphore(%arg19 : memref<!tpu.dma_semaphore, #tpu.memory_space<semaphore_mem>>) src(%dma_wait3A_294 : memref<192xi32, #tpu.memory_space<hbm>>) dst(%arg12 : memref<192xi32, #tpu.memory_space<vmem>>)
      %dma_wait3A_295 = arith.constant 0 : i32
      %dma_wait3A_296 = tpu.memref_slice %arg4[%add3A_5, %arg0, %dma_wait3A_295] : memref<32x2x25600xi32, #tpu.memory_space<hbm>> -> memref<1x1x192xi32, #tpu.memory_space<hbm>>
      %dma_wait3A_297 = tpu.memref_squeeze %dma_wait3A_296 : memref<1x1x192xi32, #tpu.memory_space<hbm>> -> memref<192xi32, #tpu.memory_space<hbm>>
      %dma_wait3A_298 = arith.constant 0 : i32
      %dma_wait3A_299 = tpu.memref_slice %arg4[%add3A_5, %arg0, %dma_wait3A_298] : memref<32x2x25600xi32, #tpu.memory_space<hbm>> -> memref<1x1x192xi32, #tpu.memory_space<hbm>>
      %dma_wait3A_300 = tpu.memref_squeeze %dma_wait3A_299 : memref<1x1x192xi32, #tpu.memory_space<hbm>> -> memref<192xi32, #tpu.memory_space<hbm>>
      tpu.wait_dma2 semaphore(%arg19 : memref<!tpu.dma_semaphore, #tpu.memory_space<semaphore_mem>>) src(%dma_wait3A_300 : memref<192xi32, #tpu.memory_space<hbm>>) dst(%arg14 : memref<192xi32, #tpu.memory_space<vmem>>)
      %dma_start3A_301 = arith.constant 0 : i32
      %dma_start3A_302 = arith.constant 0 : i32
      %dma_start3A_303 = tpu.memref_slice %arg2[%dma_start3A_301, %dma_start3A_302] : memref<250880x64xf32, #tpu.memory_space<hbm>> -> memref<250880x64xf32, #tpu.memory_space<hbm>>
      tpu.enqueue_indirect_dma source(%dma_start3A_303 : memref<250880x64xf32, #tpu.memory_space<hbm>>) target(%arg10 : memref<192x64xf32, #tpu.memory_space<vmem>>) offsets(%arg12 : memref<192xi32, #tpu.memory_space<vmem>>) semaphore(%arg17 : memref<!tpu.dma_semaphore, #tpu.memory_space<semaphore_mem>>)
      %dma_wait3A_304 = arith.constant 0 : i32
      %dma_wait3A_305 = arith.constant 0 : i32
      %dma_wait3A_306 = tpu.memref_slice %arg2[%dma_wait3A_304, %dma_wait3A_305] : memref<250880x64xf32, #tpu.memory_space<hbm>> -> memref<250880x64xf32, #tpu.memory_space<hbm>>
      tpu.wait_indirect_dma semaphore(%arg16 : memref<!tpu.dma_semaphore, #tpu.memory_space<semaphore_mem>>) src(%dma_wait3A_306 : memref<250880x64xf32, #tpu.memory_space<hbm>>) dst(%arg9 : memref<192x64xf32, #tpu.memory_space<vmem>>)
      %lt3A = arith.cmpi slt, %mul3A_286, %select_n3A_29 : i32
      %convert_element_type3A = arith.extui %lt3A : i1 to i32
      %cond3A = arith.constant 0 : i32
      %cond3A_307 = arith.cmpi ne, %convert_element_type3A, %cond3A : i32
      scf.if %cond3A_307 {
        "tpu.region"() ({
          %run_scoped3A = tpu.sem_alloc : memref<!tpu.dma_semaphore, #tpu.memory_space<semaphore_mem>>
          %dma_start3A_365 = arith.constant 0 : i32
          %dma_start3A_366 = arith.constant 0 : i32
          %dma_start3A_367 = tpu.memref_slice %arg8[%dma_start3A_365, %dma_start3A_366] : memref<26112x64xf32, #tpu.memory_space<vmem_shared>> -> memref<26112x64xf32, #tpu.memory_space<vmem_shared>>
          tpu.enqueue_indirect_dma source(%arg9 : memref<192x64xf32, #tpu.memory_space<vmem>>) target(%dma_start3A_367 : memref<26112x64xf32, #tpu.memory_space<vmem_shared>>) offsets(%arg13 : memref<192xi32, #tpu.memory_space<vmem>>) semaphore(%run_scoped3A : memref<!tpu.dma_semaphore, #tpu.memory_space<semaphore_mem>>) {add = true}
          %dma_wait3A_368 = arith.constant 0 : i32
          %dma_wait3A_369 = arith.constant 0 : i32
          %dma_wait3A_370 = tpu.memref_slice %arg8[%dma_wait3A_368, %dma_wait3A_369] : memref<26112x64xf32, #tpu.memory_space<vmem_shared>> -> memref<26112x64xf32, #tpu.memory_space<vmem_shared>>
          tpu.wait_indirect_dma semaphore(%run_scoped3A : memref<!tpu.dma_semaphore, #tpu.memory_space<semaphore_mem>>) src(%arg9 : memref<192x64xf32, #tpu.memory_space<vmem>>) dst(%dma_wait3A_370 : memref<26112x64xf32, #tpu.memory_space<vmem_shared>>)
          tpu.yield
        }) : () -> ()
      } else {
      }
      %add3A_308 = arith.constant 2 : i32
      %add3A_309 = arith.addi %mul3A_286, %add3A_308 : i32
      %jit3A_310 = arith.constant 0 : i32
      %max3A_311 = arith.maxsi %jit3A_310, %add3A_309 : i32
      %min3A_312 = arith.minsi %max3A_32, %max3A_311 : i32
      %mul3A_313 = arith.constant 192 : i32
      %mul3A_314 = arith.muli %min3A_312, %mul3A_313 : i32
      %dma_start3A_315 = tpu.memref_slice %arg3[%add3A_5, %arg0, %mul3A_314] : memref<32x2x25600xi32, #tpu.memory_space<hbm>> -> memref<1x1x192xi32, #tpu.memory_space<hbm>>
      %dma_start3A_316 = tpu.memref_squeeze %dma_start3A_315 : memref<1x1x192xi32, #tpu.memory_space<hbm>> -> memref<192xi32, #tpu.memory_space<hbm>>
      %dma_start3A_317 = tpu.memref_slice %arg3[%add3A_5, %arg0, %mul3A_314] : memref<32x2x25600xi32, #tpu.memory_space<hbm>> -> memref<1x1x192xi32, #tpu.memory_space<hbm>>
      %dma_start3A_318 = tpu.memref_squeeze %dma_start3A_317 : memref<1x1x192xi32, #tpu.memory_space<hbm>> -> memref<192xi32, #tpu.memory_space<hbm>>
      tpu.enqueue_dma source(%dma_start3A_318 : memref<192xi32, #tpu.memory_space<hbm>>) target(%arg11 : memref<192xi32, #tpu.memory_space<vmem>>) target_semaphore(%arg18 : memref<!tpu.dma_semaphore, #tpu.memory_space<semaphore_mem>>)
      %mul3A_319 = arith.constant 192 : i32
      %mul3A_320 = arith.muli %min3A_312, %mul3A_319 : i32
      %dma_start3A_321 = tpu.memref_slice %arg4[%add3A_5, %arg0, %mul3A_320] : memref<32x2x25600xi32, #tpu.memory_space<hbm>> -> memref<1x1x192xi32, #tpu.memory_space<hbm>>
      %dma_start3A_322 = tpu.memref_squeeze %dma_start3A_321 : memref<1x1x192xi32, #tpu.memory_space<hbm>> -> memref<192xi32, #tpu.memory_space<hbm>>
      %dma_start3A_323 = tpu.memref_slice %arg4[%add3A_5, %arg0, %mul3A_320] : memref<32x2x25600xi32, #tpu.memory_space<hbm>> -> memref<1x1x192xi32, #tpu.memory_space<hbm>>
      %dma_start3A_324 = tpu.memref_squeeze %dma_start3A_323 : memref<1x1x192xi32, #tpu.memory_space<hbm>> -> memref<192xi32, #tpu.memory_space<hbm>>
      tpu.enqueue_dma source(%dma_start3A_324 : memref<192xi32, #tpu.memory_space<hbm>>) target(%arg13 : memref<192xi32, #tpu.memory_space<vmem>>) target_semaphore(%arg18 : memref<!tpu.dma_semaphore, #tpu.memory_space<semaphore_mem>>)
      %dma_wait3A_325 = arith.constant 0 : i32
      %dma_wait3A_326 = tpu.memref_slice %arg3[%add3A_5, %arg0, %dma_wait3A_325] : memref<32x2x25600xi32, #tpu.memory_space<hbm>> -> memref<1x1x192xi32, #tpu.memory_space<hbm>>
      %dma_wait3A_327 = tpu.memref_squeeze %dma_wait3A_326 : memref<1x1x192xi32, #tpu.memory_space<hbm>> -> memref<192xi32, #tpu.memory_space<hbm>>
      %dma_wait3A_328 = arith.constant 0 : i32
      %dma_wait3A_329 = tpu.memref_slice %arg3[%add3A_5, %arg0, %dma_wait3A_328] : memref<32x2x25600xi32, #tpu.memory_space<hbm>> -> memref<1x1x192xi32, #tpu.memory_space<hbm>>
      %dma_wait3A_330 = tpu.memref_squeeze %dma_wait3A_329 : memref<1x1x192xi32, #tpu.memory_space<hbm>> -> memref<192xi32, #tpu.memory_space<hbm>>
      tpu.wait_dma2 semaphore(%arg18 : memref<!tpu.dma_semaphore, #tpu.memory_space<semaphore_mem>>) src(%dma_wait3A_330 : memref<192xi32, #tpu.memory_space<hbm>>) dst(%arg11 : memref<192xi32, #tpu.memory_space<vmem>>)
      %dma_wait3A_331 = arith.constant 0 : i32
      %dma_wait3A_332 = tpu.memref_slice %arg4[%add3A_5, %arg0, %dma_wait3A_331] : memref<32x2x25600xi32, #tpu.memory_space<hbm>> -> memref<1x1x192xi32, #tpu.memory_space<hbm>>
      %dma_wait3A_333 = tpu.memref_squeeze %dma_wait3A_332 : memref<1x1x192xi32, #tpu.memory_space<hbm>> -> memref<192xi32, #tpu.memory_space<hbm>>
      %dma_wait3A_334 = arith.constant 0 : i32
      %dma_wait3A_335 = tpu.memref_slice %arg4[%add3A_5, %arg0, %dma_wait3A_334] : memref<32x2x25600xi32, #tpu.memory_space<hbm>> -> memref<1x1x192xi32, #tpu.memory_space<hbm>>
      %dma_wait3A_336 = tpu.memref_squeeze %dma_wait3A_335 : memref<1x1x192xi32, #tpu.memory_space<hbm>> -> memref<192xi32, #tpu.memory_space<hbm>>
      tpu.wait_dma2 semaphore(%arg18 : memref<!tpu.dma_semaphore, #tpu.memory_space<semaphore_mem>>) src(%dma_wait3A_336 : memref<192xi32, #tpu.memory_space<hbm>>) dst(%arg13 : memref<192xi32, #tpu.memory_space<vmem>>)
      %dma_start3A_337 = arith.constant 0 : i32
      %dma_start3A_338 = arith.constant 0 : i32
      %dma_start3A_339 = tpu.memref_slice %arg2[%dma_start3A_337, %dma_start3A_338] : memref<250880x64xf32, #tpu.memory_space<hbm>> -> memref<250880x64xf32, #tpu.memory_space<hbm>>
      tpu.enqueue_indirect_dma source(%dma_start3A_339 : memref<250880x64xf32, #tpu.memory_space<hbm>>) target(%arg9 : memref<192x64xf32, #tpu.memory_space<vmem>>) offsets(%arg11 : memref<192xi32, #tpu.memory_space<vmem>>) semaphore(%arg16 : memref<!tpu.dma_semaphore, #tpu.memory_space<semaphore_mem>>)
      %dma_wait3A_340 = arith.constant 0 : i32
      %dma_wait3A_341 = arith.constant 0 : i32
      %dma_wait3A_342 = tpu.memref_slice %arg2[%dma_wait3A_340, %dma_wait3A_341] : memref<250880x64xf32, #tpu.memory_space<hbm>> -> memref<250880x64xf32, #tpu.memory_space<hbm>>
      tpu.wait_indirect_dma semaphore(%arg17 : memref<!tpu.dma_semaphore, #tpu.memory_space<semaphore_mem>>) src(%dma_wait3A_342 : memref<250880x64xf32, #tpu.memory_space<hbm>>) dst(%arg10 : memref<192x64xf32, #tpu.memory_space<vmem>>)
      %lt3A_343 = arith.cmpi slt, %add3A_288, %select_n3A_29 : i32
      %convert_element_type3A_344 = arith.extui %lt3A_343 : i1 to i32
      %cond3A_345 = arith.constant 0 : i32
      %cond3A_346 = arith.cmpi ne, %convert_element_type3A_344, %cond3A_345 : i32
      scf.if %cond3A_346 {
        "tpu.region"() ({
          %run_scoped3A = tpu.sem_alloc : memref<!tpu.dma_semaphore, #tpu.memory_space<semaphore_mem>>
          %dma_start3A_365 = arith.constant 0 : i32
          %dma_start3A_366 = arith.constant 0 : i32
          %dma_start3A_367 = tpu.memref_slice %arg8[%dma_start3A_365, %dma_start3A_366] : memref<26112x64xf32, #tpu.memory_space<vmem_shared>> -> memref<26112x64xf32, #tpu.memory_space<vmem_shared>>
          tpu.enqueue_indirect_dma source(%arg10 : memref<192x64xf32, #tpu.memory_space<vmem>>) target(%dma_start3A_367 : memref<26112x64xf32, #tpu.memory_space<vmem_shared>>) offsets(%arg14 : memref<192xi32, #tpu.memory_space<vmem>>) semaphore(%run_scoped3A : memref<!tpu.dma_semaphore, #tpu.memory_space<semaphore_mem>>) {add = true}
          %dma_wait3A_368 = arith.constant 0 : i32
          %dma_wait3A_369 = arith.constant 0 : i32
          %dma_wait3A_370 = tpu.memref_slice %arg8[%dma_wait3A_368, %dma_wait3A_369] : memref<26112x64xf32, #tpu.memory_space<vmem_shared>> -> memref<26112x64xf32, #tpu.memory_space<vmem_shared>>
          tpu.wait_indirect_dma semaphore(%run_scoped3A : memref<!tpu.dma_semaphore, #tpu.memory_space<semaphore_mem>>) src(%arg10 : memref<192x64xf32, #tpu.memory_space<vmem>>) dst(%dma_wait3A_370 : memref<26112x64xf32, #tpu.memory_space<vmem_shared>>)
          tpu.yield
        }) : () -> ()
      } else {
      }
      %add3A_347 = arith.constant 2 : i32
      %add3A_348 = arith.addi %add3A_288, %add3A_347 : i32
      %jit3A_349 = arith.constant 0 : i32
      %max3A_350 = arith.maxsi %jit3A_349, %add3A_348 : i32
      %min3A_351 = arith.minsi %max3A_32, %max3A_350 : i32
      %mul3A_352 = arith.constant 192 : i32
      %mul3A_353 = arith.muli %min3A_351, %mul3A_352 : i32
      %dma_start3A_354 = tpu.memref_slice %arg3[%add3A_5, %arg0, %mul3A_353] : memref<32x2x25600xi32, #tpu.memory_space<hbm>> -> memref<1x1x192xi32, #tpu.memory_space<hbm>>
      %dma_start3A_355 = tpu.memref_squeeze %dma_start3A_354 : memref<1x1x192xi32, #tpu.memory_space<hbm>> -> memref<192xi32, #tpu.memory_space<hbm>>
      %dma_start3A_356 = tpu.memref_slice %arg3[%add3A_5, %arg0, %mul3A_353] : memref<32x2x25600xi32, #tpu.memory_space<hbm>> -> memref<1x1x192xi32, #tpu.memory_space<hbm>>
      %dma_start3A_357 = tpu.memref_squeeze %dma_start3A_356 : memref<1x1x192xi32, #tpu.memory_space<hbm>> -> memref<192xi32, #tpu.memory_space<hbm>>
      tpu.enqueue_dma source(%dma_start3A_357 : memref<192xi32, #tpu.memory_space<hbm>>) target(%arg12 : memref<192xi32, #tpu.memory_space<vmem>>) target_semaphore(%arg19 : memref<!tpu.dma_semaphore, #tpu.memory_space<semaphore_mem>>)
      %mul3A_358 = arith.constant 192 : i32
      %mul3A_359 = arith.muli %min3A_351, %mul3A_358 : i32
      %dma_start3A_360 = tpu.memref_slice %arg4[%add3A_5, %arg0, %mul3A_359] : memref<32x2x25600xi32, #tpu.memory_space<hbm>> -> memref<1x1x192xi32, #tpu.memory_space<hbm>>
      %dma_start3A_361 = tpu.memref_squeeze %dma_start3A_360 : memref<1x1x192xi32, #tpu.memory_space<hbm>> -> memref<192xi32, #tpu.memory_space<hbm>>
      %dma_start3A_362 = tpu.memref_slice %arg4[%add3A_5, %arg0, %mul3A_359] : memref<32x2x25600xi32, #tpu.memory_space<hbm>> -> memref<1x1x192xi32, #tpu.memory_space<hbm>>
      %dma_start3A_363 = tpu.memref_squeeze %dma_start3A_362 : memref<1x1x192xi32, #tpu.memory_space<hbm>> -> memref<192xi32, #tpu.memory_space<hbm>>
      tpu.enqueue_dma source(%dma_start3A_363 : memref<192xi32, #tpu.memory_space<hbm>>) target(%arg14 : memref<192xi32, #tpu.memory_space<vmem>>) target_semaphore(%arg19 : memref<!tpu.dma_semaphore, #tpu.memory_space<semaphore_mem>>)
      %while3A_364 = arith.constant 0 : i32
      scf.yield %while3A_364 : i32
    }
    %while3A_112 = arith.constant 1 : i32
    %while3A_113 = scf.for %while3A_283 = %while3A_109 to %while3A_105 step %while3A_112 iter_args(%while3A_284 = %while3A_111) -> (i32)  : i32 {
      %mul3A_285 = arith.constant 2 : i32
      %mul3A_286 = arith.muli %mul3A_285, %while3A_283 : i32
      %add3A_287 = arith.constant 1 : i32
      %add3A_288 = arith.addi %mul3A_286, %add3A_287 : i32
      %dma_wait3A_289 = arith.constant 0 : i32
      %dma_wait3A_290 = tpu.memref_slice %arg3[%add3A_5, %arg0, %dma_wait3A_289] : memref<32x2x25600xi32, #tpu.memory_space<hbm>> -> memref<1x1x192xi32, #tpu.memory_space<hbm>>
      %dma_wait3A_291 = tpu.memref_squeeze %dma_wait3A_290 : memref<1x1x192xi32, #tpu.memory_space<hbm>> -> memref<192xi32, #tpu.memory_space<hbm>>
      %dma_wait3A_292 = arith.constant 0 : i32
      %dma_wait3A_293 = tpu.memref_slice %arg3[%add3A_5, %arg0, %dma_wait3A_292] : memref<32x2x25600xi32, #tpu.memory_space<hbm>> -> memref<1x1x192xi32, #tpu.memory_space<hbm>>
      %dma_wait3A_294 = tpu.memref_squeeze %dma_wait3A_293 : memref<1x1x192xi32, #tpu.memory_space<hbm>> -> memref<192xi32, #tpu.memory_space<hbm>>
      tpu.wait_dma2 semaphore(%arg19 : memref<!tpu.dma_semaphore, #tpu.memory_space<semaphore_mem>>) src(%dma_wait3A_294 : memref<192xi32, #tpu.memory_space<hbm>>) dst(%arg12 : memref<192xi32, #tpu.memory_space<vmem>>)
      %dma_wait3A_295 = arith.constant 0 : i32
      %dma_wait3A_296 = tpu.memref_slice %arg4[%add3A_5, %arg0, %dma_wait3A_295] : memref<32x2x25600xi32, #tpu.memory_space<hbm>> -> memref<1x1x192xi32, #tpu.memory_space<hbm>>
      %dma_wait3A_297 = tpu.memref_squeeze %dma_wait3A_296 : memref<1x1x192xi32, #tpu.memory_space<hbm>> -> memref<192xi32, #tpu.memory_space<hbm>>
      %dma_wait3A_298 = arith.constant 0 : i32
      %dma_wait3A_299 = tpu.memref_slice %arg4[%add3A_5, %arg0, %dma_wait3A_298] : memref<32x2x25600xi32, #tpu.memory_space<hbm>> -> memref<1x1x192xi32, #tpu.memory_space<hbm>>
      %dma_wait3A_300 = tpu.memref_squeeze %dma_wait3A_299 : memref<1x1x192xi32, #tpu.memory_space<hbm>> -> memref<192xi32, #tpu.memory_space<hbm>>
      tpu.wait_dma2 semaphore(%arg19 : memref<!tpu.dma_semaphore, #tpu.memory_space<semaphore_mem>>) src(%dma_wait3A_300 : memref<192xi32, #tpu.memory_space<hbm>>) dst(%arg14 : memref<192xi32, #tpu.memory_space<vmem>>)
      %dma_start3A_301 = arith.constant 0 : i32
      %dma_start3A_302 = arith.constant 0 : i32
      %dma_start3A_303 = tpu.memref_slice %arg2[%dma_start3A_301, %dma_start3A_302] : memref<250880x64xf32, #tpu.memory_space<hbm>> -> memref<250880x64xf32, #tpu.memory_space<hbm>>
      tpu.enqueue_indirect_dma source(%dma_start3A_303 : memref<250880x64xf32, #tpu.memory_space<hbm>>) target(%arg10 : memref<192x64xf32, #tpu.memory_space<vmem>>) offsets(%arg12 : memref<192xi32, #tpu.memory_space<vmem>>) semaphore(%arg17 : memref<!tpu.dma_semaphore, #tpu.memory_space<semaphore_mem>>)
      %dma_wait3A_304 = arith.constant 0 : i32
      %dma_wait3A_305 = arith.constant 0 : i32
      %dma_wait3A_306 = tpu.memref_slice %arg2[%dma_wait3A_304, %dma_wait3A_305] : memref<250880x64xf32, #tpu.memory_space<hbm>> -> memref<250880x64xf32, #tpu.memory_space<hbm>>
      tpu.wait_indirect_dma semaphore(%arg16 : memref<!tpu.dma_semaphore, #tpu.memory_space<semaphore_mem>>) src(%dma_wait3A_306 : memref<250880x64xf32, #tpu.memory_space<hbm>>) dst(%arg9 : memref<192x64xf32, #tpu.memory_space<vmem>>)
      %lt3A = arith.cmpi slt, %mul3A_286, %select_n3A_29 : i32
      %convert_element_type3A = arith.extui %lt3A : i1 to i32
      %cond3A = arith.constant 0 : i32
      %cond3A_307 = arith.cmpi ne, %convert_element_type3A, %cond3A : i32
      scf.if %cond3A_307 {
        "tpu.region"() ({
          %run_scoped3A = tpu.sem_alloc : memref<!tpu.dma_semaphore, #tpu.memory_space<semaphore_mem>>
          %dma_start3A_365 = arith.constant 0 : i32
          %dma_start3A_366 = arith.constant 0 : i32
          %dma_start3A_367 = tpu.memref_slice %arg8[%dma_start3A_365, %dma_start3A_366] : memref<26112x64xf32, #tpu.memory_space<vmem_shared>> -> memref<26112x64xf32, #tpu.memory_space<vmem_shared>>
          tpu.enqueue_indirect_dma source(%arg9 : memref<192x64xf32, #tpu.memory_space<vmem>>) target(%dma_start3A_367 : memref<26112x64xf32, #tpu.memory_space<vmem_shared>>) offsets(%arg13 : memref<192xi32, #tpu.memory_space<vmem>>) semaphore(%run_scoped3A : memref<!tpu.dma_semaphore, #tpu.memory_space<semaphore_mem>>) {add = true}
          %dma_wait3A_368 = arith.constant 0 : i32
          %dma_wait3A_369 = arith.constant 0 : i32
          %dma_wait3A_370 = tpu.memref_slice %arg8[%dma_wait3A_368, %dma_wait3A_369] : memref<26112x64xf32, #tpu.memory_space<vmem_shared>> -> memref<26112x64xf32, #tpu.memory_space<vmem_shared>>
          tpu.wait_indirect_dma semaphore(%run_scoped3A : memref<!tpu.dma_semaphore, #tpu.memory_space<semaphore_mem>>) src(%arg9 : memref<192x64xf32, #tpu.memory_space<vmem>>) dst(%dma_wait3A_370 : memref<26112x64xf32, #tpu.memory_space<vmem_shared>>)
          tpu.yield
        }) : () -> ()
      } else {
      }
      %add3A_308 = arith.constant 2 : i32
      %add3A_309 = arith.addi %mul3A_286, %add3A_308 : i32
      %jit3A_310 = arith.constant 0 : i32
      %max3A_311 = arith.maxsi %jit3A_310, %add3A_309 : i32
      %min3A_312 = arith.minsi %max3A_32, %max3A_311 : i32
      %mul3A_313 = arith.constant 192 : i32
      %mul3A_314 = arith.muli %min3A_312, %mul3A_313 : i32
      %dma_start3A_315 = tpu.memref_slice %arg3[%add3A_5, %arg0, %mul3A_314] : memref<32x2x25600xi32, #tpu.memory_space<hbm>> -> memref<1x1x192xi32, #tpu.memory_space<hbm>>
      %dma_start3A_316 = tpu.memref_squeeze %dma_start3A_315 : memref<1x1x192xi32, #tpu.memory_space<hbm>> -> memref<192xi32, #tpu.memory_space<hbm>>
      %dma_start3A_317 = tpu.memref_slice %arg3[%add3A_5, %arg0, %mul3A_314] : memref<32x2x25600xi32, #tpu.memory_space<hbm>> -> memref<1x1x192xi32, #tpu.memory_space<hbm>>
      %dma_start3A_318 = tpu.memref_squeeze %dma_start3A_317 : memref<1x1x192xi32, #tpu.memory_space<hbm>> -> memref<192xi32, #tpu.memory_space<hbm>>
      tpu.enqueue_dma source(%dma_start3A_318 : memref<192xi32, #tpu.memory_space<hbm>>) target(%arg11 : memref<192xi32, #tpu.memory_space<vmem>>) target_semaphore(%arg18 : memref<!tpu.dma_semaphore, #tpu.memory_space<semaphore_mem>>)
      %mul3A_319 = arith.constant 192 : i32
      %mul3A_320 = arith.muli %min3A_312, %mul3A_319 : i32
      %dma_start3A_321 = tpu.memref_slice %arg4[%add3A_5, %arg0, %mul3A_320] : memref<32x2x25600xi32, #tpu.memory_space<hbm>> -> memref<1x1x192xi32, #tpu.memory_space<hbm>>
      %dma_start3A_322 = tpu.memref_squeeze %dma_start3A_321 : memref<1x1x192xi32, #tpu.memory_space<hbm>> -> memref<192xi32, #tpu.memory_space<hbm>>
      %dma_start3A_323 = tpu.memref_slice %arg4[%add3A_5, %arg0, %mul3A_320] : memref<32x2x25600xi32, #tpu.memory_space<hbm>> -> memref<1x1x192xi32, #tpu.memory_space<hbm>>
      %dma_start3A_324 = tpu.memref_squeeze %dma_start3A_323 : memref<1x1x192xi32, #tpu.memory_space<hbm>> -> memref<192xi32, #tpu.memory_space<hbm>>
      tpu.enqueue_dma source(%dma_start3A_324 : memref<192xi32, #tpu.memory_space<hbm>>) target(%arg13 : memref<192xi32, #tpu.memory_space<vmem>>) target_semaphore(%arg18 : memref<!tpu.dma_semaphore, #tpu.memory_space<semaphore_mem>>)
      %dma_wait3A_325 = arith.constant 0 : i32
      %dma_wait3A_326 = tpu.memref_slice %arg3[%add3A_5, %arg0, %dma_wait3A_325] : memref<32x2x25600xi32, #tpu.memory_space<hbm>> -> memref<1x1x192xi32, #tpu.memory_space<hbm>>
      %dma_wait3A_327 = tpu.memref_squeeze %dma_wait3A_326 : memref<1x1x192xi32, #tpu.memory_space<hbm>> -> memref<192xi32, #tpu.memory_space<hbm>>
      %dma_wait3A_328 = arith.constant 0 : i32
      %dma_wait3A_329 = tpu.memref_slice %arg3[%add3A_5, %arg0, %dma_wait3A_328] : memref<32x2x25600xi32, #tpu.memory_space<hbm>> -> memref<1x1x192xi32, #tpu.memory_space<hbm>>
      %dma_wait3A_330 = tpu.memref_squeeze %dma_wait3A_329 : memref<1x1x192xi32, #tpu.memory_space<hbm>> -> memref<192xi32, #tpu.memory_space<hbm>>
      tpu.wait_dma2 semaphore(%arg18 : memref<!tpu.dma_semaphore, #tpu.memory_space<semaphore_mem>>) src(%dma_wait3A_330 : memref<192xi32, #tpu.memory_space<hbm>>) dst(%arg11 : memref<192xi32, #tpu.memory_space<vmem>>)
      %dma_wait3A_331 = arith.constant 0 : i32
      %dma_wait3A_332 = tpu.memref_slice %arg4[%add3A_5, %arg0, %dma_wait3A_331] : memref<32x2x25600xi32, #tpu.memory_space<hbm>> -> memref<1x1x192xi32, #tpu.memory_space<hbm>>
      %dma_wait3A_333 = tpu.memref_squeeze %dma_wait3A_332 : memref<1x1x192xi32, #tpu.memory_space<hbm>> -> memref<192xi32, #tpu.memory_space<hbm>>
      %dma_wait3A_334 = arith.constant 0 : i32
      %dma_wait3A_335 = tpu.memref_slice %arg4[%add3A_5, %arg0, %dma_wait3A_334] : memref<32x2x25600xi32, #tpu.memory_space<hbm>> -> memref<1x1x192xi32, #tpu.memory_space<hbm>>
      %dma_wait3A_336 = tpu.memref_squeeze %dma_wait3A_335 : memref<1x1x192xi32, #tpu.memory_space<hbm>> -> memref<192xi32, #tpu.memory_space<hbm>>
      tpu.wait_dma2 semaphore(%arg18 : memref<!tpu.dma_semaphore, #tpu.memory_space<semaphore_mem>>) src(%dma_wait3A_336 : memref<192xi32, #tpu.memory_space<hbm>>) dst(%arg13 : memref<192xi32, #tpu.memory_space<vmem>>)
      %dma_start3A_337 = arith.constant 0 : i32
      %dma_start3A_338 = arith.constant 0 : i32
      %dma_start3A_339 = tpu.memref_slice %arg2[%dma_start3A_337, %dma_start3A_338] : memref<250880x64xf32, #tpu.memory_space<hbm>> -> memref<250880x64xf32, #tpu.memory_space<hbm>>
      tpu.enqueue_indirect_dma source(%dma_start3A_339 : memref<250880x64xf32, #tpu.memory_space<hbm>>) target(%arg9 : memref<192x64xf32, #tpu.memory_space<vmem>>) offsets(%arg11 : memref<192xi32, #tpu.memory_space<vmem>>) semaphore(%arg16 : memref<!tpu.dma_semaphore, #tpu.memory_space<semaphore_mem>>)
      %dma_wait3A_340 = arith.constant 0 : i32
      %dma_wait3A_341 = arith.constant 0 : i32
      %dma_wait3A_342 = tpu.memref_slice %arg2[%dma_wait3A_340, %dma_wait3A_341] : memref<250880x64xf32, #tpu.memory_space<hbm>> -> memref<250880x64xf32, #tpu.memory_space<hbm>>
      tpu.wait_indirect_dma semaphore(%arg17 : memref<!tpu.dma_semaphore, #tpu.memory_space<semaphore_mem>>) src(%dma_wait3A_342 : memref<250880x64xf32, #tpu.memory_space<hbm>>) dst(%arg10 : memref<192x64xf32, #tpu.memory_space<vmem>>)
      %lt3A_343 = arith.cmpi slt, %add3A_288, %select_n3A_29 : i32
      %convert_element_type3A_344 = arith.extui %lt3A_343 : i1 to i32
      %cond3A_345 = arith.constant 0 : i32
      %cond3A_346 = arith.cmpi ne, %convert_element_type3A_344, %cond3A_345 : i32
      scf.if %cond3A_346 {
        "tpu.region"() ({
          %run_scoped3A = tpu.sem_alloc : memref<!tpu.dma_semaphore, #tpu.memory_space<semaphore_mem>>
          %dma_start3A_365 = arith.constant 0 : i32
          %dma_start3A_366 = arith.constant 0 : i32
          %dma_start3A_367 = tpu.memref_slice %arg8[%dma_start3A_365, %dma_start3A_366] : memref<26112x64xf32, #tpu.memory_space<vmem_shared>> -> memref<26112x64xf32, #tpu.memory_space<vmem_shared>>
          tpu.enqueue_indirect_dma source(%arg10 : memref<192x64xf32, #tpu.memory_space<vmem>>) target(%dma_start3A_367 : memref<26112x64xf32, #tpu.memory_space<vmem_shared>>) offsets(%arg14 : memref<192xi32, #tpu.memory_space<vmem>>) semaphore(%run_scoped3A : memref<!tpu.dma_semaphore, #tpu.memory_space<semaphore_mem>>) {add = true}
          %dma_wait3A_368 = arith.constant 0 : i32
          %dma_wait3A_369 = arith.constant 0 : i32
          %dma_wait3A_370 = tpu.memref_slice %arg8[%dma_wait3A_368, %dma_wait3A_369] : memref<26112x64xf32, #tpu.memory_space<vmem_shared>> -> memref<26112x64xf32, #tpu.memory_space<vmem_shared>>
          tpu.wait_indirect_dma semaphore(%run_scoped3A : memref<!tpu.dma_semaphore, #tpu.memory_space<semaphore_mem>>) src(%arg10 : memref<192x64xf32, #tpu.memory_space<vmem>>) dst(%dma_wait3A_370 : memref<26112x64xf32, #tpu.memory_space<vmem_shared>>)
          tpu.yield
        }) : () -> ()
      } else {
      }
      %add3A_347 = arith.constant 2 : i32
      %add3A_348 = arith.addi %add3A_288, %add3A_347 : i32
      %jit3A_349 = arith.constant 0 : i32
      %max3A_350 = arith.maxsi %jit3A_349, %add3A_348 : i32
      %min3A_351 = arith.minsi %max3A_32, %max3A_350 : i32
      %mul3A_352 = arith.constant 192 : i32
      %mul3A_353 = arith.muli %min3A_351, %mul3A_352 : i32
      %dma_start3A_354 = tpu.memref_slice %arg3[%add3A_5, %arg0, %mul3A_353] : memref<32x2x25600xi32, #tpu.memory_space<hbm>> -> memref<1x1x192xi32, #tpu.memory_space<hbm>>
      %dma_start3A_355 = tpu.memref_squeeze %dma_start3A_354 : memref<1x1x192xi32, #tpu.memory_space<hbm>> -> memref<192xi32, #tpu.memory_space<hbm>>
      %dma_start3A_356 = tpu.memref_slice %arg3[%add3A_5, %arg0, %mul3A_353] : memref<32x2x25600xi32, #tpu.memory_space<hbm>> -> memref<1x1x192xi32, #tpu.memory_space<hbm>>
      %dma_start3A_357 = tpu.memref_squeeze %dma_start3A_356 : memref<1x1x192xi32, #tpu.memory_space<hbm>> -> memref<192xi32, #tpu.memory_space<hbm>>
      tpu.enqueue_dma source(%dma_start3A_357 : memref<192xi32, #tpu.memory_space<hbm>>) target(%arg12 : memref<192xi32, #tpu.memory_space<vmem>>) target_semaphore(%arg19 : memref<!tpu.dma_semaphore, #tpu.memory_space<semaphore_mem>>)
      %mul3A_358 = arith.constant 192 : i32
      %mul3A_359 = arith.muli %min3A_351, %mul3A_358 : i32
      %dma_start3A_360 = tpu.memref_slice %arg4[%add3A_5, %arg0, %mul3A_359] : memref<32x2x25600xi32, #tpu.memory_space<hbm>> -> memref<1x1x192xi32, #tpu.memory_space<hbm>>
      %dma_start3A_361 = tpu.memref_squeeze %dma_start3A_360 : memref<1x1x192xi32, #tpu.memory_space<hbm>> -> memref<192xi32, #tpu.memory_space<hbm>>
      %dma_start3A_362 = tpu.memref_slice %arg4[%add3A_5, %arg0, %mul3A_359] : memref<32x2x25600xi32, #tpu.memory_space<hbm>> -> memref<1x1x192xi32, #tpu.memory_space<hbm>>
      %dma_start3A_363 = tpu.memref_squeeze %dma_start3A_362 : memref<1x1x192xi32, #tpu.memory_space<hbm>> -> memref<192xi32, #tpu.memory_space<hbm>>
      tpu.enqueue_dma source(%dma_start3A_363 : memref<192xi32, #tpu.memory_space<hbm>>) target(%arg14 : memref<192xi32, #tpu.memory_space<vmem>>) target_semaphore(%arg19 : memref<!tpu.dma_semaphore, #tpu.memory_space<semaphore_mem>>)
      %while3A_364 = arith.constant 0 : i32
      scf.yield %while3A_364 : i32
    }
    %dma_wait3A_114 = arith.constant 0 : i32
    %dma_wait3A_115 = arith.constant 0 : i32
    %dma_wait3A_116 = tpu.memref_slice %arg2[%dma_wait3A_114, %dma_wait3A_115] : memref<250880x64xf32, #tpu.memory_space<hbm>> -> memref<250880x64xf32, #tpu.memory_space<hbm>>
    tpu.wait_indirect_dma semaphore(%arg16 : memref<!tpu.dma_semaphore, #tpu.memory_space<semaphore_mem>>) src(%dma_wait3A_116 : memref<250880x64xf32, #tpu.memory_space<hbm>>) dst(%arg9 : memref<192x64xf32, #tpu.memory_space<vmem>>)
    %dma_wait3A_117 = arith.constant 0 : i32
    %dma_wait3A_118 = tpu.memref_slice %arg3[%add3A_5, %arg0, %dma_wait3A_117] : memref<32x2x25600xi32, #tpu.memory_space<hbm>> -> memref<1x1x192xi32, #tpu.memory_space<hbm>>
    %dma_wait3A_119 = tpu.memref_squeeze %dma_wait3A_118 : memref<1x1x192xi32, #tpu.memory_space<hbm>> -> memref<192xi32, #tpu.memory_space<hbm>>
    %dma_wait3A_120 = arith.constant 0 : i32
    %dma_wait3A_121 = tpu.memref_slice %arg3[%add3A_5, %arg0, %dma_wait3A_120] : memref<32x2x25600xi32, #tpu.memory_space<hbm>> -> memref<1x1x192xi32, #tpu.memory_space<hbm>>
    %dma_wait3A_122 = tpu.memref_squeeze %dma_wait3A_121 : memref<1x1x192xi32, #tpu.memory_space<hbm>> -> memref<192xi32, #tpu.memory_space<hbm>>
    tpu.wait_dma2 semaphore(%arg19 : memref<!tpu.dma_semaphore, #tpu.memory_space<semaphore_mem>>) src(%dma_wait3A_122 : memref<192xi32, #tpu.memory_space<hbm>>) dst(%arg12 : memref<192xi32, #tpu.memory_space<vmem>>)
    %dma_wait3A_123 = arith.constant 0 : i32
    %dma_wait3A_124 = tpu.memref_slice %arg4[%add3A_5, %arg0, %dma_wait3A_123] : memref<32x2x25600xi32, #tpu.memory_space<hbm>> -> memref<1x1x192xi32, #tpu.memory_space<hbm>>
    %dma_wait3A_125 = tpu.memref_squeeze %dma_wait3A_124 : memref<1x1x192xi32, #tpu.memory_space<hbm>> -> memref<192xi32, #tpu.memory_space<hbm>>
    %dma_wait3A_126 = arith.constant 0 : i32
    %dma_wait3A_127 = tpu.memref_slice %arg4[%add3A_5, %arg0, %dma_wait3A_126] : memref<32x2x25600xi32, #tpu.memory_space<hbm>> -> memref<1x1x192xi32, #tpu.memory_space<hbm>>
    %dma_wait3A_128 = tpu.memref_squeeze %dma_wait3A_127 : memref<1x1x192xi32, #tpu.memory_space<hbm>> -> memref<192xi32, #tpu.memory_space<hbm>>
    tpu.wait_dma2 semaphore(%arg19 : memref<!tpu.dma_semaphore, #tpu.memory_space<semaphore_mem>>) src(%dma_wait3A_128 : memref<192xi32, #tpu.memory_space<hbm>>) dst(%arg14 : memref<192xi32, #tpu.memory_space<vmem>>)
    %mul3A_129 = arith.constant 2 : i32
    %mul3A_130 = arith.muli %arg1, %mul3A_129 : i32
    %add3A_131 = arith.constant 1 : i32
    %add3A_132 = arith.addi %mul3A_130, %add3A_131 : i32
    "tpu.region"() ({
      %run_scoped3A = tpu.sem_alloc : memref<!tpu.dma_semaphore, #tpu.memory_space<semaphore_mem>>
      %dma_start3A_283 = arith.constant 0 : i32
      %dma_start3A_284 = tpu.memref_slice %arg5[%add3A_132, %dma_start3A_283] : memref<32x16xi32, #tpu.memory_space<hbm>> -> memref<1x16xi32, #tpu.memory_space<hbm>>
      %dma_start3A_285 = tpu.memref_squeeze %dma_start3A_284 : memref<1x16xi32, #tpu.memory_space<hbm>> -> memref<16xi32, #tpu.memory_space<hbm>>
      %dma_start3A_286 = arith.constant 0 : i32
      %dma_start3A_287 = tpu.memref_slice %arg5[%add3A_132, %dma_start3A_286] : memref<32x16xi32, #tpu.memory_space<hbm>> -> memref<1x16xi32, #tpu.memory_space<hbm>>
      %dma_start3A_288 = tpu.memref_squeeze %dma_start3A_287 : memref<1x16xi32, #tpu.memory_space<hbm>> -> memref<16xi32, #tpu.memory_space<hbm>>
      tpu.enqueue_dma source(%dma_start3A_288 : memref<16xi32, #tpu.memory_space<hbm>>) target(%arg15 : memref<16xi32, #tpu.memory_space<vmem>>) target_semaphore(%run_scoped3A : memref<!tpu.dma_semaphore, #tpu.memory_space<semaphore_mem>>)
      %dma_wait3A_289 = arith.constant 0 : i32
      %dma_wait3A_290 = tpu.memref_slice %arg5[%add3A_132, %dma_wait3A_289] : memref<32x16xi32, #tpu.memory_space<hbm>> -> memref<1x16xi32, #tpu.memory_space<hbm>>
      %dma_wait3A_291 = tpu.memref_squeeze %dma_wait3A_290 : memref<1x16xi32, #tpu.memory_space<hbm>> -> memref<16xi32, #tpu.memory_space<hbm>>
      %dma_wait3A_292 = arith.constant 0 : i32
      %dma_wait3A_293 = tpu.memref_slice %arg5[%add3A_132, %dma_wait3A_292] : memref<32x16xi32, #tpu.memory_space<hbm>> -> memref<1x16xi32, #tpu.memory_space<hbm>>
      %dma_wait3A_294 = tpu.memref_squeeze %dma_wait3A_293 : memref<1x16xi32, #tpu.memory_space<hbm>> -> memref<16xi32, #tpu.memory_space<hbm>>
      tpu.wait_dma2 semaphore(%run_scoped3A : memref<!tpu.dma_semaphore, #tpu.memory_space<semaphore_mem>>) src(%dma_wait3A_294 : memref<16xi32, #tpu.memory_space<hbm>>) dst(%arg15 : memref<16xi32, #tpu.memory_space<vmem>>)
      tpu.yield
    }) : () -> ()
    %broadcast_in_dim3A_133 = vector.broadcast %arg0 : i32 to vector<16xi32>
    %eq3A_134 = arith.cmpi eq, %iota3A, %broadcast_in_dim3A_133 : vector<16xi32>
    %get3A_135 = arith.constant 0 : index
    %get3A_136 = tpu.vector_load %arg15[%get3A_135] {strides = array<i32>} : memref<16xi32, #tpu.memory_space<vmem>>, vector<16xi32>,
    %broadcast_in_dim3A_137 = arith.constant 0 : i32
    %broadcast_in_dim3A_138 = vector.broadcast %broadcast_in_dim3A_137 : i32 to vector<16xi32>
    %select_n3A_139 = arith.select %eq3A_134, %get3A_136, %broadcast_in_dim3A_138 : vector<16xi1>, vector<16xi32>
    %broadcast_in_dim3A_140 = arith.constant true
    %broadcast_in_dim3A_141 = vector.broadcast %broadcast_in_dim3A_140 : i1 to vector<16xi1>
    %masked_cumsum3A_142 = tpu.scan <sum>, %select_n3A_139 masked %broadcast_in_dim3A_141 : vector<16xi32>, vector<16xi1> -> vector<16xi32>
    %slice3A_143 = vector.extract_strided_slice %masked_cumsum3A_142 {offsets = [15], sizes = [1], strides = [1]} : vector<16xi32> to vector<1xi32>
    %squeeze3A_144 = vector.extract %slice3A_143[0] : i32 from vector<1xi32>
    %add3A_145 = arith.constant 191 : i32
    %add3A_146 = arith.addi %squeeze3A_144, %add3A_145 : i32
    %jit3A_147 = arith.constant 192 : i32
    %div3A_148 = arith.divsi %add3A_146, %jit3A_147 : i32
    %sign3A_149 = arith.constant 0 : i32
    %sign3A_150 = arith.cmpi sgt, %add3A_146, %sign3A_149 : i32
    %sign3A_151 = arith.extui %sign3A_150 : i1 to i32
    %sign3A_152 = arith.constant 0 : i32
    %sign3A_153 = arith.cmpi slt, %add3A_146, %sign3A_152 : i32
    %sign3A_154 = arith.extui %sign3A_153 : i1 to i32
    %sign3A_155 = arith.subi %sign3A_151, %sign3A_154 : i32
    %sign3A_156 = arith.constant 0 : i32
    %sign3A_157 = arith.cmpi sgt, %jit3A_147, %sign3A_156 : i32
    %sign3A_158 = arith.extui %sign3A_157 : i1 to i32
    %sign3A_159 = arith.constant 0 : i32
    %sign3A_160 = arith.cmpi slt, %jit3A_147, %sign3A_159 : i32
    %sign3A_161 = arith.extui %sign3A_160 : i1 to i32
    %sign3A_162 = arith.subi %sign3A_158, %sign3A_161 : i32
    %ne3A_163 = arith.cmpi ne, %sign3A_155, %sign3A_162 : i32
    %rem3A_164 = arith.remsi %add3A_146, %jit3A_147 : i32
    %ne3A_165 = arith.constant 0 : i32
    %ne3A_166 = arith.cmpi ne, %rem3A_164, %ne3A_165 : i32
    %and3A_167 = arith.andi %ne3A_163, %ne3A_166 : i1
    %sub3A_168 = arith.constant 1 : i32
    %sub3A_169 = arith.subi %div3A_148, %sub3A_168 : i32
    %select_n3A_170 = arith.select %and3A_167, %sub3A_169, %div3A_148 : i32
    %sub3A_171 = arith.constant 1 : i32
    %sub3A_172 = arith.subi %select_n3A_170, %sub3A_171 : i32
    %max3A_173 = arith.constant 0 : i32
    %max3A_174 = arith.maxsi %sub3A_172, %max3A_173 : i32
    %jit3A_175 = arith.constant 0 : i32
    %jit3A_176 = arith.constant 0 : i32
    %max3A_177 = arith.maxsi %jit3A_176, %jit3A_175 : i32
    %min3A_178 = arith.minsi %max3A_174, %max3A_177 : i32
    %mul3A_179 = arith.constant 192 : i32
    %mul3A_180 = arith.muli %min3A_178, %mul3A_179 : i32
    %dma_start3A_181 = tpu.memref_slice %arg3[%add3A_132, %arg0, %mul3A_180] : memref<32x2x25600xi32, #tpu.memory_space<hbm>> -> memref<1x1x192xi32, #tpu.memory_space<hbm>>
    %dma_start3A_182 = tpu.memref_squeeze %dma_start3A_181 : memref<1x1x192xi32, #tpu.memory_space<hbm>> -> memref<192xi32, #tpu.memory_space<hbm>>
    %dma_start3A_183 = tpu.memref_slice %arg3[%add3A_132, %arg0, %mul3A_180] : memref<32x2x25600xi32, #tpu.memory_space<hbm>> -> memref<1x1x192xi32, #tpu.memory_space<hbm>>
    %dma_start3A_184 = tpu.memref_squeeze %dma_start3A_183 : memref<1x1x192xi32, #tpu.memory_space<hbm>> -> memref<192xi32, #tpu.memory_space<hbm>>
    tpu.enqueue_dma source(%dma_start3A_184 : memref<192xi32, #tpu.memory_space<hbm>>) target(%arg11 : memref<192xi32, #tpu.memory_space<vmem>>) target_semaphore(%arg18 : memref<!tpu.dma_semaphore, #tpu.memory_space<semaphore_mem>>)
    %mul3A_185 = arith.constant 192 : i32
    %mul3A_186 = arith.muli %min3A_178, %mul3A_185 : i32
    %dma_start3A_187 = tpu.memref_slice %arg4[%add3A_132, %arg0, %mul3A_186] : memref<32x2x25600xi32, #tpu.memory_space<hbm>> -> memref<1x1x192xi32, #tpu.memory_space<hbm>>
    %dma_start3A_188 = tpu.memref_squeeze %dma_start3A_187 : memref<1x1x192xi32, #tpu.memory_space<hbm>> -> memref<192xi32, #tpu.memory_space<hbm>>
    %dma_start3A_189 = tpu.memref_slice %arg4[%add3A_132, %arg0, %mul3A_186] : memref<32x2x25600xi32, #tpu.memory_space<hbm>> -> memref<1x1x192xi32, #tpu.memory_space<hbm>>
    %dma_start3A_190 = tpu.memref_squeeze %dma_start3A_189 : memref<1x1x192xi32, #tpu.memory_space<hbm>> -> memref<192xi32, #tpu.memory_space<hbm>>
    tpu.enqueue_dma source(%dma_start3A_190 : memref<192xi32, #tpu.memory_space<hbm>>) target(%arg13 : memref<192xi32, #tpu.memory_space<vmem>>) target_semaphore(%arg18 : memref<!tpu.dma_semaphore, #tpu.memory_space<semaphore_mem>>)
    %dma_wait3A_191 = arith.constant 0 : i32
    %dma_wait3A_192 = tpu.memref_slice %arg3[%add3A_132, %arg0, %dma_wait3A_191] : memref<32x2x25600xi32, #tpu.memory_space<hbm>> -> memref<1x1x192xi32, #tpu.memory_space<hbm>>
    %dma_wait3A_193 = tpu.memref_squeeze %dma_wait3A_192 : memref<1x1x192xi32, #tpu.memory_space<hbm>> -> memref<192xi32, #tpu.memory_space<hbm>>
    %dma_wait3A_194 = arith.constant 0 : i32
    %dma_wait3A_195 = tpu.memref_slice %arg3[%add3A_132, %arg0, %dma_wait3A_194] : memref<32x2x25600xi32, #tpu.memory_space<hbm>> -> memref<1x1x192xi32, #tpu.memory_space<hbm>>
    %dma_wait3A_196 = tpu.memref_squeeze %dma_wait3A_195 : memref<1x1x192xi32, #tpu.memory_space<hbm>> -> memref<192xi32, #tpu.memory_space<hbm>>
    tpu.wait_dma2 semaphore(%arg18 : memref<!tpu.dma_semaphore, #tpu.memory_space<semaphore_mem>>) src(%dma_wait3A_196 : memref<192xi32, #tpu.memory_space<hbm>>) dst(%arg11 : memref<192xi32, #tpu.memory_space<vmem>>)
    %dma_wait3A_197 = arith.constant 0 : i32
    %dma_wait3A_198 = tpu.memref_slice %arg4[%add3A_132, %arg0, %dma_wait3A_197] : memref<32x2x25600xi32, #tpu.memory_space<hbm>> -> memref<1x1x192xi32, #tpu.memory_space<hbm>>
    %dma_wait3A_199 = tpu.memref_squeeze %dma_wait3A_198 : memref<1x1x192xi32, #tpu.memory_space<hbm>> -> memref<192xi32, #tpu.memory_space<hbm>>
    %dma_wait3A_200 = arith.constant 0 : i32
    %dma_wait3A_201 = tpu.memref_slice %arg4[%add3A_132, %arg0, %dma_wait3A_200] : memref<32x2x25600xi32, #tpu.memory_space<hbm>> -> memref<1x1x192xi32, #tpu.memory_space<hbm>>
    %dma_wait3A_202 = tpu.memref_squeeze %dma_wait3A_201 : memref<1x1x192xi32, #tpu.memory_space<hbm>> -> memref<192xi32, #tpu.memory_space<hbm>>
    tpu.wait_dma2 semaphore(%arg18 : memref<!tpu.dma_semaphore, #tpu.memory_space<semaphore_mem>>) src(%dma_wait3A_202 : memref<192xi32, #tpu.memory_space<hbm>>) dst(%arg13 : memref<192xi32, #tpu.memory_space<vmem>>)
    %dma_start3A_203 = arith.constant 0 : i32
    %dma_start3A_204 = arith.constant 0 : i32
    %dma_start3A_205 = tpu.memref_slice %arg2[%dma_start3A_203, %dma_start3A_204] : memref<250880x64xf32, #tpu.memory_space<hbm>> -> memref<250880x64xf32, #tpu.memory_space<hbm>>
    tpu.enqueue_indirect_dma source(%dma_start3A_205 : memref<250880x64xf32, #tpu.memory_space<hbm>>) target(%arg9 : memref<192x64xf32, #tpu.memory_space<vmem>>) offsets(%arg11 : memref<192xi32, #tpu.memory_space<vmem>>) semaphore(%arg16 : memref<!tpu.dma_semaphore, #tpu.memory_space<semaphore_mem>>)
    %jit3A_206 = arith.constant 1 : i32
    %jit3A_207 = arith.constant 0 : i32
    %max3A_208 = arith.maxsi %jit3A_207, %jit3A_206 : i32
    %min3A_209 = arith.minsi %max3A_174, %max3A_208 : i32
    %mul3A_210 = arith.constant 192 : i32
    %mul3A_211 = arith.muli %min3A_209, %mul3A_210 : i32
    %dma_start3A_212 = tpu.memref_slice %arg3[%add3A_132, %arg0, %mul3A_211] : memref<32x2x25600xi32, #tpu.memory_space<hbm>> -> memref<1x1x192xi32, #tpu.memory_space<hbm>>
    %dma_start3A_213 = tpu.memref_squeeze %dma_start3A_212 : memref<1x1x192xi32, #tpu.memory_space<hbm>> -> memref<192xi32, #tpu.memory_space<hbm>>
    %dma_start3A_214 = tpu.memref_slice %arg3[%add3A_132, %arg0, %mul3A_211] : memref<32x2x25600xi32, #tpu.memory_space<hbm>> -> memref<1x1x192xi32, #tpu.memory_space<hbm>>
    %dma_start3A_215 = tpu.memref_squeeze %dma_start3A_214 : memref<1x1x192xi32, #tpu.memory_space<hbm>> -> memref<192xi32, #tpu.memory_space<hbm>>
    tpu.enqueue_dma source(%dma_start3A_215 : memref<192xi32, #tpu.memory_space<hbm>>) target(%arg12 : memref<192xi32, #tpu.memory_space<vmem>>) target_semaphore(%arg19 : memref<!tpu.dma_semaphore, #tpu.memory_space<semaphore_mem>>)
    %mul3A_216 = arith.constant 192 : i32
    %mul3A_217 = arith.muli %min3A_209, %mul3A_216 : i32
    %dma_start3A_218 = tpu.memref_slice %arg4[%add3A_132, %arg0, %mul3A_217] : memref<32x2x25600xi32, #tpu.memory_space<hbm>> -> memref<1x1x192xi32, #tpu.memory_space<hbm>>
    %dma_start3A_219 = tpu.memref_squeeze %dma_start3A_218 : memref<1x1x192xi32, #tpu.memory_space<hbm>> -> memref<192xi32, #tpu.memory_space<hbm>>
    %dma_start3A_220 = tpu.memref_slice %arg4[%add3A_132, %arg0, %mul3A_217] : memref<32x2x25600xi32, #tpu.memory_space<hbm>> -> memref<1x1x192xi32, #tpu.memory_space<hbm>>
    %dma_start3A_221 = tpu.memref_squeeze %dma_start3A_220 : memref<1x1x192xi32, #tpu.memory_space<hbm>> -> memref<192xi32, #tpu.memory_space<hbm>>
    tpu.enqueue_dma source(%dma_start3A_221 : memref<192xi32, #tpu.memory_space<hbm>>) target(%arg14 : memref<192xi32, #tpu.memory_space<vmem>>) target_semaphore(%arg19 : memref<!tpu.dma_semaphore, #tpu.memory_space<semaphore_mem>>)
    %add3A_222 = arith.constant 1 : i32
    %add3A_223 = arith.addi %select_n3A_170, %add3A_222 : i32
    %jit3A_224 = arith.constant 2 : i32
    %div3A_225 = arith.divsi %add3A_223, %jit3A_224 : i32
    %sign3A_226 = arith.constant 0 : i32
    %sign3A_227 = arith.cmpi sgt, %add3A_223, %sign3A_226 : i32
    %sign3A_228 = arith.extui %sign3A_227 : i1 to i32
    %sign3A_229 = arith.constant 0 : i32
    %sign3A_230 = arith.cmpi slt, %add3A_223, %sign3A_229 : i32
    %sign3A_231 = arith.extui %sign3A_230 : i1 to i32
    %sign3A_232 = arith.subi %sign3A_228, %sign3A_231 : i32
    %sign3A_233 = arith.constant 0 : i32
    %sign3A_234 = arith.cmpi sgt, %jit3A_224, %sign3A_233 : i32
    %sign3A_235 = arith.extui %sign3A_234 : i1 to i32
    %sign3A_236 = arith.constant 0 : i32
    %sign3A_237 = arith.cmpi slt, %jit3A_224, %sign3A_236 : i32
    %sign3A_238 = arith.extui %sign3A_237 : i1 to i32
    %sign3A_239 = arith.subi %sign3A_235, %sign3A_238 : i32
    %ne3A_240 = arith.cmpi ne, %sign3A_232, %sign3A_239 : i32
    %rem3A_241 = arith.remsi %add3A_223, %jit3A_224 : i32
    %ne3A_242 = arith.constant 0 : i32
    %ne3A_243 = arith.cmpi ne, %rem3A_241, %ne3A_242 : i32
    %and3A_244 = arith.andi %ne3A_240, %ne3A_243 : i1
    %sub3A_245 = arith.constant 1 : i32
    %sub3A_246 = arith.subi %div3A_225, %sub3A_245 : i32
    %select_n3A_247 = arith.select %and3A_244, %sub3A_246, %div3A_225 : i32
    %while3A_248 = arith.constant 0 : i32
    %while3A_249 = arith.constant 0 : i32
    %while3A_250 = arith.subi %select_n3A_247, %while3A_248 : i32
    %while3A_251 = arith.addi %while3A_248, %while3A_250 : i32
    %while3A_252 = arith.constant 1 : i32
    %while3A_253 = arith.divsi %while3A_250, %while3A_252 : i32
    %while3A_254 = arith.muli %while3A_253, %while3A_252 : i32
    %while3A_255 = arith.addi %while3A_248, %while3A_254 : i32
    %while3A_256 = arith.constant 1 : i32
    %while3A_257 = scf.for %while3A_283 = %while3A_248 to %while3A_255 step %while3A_256 iter_args(%while3A_284 = %while3A_249) -> (i32)  : i32 {
      %mul3A_285 = arith.constant 2 : i32
      %mul3A_286 = arith.muli %mul3A_285, %while3A_283 : i32
      %add3A_287 = arith.constant 1 : i32
      %add3A_288 = arith.addi %mul3A_286, %add3A_287 : i32
      %dma_wait3A_289 = arith.constant 0 : i32
      %dma_wait3A_290 = tpu.memref_slice %arg3[%add3A_132, %arg0, %dma_wait3A_289] : memref<32x2x25600xi32, #tpu.memory_space<hbm>> -> memref<1x1x192xi32, #tpu.memory_space<hbm>>
      %dma_wait3A_291 = tpu.memref_squeeze %dma_wait3A_290 : memref<1x1x192xi32, #tpu.memory_space<hbm>> -> memref<192xi32, #tpu.memory_space<hbm>>
      %dma_wait3A_292 = arith.constant 0 : i32
      %dma_wait3A_293 = tpu.memref_slice %arg3[%add3A_132, %arg0, %dma_wait3A_292] : memref<32x2x25600xi32, #tpu.memory_space<hbm>> -> memref<1x1x192xi32, #tpu.memory_space<hbm>>
      %dma_wait3A_294 = tpu.memref_squeeze %dma_wait3A_293 : memref<1x1x192xi32, #tpu.memory_space<hbm>> -> memref<192xi32, #tpu.memory_space<hbm>>
      tpu.wait_dma2 semaphore(%arg19 : memref<!tpu.dma_semaphore, #tpu.memory_space<semaphore_mem>>) src(%dma_wait3A_294 : memref<192xi32, #tpu.memory_space<hbm>>) dst(%arg12 : memref<192xi32, #tpu.memory_space<vmem>>)
      %dma_wait3A_295 = arith.constant 0 : i32
      %dma_wait3A_296 = tpu.memref_slice %arg4[%add3A_132, %arg0, %dma_wait3A_295] : memref<32x2x25600xi32, #tpu.memory_space<hbm>> -> memref<1x1x192xi32, #tpu.memory_space<hbm>>
      %dma_wait3A_297 = tpu.memref_squeeze %dma_wait3A_296 : memref<1x1x192xi32, #tpu.memory_space<hbm>> -> memref<192xi32, #tpu.memory_space<hbm>>
      %dma_wait3A_298 = arith.constant 0 : i32
      %dma_wait3A_299 = tpu.memref_slice %arg4[%add3A_132, %arg0, %dma_wait3A_298] : memref<32x2x25600xi32, #tpu.memory_space<hbm>> -> memref<1x1x192xi32, #tpu.memory_space<hbm>>
      %dma_wait3A_300 = tpu.memref_squeeze %dma_wait3A_299 : memref<1x1x192xi32, #tpu.memory_space<hbm>> -> memref<192xi32, #tpu.memory_space<hbm>>
      tpu.wait_dma2 semaphore(%arg19 : memref<!tpu.dma_semaphore, #tpu.memory_space<semaphore_mem>>) src(%dma_wait3A_300 : memref<192xi32, #tpu.memory_space<hbm>>) dst(%arg14 : memref<192xi32, #tpu.memory_space<vmem>>)
      %dma_start3A_301 = arith.constant 0 : i32
      %dma_start3A_302 = arith.constant 0 : i32
      %dma_start3A_303 = tpu.memref_slice %arg2[%dma_start3A_301, %dma_start3A_302] : memref<250880x64xf32, #tpu.memory_space<hbm>> -> memref<250880x64xf32, #tpu.memory_space<hbm>>
      tpu.enqueue_indirect_dma source(%dma_start3A_303 : memref<250880x64xf32, #tpu.memory_space<hbm>>) target(%arg10 : memref<192x64xf32, #tpu.memory_space<vmem>>) offsets(%arg12 : memref<192xi32, #tpu.memory_space<vmem>>) semaphore(%arg17 : memref<!tpu.dma_semaphore, #tpu.memory_space<semaphore_mem>>)
      %dma_wait3A_304 = arith.constant 0 : i32
      %dma_wait3A_305 = arith.constant 0 : i32
      %dma_wait3A_306 = tpu.memref_slice %arg2[%dma_wait3A_304, %dma_wait3A_305] : memref<250880x64xf32, #tpu.memory_space<hbm>> -> memref<250880x64xf32, #tpu.memory_space<hbm>>
      tpu.wait_indirect_dma semaphore(%arg16 : memref<!tpu.dma_semaphore, #tpu.memory_space<semaphore_mem>>) src(%dma_wait3A_306 : memref<250880x64xf32, #tpu.memory_space<hbm>>) dst(%arg9 : memref<192x64xf32, #tpu.memory_space<vmem>>)
      %lt3A = arith.cmpi slt, %mul3A_286, %select_n3A_170 : i32
      %convert_element_type3A = arith.extui %lt3A : i1 to i32
      %cond3A = arith.constant 0 : i32
      %cond3A_307 = arith.cmpi ne, %convert_element_type3A, %cond3A : i32
      scf.if %cond3A_307 {
        "tpu.region"() ({
          %run_scoped3A = tpu.sem_alloc : memref<!tpu.dma_semaphore, #tpu.memory_space<semaphore_mem>>
          %dma_start3A_365 = arith.constant 0 : i32
          %dma_start3A_366 = arith.constant 0 : i32
          %dma_start3A_367 = tpu.memref_slice %arg8[%dma_start3A_365, %dma_start3A_366] : memref<26112x64xf32, #tpu.memory_space<vmem_shared>> -> memref<26112x64xf32, #tpu.memory_space<vmem_shared>>
          tpu.enqueue_indirect_dma source(%arg9 : memref<192x64xf32, #tpu.memory_space<vmem>>) target(%dma_start3A_367 : memref<26112x64xf32, #tpu.memory_space<vmem_shared>>) offsets(%arg13 : memref<192xi32, #tpu.memory_space<vmem>>) semaphore(%run_scoped3A : memref<!tpu.dma_semaphore, #tpu.memory_space<semaphore_mem>>) {add = true}
          %dma_wait3A_368 = arith.constant 0 : i32
          %dma_wait3A_369 = arith.constant 0 : i32
          %dma_wait3A_370 = tpu.memref_slice %arg8[%dma_wait3A_368, %dma_wait3A_369] : memref<26112x64xf32, #tpu.memory_space<vmem_shared>> -> memref<26112x64xf32, #tpu.memory_space<vmem_shared>>
          tpu.wait_indirect_dma semaphore(%run_scoped3A : memref<!tpu.dma_semaphore, #tpu.memory_space<semaphore_mem>>) src(%arg9 : memref<192x64xf32, #tpu.memory_space<vmem>>) dst(%dma_wait3A_370 : memref<26112x64xf32, #tpu.memory_space<vmem_shared>>)
          tpu.yield
        }) : () -> ()
      } else {
      }
      %add3A_308 = arith.constant 2 : i32
      %add3A_309 = arith.addi %mul3A_286, %add3A_308 : i32
      %jit3A_310 = arith.constant 0 : i32
      %max3A_311 = arith.maxsi %jit3A_310, %add3A_309 : i32
      %min3A_312 = arith.minsi %max3A_174, %max3A_311 : i32
      %mul3A_313 = arith.constant 192 : i32
      %mul3A_314 = arith.muli %min3A_312, %mul3A_313 : i32
      %dma_start3A_315 = tpu.memref_slice %arg3[%add3A_132, %arg0, %mul3A_314] : memref<32x2x25600xi32, #tpu.memory_space<hbm>> -> memref<1x1x192xi32, #tpu.memory_space<hbm>>
      %dma_start3A_316 = tpu.memref_squeeze %dma_start3A_315 : memref<1x1x192xi32, #tpu.memory_space<hbm>> -> memref<192xi32, #tpu.memory_space<hbm>>
      %dma_start3A_317 = tpu.memref_slice %arg3[%add3A_132, %arg0, %mul3A_314] : memref<32x2x25600xi32, #tpu.memory_space<hbm>> -> memref<1x1x192xi32, #tpu.memory_space<hbm>>
      %dma_start3A_318 = tpu.memref_squeeze %dma_start3A_317 : memref<1x1x192xi32, #tpu.memory_space<hbm>> -> memref<192xi32, #tpu.memory_space<hbm>>
      tpu.enqueue_dma source(%dma_start3A_318 : memref<192xi32, #tpu.memory_space<hbm>>) target(%arg11 : memref<192xi32, #tpu.memory_space<vmem>>) target_semaphore(%arg18 : memref<!tpu.dma_semaphore, #tpu.memory_space<semaphore_mem>>)
      %mul3A_319 = arith.constant 192 : i32
      %mul3A_320 = arith.muli %min3A_312, %mul3A_319 : i32
      %dma_start3A_321 = tpu.memref_slice %arg4[%add3A_132, %arg0, %mul3A_320] : memref<32x2x25600xi32, #tpu.memory_space<hbm>> -> memref<1x1x192xi32, #tpu.memory_space<hbm>>
      %dma_start3A_322 = tpu.memref_squeeze %dma_start3A_321 : memref<1x1x192xi32, #tpu.memory_space<hbm>> -> memref<192xi32, #tpu.memory_space<hbm>>
      %dma_start3A_323 = tpu.memref_slice %arg4[%add3A_132, %arg0, %mul3A_320] : memref<32x2x25600xi32, #tpu.memory_space<hbm>> -> memref<1x1x192xi32, #tpu.memory_space<hbm>>
      %dma_start3A_324 = tpu.memref_squeeze %dma_start3A_323 : memref<1x1x192xi32, #tpu.memory_space<hbm>> -> memref<192xi32, #tpu.memory_space<hbm>>
      tpu.enqueue_dma source(%dma_start3A_324 : memref<192xi32, #tpu.memory_space<hbm>>) target(%arg13 : memref<192xi32, #tpu.memory_space<vmem>>) target_semaphore(%arg18 : memref<!tpu.dma_semaphore, #tpu.memory_space<semaphore_mem>>)
      %dma_wait3A_325 = arith.constant 0 : i32
      %dma_wait3A_326 = tpu.memref_slice %arg3[%add3A_132, %arg0, %dma_wait3A_325] : memref<32x2x25600xi32, #tpu.memory_space<hbm>> -> memref<1x1x192xi32, #tpu.memory_space<hbm>>
      %dma_wait3A_327 = tpu.memref_squeeze %dma_wait3A_326 : memref<1x1x192xi32, #tpu.memory_space<hbm>> -> memref<192xi32, #tpu.memory_space<hbm>>
      %dma_wait3A_328 = arith.constant 0 : i32
      %dma_wait3A_329 = tpu.memref_slice %arg3[%add3A_132, %arg0, %dma_wait3A_328] : memref<32x2x25600xi32, #tpu.memory_space<hbm>> -> memref<1x1x192xi32, #tpu.memory_space<hbm>>
      %dma_wait3A_330 = tpu.memref_squeeze %dma_wait3A_329 : memref<1x1x192xi32, #tpu.memory_space<hbm>> -> memref<192xi32, #tpu.memory_space<hbm>>
      tpu.wait_dma2 semaphore(%arg18 : memref<!tpu.dma_semaphore, #tpu.memory_space<semaphore_mem>>) src(%dma_wait3A_330 : memref<192xi32, #tpu.memory_space<hbm>>) dst(%arg11 : memref<192xi32, #tpu.memory_space<vmem>>)
      %dma_wait3A_331 = arith.constant 0 : i32
      %dma_wait3A_332 = tpu.memref_slice %arg4[%add3A_132, %arg0, %dma_wait3A_331] : memref<32x2x25600xi32, #tpu.memory_space<hbm>> -> memref<1x1x192xi32, #tpu.memory_space<hbm>>
      %dma_wait3A_333 = tpu.memref_squeeze %dma_wait3A_332 : memref<1x1x192xi32, #tpu.memory_space<hbm>> -> memref<192xi32, #tpu.memory_space<hbm>>
      %dma_wait3A_334 = arith.constant 0 : i32
      %dma_wait3A_335 = tpu.memref_slice %arg4[%add3A_132, %arg0, %dma_wait3A_334] : memref<32x2x25600xi32, #tpu.memory_space<hbm>> -> memref<1x1x192xi32, #tpu.memory_space<hbm>>
      %dma_wait3A_336 = tpu.memref_squeeze %dma_wait3A_335 : memref<1x1x192xi32, #tpu.memory_space<hbm>> -> memref<192xi32, #tpu.memory_space<hbm>>
      tpu.wait_dma2 semaphore(%arg18 : memref<!tpu.dma_semaphore, #tpu.memory_space<semaphore_mem>>) src(%dma_wait3A_336 : memref<192xi32, #tpu.memory_space<hbm>>) dst(%arg13 : memref<192xi32, #tpu.memory_space<vmem>>)
      %dma_start3A_337 = arith.constant 0 : i32
      %dma_start3A_338 = arith.constant 0 : i32
      %dma_start3A_339 = tpu.memref_slice %arg2[%dma_start3A_337, %dma_start3A_338] : memref<250880x64xf32, #tpu.memory_space<hbm>> -> memref<250880x64xf32, #tpu.memory_space<hbm>>
      tpu.enqueue_indirect_dma source(%dma_start3A_339 : memref<250880x64xf32, #tpu.memory_space<hbm>>) target(%arg9 : memref<192x64xf32, #tpu.memory_space<vmem>>) offsets(%arg11 : memref<192xi32, #tpu.memory_space<vmem>>) semaphore(%arg16 : memref<!tpu.dma_semaphore, #tpu.memory_space<semaphore_mem>>)
      %dma_wait3A_340 = arith.constant 0 : i32
      %dma_wait3A_341 = arith.constant 0 : i32
      %dma_wait3A_342 = tpu.memref_slice %arg2[%dma_wait3A_340, %dma_wait3A_341] : memref<250880x64xf32, #tpu.memory_space<hbm>> -> memref<250880x64xf32, #tpu.memory_space<hbm>>
      tpu.wait_indirect_dma semaphore(%arg17 : memref<!tpu.dma_semaphore, #tpu.memory_space<semaphore_mem>>) src(%dma_wait3A_342 : memref<250880x64xf32, #tpu.memory_space<hbm>>) dst(%arg10 : memref<192x64xf32, #tpu.memory_space<vmem>>)
      %lt3A_343 = arith.cmpi slt, %add3A_288, %select_n3A_170 : i32
      %convert_element_type3A_344 = arith.extui %lt3A_343 : i1 to i32
      %cond3A_345 = arith.constant 0 : i32
      %cond3A_346 = arith.cmpi ne, %convert_element_type3A_344, %cond3A_345 : i32
      scf.if %cond3A_346 {
        "tpu.region"() ({
          %run_scoped3A = tpu.sem_alloc : memref<!tpu.dma_semaphore, #tpu.memory_space<semaphore_mem>>
          %dma_start3A_365 = arith.constant 0 : i32
          %dma_start3A_366 = arith.constant 0 : i32
          %dma_start3A_367 = tpu.memref_slice %arg8[%dma_start3A_365, %dma_start3A_366] : memref<26112x64xf32, #tpu.memory_space<vmem_shared>> -> memref<26112x64xf32, #tpu.memory_space<vmem_shared>>
          tpu.enqueue_indirect_dma source(%arg10 : memref<192x64xf32, #tpu.memory_space<vmem>>) target(%dma_start3A_367 : memref<26112x64xf32, #tpu.memory_space<vmem_shared>>) offsets(%arg14 : memref<192xi32, #tpu.memory_space<vmem>>) semaphore(%run_scoped3A : memref<!tpu.dma_semaphore, #tpu.memory_space<semaphore_mem>>) {add = true}
          %dma_wait3A_368 = arith.constant 0 : i32
          %dma_wait3A_369 = arith.constant 0 : i32
          %dma_wait3A_370 = tpu.memref_slice %arg8[%dma_wait3A_368, %dma_wait3A_369] : memref<26112x64xf32, #tpu.memory_space<vmem_shared>> -> memref<26112x64xf32, #tpu.memory_space<vmem_shared>>
          tpu.wait_indirect_dma semaphore(%run_scoped3A : memref<!tpu.dma_semaphore, #tpu.memory_space<semaphore_mem>>) src(%arg10 : memref<192x64xf32, #tpu.memory_space<vmem>>) dst(%dma_wait3A_370 : memref<26112x64xf32, #tpu.memory_space<vmem_shared>>)
          tpu.yield
        }) : () -> ()
      } else {
      }
      %add3A_347 = arith.constant 2 : i32
      %add3A_348 = arith.addi %add3A_288, %add3A_347 : i32
      %jit3A_349 = arith.constant 0 : i32
      %max3A_350 = arith.maxsi %jit3A_349, %add3A_348 : i32
      %min3A_351 = arith.minsi %max3A_174, %max3A_350 : i32
      %mul3A_352 = arith.constant 192 : i32
      %mul3A_353 = arith.muli %min3A_351, %mul3A_352 : i32
      %dma_start3A_354 = tpu.memref_slice %arg3[%add3A_132, %arg0, %mul3A_353] : memref<32x2x25600xi32, #tpu.memory_space<hbm>> -> memref<1x1x192xi32, #tpu.memory_space<hbm>>
      %dma_start3A_355 = tpu.memref_squeeze %dma_start3A_354 : memref<1x1x192xi32, #tpu.memory_space<hbm>> -> memref<192xi32, #tpu.memory_space<hbm>>
      %dma_start3A_356 = tpu.memref_slice %arg3[%add3A_132, %arg0, %mul3A_353] : memref<32x2x25600xi32, #tpu.memory_space<hbm>> -> memref<1x1x192xi32, #tpu.memory_space<hbm>>
      %dma_start3A_357 = tpu.memref_squeeze %dma_start3A_356 : memref<1x1x192xi32, #tpu.memory_space<hbm>> -> memref<192xi32, #tpu.memory_space<hbm>>
      tpu.enqueue_dma source(%dma_start3A_357 : memref<192xi32, #tpu.memory_space<hbm>>) target(%arg12 : memref<192xi32, #tpu.memory_space<vmem>>) target_semaphore(%arg19 : memref<!tpu.dma_semaphore, #tpu.memory_space<semaphore_mem>>)
      %mul3A_358 = arith.constant 192 : i32
      %mul3A_359 = arith.muli %min3A_351, %mul3A_358 : i32
      %dma_start3A_360 = tpu.memref_slice %arg4[%add3A_132, %arg0, %mul3A_359] : memref<32x2x25600xi32, #tpu.memory_space<hbm>> -> memref<1x1x192xi32, #tpu.memory_space<hbm>>
      %dma_start3A_361 = tpu.memref_squeeze %dma_start3A_360 : memref<1x1x192xi32, #tpu.memory_space<hbm>> -> memref<192xi32, #tpu.memory_space<hbm>>
      %dma_start3A_362 = tpu.memref_slice %arg4[%add3A_132, %arg0, %mul3A_359] : memref<32x2x25600xi32, #tpu.memory_space<hbm>> -> memref<1x1x192xi32, #tpu.memory_space<hbm>>
      %dma_start3A_363 = tpu.memref_squeeze %dma_start3A_362 : memref<1x1x192xi32, #tpu.memory_space<hbm>> -> memref<192xi32, #tpu.memory_space<hbm>>
      tpu.enqueue_dma source(%dma_start3A_363 : memref<192xi32, #tpu.memory_space<hbm>>) target(%arg14 : memref<192xi32, #tpu.memory_space<vmem>>) target_semaphore(%arg19 : memref<!tpu.dma_semaphore, #tpu.memory_space<semaphore_mem>>)
      %while3A_364 = arith.constant 0 : i32
      scf.yield %while3A_364 : i32
    }
    %while3A_258 = arith.constant 1 : i32
    %while3A_259 = scf.for %while3A_283 = %while3A_255 to %while3A_251 step %while3A_258 iter_args(%while3A_284 = %while3A_257) -> (i32)  : i32 {
      %mul3A_285 = arith.constant 2 : i32
      %mul3A_286 = arith.muli %mul3A_285, %while3A_283 : i32
      %add3A_287 = arith.constant 1 : i32
      %add3A_288 = arith.addi %mul3A_286, %add3A_287 : i32
      %dma_wait3A_289 = arith.constant 0 : i32
      %dma_wait3A_290 = tpu.memref_slice %arg3[%add3A_132, %arg0, %dma_wait3A_289] : memref<32x2x25600xi32, #tpu.memory_space<hbm>> -> memref<1x1x192xi32, #tpu.memory_space<hbm>>
      %dma_wait3A_291 = tpu.memref_squeeze %dma_wait3A_290 : memref<1x1x192xi32, #tpu.memory_space<hbm>> -> memref<192xi32, #tpu.memory_space<hbm>>
      %dma_wait3A_292 = arith.constant 0 : i32
      %dma_wait3A_293 = tpu.memref_slice %arg3[%add3A_132, %arg0, %dma_wait3A_292] : memref<32x2x25600xi32, #tpu.memory_space<hbm>> -> memref<1x1x192xi32, #tpu.memory_space<hbm>>
      %dma_wait3A_294 = tpu.memref_squeeze %dma_wait3A_293 : memref<1x1x192xi32, #tpu.memory_space<hbm>> -> memref<192xi32, #tpu.memory_space<hbm>>
      tpu.wait_dma2 semaphore(%arg19 : memref<!tpu.dma_semaphore, #tpu.memory_space<semaphore_mem>>) src(%dma_wait3A_294 : memref<192xi32, #tpu.memory_space<hbm>>) dst(%arg12 : memref<192xi32, #tpu.memory_space<vmem>>)
      %dma_wait3A_295 = arith.constant 0 : i32
      %dma_wait3A_296 = tpu.memref_slice %arg4[%add3A_132, %arg0, %dma_wait3A_295] : memref<32x2x25600xi32, #tpu.memory_space<hbm>> -> memref<1x1x192xi32, #tpu.memory_space<hbm>>
      %dma_wait3A_297 = tpu.memref_squeeze %dma_wait3A_296 : memref<1x1x192xi32, #tpu.memory_space<hbm>> -> memref<192xi32, #tpu.memory_space<hbm>>
      %dma_wait3A_298 = arith.constant 0 : i32
      %dma_wait3A_299 = tpu.memref_slice %arg4[%add3A_132, %arg0, %dma_wait3A_298] : memref<32x2x25600xi32, #tpu.memory_space<hbm>> -> memref<1x1x192xi32, #tpu.memory_space<hbm>>
      %dma_wait3A_300 = tpu.memref_squeeze %dma_wait3A_299 : memref<1x1x192xi32, #tpu.memory_space<hbm>> -> memref<192xi32, #tpu.memory_space<hbm>>
      tpu.wait_dma2 semaphore(%arg19 : memref<!tpu.dma_semaphore, #tpu.memory_space<semaphore_mem>>) src(%dma_wait3A_300 : memref<192xi32, #tpu.memory_space<hbm>>) dst(%arg14 : memref<192xi32, #tpu.memory_space<vmem>>)
      %dma_start3A_301 = arith.constant 0 : i32
      %dma_start3A_302 = arith.constant 0 : i32
      %dma_start3A_303 = tpu.memref_slice %arg2[%dma_start3A_301, %dma_start3A_302] : memref<250880x64xf32, #tpu.memory_space<hbm>> -> memref<250880x64xf32, #tpu.memory_space<hbm>>
      tpu.enqueue_indirect_dma source(%dma_start3A_303 : memref<250880x64xf32, #tpu.memory_space<hbm>>) target(%arg10 : memref<192x64xf32, #tpu.memory_space<vmem>>) offsets(%arg12 : memref<192xi32, #tpu.memory_space<vmem>>) semaphore(%arg17 : memref<!tpu.dma_semaphore, #tpu.memory_space<semaphore_mem>>)
      %dma_wait3A_304 = arith.constant 0 : i32
      %dma_wait3A_305 = arith.constant 0 : i32
      %dma_wait3A_306 = tpu.memref_slice %arg2[%dma_wait3A_304, %dma_wait3A_305] : memref<250880x64xf32, #tpu.memory_space<hbm>> -> memref<250880x64xf32, #tpu.memory_space<hbm>>
      tpu.wait_indirect_dma semaphore(%arg16 : memref<!tpu.dma_semaphore, #tpu.memory_space<semaphore_mem>>) src(%dma_wait3A_306 : memref<250880x64xf32, #tpu.memory_space<hbm>>) dst(%arg9 : memref<192x64xf32, #tpu.memory_space<vmem>>)
      %lt3A = arith.cmpi slt, %mul3A_286, %select_n3A_170 : i32
      %convert_element_type3A = arith.extui %lt3A : i1 to i32
      %cond3A = arith.constant 0 : i32
      %cond3A_307 = arith.cmpi ne, %convert_element_type3A, %cond3A : i32
      scf.if %cond3A_307 {
        "tpu.region"() ({
          %run_scoped3A = tpu.sem_alloc : memref<!tpu.dma_semaphore, #tpu.memory_space<semaphore_mem>>
          %dma_start3A_365 = arith.constant 0 : i32
          %dma_start3A_366 = arith.constant 0 : i32
          %dma_start3A_367 = tpu.memref_slice %arg8[%dma_start3A_365, %dma_start3A_366] : memref<26112x64xf32, #tpu.memory_space<vmem_shared>> -> memref<26112x64xf32, #tpu.memory_space<vmem_shared>>
          tpu.enqueue_indirect_dma source(%arg9 : memref<192x64xf32, #tpu.memory_space<vmem>>) target(%dma_start3A_367 : memref<26112x64xf32, #tpu.memory_space<vmem_shared>>) offsets(%arg13 : memref<192xi32, #tpu.memory_space<vmem>>) semaphore(%run_scoped3A : memref<!tpu.dma_semaphore, #tpu.memory_space<semaphore_mem>>) {add = true}
          %dma_wait3A_368 = arith.constant 0 : i32
          %dma_wait3A_369 = arith.constant 0 : i32
          %dma_wait3A_370 = tpu.memref_slice %arg8[%dma_wait3A_368, %dma_wait3A_369] : memref<26112x64xf32, #tpu.memory_space<vmem_shared>> -> memref<26112x64xf32, #tpu.memory_space<vmem_shared>>
          tpu.wait_indirect_dma semaphore(%run_scoped3A : memref<!tpu.dma_semaphore, #tpu.memory_space<semaphore_mem>>) src(%arg9 : memref<192x64xf32, #tpu.memory_space<vmem>>) dst(%dma_wait3A_370 : memref<26112x64xf32, #tpu.memory_space<vmem_shared>>)
          tpu.yield
        }) : () -> ()
      } else {
      }
      %add3A_308 = arith.constant 2 : i32
      %add3A_309 = arith.addi %mul3A_286, %add3A_308 : i32
      %jit3A_310 = arith.constant 0 : i32
      %max3A_311 = arith.maxsi %jit3A_310, %add3A_309 : i32
      %min3A_312 = arith.minsi %max3A_174, %max3A_311 : i32
      %mul3A_313 = arith.constant 192 : i32
      %mul3A_314 = arith.muli %min3A_312, %mul3A_313 : i32
      %dma_start3A_315 = tpu.memref_slice %arg3[%add3A_132, %arg0, %mul3A_314] : memref<32x2x25600xi32, #tpu.memory_space<hbm>> -> memref<1x1x192xi32, #tpu.memory_space<hbm>>
      %dma_start3A_316 = tpu.memref_squeeze %dma_start3A_315 : memref<1x1x192xi32, #tpu.memory_space<hbm>> -> memref<192xi32, #tpu.memory_space<hbm>>
      %dma_start3A_317 = tpu.memref_slice %arg3[%add3A_132, %arg0, %mul3A_314] : memref<32x2x25600xi32, #tpu.memory_space<hbm>> -> memref<1x1x192xi32, #tpu.memory_space<hbm>>
      %dma_start3A_318 = tpu.memref_squeeze %dma_start3A_317 : memref<1x1x192xi32, #tpu.memory_space<hbm>> -> memref<192xi32, #tpu.memory_space<hbm>>
      tpu.enqueue_dma source(%dma_start3A_318 : memref<192xi32, #tpu.memory_space<hbm>>) target(%arg11 : memref<192xi32, #tpu.memory_space<vmem>>) target_semaphore(%arg18 : memref<!tpu.dma_semaphore, #tpu.memory_space<semaphore_mem>>)
      %mul3A_319 = arith.constant 192 : i32
      %mul3A_320 = arith.muli %min3A_312, %mul3A_319 : i32
      %dma_start3A_321 = tpu.memref_slice %arg4[%add3A_132, %arg0, %mul3A_320] : memref<32x2x25600xi32, #tpu.memory_space<hbm>> -> memref<1x1x192xi32, #tpu.memory_space<hbm>>
      %dma_start3A_322 = tpu.memref_squeeze %dma_start3A_321 : memref<1x1x192xi32, #tpu.memory_space<hbm>> -> memref<192xi32, #tpu.memory_space<hbm>>
      %dma_start3A_323 = tpu.memref_slice %arg4[%add3A_132, %arg0, %mul3A_320] : memref<32x2x25600xi32, #tpu.memory_space<hbm>> -> memref<1x1x192xi32, #tpu.memory_space<hbm>>
      %dma_start3A_324 = tpu.memref_squeeze %dma_start3A_323 : memref<1x1x192xi32, #tpu.memory_space<hbm>> -> memref<192xi32, #tpu.memory_space<hbm>>
      tpu.enqueue_dma source(%dma_start3A_324 : memref<192xi32, #tpu.memory_space<hbm>>) target(%arg13 : memref<192xi32, #tpu.memory_space<vmem>>) target_semaphore(%arg18 : memref<!tpu.dma_semaphore, #tpu.memory_space<semaphore_mem>>)
      %dma_wait3A_325 = arith.constant 0 : i32
      %dma_wait3A_326 = tpu.memref_slice %arg3[%add3A_132, %arg0, %dma_wait3A_325] : memref<32x2x25600xi32, #tpu.memory_space<hbm>> -> memref<1x1x192xi32, #tpu.memory_space<hbm>>
      %dma_wait3A_327 = tpu.memref_squeeze %dma_wait3A_326 : memref<1x1x192xi32, #tpu.memory_space<hbm>> -> memref<192xi32, #tpu.memory_space<hbm>>
      %dma_wait3A_328 = arith.constant 0 : i32
      %dma_wait3A_329 = tpu.memref_slice %arg3[%add3A_132, %arg0, %dma_wait3A_328] : memref<32x2x25600xi32, #tpu.memory_space<hbm>> -> memref<1x1x192xi32, #tpu.memory_space<hbm>>
      %dma_wait3A_330 = tpu.memref_squeeze %dma_wait3A_329 : memref<1x1x192xi32, #tpu.memory_space<hbm>> -> memref<192xi32, #tpu.memory_space<hbm>>
      tpu.wait_dma2 semaphore(%arg18 : memref<!tpu.dma_semaphore, #tpu.memory_space<semaphore_mem>>) src(%dma_wait3A_330 : memref<192xi32, #tpu.memory_space<hbm>>) dst(%arg11 : memref<192xi32, #tpu.memory_space<vmem>>)
      %dma_wait3A_331 = arith.constant 0 : i32
      %dma_wait3A_332 = tpu.memref_slice %arg4[%add3A_132, %arg0, %dma_wait3A_331] : memref<32x2x25600xi32, #tpu.memory_space<hbm>> -> memref<1x1x192xi32, #tpu.memory_space<hbm>>
      %dma_wait3A_333 = tpu.memref_squeeze %dma_wait3A_332 : memref<1x1x192xi32, #tpu.memory_space<hbm>> -> memref<192xi32, #tpu.memory_space<hbm>>
      %dma_wait3A_334 = arith.constant 0 : i32
      %dma_wait3A_335 = tpu.memref_slice %arg4[%add3A_132, %arg0, %dma_wait3A_334] : memref<32x2x25600xi32, #tpu.memory_space<hbm>> -> memref<1x1x192xi32, #tpu.memory_space<hbm>>
      %dma_wait3A_336 = tpu.memref_squeeze %dma_wait3A_335 : memref<1x1x192xi32, #tpu.memory_space<hbm>> -> memref<192xi32, #tpu.memory_space<hbm>>
      tpu.wait_dma2 semaphore(%arg18 : memref<!tpu.dma_semaphore, #tpu.memory_space<semaphore_mem>>) src(%dma_wait3A_336 : memref<192xi32, #tpu.memory_space<hbm>>) dst(%arg13 : memref<192xi32, #tpu.memory_space<vmem>>)
      %dma_start3A_337 = arith.constant 0 : i32
      %dma_start3A_338 = arith.constant 0 : i32
      %dma_start3A_339 = tpu.memref_slice %arg2[%dma_start3A_337, %dma_start3A_338] : memref<250880x64xf32, #tpu.memory_space<hbm>> -> memref<250880x64xf32, #tpu.memory_space<hbm>>
      tpu.enqueue_indirect_dma source(%dma_start3A_339 : memref<250880x64xf32, #tpu.memory_space<hbm>>) target(%arg9 : memref<192x64xf32, #tpu.memory_space<vmem>>) offsets(%arg11 : memref<192xi32, #tpu.memory_space<vmem>>) semaphore(%arg16 : memref<!tpu.dma_semaphore, #tpu.memory_space<semaphore_mem>>)
      %dma_wait3A_340 = arith.constant 0 : i32
      %dma_wait3A_341 = arith.constant 0 : i32
      %dma_wait3A_342 = tpu.memref_slice %arg2[%dma_wait3A_340, %dma_wait3A_341] : memref<250880x64xf32, #tpu.memory_space<hbm>> -> memref<250880x64xf32, #tpu.memory_space<hbm>>
      tpu.wait_indirect_dma semaphore(%arg17 : memref<!tpu.dma_semaphore, #tpu.memory_space<semaphore_mem>>) src(%dma_wait3A_342 : memref<250880x64xf32, #tpu.memory_space<hbm>>) dst(%arg10 : memref<192x64xf32, #tpu.memory_space<vmem>>)
      %lt3A_343 = arith.cmpi slt, %add3A_288, %select_n3A_170 : i32
      %convert_element_type3A_344 = arith.extui %lt3A_343 : i1 to i32
      %cond3A_345 = arith.constant 0 : i32
      %cond3A_346 = arith.cmpi ne, %convert_element_type3A_344, %cond3A_345 : i32
      scf.if %cond3A_346 {
        "tpu.region"() ({
          %run_scoped3A = tpu.sem_alloc : memref<!tpu.dma_semaphore, #tpu.memory_space<semaphore_mem>>
          %dma_start3A_365 = arith.constant 0 : i32
          %dma_start3A_366 = arith.constant 0 : i32
          %dma_start3A_367 = tpu.memref_slice %arg8[%dma_start3A_365, %dma_start3A_366] : memref<26112x64xf32, #tpu.memory_space<vmem_shared>> -> memref<26112x64xf32, #tpu.memory_space<vmem_shared>>
          tpu.enqueue_indirect_dma source(%arg10 : memref<192x64xf32, #tpu.memory_space<vmem>>) target(%dma_start3A_367 : memref<26112x64xf32, #tpu.memory_space<vmem_shared>>) offsets(%arg14 : memref<192xi32, #tpu.memory_space<vmem>>) semaphore(%run_scoped3A : memref<!tpu.dma_semaphore, #tpu.memory_space<semaphore_mem>>) {add = true}
          %dma_wait3A_368 = arith.constant 0 : i32
          %dma_wait3A_369 = arith.constant 0 : i32
          %dma_wait3A_370 = tpu.memref_slice %arg8[%dma_wait3A_368, %dma_wait3A_369] : memref<26112x64xf32, #tpu.memory_space<vmem_shared>> -> memref<26112x64xf32, #tpu.memory_space<vmem_shared>>
          tpu.wait_indirect_dma semaphore(%run_scoped3A : memref<!tpu.dma_semaphore, #tpu.memory_space<semaphore_mem>>) src(%arg10 : memref<192x64xf32, #tpu.memory_space<vmem>>) dst(%dma_wait3A_370 : memref<26112x64xf32, #tpu.memory_space<vmem_shared>>)
          tpu.yield
        }) : () -> ()
      } else {
      }
      %add3A_347 = arith.constant 2 : i32
      %add3A_348 = arith.addi %add3A_288, %add3A_347 : i32
      %jit3A_349 = arith.constant 0 : i32
      %max3A_350 = arith.maxsi %jit3A_349, %add3A_348 : i32
      %min3A_351 = arith.minsi %max3A_174, %max3A_350 : i32
      %mul3A_352 = arith.constant 192 : i32
      %mul3A_353 = arith.muli %min3A_351, %mul3A_352 : i32
      %dma_start3A_354 = tpu.memref_slice %arg3[%add3A_132, %arg0, %mul3A_353] : memref<32x2x25600xi32, #tpu.memory_space<hbm>> -> memref<1x1x192xi32, #tpu.memory_space<hbm>>
      %dma_start3A_355 = tpu.memref_squeeze %dma_start3A_354 : memref<1x1x192xi32, #tpu.memory_space<hbm>> -> memref<192xi32, #tpu.memory_space<hbm>>
      %dma_start3A_356 = tpu.memref_slice %arg3[%add3A_132, %arg0, %mul3A_353] : memref<32x2x25600xi32, #tpu.memory_space<hbm>> -> memref<1x1x192xi32, #tpu.memory_space<hbm>>
      %dma_start3A_357 = tpu.memref_squeeze %dma_start3A_356 : memref<1x1x192xi32, #tpu.memory_space<hbm>> -> memref<192xi32, #tpu.memory_space<hbm>>
      tpu.enqueue_dma source(%dma_start3A_357 : memref<192xi32, #tpu.memory_space<hbm>>) target(%arg12 : memref<192xi32, #tpu.memory_space<vmem>>) target_semaphore(%arg19 : memref<!tpu.dma_semaphore, #tpu.memory_space<semaphore_mem>>)
      %mul3A_358 = arith.constant 192 : i32
      %mul3A_359 = arith.muli %min3A_351, %mul3A_358 : i32
      %dma_start3A_360 = tpu.memref_slice %arg4[%add3A_132, %arg0, %mul3A_359] : memref<32x2x25600xi32, #tpu.memory_space<hbm>> -> memref<1x1x192xi32, #tpu.memory_space<hbm>>
      %dma_start3A_361 = tpu.memref_squeeze %dma_start3A_360 : memref<1x1x192xi32, #tpu.memory_space<hbm>> -> memref<192xi32, #tpu.memory_space<hbm>>
      %dma_start3A_362 = tpu.memref_slice %arg4[%add3A_132, %arg0, %mul3A_359] : memref<32x2x25600xi32, #tpu.memory_space<hbm>> -> memref<1x1x192xi32, #tpu.memory_space<hbm>>
      %dma_start3A_363 = tpu.memref_squeeze %dma_start3A_362 : memref<1x1x192xi32, #tpu.memory_space<hbm>> -> memref<192xi32, #tpu.memory_space<hbm>>
      tpu.enqueue_dma source(%dma_start3A_363 : memref<192xi32, #tpu.memory_space<hbm>>) target(%arg14 : memref<192xi32, #tpu.memory_space<vmem>>) target_semaphore(%arg19 : memref<!tpu.dma_semaphore, #tpu.memory_space<semaphore_mem>>)
      %while3A_364 = arith.constant 0 : i32
      scf.yield %while3A_364 : i32
    }
    %dma_wait3A_260 = arith.constant 0 : i32
    %dma_wait3A_261 = arith.constant 0 : i32
    %dma_wait3A_262 = tpu.memref_slice %arg2[%dma_wait3A_260, %dma_wait3A_261] : memref<250880x64xf32, #tpu.memory_space<hbm>> -> memref<250880x64xf32, #tpu.memory_space<hbm>>
    tpu.wait_indirect_dma semaphore(%arg16 : memref<!tpu.dma_semaphore, #tpu.memory_space<semaphore_mem>>) src(%dma_wait3A_262 : memref<250880x64xf32, #tpu.memory_space<hbm>>) dst(%arg9 : memref<192x64xf32, #tpu.memory_space<vmem>>)
    %dma_wait3A_263 = arith.constant 0 : i32
    %dma_wait3A_264 = tpu.memref_slice %arg3[%add3A_132, %arg0, %dma_wait3A_263] : memref<32x2x25600xi32, #tpu.memory_space<hbm>> -> memref<1x1x192xi32, #tpu.memory_space<hbm>>
    %dma_wait3A_265 = tpu.memref_squeeze %dma_wait3A_264 : memref<1x1x192xi32, #tpu.memory_space<hbm>> -> memref<192xi32, #tpu.memory_space<hbm>>
    %dma_wait3A_266 = arith.constant 0 : i32
    %dma_wait3A_267 = tpu.memref_slice %arg3[%add3A_132, %arg0, %dma_wait3A_266] : memref<32x2x25600xi32, #tpu.memory_space<hbm>> -> memref<1x1x192xi32, #tpu.memory_space<hbm>>
    %dma_wait3A_268 = tpu.memref_squeeze %dma_wait3A_267 : memref<1x1x192xi32, #tpu.memory_space<hbm>> -> memref<192xi32, #tpu.memory_space<hbm>>
    tpu.wait_dma2 semaphore(%arg19 : memref<!tpu.dma_semaphore, #tpu.memory_space<semaphore_mem>>) src(%dma_wait3A_268 : memref<192xi32, #tpu.memory_space<hbm>>) dst(%arg12 : memref<192xi32, #tpu.memory_space<vmem>>)
    %dma_wait3A_269 = arith.constant 0 : i32
    %dma_wait3A_270 = tpu.memref_slice %arg4[%add3A_132, %arg0, %dma_wait3A_269] : memref<32x2x25600xi32, #tpu.memory_space<hbm>> -> memref<1x1x192xi32, #tpu.memory_space<hbm>>
    %dma_wait3A_271 = tpu.memref_squeeze %dma_wait3A_270 : memref<1x1x192xi32, #tpu.memory_space<hbm>> -> memref<192xi32, #tpu.memory_space<hbm>>
    %dma_wait3A_272 = arith.constant 0 : i32
    %dma_wait3A_273 = tpu.memref_slice %arg4[%add3A_132, %arg0, %dma_wait3A_272] : memref<32x2x25600xi32, #tpu.memory_space<hbm>> -> memref<1x1x192xi32, #tpu.memory_space<hbm>>
    %dma_wait3A_274 = tpu.memref_squeeze %dma_wait3A_273 : memref<1x1x192xi32, #tpu.memory_space<hbm>> -> memref<192xi32, #tpu.memory_space<hbm>>
    tpu.wait_dma2 semaphore(%arg19 : memref<!tpu.dma_semaphore, #tpu.memory_space<semaphore_mem>>) src(%dma_wait3A_274 : memref<192xi32, #tpu.memory_space<hbm>>) dst(%arg14 : memref<192xi32, #tpu.memory_space<vmem>>)
    %barrier3A_275 = arith.constant 0 : index
    tpu.barrier barrier_id(%barrier3A_275)
    %mul3A_276 = arith.constant 1568 : i32
    %mul3A_277 = arith.muli %arg1, %mul3A_276 : i32
    %mul3A_278 = arith.constant 25088 : i32
    %mul3A_279 = arith.muli %arg0, %mul3A_278 : i32
    %mul3A_280 = arith.constant 1568 : i32
    %mul3A_281 = arith.muli %arg1, %mul3A_280 : i32
    %add3A_282 = arith.addi %mul3A_279, %mul3A_281 : i32
    "tpu.region"() ({
      %run_scoped3A = tpu.sem_alloc : memref<!tpu.dma_semaphore, #tpu.memory_space<semaphore_mem>>
      %dma_start3A_283 = arith.constant 0 : i32
      %dma_start3A_284 = tpu.memref_slice %arg7[%add3A_282, %dma_start3A_283] : memref<50176x64xf32, #tpu.memory_space<hbm>> -> memref<1568x64xf32, #tpu.memory_space<hbm>>
      %dma_start3A_285 = arith.constant 0 : i32
      %dma_start3A_286 = tpu.memref_slice %arg8[%mul3A_277, %dma_start3A_285] : memref<26112x64xf32, #tpu.memory_space<vmem_shared>> -> memref<1568x64xf32, #tpu.memory_space<vmem_shared>>
      tpu.enqueue_dma source(%dma_start3A_286 : memref<1568x64xf32, #tpu.memory_space<vmem_shared>>) target(%dma_start3A_284 : memref<1568x64xf32, #tpu.memory_space<hbm>>) target_semaphore(%run_scoped3A : memref<!tpu.dma_semaphore, #tpu.memory_space<semaphore_mem>>)
      %dma_wait3A_287 = arith.constant 0 : i32
      %dma_wait3A_288 = tpu.memref_slice %arg7[%add3A_282, %dma_wait3A_287] : memref<50176x64xf32, #tpu.memory_space<hbm>> -> memref<1568x64xf32, #tpu.memory_space<hbm>>
      %dma_wait3A_289 = arith.constant 0 : i32
      %dma_wait3A_290 = tpu.memref_slice %arg8[%mul3A_277, %dma_wait3A_289] : memref<26112x64xf32, #tpu.memory_space<vmem_shared>> -> memref<1568x64xf32, #tpu.memory_space<vmem_shared>>
      tpu.wait_dma2 semaphore(%run_scoped3A : memref<!tpu.dma_semaphore, #tpu.memory_space<semaphore_mem>>) src(%dma_wait3A_290 : memref<1568x64xf32, #tpu.memory_space<vmem_shared>>) dst(%dma_wait3A_288 : memref<1568x64xf32, #tpu.memory_space<hbm>>)
      tpu.yield
    }) : () -> ()
    return
  }
}

#map = affine_map<(d0, d1) -> (0, 0)>
#map1 = affine_map<(d0, d1) -> (0, 0, 0)>
module attributes {stable_mosaic.version = 14 : i64} {
  func.func @_aggregate(%arg0: i32, %arg1: i32, %arg2: memref<250880x64xf32, #tpu.memory_space<hbm>>, %arg3: memref<32x2x25600xi32, #tpu.memory_space<hbm>>, %arg4: memref<32x2x25600xi32, #tpu.memory_space<hbm>>, %arg5: memref<32x16xi32, #tpu.memory_space<hbm>>, %arg6: memref<26112x64xf32, #tpu.memory_space<hbm>>, %arg7: memref<50176x64xf32, #tpu.memory_space<hbm>>, %arg8: memref<26112x64xf32, #tpu.memory_space<vmem_shared>>, %arg9: memref<192x64xf32, #tpu.memory_space<vmem>>, %arg10: memref<192x64xf32, #tpu.memory_space<vmem>>, %arg11: memref<192xi32, #tpu.memory_space<vmem>>, %arg12: memref<192xi32, #tpu.memory_space<vmem>>, %arg13: memref<192xi32, #tpu.memory_space<vmem>>, %arg14: memref<192xi32, #tpu.memory_space<vmem>>, %arg15: memref<16xi32, #tpu.memory_space<vmem>>, %arg16: memref<!tpu.dma_semaphore, #tpu.memory_space<semaphore_mem>>, %arg17: memref<!tpu.dma_semaphore, #tpu.memory_space<semaphore_mem>>, %arg18: memref<!tpu.dma_semaphore, #tpu.memory_space<semaphore_mem>>, %arg19: memref<!tpu.dma_semaphore, #tpu.memory_space<semaphore_mem>>) attributes {dimension_semantics = [#tpu.dimension_semantics<core_parallel>, #tpu.dimension_semantics<subcore_parallel>], iteration_bounds = array<i64: 2, 16>, scalar_prefetch = 0 : i64, scratch_operands = 12 : i64, tpu.core_type = #tpu.core_type<sc_vector_subcore>, window_params = [{transform_indices = #map}, {transform_indices = #map1}, {transform_indices = #map1}, {transform_indices = #map}, {transform_indices = #map}, {transform_indices = #map}]} {
    %iota3A = tpu.iota {dimensions = array<i32: 0>} : vector<16xi32>
    %mul3A = arith.constant 1632 : i32
    %mul3A_0 = arith.muli %arg1, %mul3A : i32
    %mul3A_1 = arith.constant 1632 : i32
    %mul3A_2 = arith.muli %arg1, %mul3A_1 : i32
    "tpu.region"() ({
      %run_scoped3A = tpu.sem_alloc : memref<!tpu.dma_semaphore, #tpu.memory_space<semaphore_mem>>
      %dma_start3A_283 = arith.constant 0 : i32
      %dma_start3A_284 = tpu.memref_slice %arg8[%mul3A_2, %dma_start3A_283] : memref<26112x64xf32, #tpu.memory_space<vmem_shared>> -> memref<1632x64xf32, #tpu.memory_space<vmem_shared>>
      %dma_start3A_285 = arith.constant 0 : i32
      %dma_start3A_286 = tpu.memref_slice %arg6[%mul3A_0, %dma_start3A_285] : memref<26112x64xf32, #tpu.memory_space<hbm>> -> memref<1632x64xf32, #tpu.memory_space<hbm>>
      tpu.enqueue_dma source(%dma_start3A_286 : memref<1632x64xf32, #tpu.memory_space<hbm>>) target(%dma_start3A_284 : memref<1632x64xf32, #tpu.memory_space<vmem_shared>>) target_semaphore(%run_scoped3A : memref<!tpu.dma_semaphore, #tpu.memory_space<semaphore_mem>>)
      %dma_wait3A_287 = arith.constant 0 : i32
      %dma_wait3A_288 = tpu.memref_slice %arg8[%mul3A_2, %dma_wait3A_287] : memref<26112x64xf32, #tpu.memory_space<vmem_shared>> -> memref<1632x64xf32, #tpu.memory_space<vmem_shared>>
      %dma_wait3A_289 = arith.constant 0 : i32
      %dma_wait3A_290 = tpu.memref_slice %arg6[%mul3A_0, %dma_wait3A_289] : memref<26112x64xf32, #tpu.memory_space<hbm>> -> memref<1632x64xf32, #tpu.memory_space<hbm>>
      tpu.wait_dma2 semaphore(%run_scoped3A : memref<!tpu.dma_semaphore, #tpu.memory_space<semaphore_mem>>) src(%dma_wait3A_290 : memref<1632x64xf32, #tpu.memory_space<hbm>>) dst(%dma_wait3A_288 : memref<1632x64xf32, #tpu.memory_space<vmem_shared>>)
      tpu.yield
    }) : () -> ()
    %barrier3A = arith.constant 0 : index
    tpu.barrier barrier_id(%barrier3A)
    %mul3A_3 = arith.constant 2 : i32
    %mul3A_4 = arith.muli %arg1, %mul3A_3 : i32
    %add3A = arith.constant 0 : i32
    %add3A_5 = arith.addi %mul3A_4, %add3A : i32
    "tpu.region"() ({
      %run_scoped3A = tpu.sem_alloc : memref<!tpu.dma_semaphore, #tpu.memory_space<semaphore_mem>>
      %dma_start3A_283 = arith.constant 0 : i32
      %dma_start3A_284 = tpu.memref_slice %arg5[%add3A_5, %dma_start3A_283] : memref<32x16xi32, #tpu.memory_space<hbm>> -> memref<1x16xi32, #tpu.memory_space<hbm>>
      %dma_start3A_285 = tpu.memref_squeeze %dma_start3A_284 : memref<1x16xi32, #tpu.memory_space<hbm>> -> memref<16xi32, #tpu.memory_space<hbm>>
      %dma_start3A_286 = arith.constant 0 : i32
      %dma_start3A_287 = tpu.memref_slice %arg5[%add3A_5, %dma_start3A_286] : memref<32x16xi32, #tpu.memory_space<hbm>> -> memref<1x16xi32, #tpu.memory_space<hbm>>
      %dma_start3A_288 = tpu.memref_squeeze %dma_start3A_287 : memref<1x16xi32, #tpu.memory_space<hbm>> -> memref<16xi32, #tpu.memory_space<hbm>>
      tpu.enqueue_dma source(%dma_start3A_288 : memref<16xi32, #tpu.memory_space<hbm>>) target(%arg15 : memref<16xi32, #tpu.memory_space<vmem>>) target_semaphore(%run_scoped3A : memref<!tpu.dma_semaphore, #tpu.memory_space<semaphore_mem>>)
      %dma_wait3A_289 = arith.constant 0 : i32
      %dma_wait3A_290 = tpu.memref_slice %arg5[%add3A_5, %dma_wait3A_289] : memref<32x16xi32, #tpu.memory_space<hbm>> -> memref<1x16xi32, #tpu.memory_space<hbm>>
      %dma_wait3A_291 = tpu.memref_squeeze %dma_wait3A_290 : memref<1x16xi32, #tpu.memory_space<hbm>> -> memref<16xi32, #tpu.memory_space<hbm>>
      %dma_wait3A_292 = arith.constant 0 : i32
      %dma_wait3A_293 = tpu.memref_slice %arg5[%add3A_5, %dma_wait3A_292] : memref<32x16xi32, #tpu.memory_space<hbm>> -> memref<1x16xi32, #tpu.memory_space<hbm>>
      %dma_wait3A_294 = tpu.memref_squeeze %dma_wait3A_293 : memref<1x16xi32, #tpu.memory_space<hbm>> -> memref<16xi32, #tpu.memory_space<hbm>>
      tpu.wait_dma2 semaphore(%run_scoped3A : memref<!tpu.dma_semaphore, #tpu.memory_space<semaphore_mem>>) src(%dma_wait3A_294 : memref<16xi32, #tpu.memory_space<hbm>>) dst(%arg15 : memref<16xi32, #tpu.memory_space<vmem>>)
      tpu.yield
    }) : () -> ()
    %broadcast_in_dim3A = vector.broadcast %arg0 : i32 to vector<16xi32>
    %eq3A = arith.cmpi eq, %iota3A, %broadcast_in_dim3A : vector<16xi32>
    %get3A = arith.constant 0 : index
    %get3A_6 = tpu.vector_load %arg15[%get3A] {strides = array<i32>} : memref<16xi32, #tpu.memory_space<vmem>>, vector<16xi32>,
    %broadcast_in_dim3A_7 = arith.constant 0 : i32
    %broadcast_in_dim3A_8 = vector.broadcast %broadcast_in_dim3A_7 : i32 to vector<16xi32>
    %select_n3A = arith.select %eq3A, %get3A_6, %broadcast_in_dim3A_8 : vector<16xi1>, vector<16xi32>
    %broadcast_in_dim3A_9 = arith.constant true
    %broadcast_in_dim3A_10 = vector.broadcast %broadcast_in_dim3A_9 : i1 to vector<16xi1>
    %masked_cumsum3A = tpu.scan <sum>, %select_n3A masked %broadcast_in_dim3A_10 : vector<16xi32>, vector<16xi1> -> vector<16xi32>
    %slice3A = vector.extract_strided_slice %masked_cumsum3A {offsets = [15], sizes = [1], strides = [1]} : vector<16xi32> to vector<1xi32>
    %squeeze3A = vector.extract %slice3A[0] : i32 from vector<1xi32>
    %add3A_11 = arith.constant 191 : i32
    %add3A_12 = arith.addi %squeeze3A, %add3A_11 : i32
    %jit3A = arith.constant 192 : i32
    %div3A = arith.divsi %add3A_12, %jit3A : i32
    %sign3A = arith.constant 0 : i32
    %sign3A_13 = arith.cmpi sgt, %add3A_12, %sign3A : i32
    %sign3A_14 = arith.extui %sign3A_13 : i1 to i32
    %sign3A_15 = arith.constant 0 : i32
    %sign3A_16 = arith.cmpi slt, %add3A_12, %sign3A_15 : i32
    %sign3A_17 = arith.extui %sign3A_16 : i1 to i32
    %sign3A_18 = arith.subi %sign3A_14, %sign3A_17 : i32
    %sign3A_19 = arith.constant 0 : i32
    %sign3A_20 = arith.cmpi sgt, %jit3A, %sign3A_19 : i32
    %sign3A_21 = arith.extui %sign3A_20 : i1 to i32
    %sign3A_22 = arith.constant 0 : i32
    %sign3A_23 = arith.cmpi slt, %jit3A, %sign3A_22 : i32
    %sign3A_24 = arith.extui %sign3A_23 : i1 to i32
    %sign3A_25 = arith.subi %sign3A_21, %sign3A_24 : i32
    %ne3A = arith.cmpi ne, %sign3A_18, %sign3A_25 : i32
    %rem3A = arith.remsi %add3A_12, %jit3A : i32
    %ne3A_26 = arith.constant 0 : i32
    %ne3A_27 = arith.cmpi ne, %rem3A, %ne3A_26 : i32
    %and3A = arith.andi %ne3A, %ne3A_27 : i1
    %sub3A = arith.constant 1 : i32
    %sub3A_28 = arith.subi %div3A, %sub3A : i32
    %select_n3A_29 = arith.select %and3A, %sub3A_28, %div3A : i32
    %sub3A_30 = arith.constant 1 : i32
    %sub3A_31 = arith.subi %select_n3A_29, %sub3A_30 : i32
    %max3A = arith.constant 0 : i32
    %max3A_32 = arith.maxsi %sub3A_31, %max3A : i32
    %jit3A_33 = arith.constant 0 : i32
    %jit3A_34 = arith.constant 0 : i32
    %max3A_35 = arith.maxsi %jit3A_34, %jit3A_33 : i32
    %min3A = arith.minsi %max3A_32, %max3A_35 : i32
    %mul3A_36 = arith.constant 192 : i32
    %mul3A_37 = arith.muli %min3A, %mul3A_36 : i32
    %dma_start3A = tpu.memref_slice %arg3[%add3A_5, %arg0, %mul3A_37] : memref<32x2x25600xi32, #tpu.memory_space<hbm>> -> memref<1x1x192xi32, #tpu.memory_space<hbm>>
    %dma_start3A_38 = tpu.memref_squeeze %dma_start3A : memref<1x1x192xi32, #tpu.memory_space<hbm>> -> memref<192xi32, #tpu.memory_space<hbm>>
    %dma_start3A_39 = tpu.memref_slice %arg3[%add3A_5, %arg0, %mul3A_37] : memref<32x2x25600xi32, #tpu.memory_space<hbm>> -> memref<1x1x192xi32, #tpu.memory_space<hbm>>
    %dma_start3A_40 = tpu.memref_squeeze %dma_start3A_39 : memref<1x1x192xi32, #tpu.memory_space<hbm>> -> memref<192xi32, #tpu.memory_space<hbm>>
    tpu.enqueue_dma source(%dma_start3A_40 : memref<192xi32, #tpu.memory_space<hbm>>) target(%arg11 : memref<192xi32, #tpu.memory_space<vmem>>) target_semaphore(%arg18 : memref<!tpu.dma_semaphore, #tpu.memory_space<semaphore_mem>>)
    %mul3A_41 = arith.constant 192 : i32
    %mul3A_42 = arith.muli %min3A, %mul3A_41 : i32
    %dma_start3A_43 = tpu.memref_slice %arg4[%add3A_5, %arg0, %mul3A_42] : memref<32x2x25600xi32, #tpu.memory_space<hbm>> -> memref<1x1x192xi32, #tpu.memory_space<hbm>>
    %dma_start3A_44 = tpu.memref_squeeze %dma_start3A_43 : memref<1x1x192xi32, #tpu.memory_space<hbm>> -> memref<192xi32, #tpu.memory_space<hbm>>
    %dma_start3A_45 = tpu.memref_slice %arg4[%add3A_5, %arg0, %mul3A_42] : memref<32x2x25600xi32, #tpu.memory_space<hbm>> -> memref<1x1x192xi32, #tpu.memory_space<hbm>>
    %dma_start3A_46 = tpu.memref_squeeze %dma_start3A_45 : memref<1x1x192xi32, #tpu.memory_space<hbm>> -> memref<192xi32, #tpu.memory_space<hbm>>
    tpu.enqueue_dma source(%dma_start3A_46 : memref<192xi32, #tpu.memory_space<hbm>>) target(%arg13 : memref<192xi32, #tpu.memory_space<vmem>>) target_semaphore(%arg18 : memref<!tpu.dma_semaphore, #tpu.memory_space<semaphore_mem>>)
    %dma_wait3A = arith.constant 0 : i32
    %dma_wait3A_47 = tpu.memref_slice %arg3[%add3A_5, %arg0, %dma_wait3A] : memref<32x2x25600xi32, #tpu.memory_space<hbm>> -> memref<1x1x192xi32, #tpu.memory_space<hbm>>
    %dma_wait3A_48 = tpu.memref_squeeze %dma_wait3A_47 : memref<1x1x192xi32, #tpu.memory_space<hbm>> -> memref<192xi32, #tpu.memory_space<hbm>>
    %dma_wait3A_49 = arith.constant 0 : i32
    %dma_wait3A_50 = tpu.memref_slice %arg3[%add3A_5, %arg0, %dma_wait3A_49] : memref<32x2x25600xi32, #tpu.memory_space<hbm>> -> memref<1x1x192xi32, #tpu.memory_space<hbm>>
    %dma_wait3A_51 = tpu.memref_squeeze %dma_wait3A_50 : memref<1x1x192xi32, #tpu.memory_space<hbm>> -> memref<192xi32, #tpu.memory_space<hbm>>
    tpu.wait_dma2 semaphore(%arg18 : memref<!tpu.dma_semaphore, #tpu.memory_space<semaphore_mem>>) src(%dma_wait3A_51 : memref<192xi32, #tpu.memory_space<hbm>>) dst(%arg11 : memref<192xi32, #tpu.memory_space<vmem>>)
    %dma_wait3A_52 = arith.constant 0 : i32
    %dma_wait3A_53 = tpu.memref_slice %arg4[%add3A_5, %arg0, %dma_wait3A_52] : memref<32x2x25600xi32, #tpu.memory_space<hbm>> -> memref<1x1x192xi32, #tpu.memory_space<hbm>>
    %dma_wait3A_54 = tpu.memref_squeeze %dma_wait3A_53 : memref<1x1x192xi32, #tpu.memory_space<hbm>> -> memref<192xi32, #tpu.memory_space<hbm>>
    %dma_wait3A_55 = arith.constant 0 : i32
    %dma_wait3A_56 = tpu.memref_slice %arg4[%add3A_5, %arg0, %dma_wait3A_55] : memref<32x2x25600xi32, #tpu.memory_space<hbm>> -> memref<1x1x192xi32, #tpu.memory_space<hbm>>
    %dma_wait3A_57 = tpu.memref_squeeze %dma_wait3A_56 : memref<1x1x192xi32, #tpu.memory_space<hbm>> -> memref<192xi32, #tpu.memory_space<hbm>>
    tpu.wait_dma2 semaphore(%arg18 : memref<!tpu.dma_semaphore, #tpu.memory_space<semaphore_mem>>) src(%dma_wait3A_57 : memref<192xi32, #tpu.memory_space<hbm>>) dst(%arg13 : memref<192xi32, #tpu.memory_space<vmem>>)
    %dma_start3A_58 = arith.constant 0 : i32
    %dma_start3A_59 = arith.constant 0 : i32
    %dma_start3A_60 = tpu.memref_slice %arg2[%dma_start3A_58, %dma_start3A_59] : memref<250880x64xf32, #tpu.memory_space<hbm>> -> memref<250880x64xf32, #tpu.memory_space<hbm>>
    tpu.enqueue_indirect_dma source(%dma_start3A_60 : memref<250880x64xf32, #tpu.memory_space<hbm>>) target(%arg9 : memref<192x64xf32, #tpu.memory_space<vmem>>) offsets(%arg11 : memref<192xi32, #tpu.memory_space<vmem>>) semaphore(%arg16 : memref<!tpu.dma_semaphore, #tpu.memory_space<semaphore_mem>>)
    %jit3A_61 = arith.constant 1 : i32
    %jit3A_62 = arith.constant 0 : i32
    %max3A_63 = arith.maxsi %jit3A_62, %jit3A_61 : i32
    %min3A_64 = arith.minsi %max3A_32, %max3A_63 : i32
    %mul3A_65 = arith.constant 192 : i32
    %mul3A_66 = arith.muli %min3A_64, %mul3A_65 : i32
    %dma_start3A_67 = tpu.memref_slice %arg3[%add3A_5, %arg0, %mul3A_66] : memref<32x2x25600xi32, #tpu.memory_space<hbm>> -> memref<1x1x192xi32, #tpu.memory_space<hbm>>
    %dma_start3A_68 = tpu.memref_squeeze %dma_start3A_67 : memref<1x1x192xi32, #tpu.memory_space<hbm>> -> memref<192xi32, #tpu.memory_space<hbm>>
    %dma_start3A_69 = tpu.memref_slice %arg3[%add3A_5, %arg0, %mul3A_66] : memref<32x2x25600xi32, #tpu.memory_space<hbm>> -> memref<1x1x192xi32, #tpu.memory_space<hbm>>
    %dma_start3A_70 = tpu.memref_squeeze %dma_start3A_69 : memref<1x1x192xi32, #tpu.memory_space<hbm>> -> memref<192xi32, #tpu.memory_space<hbm>>
    tpu.enqueue_dma source(%dma_start3A_70 : memref<192xi32, #tpu.memory_space<hbm>>) target(%arg12 : memref<192xi32, #tpu.memory_space<vmem>>) target_semaphore(%arg19 : memref<!tpu.dma_semaphore, #tpu.memory_space<semaphore_mem>>)
    %mul3A_71 = arith.constant 192 : i32
    %mul3A_72 = arith.muli %min3A_64, %mul3A_71 : i32
    %dma_start3A_73 = tpu.memref_slice %arg4[%add3A_5, %arg0, %mul3A_72] : memref<32x2x25600xi32, #tpu.memory_space<hbm>> -> memref<1x1x192xi32, #tpu.memory_space<hbm>>
    %dma_start3A_74 = tpu.memref_squeeze %dma_start3A_73 : memref<1x1x192xi32, #tpu.memory_space<hbm>> -> memref<192xi32, #tpu.memory_space<hbm>>
    %dma_start3A_75 = tpu.memref_slice %arg4[%add3A_5, %arg0, %mul3A_72] : memref<32x2x25600xi32, #tpu.memory_space<hbm>> -> memref<1x1x192xi32, #tpu.memory_space<hbm>>
    %dma_start3A_76 = tpu.memref_squeeze %dma_start3A_75 : memref<1x1x192xi32, #tpu.memory_space<hbm>> -> memref<192xi32, #tpu.memory_space<hbm>>
    tpu.enqueue_dma source(%dma_start3A_76 : memref<192xi32, #tpu.memory_space<hbm>>) target(%arg14 : memref<192xi32, #tpu.memory_space<vmem>>) target_semaphore(%arg19 : memref<!tpu.dma_semaphore, #tpu.memory_space<semaphore_mem>>)
    %add3A_77 = arith.constant 1 : i32
    %add3A_78 = arith.addi %select_n3A_29, %add3A_77 : i32
    %jit3A_79 = arith.constant 2 : i32
    %div3A_80 = arith.divsi %add3A_78, %jit3A_79 : i32
    %sign3A_81 = arith.constant 0 : i32
    %sign3A_82 = arith.cmpi sgt, %add3A_78, %sign3A_81 : i32
    %sign3A_83 = arith.extui %sign3A_82 : i1 to i32
    %sign3A_84 = arith.constant 0 : i32
    %sign3A_85 = arith.cmpi slt, %add3A_78, %sign3A_84 : i32
    %sign3A_86 = arith.extui %sign3A_85 : i1 to i32
    %sign3A_87 = arith.subi %sign3A_83, %sign3A_86 : i32
    %sign3A_88 = arith.constant 0 : i32
    %sign3A_89 = arith.cmpi sgt, %jit3A_79, %sign3A_88 : i32
    %sign3A_90 = arith.extui %sign3A_89 : i1 to i32
    %sign3A_91 = arith.constant 0 : i32
    %sign3A_92 = arith.cmpi slt, %jit3A_79, %sign3A_91 : i32
    %sign3A_93 = arith.extui %sign3A_92 : i1 to i32
    %sign3A_94 = arith.subi %sign3A_90, %sign3A_93 : i32
    %ne3A_95 = arith.cmpi ne, %sign3A_87, %sign3A_94 : i32
    %rem3A_96 = arith.remsi %add3A_78, %jit3A_79 : i32
    %ne3A_97 = arith.constant 0 : i32
    %ne3A_98 = arith.cmpi ne, %rem3A_96, %ne3A_97 : i32
    %and3A_99 = arith.andi %ne3A_95, %ne3A_98 : i1
    %sub3A_100 = arith.constant 1 : i32
    %sub3A_101 = arith.subi %div3A_80, %sub3A_100 : i32
    %select_n3A_102 = arith.select %and3A_99, %sub3A_101, %div3A_80 : i32
    %while3A = arith.constant 0 : i32
    %while3A_103 = arith.constant 0 : i32
    %while3A_104 = arith.subi %select_n3A_102, %while3A : i32
    %while3A_105 = arith.addi %while3A, %while3A_104 : i32
    %while3A_106 = arith.constant 1 : i32
    %while3A_107 = arith.divsi %while3A_104, %while3A_106 : i32
    %while3A_108 = arith.muli %while3A_107, %while3A_106 : i32
    %while3A_109 = arith.addi %while3A, %while3A_108 : i32
    %while3A_110 = arith.constant 1 : i32
    %while3A_111 = scf.for %while3A_283 = %while3A to %while3A_109 step %while3A_110 iter_args(%while3A_284 = %while3A_103) -> (i32)  : i32 {
      %mul3A_285 = arith.constant 2 : i32
      %mul3A_286 = arith.muli %mul3A_285, %while3A_283 : i32
      %add3A_287 = arith.constant 1 : i32
      %add3A_288 = arith.addi %mul3A_286, %add3A_287 : i32
      %dma_wait3A_289 = arith.constant 0 : i32
      %dma_wait3A_290 = tpu.memref_slice %arg3[%add3A_5, %arg0, %dma_wait3A_289] : memref<32x2x25600xi32, #tpu.memory_space<hbm>> -> memref<1x1x192xi32, #tpu.memory_space<hbm>>
      %dma_wait3A_291 = tpu.memref_squeeze %dma_wait3A_290 : memref<1x1x192xi32, #tpu.memory_space<hbm>> -> memref<192xi32, #tpu.memory_space<hbm>>
      %dma_wait3A_292 = arith.constant 0 : i32
      %dma_wait3A_293 = tpu.memref_slice %arg3[%add3A_5, %arg0, %dma_wait3A_292] : memref<32x2x25600xi32, #tpu.memory_space<hbm>> -> memref<1x1x192xi32, #tpu.memory_space<hbm>>
      %dma_wait3A_294 = tpu.memref_squeeze %dma_wait3A_293 : memref<1x1x192xi32, #tpu.memory_space<hbm>> -> memref<192xi32, #tpu.memory_space<hbm>>
      tpu.wait_dma2 semaphore(%arg19 : memref<!tpu.dma_semaphore, #tpu.memory_space<semaphore_mem>>) src(%dma_wait3A_294 : memref<192xi32, #tpu.memory_space<hbm>>) dst(%arg12 : memref<192xi32, #tpu.memory_space<vmem>>)
      %dma_wait3A_295 = arith.constant 0 : i32
      %dma_wait3A_296 = tpu.memref_slice %arg4[%add3A_5, %arg0, %dma_wait3A_295] : memref<32x2x25600xi32, #tpu.memory_space<hbm>> -> memref<1x1x192xi32, #tpu.memory_space<hbm>>
      %dma_wait3A_297 = tpu.memref_squeeze %dma_wait3A_296 : memref<1x1x192xi32, #tpu.memory_space<hbm>> -> memref<192xi32, #tpu.memory_space<hbm>>
      %dma_wait3A_298 = arith.constant 0 : i32
      %dma_wait3A_299 = tpu.memref_slice %arg4[%add3A_5, %arg0, %dma_wait3A_298] : memref<32x2x25600xi32, #tpu.memory_space<hbm>> -> memref<1x1x192xi32, #tpu.memory_space<hbm>>
      %dma_wait3A_300 = tpu.memref_squeeze %dma_wait3A_299 : memref<1x1x192xi32, #tpu.memory_space<hbm>> -> memref<192xi32, #tpu.memory_space<hbm>>
      tpu.wait_dma2 semaphore(%arg19 : memref<!tpu.dma_semaphore, #tpu.memory_space<semaphore_mem>>) src(%dma_wait3A_300 : memref<192xi32, #tpu.memory_space<hbm>>) dst(%arg14 : memref<192xi32, #tpu.memory_space<vmem>>)
      %dma_start3A_301 = arith.constant 0 : i32
      %dma_start3A_302 = arith.constant 0 : i32
      %dma_start3A_303 = tpu.memref_slice %arg2[%dma_start3A_301, %dma_start3A_302] : memref<250880x64xf32, #tpu.memory_space<hbm>> -> memref<250880x64xf32, #tpu.memory_space<hbm>>
      tpu.enqueue_indirect_dma source(%dma_start3A_303 : memref<250880x64xf32, #tpu.memory_space<hbm>>) target(%arg10 : memref<192x64xf32, #tpu.memory_space<vmem>>) offsets(%arg12 : memref<192xi32, #tpu.memory_space<vmem>>) semaphore(%arg17 : memref<!tpu.dma_semaphore, #tpu.memory_space<semaphore_mem>>)
      %dma_wait3A_304 = arith.constant 0 : i32
      %dma_wait3A_305 = arith.constant 0 : i32
      %dma_wait3A_306 = tpu.memref_slice %arg2[%dma_wait3A_304, %dma_wait3A_305] : memref<250880x64xf32, #tpu.memory_space<hbm>> -> memref<250880x64xf32, #tpu.memory_space<hbm>>
      tpu.wait_indirect_dma semaphore(%arg16 : memref<!tpu.dma_semaphore, #tpu.memory_space<semaphore_mem>>) src(%dma_wait3A_306 : memref<250880x64xf32, #tpu.memory_space<hbm>>) dst(%arg9 : memref<192x64xf32, #tpu.memory_space<vmem>>)
      %lt3A = arith.cmpi slt, %mul3A_286, %select_n3A_29 : i32
      %convert_element_type3A = arith.extui %lt3A : i1 to i32
      %cond3A = arith.constant 0 : i32
      %cond3A_307 = arith.cmpi ne, %convert_element_type3A, %cond3A : i32
      scf.if %cond3A_307 {
        "tpu.region"() ({
          %run_scoped3A = tpu.sem_alloc : memref<!tpu.dma_semaphore, #tpu.memory_space<semaphore_mem>>
          %dma_start3A_365 = arith.constant 0 : i32
          %dma_start3A_366 = arith.constant 0 : i32
          %dma_start3A_367 = tpu.memref_slice %arg8[%dma_start3A_365, %dma_start3A_366] : memref<26112x64xf32, #tpu.memory_space<vmem_shared>> -> memref<26112x64xf32, #tpu.memory_space<vmem_shared>>
          tpu.enqueue_indirect_dma source(%arg9 : memref<192x64xf32, #tpu.memory_space<vmem>>) target(%dma_start3A_367 : memref<26112x64xf32, #tpu.memory_space<vmem_shared>>) offsets(%arg13 : memref<192xi32, #tpu.memory_space<vmem>>) semaphore(%run_scoped3A : memref<!tpu.dma_semaphore, #tpu.memory_space<semaphore_mem>>) {add = true}
          %dma_wait3A_368 = arith.constant 0 : i32
          %dma_wait3A_369 = arith.constant 0 : i32
          %dma_wait3A_370 = tpu.memref_slice %arg8[%dma_wait3A_368, %dma_wait3A_369] : memref<26112x64xf32, #tpu.memory_space<vmem_shared>> -> memref<26112x64xf32, #tpu.memory_space<vmem_shared>>
          tpu.wait_indirect_dma semaphore(%run_scoped3A : memref<!tpu.dma_semaphore, #tpu.memory_space<semaphore_mem>>) src(%arg9 : memref<192x64xf32, #tpu.memory_space<vmem>>) dst(%dma_wait3A_370 : memref<26112x64xf32, #tpu.memory_space<vmem_shared>>)
          tpu.yield
        }) : () -> ()
      } else {
      }
      %add3A_308 = arith.constant 2 : i32
      %add3A_309 = arith.addi %mul3A_286, %add3A_308 : i32
      %jit3A_310 = arith.constant 0 : i32
      %max3A_311 = arith.maxsi %jit3A_310, %add3A_309 : i32
      %min3A_312 = arith.minsi %max3A_32, %max3A_311 : i32
      %mul3A_313 = arith.constant 192 : i32
      %mul3A_314 = arith.muli %min3A_312, %mul3A_313 : i32
      %dma_start3A_315 = tpu.memref_slice %arg3[%add3A_5, %arg0, %mul3A_314] : memref<32x2x25600xi32, #tpu.memory_space<hbm>> -> memref<1x1x192xi32, #tpu.memory_space<hbm>>
      %dma_start3A_316 = tpu.memref_squeeze %dma_start3A_315 : memref<1x1x192xi32, #tpu.memory_space<hbm>> -> memref<192xi32, #tpu.memory_space<hbm>>
      %dma_start3A_317 = tpu.memref_slice %arg3[%add3A_5, %arg0, %mul3A_314] : memref<32x2x25600xi32, #tpu.memory_space<hbm>> -> memref<1x1x192xi32, #tpu.memory_space<hbm>>
      %dma_start3A_318 = tpu.memref_squeeze %dma_start3A_317 : memref<1x1x192xi32, #tpu.memory_space<hbm>> -> memref<192xi32, #tpu.memory_space<hbm>>
      tpu.enqueue_dma source(%dma_start3A_318 : memref<192xi32, #tpu.memory_space<hbm>>) target(%arg11 : memref<192xi32, #tpu.memory_space<vmem>>) target_semaphore(%arg18 : memref<!tpu.dma_semaphore, #tpu.memory_space<semaphore_mem>>)
      %mul3A_319 = arith.constant 192 : i32
      %mul3A_320 = arith.muli %min3A_312, %mul3A_319 : i32
      %dma_start3A_321 = tpu.memref_slice %arg4[%add3A_5, %arg0, %mul3A_320] : memref<32x2x25600xi32, #tpu.memory_space<hbm>> -> memref<1x1x192xi32, #tpu.memory_space<hbm>>
      %dma_start3A_322 = tpu.memref_squeeze %dma_start3A_321 : memref<1x1x192xi32, #tpu.memory_space<hbm>> -> memref<192xi32, #tpu.memory_space<hbm>>
      %dma_start3A_323 = tpu.memref_slice %arg4[%add3A_5, %arg0, %mul3A_320] : memref<32x2x25600xi32, #tpu.memory_space<hbm>> -> memref<1x1x192xi32, #tpu.memory_space<hbm>>
      %dma_start3A_324 = tpu.memref_squeeze %dma_start3A_323 : memref<1x1x192xi32, #tpu.memory_space<hbm>> -> memref<192xi32, #tpu.memory_space<hbm>>
      tpu.enqueue_dma source(%dma_start3A_324 : memref<192xi32, #tpu.memory_space<hbm>>) target(%arg13 : memref<192xi32, #tpu.memory_space<vmem>>) target_semaphore(%arg18 : memref<!tpu.dma_semaphore, #tpu.memory_space<semaphore_mem>>)
      %dma_wait3A_325 = arith.constant 0 : i32
      %dma_wait3A_326 = tpu.memref_slice %arg3[%add3A_5, %arg0, %dma_wait3A_325] : memref<32x2x25600xi32, #tpu.memory_space<hbm>> -> memref<1x1x192xi32, #tpu.memory_space<hbm>>
      %dma_wait3A_327 = tpu.memref_squeeze %dma_wait3A_326 : memref<1x1x192xi32, #tpu.memory_space<hbm>> -> memref<192xi32, #tpu.memory_space<hbm>>
      %dma_wait3A_328 = arith.constant 0 : i32
      %dma_wait3A_329 = tpu.memref_slice %arg3[%add3A_5, %arg0, %dma_wait3A_328] : memref<32x2x25600xi32, #tpu.memory_space<hbm>> -> memref<1x1x192xi32, #tpu.memory_space<hbm>>
      %dma_wait3A_330 = tpu.memref_squeeze %dma_wait3A_329 : memref<1x1x192xi32, #tpu.memory_space<hbm>> -> memref<192xi32, #tpu.memory_space<hbm>>
      tpu.wait_dma2 semaphore(%arg18 : memref<!tpu.dma_semaphore, #tpu.memory_space<semaphore_mem>>) src(%dma_wait3A_330 : memref<192xi32, #tpu.memory_space<hbm>>) dst(%arg11 : memref<192xi32, #tpu.memory_space<vmem>>)
      %dma_wait3A_331 = arith.constant 0 : i32
      %dma_wait3A_332 = tpu.memref_slice %arg4[%add3A_5, %arg0, %dma_wait3A_331] : memref<32x2x25600xi32, #tpu.memory_space<hbm>> -> memref<1x1x192xi32, #tpu.memory_space<hbm>>
      %dma_wait3A_333 = tpu.memref_squeeze %dma_wait3A_332 : memref<1x1x192xi32, #tpu.memory_space<hbm>> -> memref<192xi32, #tpu.memory_space<hbm>>
      %dma_wait3A_334 = arith.constant 0 : i32
      %dma_wait3A_335 = tpu.memref_slice %arg4[%add3A_5, %arg0, %dma_wait3A_334] : memref<32x2x25600xi32, #tpu.memory_space<hbm>> -> memref<1x1x192xi32, #tpu.memory_space<hbm>>
      %dma_wait3A_336 = tpu.memref_squeeze %dma_wait3A_335 : memref<1x1x192xi32, #tpu.memory_space<hbm>> -> memref<192xi32, #tpu.memory_space<hbm>>
      tpu.wait_dma2 semaphore(%arg18 : memref<!tpu.dma_semaphore, #tpu.memory_space<semaphore_mem>>) src(%dma_wait3A_336 : memref<192xi32, #tpu.memory_space<hbm>>) dst(%arg13 : memref<192xi32, #tpu.memory_space<vmem>>)
      %dma_start3A_337 = arith.constant 0 : i32
      %dma_start3A_338 = arith.constant 0 : i32
      %dma_start3A_339 = tpu.memref_slice %arg2[%dma_start3A_337, %dma_start3A_338] : memref<250880x64xf32, #tpu.memory_space<hbm>> -> memref<250880x64xf32, #tpu.memory_space<hbm>>
      tpu.enqueue_indirect_dma source(%dma_start3A_339 : memref<250880x64xf32, #tpu.memory_space<hbm>>) target(%arg9 : memref<192x64xf32, #tpu.memory_space<vmem>>) offsets(%arg11 : memref<192xi32, #tpu.memory_space<vmem>>) semaphore(%arg16 : memref<!tpu.dma_semaphore, #tpu.memory_space<semaphore_mem>>)
      %dma_wait3A_340 = arith.constant 0 : i32
      %dma_wait3A_341 = arith.constant 0 : i32
      %dma_wait3A_342 = tpu.memref_slice %arg2[%dma_wait3A_340, %dma_wait3A_341] : memref<250880x64xf32, #tpu.memory_space<hbm>> -> memref<250880x64xf32, #tpu.memory_space<hbm>>
      tpu.wait_indirect_dma semaphore(%arg17 : memref<!tpu.dma_semaphore, #tpu.memory_space<semaphore_mem>>) src(%dma_wait3A_342 : memref<250880x64xf32, #tpu.memory_space<hbm>>) dst(%arg10 : memref<192x64xf32, #tpu.memory_space<vmem>>)
      %lt3A_343 = arith.cmpi slt, %add3A_288, %select_n3A_29 : i32
      %convert_element_type3A_344 = arith.extui %lt3A_343 : i1 to i32
      %cond3A_345 = arith.constant 0 : i32
      %cond3A_346 = arith.cmpi ne, %convert_element_type3A_344, %cond3A_345 : i32
      scf.if %cond3A_346 {
        "tpu.region"() ({
          %run_scoped3A = tpu.sem_alloc : memref<!tpu.dma_semaphore, #tpu.memory_space<semaphore_mem>>
          %dma_start3A_365 = arith.constant 0 : i32
          %dma_start3A_366 = arith.constant 0 : i32
          %dma_start3A_367 = tpu.memref_slice %arg8[%dma_start3A_365, %dma_start3A_366] : memref<26112x64xf32, #tpu.memory_space<vmem_shared>> -> memref<26112x64xf32, #tpu.memory_space<vmem_shared>>
          tpu.enqueue_indirect_dma source(%arg10 : memref<192x64xf32, #tpu.memory_space<vmem>>) target(%dma_start3A_367 : memref<26112x64xf32, #tpu.memory_space<vmem_shared>>) offsets(%arg14 : memref<192xi32, #tpu.memory_space<vmem>>) semaphore(%run_scoped3A : memref<!tpu.dma_semaphore, #tpu.memory_space<semaphore_mem>>) {add = true}
          %dma_wait3A_368 = arith.constant 0 : i32
          %dma_wait3A_369 = arith.constant 0 : i32
          %dma_wait3A_370 = tpu.memref_slice %arg8[%dma_wait3A_368, %dma_wait3A_369] : memref<26112x64xf32, #tpu.memory_space<vmem_shared>> -> memref<26112x64xf32, #tpu.memory_space<vmem_shared>>
          tpu.wait_indirect_dma semaphore(%run_scoped3A : memref<!tpu.dma_semaphore, #tpu.memory_space<semaphore_mem>>) src(%arg10 : memref<192x64xf32, #tpu.memory_space<vmem>>) dst(%dma_wait3A_370 : memref<26112x64xf32, #tpu.memory_space<vmem_shared>>)
          tpu.yield
        }) : () -> ()
      } else {
      }
      %add3A_347 = arith.constant 2 : i32
      %add3A_348 = arith.addi %add3A_288, %add3A_347 : i32
      %jit3A_349 = arith.constant 0 : i32
      %max3A_350 = arith.maxsi %jit3A_349, %add3A_348 : i32
      %min3A_351 = arith.minsi %max3A_32, %max3A_350 : i32
      %mul3A_352 = arith.constant 192 : i32
      %mul3A_353 = arith.muli %min3A_351, %mul3A_352 : i32
      %dma_start3A_354 = tpu.memref_slice %arg3[%add3A_5, %arg0, %mul3A_353] : memref<32x2x25600xi32, #tpu.memory_space<hbm>> -> memref<1x1x192xi32, #tpu.memory_space<hbm>>
      %dma_start3A_355 = tpu.memref_squeeze %dma_start3A_354 : memref<1x1x192xi32, #tpu.memory_space<hbm>> -> memref<192xi32, #tpu.memory_space<hbm>>
      %dma_start3A_356 = tpu.memref_slice %arg3[%add3A_5, %arg0, %mul3A_353] : memref<32x2x25600xi32, #tpu.memory_space<hbm>> -> memref<1x1x192xi32, #tpu.memory_space<hbm>>
      %dma_start3A_357 = tpu.memref_squeeze %dma_start3A_356 : memref<1x1x192xi32, #tpu.memory_space<hbm>> -> memref<192xi32, #tpu.memory_space<hbm>>
      tpu.enqueue_dma source(%dma_start3A_357 : memref<192xi32, #tpu.memory_space<hbm>>) target(%arg12 : memref<192xi32, #tpu.memory_space<vmem>>) target_semaphore(%arg19 : memref<!tpu.dma_semaphore, #tpu.memory_space<semaphore_mem>>)
      %mul3A_358 = arith.constant 192 : i32
      %mul3A_359 = arith.muli %min3A_351, %mul3A_358 : i32
      %dma_start3A_360 = tpu.memref_slice %arg4[%add3A_5, %arg0, %mul3A_359] : memref<32x2x25600xi32, #tpu.memory_space<hbm>> -> memref<1x1x192xi32, #tpu.memory_space<hbm>>
      %dma_start3A_361 = tpu.memref_squeeze %dma_start3A_360 : memref<1x1x192xi32, #tpu.memory_space<hbm>> -> memref<192xi32, #tpu.memory_space<hbm>>
      %dma_start3A_362 = tpu.memref_slice %arg4[%add3A_5, %arg0, %mul3A_359] : memref<32x2x25600xi32, #tpu.memory_space<hbm>> -> memref<1x1x192xi32, #tpu.memory_space<hbm>>
      %dma_start3A_363 = tpu.memref_squeeze %dma_start3A_362 : memref<1x1x192xi32, #tpu.memory_space<hbm>> -> memref<192xi32, #tpu.memory_space<hbm>>
      tpu.enqueue_dma source(%dma_start3A_363 : memref<192xi32, #tpu.memory_space<hbm>>) target(%arg14 : memref<192xi32, #tpu.memory_space<vmem>>) target_semaphore(%arg19 : memref<!tpu.dma_semaphore, #tpu.memory_space<semaphore_mem>>)
      %while3A_364 = arith.constant 0 : i32
      scf.yield %while3A_364 : i32
    }
    %while3A_112 = arith.constant 1 : i32
    %while3A_113 = scf.for %while3A_283 = %while3A_109 to %while3A_105 step %while3A_112 iter_args(%while3A_284 = %while3A_111) -> (i32)  : i32 {
      %mul3A_285 = arith.constant 2 : i32
      %mul3A_286 = arith.muli %mul3A_285, %while3A_283 : i32
      %add3A_287 = arith.constant 1 : i32
      %add3A_288 = arith.addi %mul3A_286, %add3A_287 : i32
      %dma_wait3A_289 = arith.constant 0 : i32
      %dma_wait3A_290 = tpu.memref_slice %arg3[%add3A_5, %arg0, %dma_wait3A_289] : memref<32x2x25600xi32, #tpu.memory_space<hbm>> -> memref<1x1x192xi32, #tpu.memory_space<hbm>>
      %dma_wait3A_291 = tpu.memref_squeeze %dma_wait3A_290 : memref<1x1x192xi32, #tpu.memory_space<hbm>> -> memref<192xi32, #tpu.memory_space<hbm>>
      %dma_wait3A_292 = arith.constant 0 : i32
      %dma_wait3A_293 = tpu.memref_slice %arg3[%add3A_5, %arg0, %dma_wait3A_292] : memref<32x2x25600xi32, #tpu.memory_space<hbm>> -> memref<1x1x192xi32, #tpu.memory_space<hbm>>
      %dma_wait3A_294 = tpu.memref_squeeze %dma_wait3A_293 : memref<1x1x192xi32, #tpu.memory_space<hbm>> -> memref<192xi32, #tpu.memory_space<hbm>>
      tpu.wait_dma2 semaphore(%arg19 : memref<!tpu.dma_semaphore, #tpu.memory_space<semaphore_mem>>) src(%dma_wait3A_294 : memref<192xi32, #tpu.memory_space<hbm>>) dst(%arg12 : memref<192xi32, #tpu.memory_space<vmem>>)
      %dma_wait3A_295 = arith.constant 0 : i32
      %dma_wait3A_296 = tpu.memref_slice %arg4[%add3A_5, %arg0, %dma_wait3A_295] : memref<32x2x25600xi32, #tpu.memory_space<hbm>> -> memref<1x1x192xi32, #tpu.memory_space<hbm>>
      %dma_wait3A_297 = tpu.memref_squeeze %dma_wait3A_296 : memref<1x1x192xi32, #tpu.memory_space<hbm>> -> memref<192xi32, #tpu.memory_space<hbm>>
      %dma_wait3A_298 = arith.constant 0 : i32
      %dma_wait3A_299 = tpu.memref_slice %arg4[%add3A_5, %arg0, %dma_wait3A_298] : memref<32x2x25600xi32, #tpu.memory_space<hbm>> -> memref<1x1x192xi32, #tpu.memory_space<hbm>>
      %dma_wait3A_300 = tpu.memref_squeeze %dma_wait3A_299 : memref<1x1x192xi32, #tpu.memory_space<hbm>> -> memref<192xi32, #tpu.memory_space<hbm>>
      tpu.wait_dma2 semaphore(%arg19 : memref<!tpu.dma_semaphore, #tpu.memory_space<semaphore_mem>>) src(%dma_wait3A_300 : memref<192xi32, #tpu.memory_space<hbm>>) dst(%arg14 : memref<192xi32, #tpu.memory_space<vmem>>)
      %dma_start3A_301 = arith.constant 0 : i32
      %dma_start3A_302 = arith.constant 0 : i32
      %dma_start3A_303 = tpu.memref_slice %arg2[%dma_start3A_301, %dma_start3A_302] : memref<250880x64xf32, #tpu.memory_space<hbm>> -> memref<250880x64xf32, #tpu.memory_space<hbm>>
      tpu.enqueue_indirect_dma source(%dma_start3A_303 : memref<250880x64xf32, #tpu.memory_space<hbm>>) target(%arg10 : memref<192x64xf32, #tpu.memory_space<vmem>>) offsets(%arg12 : memref<192xi32, #tpu.memory_space<vmem>>) semaphore(%arg17 : memref<!tpu.dma_semaphore, #tpu.memory_space<semaphore_mem>>)
      %dma_wait3A_304 = arith.constant 0 : i32
      %dma_wait3A_305 = arith.constant 0 : i32
      %dma_wait3A_306 = tpu.memref_slice %arg2[%dma_wait3A_304, %dma_wait3A_305] : memref<250880x64xf32, #tpu.memory_space<hbm>> -> memref<250880x64xf32, #tpu.memory_space<hbm>>
      tpu.wait_indirect_dma semaphore(%arg16 : memref<!tpu.dma_semaphore, #tpu.memory_space<semaphore_mem>>) src(%dma_wait3A_306 : memref<250880x64xf32, #tpu.memory_space<hbm>>) dst(%arg9 : memref<192x64xf32, #tpu.memory_space<vmem>>)
      %lt3A = arith.cmpi slt, %mul3A_286, %select_n3A_29 : i32
      %convert_element_type3A = arith.extui %lt3A : i1 to i32
      %cond3A = arith.constant 0 : i32
      %cond3A_307 = arith.cmpi ne, %convert_element_type3A, %cond3A : i32
      scf.if %cond3A_307 {
        "tpu.region"() ({
          %run_scoped3A = tpu.sem_alloc : memref<!tpu.dma_semaphore, #tpu.memory_space<semaphore_mem>>
          %dma_start3A_365 = arith.constant 0 : i32
          %dma_start3A_366 = arith.constant 0 : i32
          %dma_start3A_367 = tpu.memref_slice %arg8[%dma_start3A_365, %dma_start3A_366] : memref<26112x64xf32, #tpu.memory_space<vmem_shared>> -> memref<26112x64xf32, #tpu.memory_space<vmem_shared>>
          tpu.enqueue_indirect_dma source(%arg9 : memref<192x64xf32, #tpu.memory_space<vmem>>) target(%dma_start3A_367 : memref<26112x64xf32, #tpu.memory_space<vmem_shared>>) offsets(%arg13 : memref<192xi32, #tpu.memory_space<vmem>>) semaphore(%run_scoped3A : memref<!tpu.dma_semaphore, #tpu.memory_space<semaphore_mem>>) {add = true}
          %dma_wait3A_368 = arith.constant 0 : i32
          %dma_wait3A_369 = arith.constant 0 : i32
          %dma_wait3A_370 = tpu.memref_slice %arg8[%dma_wait3A_368, %dma_wait3A_369] : memref<26112x64xf32, #tpu.memory_space<vmem_shared>> -> memref<26112x64xf32, #tpu.memory_space<vmem_shared>>
          tpu.wait_indirect_dma semaphore(%run_scoped3A : memref<!tpu.dma_semaphore, #tpu.memory_space<semaphore_mem>>) src(%arg9 : memref<192x64xf32, #tpu.memory_space<vmem>>) dst(%dma_wait3A_370 : memref<26112x64xf32, #tpu.memory_space<vmem_shared>>)
          tpu.yield
        }) : () -> ()
      } else {
      }
      %add3A_308 = arith.constant 2 : i32
      %add3A_309 = arith.addi %mul3A_286, %add3A_308 : i32
      %jit3A_310 = arith.constant 0 : i32
      %max3A_311 = arith.maxsi %jit3A_310, %add3A_309 : i32
      %min3A_312 = arith.minsi %max3A_32, %max3A_311 : i32
      %mul3A_313 = arith.constant 192 : i32
      %mul3A_314 = arith.muli %min3A_312, %mul3A_313 : i32
      %dma_start3A_315 = tpu.memref_slice %arg3[%add3A_5, %arg0, %mul3A_314] : memref<32x2x25600xi32, #tpu.memory_space<hbm>> -> memref<1x1x192xi32, #tpu.memory_space<hbm>>
      %dma_start3A_316 = tpu.memref_squeeze %dma_start3A_315 : memref<1x1x192xi32, #tpu.memory_space<hbm>> -> memref<192xi32, #tpu.memory_space<hbm>>
      %dma_start3A_317 = tpu.memref_slice %arg3[%add3A_5, %arg0, %mul3A_314] : memref<32x2x25600xi32, #tpu.memory_space<hbm>> -> memref<1x1x192xi32, #tpu.memory_space<hbm>>
      %dma_start3A_318 = tpu.memref_squeeze %dma_start3A_317 : memref<1x1x192xi32, #tpu.memory_space<hbm>> -> memref<192xi32, #tpu.memory_space<hbm>>
      tpu.enqueue_dma source(%dma_start3A_318 : memref<192xi32, #tpu.memory_space<hbm>>) target(%arg11 : memref<192xi32, #tpu.memory_space<vmem>>) target_semaphore(%arg18 : memref<!tpu.dma_semaphore, #tpu.memory_space<semaphore_mem>>)
      %mul3A_319 = arith.constant 192 : i32
      %mul3A_320 = arith.muli %min3A_312, %mul3A_319 : i32
      %dma_start3A_321 = tpu.memref_slice %arg4[%add3A_5, %arg0, %mul3A_320] : memref<32x2x25600xi32, #tpu.memory_space<hbm>> -> memref<1x1x192xi32, #tpu.memory_space<hbm>>
      %dma_start3A_322 = tpu.memref_squeeze %dma_start3A_321 : memref<1x1x192xi32, #tpu.memory_space<hbm>> -> memref<192xi32, #tpu.memory_space<hbm>>
      %dma_start3A_323 = tpu.memref_slice %arg4[%add3A_5, %arg0, %mul3A_320] : memref<32x2x25600xi32, #tpu.memory_space<hbm>> -> memref<1x1x192xi32, #tpu.memory_space<hbm>>
      %dma_start3A_324 = tpu.memref_squeeze %dma_start3A_323 : memref<1x1x192xi32, #tpu.memory_space<hbm>> -> memref<192xi32, #tpu.memory_space<hbm>>
      tpu.enqueue_dma source(%dma_start3A_324 : memref<192xi32, #tpu.memory_space<hbm>>) target(%arg13 : memref<192xi32, #tpu.memory_space<vmem>>) target_semaphore(%arg18 : memref<!tpu.dma_semaphore, #tpu.memory_space<semaphore_mem>>)
      %dma_wait3A_325 = arith.constant 0 : i32
      %dma_wait3A_326 = tpu.memref_slice %arg3[%add3A_5, %arg0, %dma_wait3A_325] : memref<32x2x25600xi32, #tpu.memory_space<hbm>> -> memref<1x1x192xi32, #tpu.memory_space<hbm>>
      %dma_wait3A_327 = tpu.memref_squeeze %dma_wait3A_326 : memref<1x1x192xi32, #tpu.memory_space<hbm>> -> memref<192xi32, #tpu.memory_space<hbm>>
      %dma_wait3A_328 = arith.constant 0 : i32
      %dma_wait3A_329 = tpu.memref_slice %arg3[%add3A_5, %arg0, %dma_wait3A_328] : memref<32x2x25600xi32, #tpu.memory_space<hbm>> -> memref<1x1x192xi32, #tpu.memory_space<hbm>>
      %dma_wait3A_330 = tpu.memref_squeeze %dma_wait3A_329 : memref<1x1x192xi32, #tpu.memory_space<hbm>> -> memref<192xi32, #tpu.memory_space<hbm>>
      tpu.wait_dma2 semaphore(%arg18 : memref<!tpu.dma_semaphore, #tpu.memory_space<semaphore_mem>>) src(%dma_wait3A_330 : memref<192xi32, #tpu.memory_space<hbm>>) dst(%arg11 : memref<192xi32, #tpu.memory_space<vmem>>)
      %dma_wait3A_331 = arith.constant 0 : i32
      %dma_wait3A_332 = tpu.memref_slice %arg4[%add3A_5, %arg0, %dma_wait3A_331] : memref<32x2x25600xi32, #tpu.memory_space<hbm>> -> memref<1x1x192xi32, #tpu.memory_space<hbm>>
      %dma_wait3A_333 = tpu.memref_squeeze %dma_wait3A_332 : memref<1x1x192xi32, #tpu.memory_space<hbm>> -> memref<192xi32, #tpu.memory_space<hbm>>
      %dma_wait3A_334 = arith.constant 0 : i32
      %dma_wait3A_335 = tpu.memref_slice %arg4[%add3A_5, %arg0, %dma_wait3A_334] : memref<32x2x25600xi32, #tpu.memory_space<hbm>> -> memref<1x1x192xi32, #tpu.memory_space<hbm>>
      %dma_wait3A_336 = tpu.memref_squeeze %dma_wait3A_335 : memref<1x1x192xi32, #tpu.memory_space<hbm>> -> memref<192xi32, #tpu.memory_space<hbm>>
      tpu.wait_dma2 semaphore(%arg18 : memref<!tpu.dma_semaphore, #tpu.memory_space<semaphore_mem>>) src(%dma_wait3A_336 : memref<192xi32, #tpu.memory_space<hbm>>) dst(%arg13 : memref<192xi32, #tpu.memory_space<vmem>>)
      %dma_start3A_337 = arith.constant 0 : i32
      %dma_start3A_338 = arith.constant 0 : i32
      %dma_start3A_339 = tpu.memref_slice %arg2[%dma_start3A_337, %dma_start3A_338] : memref<250880x64xf32, #tpu.memory_space<hbm>> -> memref<250880x64xf32, #tpu.memory_space<hbm>>
      tpu.enqueue_indirect_dma source(%dma_start3A_339 : memref<250880x64xf32, #tpu.memory_space<hbm>>) target(%arg9 : memref<192x64xf32, #tpu.memory_space<vmem>>) offsets(%arg11 : memref<192xi32, #tpu.memory_space<vmem>>) semaphore(%arg16 : memref<!tpu.dma_semaphore, #tpu.memory_space<semaphore_mem>>)
      %dma_wait3A_340 = arith.constant 0 : i32
      %dma_wait3A_341 = arith.constant 0 : i32
      %dma_wait3A_342 = tpu.memref_slice %arg2[%dma_wait3A_340, %dma_wait3A_341] : memref<250880x64xf32, #tpu.memory_space<hbm>> -> memref<250880x64xf32, #tpu.memory_space<hbm>>
      tpu.wait_indirect_dma semaphore(%arg17 : memref<!tpu.dma_semaphore, #tpu.memory_space<semaphore_mem>>) src(%dma_wait3A_342 : memref<250880x64xf32, #tpu.memory_space<hbm>>) dst(%arg10 : memref<192x64xf32, #tpu.memory_space<vmem>>)
      %lt3A_343 = arith.cmpi slt, %add3A_288, %select_n3A_29 : i32
      %convert_element_type3A_344 = arith.extui %lt3A_343 : i1 to i32
      %cond3A_345 = arith.constant 0 : i32
      %cond3A_346 = arith.cmpi ne, %convert_element_type3A_344, %cond3A_345 : i32
      scf.if %cond3A_346 {
        "tpu.region"() ({
          %run_scoped3A = tpu.sem_alloc : memref<!tpu.dma_semaphore, #tpu.memory_space<semaphore_mem>>
          %dma_start3A_365 = arith.constant 0 : i32
          %dma_start3A_366 = arith.constant 0 : i32
          %dma_start3A_367 = tpu.memref_slice %arg8[%dma_start3A_365, %dma_start3A_366] : memref<26112x64xf32, #tpu.memory_space<vmem_shared>> -> memref<26112x64xf32, #tpu.memory_space<vmem_shared>>
          tpu.enqueue_indirect_dma source(%arg10 : memref<192x64xf32, #tpu.memory_space<vmem>>) target(%dma_start3A_367 : memref<26112x64xf32, #tpu.memory_space<vmem_shared>>) offsets(%arg14 : memref<192xi32, #tpu.memory_space<vmem>>) semaphore(%run_scoped3A : memref<!tpu.dma_semaphore, #tpu.memory_space<semaphore_mem>>) {add = true}
          %dma_wait3A_368 = arith.constant 0 : i32
          %dma_wait3A_369 = arith.constant 0 : i32
          %dma_wait3A_370 = tpu.memref_slice %arg8[%dma_wait3A_368, %dma_wait3A_369] : memref<26112x64xf32, #tpu.memory_space<vmem_shared>> -> memref<26112x64xf32, #tpu.memory_space<vmem_shared>>
          tpu.wait_indirect_dma semaphore(%run_scoped3A : memref<!tpu.dma_semaphore, #tpu.memory_space<semaphore_mem>>) src(%arg10 : memref<192x64xf32, #tpu.memory_space<vmem>>) dst(%dma_wait3A_370 : memref<26112x64xf32, #tpu.memory_space<vmem_shared>>)
          tpu.yield
        }) : () -> ()
      } else {
      }
      %add3A_347 = arith.constant 2 : i32
      %add3A_348 = arith.addi %add3A_288, %add3A_347 : i32
      %jit3A_349 = arith.constant 0 : i32
      %max3A_350 = arith.maxsi %jit3A_349, %add3A_348 : i32
      %min3A_351 = arith.minsi %max3A_32, %max3A_350 : i32
      %mul3A_352 = arith.constant 192 : i32
      %mul3A_353 = arith.muli %min3A_351, %mul3A_352 : i32
      %dma_start3A_354 = tpu.memref_slice %arg3[%add3A_5, %arg0, %mul3A_353] : memref<32x2x25600xi32, #tpu.memory_space<hbm>> -> memref<1x1x192xi32, #tpu.memory_space<hbm>>
      %dma_start3A_355 = tpu.memref_squeeze %dma_start3A_354 : memref<1x1x192xi32, #tpu.memory_space<hbm>> -> memref<192xi32, #tpu.memory_space<hbm>>
      %dma_start3A_356 = tpu.memref_slice %arg3[%add3A_5, %arg0, %mul3A_353] : memref<32x2x25600xi32, #tpu.memory_space<hbm>> -> memref<1x1x192xi32, #tpu.memory_space<hbm>>
      %dma_start3A_357 = tpu.memref_squeeze %dma_start3A_356 : memref<1x1x192xi32, #tpu.memory_space<hbm>> -> memref<192xi32, #tpu.memory_space<hbm>>
      tpu.enqueue_dma source(%dma_start3A_357 : memref<192xi32, #tpu.memory_space<hbm>>) target(%arg12 : memref<192xi32, #tpu.memory_space<vmem>>) target_semaphore(%arg19 : memref<!tpu.dma_semaphore, #tpu.memory_space<semaphore_mem>>)
      %mul3A_358 = arith.constant 192 : i32
      %mul3A_359 = arith.muli %min3A_351, %mul3A_358 : i32
      %dma_start3A_360 = tpu.memref_slice %arg4[%add3A_5, %arg0, %mul3A_359] : memref<32x2x25600xi32, #tpu.memory_space<hbm>> -> memref<1x1x192xi32, #tpu.memory_space<hbm>>
      %dma_start3A_361 = tpu.memref_squeeze %dma_start3A_360 : memref<1x1x192xi32, #tpu.memory_space<hbm>> -> memref<192xi32, #tpu.memory_space<hbm>>
      %dma_start3A_362 = tpu.memref_slice %arg4[%add3A_5, %arg0, %mul3A_359] : memref<32x2x25600xi32, #tpu.memory_space<hbm>> -> memref<1x1x192xi32, #tpu.memory_space<hbm>>
      %dma_start3A_363 = tpu.memref_squeeze %dma_start3A_362 : memref<1x1x192xi32, #tpu.memory_space<hbm>> -> memref<192xi32, #tpu.memory_space<hbm>>
      tpu.enqueue_dma source(%dma_start3A_363 : memref<192xi32, #tpu.memory_space<hbm>>) target(%arg14 : memref<192xi32, #tpu.memory_space<vmem>>) target_semaphore(%arg19 : memref<!tpu.dma_semaphore, #tpu.memory_space<semaphore_mem>>)
      %while3A_364 = arith.constant 0 : i32
      scf.yield %while3A_364 : i32
    }
    %dma_wait3A_114 = arith.constant 0 : i32
    %dma_wait3A_115 = arith.constant 0 : i32
    %dma_wait3A_116 = tpu.memref_slice %arg2[%dma_wait3A_114, %dma_wait3A_115] : memref<250880x64xf32, #tpu.memory_space<hbm>> -> memref<250880x64xf32, #tpu.memory_space<hbm>>
    tpu.wait_indirect_dma semaphore(%arg16 : memref<!tpu.dma_semaphore, #tpu.memory_space<semaphore_mem>>) src(%dma_wait3A_116 : memref<250880x64xf32, #tpu.memory_space<hbm>>) dst(%arg9 : memref<192x64xf32, #tpu.memory_space<vmem>>)
    %dma_wait3A_117 = arith.constant 0 : i32
    %dma_wait3A_118 = tpu.memref_slice %arg3[%add3A_5, %arg0, %dma_wait3A_117] : memref<32x2x25600xi32, #tpu.memory_space<hbm>> -> memref<1x1x192xi32, #tpu.memory_space<hbm>>
    %dma_wait3A_119 = tpu.memref_squeeze %dma_wait3A_118 : memref<1x1x192xi32, #tpu.memory_space<hbm>> -> memref<192xi32, #tpu.memory_space<hbm>>
    %dma_wait3A_120 = arith.constant 0 : i32
    %dma_wait3A_121 = tpu.memref_slice %arg3[%add3A_5, %arg0, %dma_wait3A_120] : memref<32x2x25600xi32, #tpu.memory_space<hbm>> -> memref<1x1x192xi32, #tpu.memory_space<hbm>>
    %dma_wait3A_122 = tpu.memref_squeeze %dma_wait3A_121 : memref<1x1x192xi32, #tpu.memory_space<hbm>> -> memref<192xi32, #tpu.memory_space<hbm>>
    tpu.wait_dma2 semaphore(%arg19 : memref<!tpu.dma_semaphore, #tpu.memory_space<semaphore_mem>>) src(%dma_wait3A_122 : memref<192xi32, #tpu.memory_space<hbm>>) dst(%arg12 : memref<192xi32, #tpu.memory_space<vmem>>)
    %dma_wait3A_123 = arith.constant 0 : i32
    %dma_wait3A_124 = tpu.memref_slice %arg4[%add3A_5, %arg0, %dma_wait3A_123] : memref<32x2x25600xi32, #tpu.memory_space<hbm>> -> memref<1x1x192xi32, #tpu.memory_space<hbm>>
    %dma_wait3A_125 = tpu.memref_squeeze %dma_wait3A_124 : memref<1x1x192xi32, #tpu.memory_space<hbm>> -> memref<192xi32, #tpu.memory_space<hbm>>
    %dma_wait3A_126 = arith.constant 0 : i32
    %dma_wait3A_127 = tpu.memref_slice %arg4[%add3A_5, %arg0, %dma_wait3A_126] : memref<32x2x25600xi32, #tpu.memory_space<hbm>> -> memref<1x1x192xi32, #tpu.memory_space<hbm>>
    %dma_wait3A_128 = tpu.memref_squeeze %dma_wait3A_127 : memref<1x1x192xi32, #tpu.memory_space<hbm>> -> memref<192xi32, #tpu.memory_space<hbm>>
    tpu.wait_dma2 semaphore(%arg19 : memref<!tpu.dma_semaphore, #tpu.memory_space<semaphore_mem>>) src(%dma_wait3A_128 : memref<192xi32, #tpu.memory_space<hbm>>) dst(%arg14 : memref<192xi32, #tpu.memory_space<vmem>>)
    %mul3A_129 = arith.constant 2 : i32
    %mul3A_130 = arith.muli %arg1, %mul3A_129 : i32
    %add3A_131 = arith.constant 1 : i32
    %add3A_132 = arith.addi %mul3A_130, %add3A_131 : i32
    "tpu.region"() ({
      %run_scoped3A = tpu.sem_alloc : memref<!tpu.dma_semaphore, #tpu.memory_space<semaphore_mem>>
      %dma_start3A_283 = arith.constant 0 : i32
      %dma_start3A_284 = tpu.memref_slice %arg5[%add3A_132, %dma_start3A_283] : memref<32x16xi32, #tpu.memory_space<hbm>> -> memref<1x16xi32, #tpu.memory_space<hbm>>
      %dma_start3A_285 = tpu.memref_squeeze %dma_start3A_284 : memref<1x16xi32, #tpu.memory_space<hbm>> -> memref<16xi32, #tpu.memory_space<hbm>>
      %dma_start3A_286 = arith.constant 0 : i32
      %dma_start3A_287 = tpu.memref_slice %arg5[%add3A_132, %dma_start3A_286] : memref<32x16xi32, #tpu.memory_space<hbm>> -> memref<1x16xi32, #tpu.memory_space<hbm>>
      %dma_start3A_288 = tpu.memref_squeeze %dma_start3A_287 : memref<1x16xi32, #tpu.memory_space<hbm>> -> memref<16xi32, #tpu.memory_space<hbm>>
      tpu.enqueue_dma source(%dma_start3A_288 : memref<16xi32, #tpu.memory_space<hbm>>) target(%arg15 : memref<16xi32, #tpu.memory_space<vmem>>) target_semaphore(%run_scoped3A : memref<!tpu.dma_semaphore, #tpu.memory_space<semaphore_mem>>)
      %dma_wait3A_289 = arith.constant 0 : i32
      %dma_wait3A_290 = tpu.memref_slice %arg5[%add3A_132, %dma_wait3A_289] : memref<32x16xi32, #tpu.memory_space<hbm>> -> memref<1x16xi32, #tpu.memory_space<hbm>>
      %dma_wait3A_291 = tpu.memref_squeeze %dma_wait3A_290 : memref<1x16xi32, #tpu.memory_space<hbm>> -> memref<16xi32, #tpu.memory_space<hbm>>
      %dma_wait3A_292 = arith.constant 0 : i32
      %dma_wait3A_293 = tpu.memref_slice %arg5[%add3A_132, %dma_wait3A_292] : memref<32x16xi32, #tpu.memory_space<hbm>> -> memref<1x16xi32, #tpu.memory_space<hbm>>
      %dma_wait3A_294 = tpu.memref_squeeze %dma_wait3A_293 : memref<1x16xi32, #tpu.memory_space<hbm>> -> memref<16xi32, #tpu.memory_space<hbm>>
      tpu.wait_dma2 semaphore(%run_scoped3A : memref<!tpu.dma_semaphore, #tpu.memory_space<semaphore_mem>>) src(%dma_wait3A_294 : memref<16xi32, #tpu.memory_space<hbm>>) dst(%arg15 : memref<16xi32, #tpu.memory_space<vmem>>)
      tpu.yield
    }) : () -> ()
    %broadcast_in_dim3A_133 = vector.broadcast %arg0 : i32 to vector<16xi32>
    %eq3A_134 = arith.cmpi eq, %iota3A, %broadcast_in_dim3A_133 : vector<16xi32>
    %get3A_135 = arith.constant 0 : index
    %get3A_136 = tpu.vector_load %arg15[%get3A_135] {strides = array<i32>} : memref<16xi32, #tpu.memory_space<vmem>>, vector<16xi32>,
    %broadcast_in_dim3A_137 = arith.constant 0 : i32
    %broadcast_in_dim3A_138 = vector.broadcast %broadcast_in_dim3A_137 : i32 to vector<16xi32>
    %select_n3A_139 = arith.select %eq3A_134, %get3A_136, %broadcast_in_dim3A_138 : vector<16xi1>, vector<16xi32>
    %broadcast_in_dim3A_140 = arith.constant true
    %broadcast_in_dim3A_141 = vector.broadcast %broadcast_in_dim3A_140 : i1 to vector<16xi1>
    %masked_cumsum3A_142 = tpu.scan <sum>, %select_n3A_139 masked %broadcast_in_dim3A_141 : vector<16xi32>, vector<16xi1> -> vector<16xi32>
    %slice3A_143 = vector.extract_strided_slice %masked_cumsum3A_142 {offsets = [15], sizes = [1], strides = [1]} : vector<16xi32> to vector<1xi32>
    %squeeze3A_144 = vector.extract %slice3A_143[0] : i32 from vector<1xi32>
    %add3A_145 = arith.constant 191 : i32
    %add3A_146 = arith.addi %squeeze3A_144, %add3A_145 : i32
    %jit3A_147 = arith.constant 192 : i32
    %div3A_148 = arith.divsi %add3A_146, %jit3A_147 : i32
    %sign3A_149 = arith.constant 0 : i32
    %sign3A_150 = arith.cmpi sgt, %add3A_146, %sign3A_149 : i32
    %sign3A_151 = arith.extui %sign3A_150 : i1 to i32
    %sign3A_152 = arith.constant 0 : i32
    %sign3A_153 = arith.cmpi slt, %add3A_146, %sign3A_152 : i32
    %sign3A_154 = arith.extui %sign3A_153 : i1 to i32
    %sign3A_155 = arith.subi %sign3A_151, %sign3A_154 : i32
    %sign3A_156 = arith.constant 0 : i32
    %sign3A_157 = arith.cmpi sgt, %jit3A_147, %sign3A_156 : i32
    %sign3A_158 = arith.extui %sign3A_157 : i1 to i32
    %sign3A_159 = arith.constant 0 : i32
    %sign3A_160 = arith.cmpi slt, %jit3A_147, %sign3A_159 : i32
    %sign3A_161 = arith.extui %sign3A_160 : i1 to i32
    %sign3A_162 = arith.subi %sign3A_158, %sign3A_161 : i32
    %ne3A_163 = arith.cmpi ne, %sign3A_155, %sign3A_162 : i32
    %rem3A_164 = arith.remsi %add3A_146, %jit3A_147 : i32
    %ne3A_165 = arith.constant 0 : i32
    %ne3A_166 = arith.cmpi ne, %rem3A_164, %ne3A_165 : i32
    %and3A_167 = arith.andi %ne3A_163, %ne3A_166 : i1
    %sub3A_168 = arith.constant 1 : i32
    %sub3A_169 = arith.subi %div3A_148, %sub3A_168 : i32
    %select_n3A_170 = arith.select %and3A_167, %sub3A_169, %div3A_148 : i32
    %sub3A_171 = arith.constant 1 : i32
    %sub3A_172 = arith.subi %select_n3A_170, %sub3A_171 : i32
    %max3A_173 = arith.constant 0 : i32
    %max3A_174 = arith.maxsi %sub3A_172, %max3A_173 : i32
    %jit3A_175 = arith.constant 0 : i32
    %jit3A_176 = arith.constant 0 : i32
    %max3A_177 = arith.maxsi %jit3A_176, %jit3A_175 : i32
    %min3A_178 = arith.minsi %max3A_174, %max3A_177 : i32
    %mul3A_179 = arith.constant 192 : i32
    %mul3A_180 = arith.muli %min3A_178, %mul3A_179 : i32
    %dma_start3A_181 = tpu.memref_slice %arg3[%add3A_132, %arg0, %mul3A_180] : memref<32x2x25600xi32, #tpu.memory_space<hbm>> -> memref<1x1x192xi32, #tpu.memory_space<hbm>>
    %dma_start3A_182 = tpu.memref_squeeze %dma_start3A_181 : memref<1x1x192xi32, #tpu.memory_space<hbm>> -> memref<192xi32, #tpu.memory_space<hbm>>
    %dma_start3A_183 = tpu.memref_slice %arg3[%add3A_132, %arg0, %mul3A_180] : memref<32x2x25600xi32, #tpu.memory_space<hbm>> -> memref<1x1x192xi32, #tpu.memory_space<hbm>>
    %dma_start3A_184 = tpu.memref_squeeze %dma_start3A_183 : memref<1x1x192xi32, #tpu.memory_space<hbm>> -> memref<192xi32, #tpu.memory_space<hbm>>
    tpu.enqueue_dma source(%dma_start3A_184 : memref<192xi32, #tpu.memory_space<hbm>>) target(%arg11 : memref<192xi32, #tpu.memory_space<vmem>>) target_semaphore(%arg18 : memref<!tpu.dma_semaphore, #tpu.memory_space<semaphore_mem>>)
    %mul3A_185 = arith.constant 192 : i32
    %mul3A_186 = arith.muli %min3A_178, %mul3A_185 : i32
    %dma_start3A_187 = tpu.memref_slice %arg4[%add3A_132, %arg0, %mul3A_186] : memref<32x2x25600xi32, #tpu.memory_space<hbm>> -> memref<1x1x192xi32, #tpu.memory_space<hbm>>
    %dma_start3A_188 = tpu.memref_squeeze %dma_start3A_187 : memref<1x1x192xi32, #tpu.memory_space<hbm>> -> memref<192xi32, #tpu.memory_space<hbm>>
    %dma_start3A_189 = tpu.memref_slice %arg4[%add3A_132, %arg0, %mul3A_186] : memref<32x2x25600xi32, #tpu.memory_space<hbm>> -> memref<1x1x192xi32, #tpu.memory_space<hbm>>
    %dma_start3A_190 = tpu.memref_squeeze %dma_start3A_189 : memref<1x1x192xi32, #tpu.memory_space<hbm>> -> memref<192xi32, #tpu.memory_space<hbm>>
    tpu.enqueue_dma source(%dma_start3A_190 : memref<192xi32, #tpu.memory_space<hbm>>) target(%arg13 : memref<192xi32, #tpu.memory_space<vmem>>) target_semaphore(%arg18 : memref<!tpu.dma_semaphore, #tpu.memory_space<semaphore_mem>>)
    %dma_wait3A_191 = arith.constant 0 : i32
    %dma_wait3A_192 = tpu.memref_slice %arg3[%add3A_132, %arg0, %dma_wait3A_191] : memref<32x2x25600xi32, #tpu.memory_space<hbm>> -> memref<1x1x192xi32, #tpu.memory_space<hbm>>
    %dma_wait3A_193 = tpu.memref_squeeze %dma_wait3A_192 : memref<1x1x192xi32, #tpu.memory_space<hbm>> -> memref<192xi32, #tpu.memory_space<hbm>>
    %dma_wait3A_194 = arith.constant 0 : i32
    %dma_wait3A_195 = tpu.memref_slice %arg3[%add3A_132, %arg0, %dma_wait3A_194] : memref<32x2x25600xi32, #tpu.memory_space<hbm>> -> memref<1x1x192xi32, #tpu.memory_space<hbm>>
    %dma_wait3A_196 = tpu.memref_squeeze %dma_wait3A_195 : memref<1x1x192xi32, #tpu.memory_space<hbm>> -> memref<192xi32, #tpu.memory_space<hbm>>
    tpu.wait_dma2 semaphore(%arg18 : memref<!tpu.dma_semaphore, #tpu.memory_space<semaphore_mem>>) src(%dma_wait3A_196 : memref<192xi32, #tpu.memory_space<hbm>>) dst(%arg11 : memref<192xi32, #tpu.memory_space<vmem>>)
    %dma_wait3A_197 = arith.constant 0 : i32
    %dma_wait3A_198 = tpu.memref_slice %arg4[%add3A_132, %arg0, %dma_wait3A_197] : memref<32x2x25600xi32, #tpu.memory_space<hbm>> -> memref<1x1x192xi32, #tpu.memory_space<hbm>>
    %dma_wait3A_199 = tpu.memref_squeeze %dma_wait3A_198 : memref<1x1x192xi32, #tpu.memory_space<hbm>> -> memref<192xi32, #tpu.memory_space<hbm>>
    %dma_wait3A_200 = arith.constant 0 : i32
    %dma_wait3A_201 = tpu.memref_slice %arg4[%add3A_132, %arg0, %dma_wait3A_200] : memref<32x2x25600xi32, #tpu.memory_space<hbm>> -> memref<1x1x192xi32, #tpu.memory_space<hbm>>
    %dma_wait3A_202 = tpu.memref_squeeze %dma_wait3A_201 : memref<1x1x192xi32, #tpu.memory_space<hbm>> -> memref<192xi32, #tpu.memory_space<hbm>>
    tpu.wait_dma2 semaphore(%arg18 : memref<!tpu.dma_semaphore, #tpu.memory_space<semaphore_mem>>) src(%dma_wait3A_202 : memref<192xi32, #tpu.memory_space<hbm>>) dst(%arg13 : memref<192xi32, #tpu.memory_space<vmem>>)
    %dma_start3A_203 = arith.constant 0 : i32
    %dma_start3A_204 = arith.constant 0 : i32
    %dma_start3A_205 = tpu.memref_slice %arg2[%dma_start3A_203, %dma_start3A_204] : memref<250880x64xf32, #tpu.memory_space<hbm>> -> memref<250880x64xf32, #tpu.memory_space<hbm>>
    tpu.enqueue_indirect_dma source(%dma_start3A_205 : memref<250880x64xf32, #tpu.memory_space<hbm>>) target(%arg9 : memref<192x64xf32, #tpu.memory_space<vmem>>) offsets(%arg11 : memref<192xi32, #tpu.memory_space<vmem>>) semaphore(%arg16 : memref<!tpu.dma_semaphore, #tpu.memory_space<semaphore_mem>>)
    %jit3A_206 = arith.constant 1 : i32
    %jit3A_207 = arith.constant 0 : i32
    %max3A_208 = arith.maxsi %jit3A_207, %jit3A_206 : i32
    %min3A_209 = arith.minsi %max3A_174, %max3A_208 : i32
    %mul3A_210 = arith.constant 192 : i32
    %mul3A_211 = arith.muli %min3A_209, %mul3A_210 : i32
    %dma_start3A_212 = tpu.memref_slice %arg3[%add3A_132, %arg0, %mul3A_211] : memref<32x2x25600xi32, #tpu.memory_space<hbm>> -> memref<1x1x192xi32, #tpu.memory_space<hbm>>
    %dma_start3A_213 = tpu.memref_squeeze %dma_start3A_212 : memref<1x1x192xi32, #tpu.memory_space<hbm>> -> memref<192xi32, #tpu.memory_space<hbm>>
    %dma_start3A_214 = tpu.memref_slice %arg3[%add3A_132, %arg0, %mul3A_211] : memref<32x2x25600xi32, #tpu.memory_space<hbm>> -> memref<1x1x192xi32, #tpu.memory_space<hbm>>
    %dma_start3A_215 = tpu.memref_squeeze %dma_start3A_214 : memref<1x1x192xi32, #tpu.memory_space<hbm>> -> memref<192xi32, #tpu.memory_space<hbm>>
    tpu.enqueue_dma source(%dma_start3A_215 : memref<192xi32, #tpu.memory_space<hbm>>) target(%arg12 : memref<192xi32, #tpu.memory_space<vmem>>) target_semaphore(%arg19 : memref<!tpu.dma_semaphore, #tpu.memory_space<semaphore_mem>>)
    %mul3A_216 = arith.constant 192 : i32
    %mul3A_217 = arith.muli %min3A_209, %mul3A_216 : i32
    %dma_start3A_218 = tpu.memref_slice %arg4[%add3A_132, %arg0, %mul3A_217] : memref<32x2x25600xi32, #tpu.memory_space<hbm>> -> memref<1x1x192xi32, #tpu.memory_space<hbm>>
    %dma_start3A_219 = tpu.memref_squeeze %dma_start3A_218 : memref<1x1x192xi32, #tpu.memory_space<hbm>> -> memref<192xi32, #tpu.memory_space<hbm>>
    %dma_start3A_220 = tpu.memref_slice %arg4[%add3A_132, %arg0, %mul3A_217] : memref<32x2x25600xi32, #tpu.memory_space<hbm>> -> memref<1x1x192xi32, #tpu.memory_space<hbm>>
    %dma_start3A_221 = tpu.memref_squeeze %dma_start3A_220 : memref<1x1x192xi32, #tpu.memory_space<hbm>> -> memref<192xi32, #tpu.memory_space<hbm>>
    tpu.enqueue_dma source(%dma_start3A_221 : memref<192xi32, #tpu.memory_space<hbm>>) target(%arg14 : memref<192xi32, #tpu.memory_space<vmem>>) target_semaphore(%arg19 : memref<!tpu.dma_semaphore, #tpu.memory_space<semaphore_mem>>)
    %add3A_222 = arith.constant 1 : i32
    %add3A_223 = arith.addi %select_n3A_170, %add3A_222 : i32
    %jit3A_224 = arith.constant 2 : i32
    %div3A_225 = arith.divsi %add3A_223, %jit3A_224 : i32
    %sign3A_226 = arith.constant 0 : i32
    %sign3A_227 = arith.cmpi sgt, %add3A_223, %sign3A_226 : i32
    %sign3A_228 = arith.extui %sign3A_227 : i1 to i32
    %sign3A_229 = arith.constant 0 : i32
    %sign3A_230 = arith.cmpi slt, %add3A_223, %sign3A_229 : i32
    %sign3A_231 = arith.extui %sign3A_230 : i1 to i32
    %sign3A_232 = arith.subi %sign3A_228, %sign3A_231 : i32
    %sign3A_233 = arith.constant 0 : i32
    %sign3A_234 = arith.cmpi sgt, %jit3A_224, %sign3A_233 : i32
    %sign3A_235 = arith.extui %sign3A_234 : i1 to i32
    %sign3A_236 = arith.constant 0 : i32
    %sign3A_237 = arith.cmpi slt, %jit3A_224, %sign3A_236 : i32
    %sign3A_238 = arith.extui %sign3A_237 : i1 to i32
    %sign3A_239 = arith.subi %sign3A_235, %sign3A_238 : i32
    %ne3A_240 = arith.cmpi ne, %sign3A_232, %sign3A_239 : i32
    %rem3A_241 = arith.remsi %add3A_223, %jit3A_224 : i32
    %ne3A_242 = arith.constant 0 : i32
    %ne3A_243 = arith.cmpi ne, %rem3A_241, %ne3A_242 : i32
    %and3A_244 = arith.andi %ne3A_240, %ne3A_243 : i1
    %sub3A_245 = arith.constant 1 : i32
    %sub3A_246 = arith.subi %div3A_225, %sub3A_245 : i32
    %select_n3A_247 = arith.select %and3A_244, %sub3A_246, %div3A_225 : i32
    %while3A_248 = arith.constant 0 : i32
    %while3A_249 = arith.constant 0 : i32
    %while3A_250 = arith.subi %select_n3A_247, %while3A_248 : i32
    %while3A_251 = arith.addi %while3A_248, %while3A_250 : i32
    %while3A_252 = arith.constant 1 : i32
    %while3A_253 = arith.divsi %while3A_250, %while3A_252 : i32
    %while3A_254 = arith.muli %while3A_253, %while3A_252 : i32
    %while3A_255 = arith.addi %while3A_248, %while3A_254 : i32
    %while3A_256 = arith.constant 1 : i32
    %while3A_257 = scf.for %while3A_283 = %while3A_248 to %while3A_255 step %while3A_256 iter_args(%while3A_284 = %while3A_249) -> (i32)  : i32 {
      %mul3A_285 = arith.constant 2 : i32
      %mul3A_286 = arith.muli %mul3A_285, %while3A_283 : i32
      %add3A_287 = arith.constant 1 : i32
      %add3A_288 = arith.addi %mul3A_286, %add3A_287 : i32
      %dma_wait3A_289 = arith.constant 0 : i32
      %dma_wait3A_290 = tpu.memref_slice %arg3[%add3A_132, %arg0, %dma_wait3A_289] : memref<32x2x25600xi32, #tpu.memory_space<hbm>> -> memref<1x1x192xi32, #tpu.memory_space<hbm>>
      %dma_wait3A_291 = tpu.memref_squeeze %dma_wait3A_290 : memref<1x1x192xi32, #tpu.memory_space<hbm>> -> memref<192xi32, #tpu.memory_space<hbm>>
      %dma_wait3A_292 = arith.constant 0 : i32
      %dma_wait3A_293 = tpu.memref_slice %arg3[%add3A_132, %arg0, %dma_wait3A_292] : memref<32x2x25600xi32, #tpu.memory_space<hbm>> -> memref<1x1x192xi32, #tpu.memory_space<hbm>>
      %dma_wait3A_294 = tpu.memref_squeeze %dma_wait3A_293 : memref<1x1x192xi32, #tpu.memory_space<hbm>> -> memref<192xi32, #tpu.memory_space<hbm>>
      tpu.wait_dma2 semaphore(%arg19 : memref<!tpu.dma_semaphore, #tpu.memory_space<semaphore_mem>>) src(%dma_wait3A_294 : memref<192xi32, #tpu.memory_space<hbm>>) dst(%arg12 : memref<192xi32, #tpu.memory_space<vmem>>)
      %dma_wait3A_295 = arith.constant 0 : i32
      %dma_wait3A_296 = tpu.memref_slice %arg4[%add3A_132, %arg0, %dma_wait3A_295] : memref<32x2x25600xi32, #tpu.memory_space<hbm>> -> memref<1x1x192xi32, #tpu.memory_space<hbm>>
      %dma_wait3A_297 = tpu.memref_squeeze %dma_wait3A_296 : memref<1x1x192xi32, #tpu.memory_space<hbm>> -> memref<192xi32, #tpu.memory_space<hbm>>
      %dma_wait3A_298 = arith.constant 0 : i32
      %dma_wait3A_299 = tpu.memref_slice %arg4[%add3A_132, %arg0, %dma_wait3A_298] : memref<32x2x25600xi32, #tpu.memory_space<hbm>> -> memref<1x1x192xi32, #tpu.memory_space<hbm>>
      %dma_wait3A_300 = tpu.memref_squeeze %dma_wait3A_299 : memref<1x1x192xi32, #tpu.memory_space<hbm>> -> memref<192xi32, #tpu.memory_space<hbm>>
      tpu.wait_dma2 semaphore(%arg19 : memref<!tpu.dma_semaphore, #tpu.memory_space<semaphore_mem>>) src(%dma_wait3A_300 : memref<192xi32, #tpu.memory_space<hbm>>) dst(%arg14 : memref<192xi32, #tpu.memory_space<vmem>>)
      %dma_start3A_301 = arith.constant 0 : i32
      %dma_start3A_302 = arith.constant 0 : i32
      %dma_start3A_303 = tpu.memref_slice %arg2[%dma_start3A_301, %dma_start3A_302] : memref<250880x64xf32, #tpu.memory_space<hbm>> -> memref<250880x64xf32, #tpu.memory_space<hbm>>
      tpu.enqueue_indirect_dma source(%dma_start3A_303 : memref<250880x64xf32, #tpu.memory_space<hbm>>) target(%arg10 : memref<192x64xf32, #tpu.memory_space<vmem>>) offsets(%arg12 : memref<192xi32, #tpu.memory_space<vmem>>) semaphore(%arg17 : memref<!tpu.dma_semaphore, #tpu.memory_space<semaphore_mem>>)
      %dma_wait3A_304 = arith.constant 0 : i32
      %dma_wait3A_305 = arith.constant 0 : i32
      %dma_wait3A_306 = tpu.memref_slice %arg2[%dma_wait3A_304, %dma_wait3A_305] : memref<250880x64xf32, #tpu.memory_space<hbm>> -> memref<250880x64xf32, #tpu.memory_space<hbm>>
      tpu.wait_indirect_dma semaphore(%arg16 : memref<!tpu.dma_semaphore, #tpu.memory_space<semaphore_mem>>) src(%dma_wait3A_306 : memref<250880x64xf32, #tpu.memory_space<hbm>>) dst(%arg9 : memref<192x64xf32, #tpu.memory_space<vmem>>)
      %lt3A = arith.cmpi slt, %mul3A_286, %select_n3A_170 : i32
      %convert_element_type3A = arith.extui %lt3A : i1 to i32
      %cond3A = arith.constant 0 : i32
      %cond3A_307 = arith.cmpi ne, %convert_element_type3A, %cond3A : i32
      scf.if %cond3A_307 {
        "tpu.region"() ({
          %run_scoped3A = tpu.sem_alloc : memref<!tpu.dma_semaphore, #tpu.memory_space<semaphore_mem>>
          %dma_start3A_365 = arith.constant 0 : i32
          %dma_start3A_366 = arith.constant 0 : i32
          %dma_start3A_367 = tpu.memref_slice %arg8[%dma_start3A_365, %dma_start3A_366] : memref<26112x64xf32, #tpu.memory_space<vmem_shared>> -> memref<26112x64xf32, #tpu.memory_space<vmem_shared>>
          tpu.enqueue_indirect_dma source(%arg9 : memref<192x64xf32, #tpu.memory_space<vmem>>) target(%dma_start3A_367 : memref<26112x64xf32, #tpu.memory_space<vmem_shared>>) offsets(%arg13 : memref<192xi32, #tpu.memory_space<vmem>>) semaphore(%run_scoped3A : memref<!tpu.dma_semaphore, #tpu.memory_space<semaphore_mem>>) {add = true}
          %dma_wait3A_368 = arith.constant 0 : i32
          %dma_wait3A_369 = arith.constant 0 : i32
          %dma_wait3A_370 = tpu.memref_slice %arg8[%dma_wait3A_368, %dma_wait3A_369] : memref<26112x64xf32, #tpu.memory_space<vmem_shared>> -> memref<26112x64xf32, #tpu.memory_space<vmem_shared>>
          tpu.wait_indirect_dma semaphore(%run_scoped3A : memref<!tpu.dma_semaphore, #tpu.memory_space<semaphore_mem>>) src(%arg9 : memref<192x64xf32, #tpu.memory_space<vmem>>) dst(%dma_wait3A_370 : memref<26112x64xf32, #tpu.memory_space<vmem_shared>>)
          tpu.yield
        }) : () -> ()
      } else {
      }
      %add3A_308 = arith.constant 2 : i32
      %add3A_309 = arith.addi %mul3A_286, %add3A_308 : i32
      %jit3A_310 = arith.constant 0 : i32
      %max3A_311 = arith.maxsi %jit3A_310, %add3A_309 : i32
      %min3A_312 = arith.minsi %max3A_174, %max3A_311 : i32
      %mul3A_313 = arith.constant 192 : i32
      %mul3A_314 = arith.muli %min3A_312, %mul3A_313 : i32
      %dma_start3A_315 = tpu.memref_slice %arg3[%add3A_132, %arg0, %mul3A_314] : memref<32x2x25600xi32, #tpu.memory_space<hbm>> -> memref<1x1x192xi32, #tpu.memory_space<hbm>>
      %dma_start3A_316 = tpu.memref_squeeze %dma_start3A_315 : memref<1x1x192xi32, #tpu.memory_space<hbm>> -> memref<192xi32, #tpu.memory_space<hbm>>
      %dma_start3A_317 = tpu.memref_slice %arg3[%add3A_132, %arg0, %mul3A_314] : memref<32x2x25600xi32, #tpu.memory_space<hbm>> -> memref<1x1x192xi32, #tpu.memory_space<hbm>>
      %dma_start3A_318 = tpu.memref_squeeze %dma_start3A_317 : memref<1x1x192xi32, #tpu.memory_space<hbm>> -> memref<192xi32, #tpu.memory_space<hbm>>
      tpu.enqueue_dma source(%dma_start3A_318 : memref<192xi32, #tpu.memory_space<hbm>>) target(%arg11 : memref<192xi32, #tpu.memory_space<vmem>>) target_semaphore(%arg18 : memref<!tpu.dma_semaphore, #tpu.memory_space<semaphore_mem>>)
      %mul3A_319 = arith.constant 192 : i32
      %mul3A_320 = arith.muli %min3A_312, %mul3A_319 : i32
      %dma_start3A_321 = tpu.memref_slice %arg4[%add3A_132, %arg0, %mul3A_320] : memref<32x2x25600xi32, #tpu.memory_space<hbm>> -> memref<1x1x192xi32, #tpu.memory_space<hbm>>
      %dma_start3A_322 = tpu.memref_squeeze %dma_start3A_321 : memref<1x1x192xi32, #tpu.memory_space<hbm>> -> memref<192xi32, #tpu.memory_space<hbm>>
      %dma_start3A_323 = tpu.memref_slice %arg4[%add3A_132, %arg0, %mul3A_320] : memref<32x2x25600xi32, #tpu.memory_space<hbm>> -> memref<1x1x192xi32, #tpu.memory_space<hbm>>
      %dma_start3A_324 = tpu.memref_squeeze %dma_start3A_323 : memref<1x1x192xi32, #tpu.memory_space<hbm>> -> memref<192xi32, #tpu.memory_space<hbm>>
      tpu.enqueue_dma source(%dma_start3A_324 : memref<192xi32, #tpu.memory_space<hbm>>) target(%arg13 : memref<192xi32, #tpu.memory_space<vmem>>) target_semaphore(%arg18 : memref<!tpu.dma_semaphore, #tpu.memory_space<semaphore_mem>>)
      %dma_wait3A_325 = arith.constant 0 : i32
      %dma_wait3A_326 = tpu.memref_slice %arg3[%add3A_132, %arg0, %dma_wait3A_325] : memref<32x2x25600xi32, #tpu.memory_space<hbm>> -> memref<1x1x192xi32, #tpu.memory_space<hbm>>
      %dma_wait3A_327 = tpu.memref_squeeze %dma_wait3A_326 : memref<1x1x192xi32, #tpu.memory_space<hbm>> -> memref<192xi32, #tpu.memory_space<hbm>>
      %dma_wait3A_328 = arith.constant 0 : i32
      %dma_wait3A_329 = tpu.memref_slice %arg3[%add3A_132, %arg0, %dma_wait3A_328] : memref<32x2x25600xi32, #tpu.memory_space<hbm>> -> memref<1x1x192xi32, #tpu.memory_space<hbm>>
      %dma_wait3A_330 = tpu.memref_squeeze %dma_wait3A_329 : memref<1x1x192xi32, #tpu.memory_space<hbm>> -> memref<192xi32, #tpu.memory_space<hbm>>
      tpu.wait_dma2 semaphore(%arg18 : memref<!tpu.dma_semaphore, #tpu.memory_space<semaphore_mem>>) src(%dma_wait3A_330 : memref<192xi32, #tpu.memory_space<hbm>>) dst(%arg11 : memref<192xi32, #tpu.memory_space<vmem>>)
      %dma_wait3A_331 = arith.constant 0 : i32
      %dma_wait3A_332 = tpu.memref_slice %arg4[%add3A_132, %arg0, %dma_wait3A_331] : memref<32x2x25600xi32, #tpu.memory_space<hbm>> -> memref<1x1x192xi32, #tpu.memory_space<hbm>>
      %dma_wait3A_333 = tpu.memref_squeeze %dma_wait3A_332 : memref<1x1x192xi32, #tpu.memory_space<hbm>> -> memref<192xi32, #tpu.memory_space<hbm>>
      %dma_wait3A_334 = arith.constant 0 : i32
      %dma_wait3A_335 = tpu.memref_slice %arg4[%add3A_132, %arg0, %dma_wait3A_334] : memref<32x2x25600xi32, #tpu.memory_space<hbm>> -> memref<1x1x192xi32, #tpu.memory_space<hbm>>
      %dma_wait3A_336 = tpu.memref_squeeze %dma_wait3A_335 : memref<1x1x192xi32, #tpu.memory_space<hbm>> -> memref<192xi32, #tpu.memory_space<hbm>>
      tpu.wait_dma2 semaphore(%arg18 : memref<!tpu.dma_semaphore, #tpu.memory_space<semaphore_mem>>) src(%dma_wait3A_336 : memref<192xi32, #tpu.memory_space<hbm>>) dst(%arg13 : memref<192xi32, #tpu.memory_space<vmem>>)
      %dma_start3A_337 = arith.constant 0 : i32
      %dma_start3A_338 = arith.constant 0 : i32
      %dma_start3A_339 = tpu.memref_slice %arg2[%dma_start3A_337, %dma_start3A_338] : memref<250880x64xf32, #tpu.memory_space<hbm>> -> memref<250880x64xf32, #tpu.memory_space<hbm>>
      tpu.enqueue_indirect_dma source(%dma_start3A_339 : memref<250880x64xf32, #tpu.memory_space<hbm>>) target(%arg9 : memref<192x64xf32, #tpu.memory_space<vmem>>) offsets(%arg11 : memref<192xi32, #tpu.memory_space<vmem>>) semaphore(%arg16 : memref<!tpu.dma_semaphore, #tpu.memory_space<semaphore_mem>>)
      %dma_wait3A_340 = arith.constant 0 : i32
      %dma_wait3A_341 = arith.constant 0 : i32
      %dma_wait3A_342 = tpu.memref_slice %arg2[%dma_wait3A_340, %dma_wait3A_341] : memref<250880x64xf32, #tpu.memory_space<hbm>> -> memref<250880x64xf32, #tpu.memory_space<hbm>>
      tpu.wait_indirect_dma semaphore(%arg17 : memref<!tpu.dma_semaphore, #tpu.memory_space<semaphore_mem>>) src(%dma_wait3A_342 : memref<250880x64xf32, #tpu.memory_space<hbm>>) dst(%arg10 : memref<192x64xf32, #tpu.memory_space<vmem>>)
      %lt3A_343 = arith.cmpi slt, %add3A_288, %select_n3A_170 : i32
      %convert_element_type3A_344 = arith.extui %lt3A_343 : i1 to i32
      %cond3A_345 = arith.constant 0 : i32
      %cond3A_346 = arith.cmpi ne, %convert_element_type3A_344, %cond3A_345 : i32
      scf.if %cond3A_346 {
        "tpu.region"() ({
          %run_scoped3A = tpu.sem_alloc : memref<!tpu.dma_semaphore, #tpu.memory_space<semaphore_mem>>
          %dma_start3A_365 = arith.constant 0 : i32
          %dma_start3A_366 = arith.constant 0 : i32
          %dma_start3A_367 = tpu.memref_slice %arg8[%dma_start3A_365, %dma_start3A_366] : memref<26112x64xf32, #tpu.memory_space<vmem_shared>> -> memref<26112x64xf32, #tpu.memory_space<vmem_shared>>
          tpu.enqueue_indirect_dma source(%arg10 : memref<192x64xf32, #tpu.memory_space<vmem>>) target(%dma_start3A_367 : memref<26112x64xf32, #tpu.memory_space<vmem_shared>>) offsets(%arg14 : memref<192xi32, #tpu.memory_space<vmem>>) semaphore(%run_scoped3A : memref<!tpu.dma_semaphore, #tpu.memory_space<semaphore_mem>>) {add = true}
          %dma_wait3A_368 = arith.constant 0 : i32
          %dma_wait3A_369 = arith.constant 0 : i32
          %dma_wait3A_370 = tpu.memref_slice %arg8[%dma_wait3A_368, %dma_wait3A_369] : memref<26112x64xf32, #tpu.memory_space<vmem_shared>> -> memref<26112x64xf32, #tpu.memory_space<vmem_shared>>
          tpu.wait_indirect_dma semaphore(%run_scoped3A : memref<!tpu.dma_semaphore, #tpu.memory_space<semaphore_mem>>) src(%arg10 : memref<192x64xf32, #tpu.memory_space<vmem>>) dst(%dma_wait3A_370 : memref<26112x64xf32, #tpu.memory_space<vmem_shared>>)
          tpu.yield
        }) : () -> ()
      } else {
      }
      %add3A_347 = arith.constant 2 : i32
      %add3A_348 = arith.addi %add3A_288, %add3A_347 : i32
      %jit3A_349 = arith.constant 0 : i32
      %max3A_350 = arith.maxsi %jit3A_349, %add3A_348 : i32
      %min3A_351 = arith.minsi %max3A_174, %max3A_350 : i32
      %mul3A_352 = arith.constant 192 : i32
      %mul3A_353 = arith.muli %min3A_351, %mul3A_352 : i32
      %dma_start3A_354 = tpu.memref_slice %arg3[%add3A_132, %arg0, %mul3A_353] : memref<32x2x25600xi32, #tpu.memory_space<hbm>> -> memref<1x1x192xi32, #tpu.memory_space<hbm>>
      %dma_start3A_355 = tpu.memref_squeeze %dma_start3A_354 : memref<1x1x192xi32, #tpu.memory_space<hbm>> -> memref<192xi32, #tpu.memory_space<hbm>>
      %dma_start3A_356 = tpu.memref_slice %arg3[%add3A_132, %arg0, %mul3A_353] : memref<32x2x25600xi32, #tpu.memory_space<hbm>> -> memref<1x1x192xi32, #tpu.memory_space<hbm>>
      %dma_start3A_357 = tpu.memref_squeeze %dma_start3A_356 : memref<1x1x192xi32, #tpu.memory_space<hbm>> -> memref<192xi32, #tpu.memory_space<hbm>>
      tpu.enqueue_dma source(%dma_start3A_357 : memref<192xi32, #tpu.memory_space<hbm>>) target(%arg12 : memref<192xi32, #tpu.memory_space<vmem>>) target_semaphore(%arg19 : memref<!tpu.dma_semaphore, #tpu.memory_space<semaphore_mem>>)
      %mul3A_358 = arith.constant 192 : i32
      %mul3A_359 = arith.muli %min3A_351, %mul3A_358 : i32
      %dma_start3A_360 = tpu.memref_slice %arg4[%add3A_132, %arg0, %mul3A_359] : memref<32x2x25600xi32, #tpu.memory_space<hbm>> -> memref<1x1x192xi32, #tpu.memory_space<hbm>>
      %dma_start3A_361 = tpu.memref_squeeze %dma_start3A_360 : memref<1x1x192xi32, #tpu.memory_space<hbm>> -> memref<192xi32, #tpu.memory_space<hbm>>
      %dma_start3A_362 = tpu.memref_slice %arg4[%add3A_132, %arg0, %mul3A_359] : memref<32x2x25600xi32, #tpu.memory_space<hbm>> -> memref<1x1x192xi32, #tpu.memory_space<hbm>>
      %dma_start3A_363 = tpu.memref_squeeze %dma_start3A_362 : memref<1x1x192xi32, #tpu.memory_space<hbm>> -> memref<192xi32, #tpu.memory_space<hbm>>
      tpu.enqueue_dma source(%dma_start3A_363 : memref<192xi32, #tpu.memory_space<hbm>>) target(%arg14 : memref<192xi32, #tpu.memory_space<vmem>>) target_semaphore(%arg19 : memref<!tpu.dma_semaphore, #tpu.memory_space<semaphore_mem>>)
      %while3A_364 = arith.constant 0 : i32
      scf.yield %while3A_364 : i32
    }
    %while3A_258 = arith.constant 1 : i32
    %while3A_259 = scf.for %while3A_283 = %while3A_255 to %while3A_251 step %while3A_258 iter_args(%while3A_284 = %while3A_257) -> (i32)  : i32 {
      %mul3A_285 = arith.constant 2 : i32
      %mul3A_286 = arith.muli %mul3A_285, %while3A_283 : i32
      %add3A_287 = arith.constant 1 : i32
      %add3A_288 = arith.addi %mul3A_286, %add3A_287 : i32
      %dma_wait3A_289 = arith.constant 0 : i32
      %dma_wait3A_290 = tpu.memref_slice %arg3[%add3A_132, %arg0, %dma_wait3A_289] : memref<32x2x25600xi32, #tpu.memory_space<hbm>> -> memref<1x1x192xi32, #tpu.memory_space<hbm>>
      %dma_wait3A_291 = tpu.memref_squeeze %dma_wait3A_290 : memref<1x1x192xi32, #tpu.memory_space<hbm>> -> memref<192xi32, #tpu.memory_space<hbm>>
      %dma_wait3A_292 = arith.constant 0 : i32
      %dma_wait3A_293 = tpu.memref_slice %arg3[%add3A_132, %arg0, %dma_wait3A_292] : memref<32x2x25600xi32, #tpu.memory_space<hbm>> -> memref<1x1x192xi32, #tpu.memory_space<hbm>>
      %dma_wait3A_294 = tpu.memref_squeeze %dma_wait3A_293 : memref<1x1x192xi32, #tpu.memory_space<hbm>> -> memref<192xi32, #tpu.memory_space<hbm>>
      tpu.wait_dma2 semaphore(%arg19 : memref<!tpu.dma_semaphore, #tpu.memory_space<semaphore_mem>>) src(%dma_wait3A_294 : memref<192xi32, #tpu.memory_space<hbm>>) dst(%arg12 : memref<192xi32, #tpu.memory_space<vmem>>)
      %dma_wait3A_295 = arith.constant 0 : i32
      %dma_wait3A_296 = tpu.memref_slice %arg4[%add3A_132, %arg0, %dma_wait3A_295] : memref<32x2x25600xi32, #tpu.memory_space<hbm>> -> memref<1x1x192xi32, #tpu.memory_space<hbm>>
      %dma_wait3A_297 = tpu.memref_squeeze %dma_wait3A_296 : memref<1x1x192xi32, #tpu.memory_space<hbm>> -> memref<192xi32, #tpu.memory_space<hbm>>
      %dma_wait3A_298 = arith.constant 0 : i32
      %dma_wait3A_299 = tpu.memref_slice %arg4[%add3A_132, %arg0, %dma_wait3A_298] : memref<32x2x25600xi32, #tpu.memory_space<hbm>> -> memref<1x1x192xi32, #tpu.memory_space<hbm>>
      %dma_wait3A_300 = tpu.memref_squeeze %dma_wait3A_299 : memref<1x1x192xi32, #tpu.memory_space<hbm>> -> memref<192xi32, #tpu.memory_space<hbm>>
      tpu.wait_dma2 semaphore(%arg19 : memref<!tpu.dma_semaphore, #tpu.memory_space<semaphore_mem>>) src(%dma_wait3A_300 : memref<192xi32, #tpu.memory_space<hbm>>) dst(%arg14 : memref<192xi32, #tpu.memory_space<vmem>>)
      %dma_start3A_301 = arith.constant 0 : i32
      %dma_start3A_302 = arith.constant 0 : i32
      %dma_start3A_303 = tpu.memref_slice %arg2[%dma_start3A_301, %dma_start3A_302] : memref<250880x64xf32, #tpu.memory_space<hbm>> -> memref<250880x64xf32, #tpu.memory_space<hbm>>
      tpu.enqueue_indirect_dma source(%dma_start3A_303 : memref<250880x64xf32, #tpu.memory_space<hbm>>) target(%arg10 : memref<192x64xf32, #tpu.memory_space<vmem>>) offsets(%arg12 : memref<192xi32, #tpu.memory_space<vmem>>) semaphore(%arg17 : memref<!tpu.dma_semaphore, #tpu.memory_space<semaphore_mem>>)
      %dma_wait3A_304 = arith.constant 0 : i32
      %dma_wait3A_305 = arith.constant 0 : i32
      %dma_wait3A_306 = tpu.memref_slice %arg2[%dma_wait3A_304, %dma_wait3A_305] : memref<250880x64xf32, #tpu.memory_space<hbm>> -> memref<250880x64xf32, #tpu.memory_space<hbm>>
      tpu.wait_indirect_dma semaphore(%arg16 : memref<!tpu.dma_semaphore, #tpu.memory_space<semaphore_mem>>) src(%dma_wait3A_306 : memref<250880x64xf32, #tpu.memory_space<hbm>>) dst(%arg9 : memref<192x64xf32, #tpu.memory_space<vmem>>)
      %lt3A = arith.cmpi slt, %mul3A_286, %select_n3A_170 : i32
      %convert_element_type3A = arith.extui %lt3A : i1 to i32
      %cond3A = arith.constant 0 : i32
      %cond3A_307 = arith.cmpi ne, %convert_element_type3A, %cond3A : i32
      scf.if %cond3A_307 {
        "tpu.region"() ({
          %run_scoped3A = tpu.sem_alloc : memref<!tpu.dma_semaphore, #tpu.memory_space<semaphore_mem>>
          %dma_start3A_365 = arith.constant 0 : i32
          %dma_start3A_366 = arith.constant 0 : i32
          %dma_start3A_367 = tpu.memref_slice %arg8[%dma_start3A_365, %dma_start3A_366] : memref<26112x64xf32, #tpu.memory_space<vmem_shared>> -> memref<26112x64xf32, #tpu.memory_space<vmem_shared>>
          tpu.enqueue_indirect_dma source(%arg9 : memref<192x64xf32, #tpu.memory_space<vmem>>) target(%dma_start3A_367 : memref<26112x64xf32, #tpu.memory_space<vmem_shared>>) offsets(%arg13 : memref<192xi32, #tpu.memory_space<vmem>>) semaphore(%run_scoped3A : memref<!tpu.dma_semaphore, #tpu.memory_space<semaphore_mem>>) {add = true}
          %dma_wait3A_368 = arith.constant 0 : i32
          %dma_wait3A_369 = arith.constant 0 : i32
          %dma_wait3A_370 = tpu.memref_slice %arg8[%dma_wait3A_368, %dma_wait3A_369] : memref<26112x64xf32, #tpu.memory_space<vmem_shared>> -> memref<26112x64xf32, #tpu.memory_space<vmem_shared>>
          tpu.wait_indirect_dma semaphore(%run_scoped3A : memref<!tpu.dma_semaphore, #tpu.memory_space<semaphore_mem>>) src(%arg9 : memref<192x64xf32, #tpu.memory_space<vmem>>) dst(%dma_wait3A_370 : memref<26112x64xf32, #tpu.memory_space<vmem_shared>>)
          tpu.yield
        }) : () -> ()
      } else {
      }
      %add3A_308 = arith.constant 2 : i32
      %add3A_309 = arith.addi %mul3A_286, %add3A_308 : i32
      %jit3A_310 = arith.constant 0 : i32
      %max3A_311 = arith.maxsi %jit3A_310, %add3A_309 : i32
      %min3A_312 = arith.minsi %max3A_174, %max3A_311 : i32
      %mul3A_313 = arith.constant 192 : i32
      %mul3A_314 = arith.muli %min3A_312, %mul3A_313 : i32
      %dma_start3A_315 = tpu.memref_slice %arg3[%add3A_132, %arg0, %mul3A_314] : memref<32x2x25600xi32, #tpu.memory_space<hbm>> -> memref<1x1x192xi32, #tpu.memory_space<hbm>>
      %dma_start3A_316 = tpu.memref_squeeze %dma_start3A_315 : memref<1x1x192xi32, #tpu.memory_space<hbm>> -> memref<192xi32, #tpu.memory_space<hbm>>
      %dma_start3A_317 = tpu.memref_slice %arg3[%add3A_132, %arg0, %mul3A_314] : memref<32x2x25600xi32, #tpu.memory_space<hbm>> -> memref<1x1x192xi32, #tpu.memory_space<hbm>>
      %dma_start3A_318 = tpu.memref_squeeze %dma_start3A_317 : memref<1x1x192xi32, #tpu.memory_space<hbm>> -> memref<192xi32, #tpu.memory_space<hbm>>
      tpu.enqueue_dma source(%dma_start3A_318 : memref<192xi32, #tpu.memory_space<hbm>>) target(%arg11 : memref<192xi32, #tpu.memory_space<vmem>>) target_semaphore(%arg18 : memref<!tpu.dma_semaphore, #tpu.memory_space<semaphore_mem>>)
      %mul3A_319 = arith.constant 192 : i32
      %mul3A_320 = arith.muli %min3A_312, %mul3A_319 : i32
      %dma_start3A_321 = tpu.memref_slice %arg4[%add3A_132, %arg0, %mul3A_320] : memref<32x2x25600xi32, #tpu.memory_space<hbm>> -> memref<1x1x192xi32, #tpu.memory_space<hbm>>
      %dma_start3A_322 = tpu.memref_squeeze %dma_start3A_321 : memref<1x1x192xi32, #tpu.memory_space<hbm>> -> memref<192xi32, #tpu.memory_space<hbm>>
      %dma_start3A_323 = tpu.memref_slice %arg4[%add3A_132, %arg0, %mul3A_320] : memref<32x2x25600xi32, #tpu.memory_space<hbm>> -> memref<1x1x192xi32, #tpu.memory_space<hbm>>
      %dma_start3A_324 = tpu.memref_squeeze %dma_start3A_323 : memref<1x1x192xi32, #tpu.memory_space<hbm>> -> memref<192xi32, #tpu.memory_space<hbm>>
      tpu.enqueue_dma source(%dma_start3A_324 : memref<192xi32, #tpu.memory_space<hbm>>) target(%arg13 : memref<192xi32, #tpu.memory_space<vmem>>) target_semaphore(%arg18 : memref<!tpu.dma_semaphore, #tpu.memory_space<semaphore_mem>>)
      %dma_wait3A_325 = arith.constant 0 : i32
      %dma_wait3A_326 = tpu.memref_slice %arg3[%add3A_132, %arg0, %dma_wait3A_325] : memref<32x2x25600xi32, #tpu.memory_space<hbm>> -> memref<1x1x192xi32, #tpu.memory_space<hbm>>
      %dma_wait3A_327 = tpu.memref_squeeze %dma_wait3A_326 : memref<1x1x192xi32, #tpu.memory_space<hbm>> -> memref<192xi32, #tpu.memory_space<hbm>>
      %dma_wait3A_328 = arith.constant 0 : i32
      %dma_wait3A_329 = tpu.memref_slice %arg3[%add3A_132, %arg0, %dma_wait3A_328] : memref<32x2x25600xi32, #tpu.memory_space<hbm>> -> memref<1x1x192xi32, #tpu.memory_space<hbm>>
      %dma_wait3A_330 = tpu.memref_squeeze %dma_wait3A_329 : memref<1x1x192xi32, #tpu.memory_space<hbm>> -> memref<192xi32, #tpu.memory_space<hbm>>
      tpu.wait_dma2 semaphore(%arg18 : memref<!tpu.dma_semaphore, #tpu.memory_space<semaphore_mem>>) src(%dma_wait3A_330 : memref<192xi32, #tpu.memory_space<hbm>>) dst(%arg11 : memref<192xi32, #tpu.memory_space<vmem>>)
      %dma_wait3A_331 = arith.constant 0 : i32
      %dma_wait3A_332 = tpu.memref_slice %arg4[%add3A_132, %arg0, %dma_wait3A_331] : memref<32x2x25600xi32, #tpu.memory_space<hbm>> -> memref<1x1x192xi32, #tpu.memory_space<hbm>>
      %dma_wait3A_333 = tpu.memref_squeeze %dma_wait3A_332 : memref<1x1x192xi32, #tpu.memory_space<hbm>> -> memref<192xi32, #tpu.memory_space<hbm>>
      %dma_wait3A_334 = arith.constant 0 : i32
      %dma_wait3A_335 = tpu.memref_slice %arg4[%add3A_132, %arg0, %dma_wait3A_334] : memref<32x2x25600xi32, #tpu.memory_space<hbm>> -> memref<1x1x192xi32, #tpu.memory_space<hbm>>
      %dma_wait3A_336 = tpu.memref_squeeze %dma_wait3A_335 : memref<1x1x192xi32, #tpu.memory_space<hbm>> -> memref<192xi32, #tpu.memory_space<hbm>>
      tpu.wait_dma2 semaphore(%arg18 : memref<!tpu.dma_semaphore, #tpu.memory_space<semaphore_mem>>) src(%dma_wait3A_336 : memref<192xi32, #tpu.memory_space<hbm>>) dst(%arg13 : memref<192xi32, #tpu.memory_space<vmem>>)
      %dma_start3A_337 = arith.constant 0 : i32
      %dma_start3A_338 = arith.constant 0 : i32
      %dma_start3A_339 = tpu.memref_slice %arg2[%dma_start3A_337, %dma_start3A_338] : memref<250880x64xf32, #tpu.memory_space<hbm>> -> memref<250880x64xf32, #tpu.memory_space<hbm>>
      tpu.enqueue_indirect_dma source(%dma_start3A_339 : memref<250880x64xf32, #tpu.memory_space<hbm>>) target(%arg9 : memref<192x64xf32, #tpu.memory_space<vmem>>) offsets(%arg11 : memref<192xi32, #tpu.memory_space<vmem>>) semaphore(%arg16 : memref<!tpu.dma_semaphore, #tpu.memory_space<semaphore_mem>>)
      %dma_wait3A_340 = arith.constant 0 : i32
      %dma_wait3A_341 = arith.constant 0 : i32
      %dma_wait3A_342 = tpu.memref_slice %arg2[%dma_wait3A_340, %dma_wait3A_341] : memref<250880x64xf32, #tpu.memory_space<hbm>> -> memref<250880x64xf32, #tpu.memory_space<hbm>>
      tpu.wait_indirect_dma semaphore(%arg17 : memref<!tpu.dma_semaphore, #tpu.memory_space<semaphore_mem>>) src(%dma_wait3A_342 : memref<250880x64xf32, #tpu.memory_space<hbm>>) dst(%arg10 : memref<192x64xf32, #tpu.memory_space<vmem>>)
      %lt3A_343 = arith.cmpi slt, %add3A_288, %select_n3A_170 : i32
      %convert_element_type3A_344 = arith.extui %lt3A_343 : i1 to i32
      %cond3A_345 = arith.constant 0 : i32
      %cond3A_346 = arith.cmpi ne, %convert_element_type3A_344, %cond3A_345 : i32
      scf.if %cond3A_346 {
        "tpu.region"() ({
          %run_scoped3A = tpu.sem_alloc : memref<!tpu.dma_semaphore, #tpu.memory_space<semaphore_mem>>
          %dma_start3A_365 = arith.constant 0 : i32
          %dma_start3A_366 = arith.constant 0 : i32
          %dma_start3A_367 = tpu.memref_slice %arg8[%dma_start3A_365, %dma_start3A_366] : memref<26112x64xf32, #tpu.memory_space<vmem_shared>> -> memref<26112x64xf32, #tpu.memory_space<vmem_shared>>
          tpu.enqueue_indirect_dma source(%arg10 : memref<192x64xf32, #tpu.memory_space<vmem>>) target(%dma_start3A_367 : memref<26112x64xf32, #tpu.memory_space<vmem_shared>>) offsets(%arg14 : memref<192xi32, #tpu.memory_space<vmem>>) semaphore(%run_scoped3A : memref<!tpu.dma_semaphore, #tpu.memory_space<semaphore_mem>>) {add = true}
          %dma_wait3A_368 = arith.constant 0 : i32
          %dma_wait3A_369 = arith.constant 0 : i32
          %dma_wait3A_370 = tpu.memref_slice %arg8[%dma_wait3A_368, %dma_wait3A_369] : memref<26112x64xf32, #tpu.memory_space<vmem_shared>> -> memref<26112x64xf32, #tpu.memory_space<vmem_shared>>
          tpu.wait_indirect_dma semaphore(%run_scoped3A : memref<!tpu.dma_semaphore, #tpu.memory_space<semaphore_mem>>) src(%arg10 : memref<192x64xf32, #tpu.memory_space<vmem>>) dst(%dma_wait3A_370 : memref<26112x64xf32, #tpu.memory_space<vmem_shared>>)
          tpu.yield
        }) : () -> ()
      } else {
      }
      %add3A_347 = arith.constant 2 : i32
      %add3A_348 = arith.addi %add3A_288, %add3A_347 : i32
      %jit3A_349 = arith.constant 0 : i32
      %max3A_350 = arith.maxsi %jit3A_349, %add3A_348 : i32
      %min3A_351 = arith.minsi %max3A_174, %max3A_350 : i32
      %mul3A_352 = arith.constant 192 : i32
      %mul3A_353 = arith.muli %min3A_351, %mul3A_352 : i32
      %dma_start3A_354 = tpu.memref_slice %arg3[%add3A_132, %arg0, %mul3A_353] : memref<32x2x25600xi32, #tpu.memory_space<hbm>> -> memref<1x1x192xi32, #tpu.memory_space<hbm>>
      %dma_start3A_355 = tpu.memref_squeeze %dma_start3A_354 : memref<1x1x192xi32, #tpu.memory_space<hbm>> -> memref<192xi32, #tpu.memory_space<hbm>>
      %dma_start3A_356 = tpu.memref_slice %arg3[%add3A_132, %arg0, %mul3A_353] : memref<32x2x25600xi32, #tpu.memory_space<hbm>> -> memref<1x1x192xi32, #tpu.memory_space<hbm>>
      %dma_start3A_357 = tpu.memref_squeeze %dma_start3A_356 : memref<1x1x192xi32, #tpu.memory_space<hbm>> -> memref<192xi32, #tpu.memory_space<hbm>>
      tpu.enqueue_dma source(%dma_start3A_357 : memref<192xi32, #tpu.memory_space<hbm>>) target(%arg12 : memref<192xi32, #tpu.memory_space<vmem>>) target_semaphore(%arg19 : memref<!tpu.dma_semaphore, #tpu.memory_space<semaphore_mem>>)
      %mul3A_358 = arith.constant 192 : i32
      %mul3A_359 = arith.muli %min3A_351, %mul3A_358 : i32
      %dma_start3A_360 = tpu.memref_slice %arg4[%add3A_132, %arg0, %mul3A_359] : memref<32x2x25600xi32, #tpu.memory_space<hbm>> -> memref<1x1x192xi32, #tpu.memory_space<hbm>>
      %dma_start3A_361 = tpu.memref_squeeze %dma_start3A_360 : memref<1x1x192xi32, #tpu.memory_space<hbm>> -> memref<192xi32, #tpu.memory_space<hbm>>
      %dma_start3A_362 = tpu.memref_slice %arg4[%add3A_132, %arg0, %mul3A_359] : memref<32x2x25600xi32, #tpu.memory_space<hbm>> -> memref<1x1x192xi32, #tpu.memory_space<hbm>>
      %dma_start3A_363 = tpu.memref_squeeze %dma_start3A_362 : memref<1x1x192xi32, #tpu.memory_space<hbm>> -> memref<192xi32, #tpu.memory_space<hbm>>
      tpu.enqueue_dma source(%dma_start3A_363 : memref<192xi32, #tpu.memory_space<hbm>>) target(%arg14 : memref<192xi32, #tpu.memory_space<vmem>>) target_semaphore(%arg19 : memref<!tpu.dma_semaphore, #tpu.memory_space<semaphore_mem>>)
      %while3A_364 = arith.constant 0 : i32
      scf.yield %while3A_364 : i32
    }
    %dma_wait3A_260 = arith.constant 0 : i32
    %dma_wait3A_261 = arith.constant 0 : i32
    %dma_wait3A_262 = tpu.memref_slice %arg2[%dma_wait3A_260, %dma_wait3A_261] : memref<250880x64xf32, #tpu.memory_space<hbm>> -> memref<250880x64xf32, #tpu.memory_space<hbm>>
    tpu.wait_indirect_dma semaphore(%arg16 : memref<!tpu.dma_semaphore, #tpu.memory_space<semaphore_mem>>) src(%dma_wait3A_262 : memref<250880x64xf32, #tpu.memory_space<hbm>>) dst(%arg9 : memref<192x64xf32, #tpu.memory_space<vmem>>)
    %dma_wait3A_263 = arith.constant 0 : i32
    %dma_wait3A_264 = tpu.memref_slice %arg3[%add3A_132, %arg0, %dma_wait3A_263] : memref<32x2x25600xi32, #tpu.memory_space<hbm>> -> memref<1x1x192xi32, #tpu.memory_space<hbm>>
    %dma_wait3A_265 = tpu.memref_squeeze %dma_wait3A_264 : memref<1x1x192xi32, #tpu.memory_space<hbm>> -> memref<192xi32, #tpu.memory_space<hbm>>
    %dma_wait3A_266 = arith.constant 0 : i32
    %dma_wait3A_267 = tpu.memref_slice %arg3[%add3A_132, %arg0, %dma_wait3A_266] : memref<32x2x25600xi32, #tpu.memory_space<hbm>> -> memref<1x1x192xi32, #tpu.memory_space<hbm>>
    %dma_wait3A_268 = tpu.memref_squeeze %dma_wait3A_267 : memref<1x1x192xi32, #tpu.memory_space<hbm>> -> memref<192xi32, #tpu.memory_space<hbm>>
    tpu.wait_dma2 semaphore(%arg19 : memref<!tpu.dma_semaphore, #tpu.memory_space<semaphore_mem>>) src(%dma_wait3A_268 : memref<192xi32, #tpu.memory_space<hbm>>) dst(%arg12 : memref<192xi32, #tpu.memory_space<vmem>>)
    %dma_wait3A_269 = arith.constant 0 : i32
    %dma_wait3A_270 = tpu.memref_slice %arg4[%add3A_132, %arg0, %dma_wait3A_269] : memref<32x2x25600xi32, #tpu.memory_space<hbm>> -> memref<1x1x192xi32, #tpu.memory_space<hbm>>
    %dma_wait3A_271 = tpu.memref_squeeze %dma_wait3A_270 : memref<1x1x192xi32, #tpu.memory_space<hbm>> -> memref<192xi32, #tpu.memory_space<hbm>>
    %dma_wait3A_272 = arith.constant 0 : i32
    %dma_wait3A_273 = tpu.memref_slice %arg4[%add3A_132, %arg0, %dma_wait3A_272] : memref<32x2x25600xi32, #tpu.memory_space<hbm>> -> memref<1x1x192xi32, #tpu.memory_space<hbm>>
    %dma_wait3A_274 = tpu.memref_squeeze %dma_wait3A_273 : memref<1x1x192xi32, #tpu.memory_space<hbm>> -> memref<192xi32, #tpu.memory_space<hbm>>
    tpu.wait_dma2 semaphore(%arg19 : memref<!tpu.dma_semaphore, #tpu.memory_space<semaphore_mem>>) src(%dma_wait3A_274 : memref<192xi32, #tpu.memory_space<hbm>>) dst(%arg14 : memref<192xi32, #tpu.memory_space<vmem>>)
    %barrier3A_275 = arith.constant 0 : index
    tpu.barrier barrier_id(%barrier3A_275)
    %mul3A_276 = arith.constant 1568 : i32
    %mul3A_277 = arith.muli %arg1, %mul3A_276 : i32
    %mul3A_278 = arith.constant 25088 : i32
    %mul3A_279 = arith.muli %arg0, %mul3A_278 : i32
    %mul3A_280 = arith.constant 1568 : i32
    %mul3A_281 = arith.muli %arg1, %mul3A_280 : i32
    %add3A_282 = arith.addi %mul3A_279, %mul3A_281 : i32
    "tpu.region"() ({
      %run_scoped3A = tpu.sem_alloc : memref<!tpu.dma_semaphore, #tpu.memory_space<semaphore_mem>>
      %dma_start3A_283 = arith.constant 0 : i32
      %dma_start3A_284 = tpu.memref_slice %arg7[%add3A_282, %dma_start3A_283] : memref<50176x64xf32, #tpu.memory_space<hbm>> -> memref<1568x64xf32, #tpu.memory_space<hbm>>
      %dma_start3A_285 = arith.constant 0 : i32
      %dma_start3A_286 = tpu.memref_slice %arg8[%mul3A_277, %dma_start3A_285] : memref<26112x64xf32, #tpu.memory_space<vmem_shared>> -> memref<1568x64xf32, #tpu.memory_space<vmem_shared>>
      tpu.enqueue_dma source(%dma_start3A_286 : memref<1568x64xf32, #tpu.memory_space<vmem_shared>>) target(%dma_start3A_284 : memref<1568x64xf32, #tpu.memory_space<hbm>>) target_semaphore(%run_scoped3A : memref<!tpu.dma_semaphore, #tpu.memory_space<semaphore_mem>>)
      %dma_wait3A_287 = arith.constant 0 : i32
      %dma_wait3A_288 = tpu.memref_slice %arg7[%add3A_282, %dma_wait3A_287] : memref<50176x64xf32, #tpu.memory_space<hbm>> -> memref<1568x64xf32, #tpu.memory_space<hbm>>
      %dma_wait3A_289 = arith.constant 0 : i32
      %dma_wait3A_290 = tpu.memref_slice %arg8[%mul3A_277, %dma_wait3A_289] : memref<26112x64xf32, #tpu.memory_space<vmem_shared>> -> memref<1568x64xf32, #tpu.memory_space<vmem_shared>>
      tpu.wait_dma2 semaphore(%run_scoped3A : memref<!tpu.dma_semaphore, #tpu.memory_space<semaphore_mem>>) src(%dma_wait3A_290 : memref<1568x64xf32, #tpu.memory_space<vmem_shared>>) dst(%dma_wait3A_288 : memref<1568x64xf32, #tpu.memory_space<hbm>>)
      tpu.yield
    }) : () -> ()
    return
  }
}

module attributes {stable_mosaic.version = 14 : i64} {
  func.func @_embed_body(%arg0: i32, %arg1: memref<1x1x1568xi32, #tpu.memory_space<vmem>>, %arg2: memref<100x64xf32, #tpu.memory_space<vmem>>, %arg3: memref<1568x64xf32, #tpu.memory_space<vmem>>) attributes {dimension_semantics = [#tpu.dimension_semantics<arbitrary>], iteration_bounds = array<i64: 32>, scalar_prefetch = 0 : i64, scratch_operands = 0 : i64, tpu.core_type = #tpu.core_type<tc>, window_params = [{transform_indices = @transform_0, window_bounds = array<i64: 1, 1, 1568>}, {pipeline_mode = #tpu.pipeline_mode<synchronous>, transform_indices = @transform_1, window_bounds = array<i64: 100, 64>}, {transform_indices = @transform_2, window_bounds = array<i64: 1568, 64>}]} {
    %get3A = arith.constant 0 : index
    %get3A_0 = arith.constant 0 : index
    %get3A_1 = arith.constant 0 : index
    %get3A_2 = vector.load %arg1[%get3A, %get3A_0, %get3A_1] : memref<1x1x1568xi32, #tpu.memory_space<vmem>>, vector<1x1x1568xi32>
    %reshape3A = vector.shape_cast %get3A_2 : vector<1x1x1568xi32> to vector<1x1568xi32>
    %iota3A = tpu.iota {dimensions = array<i32: 0>} : vector<100x1568xi32>
    %eq3A = vector.broadcast %reshape3A : vector<1x1568xi32> to vector<100x1568xi32>
    %eq3A_3 = arith.cmpi eq, %iota3A, %eq3A : vector<100x1568xi32>
    %convert_element_type3A = arith.extui %eq3A_3 : vector<100x1568xi1> to vector<100x1568xi32>
    %convert_element_type3A_4 = arith.sitofp %convert_element_type3A : vector<100x1568xi32> to vector<100x1568xf32>
    %get3A_5 = arith.constant 0 : index
    %get3A_6 = arith.constant 0 : index
    %get3A_7 = vector.load %arg2[%get3A_5, %get3A_6] : memref<100x64xf32, #tpu.memory_space<vmem>>, vector<100x64xf32>
    %dot_general3A = arith.constant dense<0.000000e+00> : vector<1568x64xf32>
    %dot_general3A_8 = tpu.matmul %convert_element_type3A_4, %get3A_7, %dot_general3A {dimension_numbers = #tpu.dot_dimension_numbers<[0], [0], [1], [1], [0, 1, 1, 1], [], []>, precision = #tpu.contract_precision<fp32>, transpose_lhs_hint = false} : vector<100x1568xf32>, vector<100x64xf32>, vector<1568x64xf32> -> vector<1568x64xf32>
    %swap3A = arith.constant 0 : index
    %swap3A_9 = arith.constant 0 : index
    %swap3A_10 = vector.load %arg3[%swap3A, %swap3A_9] : memref<1568x64xf32, #tpu.memory_space<vmem>>, vector<1568x64xf32>
    tpu.vector_store %arg3[%swap3A, %swap3A_9], %dot_general3A_8 {strides = array<i32>} : memref<1568x64xf32, #tpu.memory_space<vmem>>, vector<1568x64xf32>,
    return
  }
  func.func @transform_0(%arg0: i32) -> (i32, i32, i32) {
    %c0_i32 = arith.constant 0 : i32
    %c0_i32_0 = arith.constant 0 : i32
    %c0_i32_1 = arith.constant 0 : i32
    return %arg0, %c0_i32, %c0_i32_0 : i32, i32, i32
  }
  func.func @transform_1(%arg0: i32) -> (i32, i32) {
    %c0_i32 = arith.constant 0 : i32
    %c0_i32_0 = arith.constant 0 : i32
    %c0_i32_1 = arith.constant 0 : i32
    return %c0_i32, %c0_i32_0 : i32, i32
  }
  func.func @transform_2(%arg0: i32) -> (i32, i32) {
    %c0_i32 = arith.constant 0 : i32
    %c0_i32_0 = arith.constant 0 : i32
    return %arg0, %c0_i32 : i32, i32
  }
}

module attributes {stable_mosaic.version = 14 : i64} {
  func.func @_mtable_body(%arg0: i32, %arg1: i32, %arg2: memref<1568x64xf32, #tpu.memory_space<vmem>>, %arg3: memref<5x64xf32, #tpu.memory_space<vmem>>, %arg4: memref<1x1568x64xf32, #tpu.memory_space<vmem>>) attributes {dimension_semantics = [#tpu.dimension_semantics<arbitrary>, #tpu.dimension_semantics<arbitrary>], iteration_bounds = array<i64: 5, 32>, scalar_prefetch = 0 : i64, scratch_operands = 0 : i64, tpu.core_type = #tpu.core_type<tc>, window_params = [{transform_indices = @transform_0, window_bounds = array<i64: 1568, 64>}, {pipeline_mode = #tpu.pipeline_mode<synchronous>, transform_indices = @transform_1, window_bounds = array<i64: 5, 64>}, {transform_indices = @transform_2, window_bounds = array<i64: 1, 1568, 64>}]} {
    %iota3A = tpu.iota {dimensions = array<i32: 0>} : vector<5x1xi32>
    %eq3A = vector.broadcast %arg0 : i32 to vector<5x1xi32>
    %eq3A_0 = arith.cmpi eq, %iota3A, %eq3A : vector<5x1xi32>
    %convert_element_type3A = arith.extui %eq3A_0 : vector<5x1xi1> to vector<5x1xi32>
    %convert_element_type3A_1 = arith.sitofp %convert_element_type3A : vector<5x1xi32> to vector<5x1xf32>
    %get3A = arith.constant 0 : index
    %get3A_2 = arith.constant 0 : index
    %get3A_3 = vector.load %arg3[%get3A, %get3A_2] : memref<5x64xf32, #tpu.memory_space<vmem>>, vector<5x64xf32>
    %mul3A = vector.broadcast %convert_element_type3A_1 : vector<5x1xf32> to vector<5x64xf32>
    %mul3A_4 = arith.mulf %get3A_3, %mul3A : vector<5x64xf32>
    %reduce_sum3A = arith.constant dense<0.000000e+00> : vector<64xf32>
    %reduce_sum3A_5 = vector.multi_reduction <add>, %mul3A_4, %reduce_sum3A [0] : vector<5x64xf32> to vector<64xf32>
    %broadcast_in_dim3A = vector.shape_cast %reduce_sum3A_5 : vector<64xf32> to vector<1x64xf32>
    %get3A_6 = arith.constant 0 : index
    %get3A_7 = arith.constant 0 : index
    %get3A_8 = vector.load %arg2[%get3A_6, %get3A_7] : memref<1568x64xf32, #tpu.memory_space<vmem>>, vector<1568x64xf32>
    %add3A = vector.broadcast %broadcast_in_dim3A : vector<1x64xf32> to vector<1568x64xf32>
    %add3A_9 = arith.addf %get3A_8, %add3A : vector<1568x64xf32>
    %max3A = arith.constant 0.000000e+00 : f32
    %max3A_10 = vector.broadcast %max3A : f32 to vector<1568x64xf32>
    %max3A_11 = arith.maximumf %add3A_9, %max3A_10 : vector<1568x64xf32>
    %broadcast_in_dim3A_12 = vector.shape_cast %max3A_11 : vector<1568x64xf32> to vector<1x1568x64xf32>
    %swap3A = arith.constant 0 : index
    %swap3A_13 = arith.constant 0 : index
    %swap3A_14 = arith.constant 0 : index
    %swap3A_15 = vector.load %arg4[%swap3A, %swap3A_13, %swap3A_14] : memref<1x1568x64xf32, #tpu.memory_space<vmem>>, vector<1x1568x64xf32>
    tpu.vector_store %arg4[%swap3A, %swap3A_13, %swap3A_14], %broadcast_in_dim3A_12 {strides = array<i32>} : memref<1x1568x64xf32, #tpu.memory_space<vmem>>, vector<1x1568x64xf32>,
    return
  }
  func.func @transform_0(%arg0: i32, %arg1: i32) -> (i32, i32) {
    %c0_i32 = arith.constant 0 : i32
    %c0_i32_0 = arith.constant 0 : i32
    return %arg1, %c0_i32 : i32, i32
  }
  func.func @transform_1(%arg0: i32, %arg1: i32) -> (i32, i32) {
    %c0_i32 = arith.constant 0 : i32
    %c0_i32_0 = arith.constant 0 : i32
    %c0_i32_1 = arith.constant 0 : i32
    return %c0_i32, %c0_i32_0 : i32, i32
  }
  func.func @transform_2(%arg0: i32, %arg1: i32) -> (i32, i32, i32) {
    %c0_i32 = arith.constant 0 : i32
    %c0_i32_0 = arith.constant 0 : i32
    return %arg0, %arg1, %c0_i32 : i32, i32, i32
  }
}

module attributes {stable_mosaic.version = 14 : i64} {
  func.func @_mlp_body(%arg0: i32, %arg1: memref<1568x64xf32, #tpu.memory_space<vmem>>, %arg2: memref<1568x64xf32, #tpu.memory_space<vmem>>, %arg3: memref<128x64xf32, #tpu.memory_space<vmem>>, %arg4: memref<8x128xf32, #tpu.memory_space<vmem>>, %arg5: memref<64x128xf32, #tpu.memory_space<vmem>>, %arg6: memref<8x64xf32, #tpu.memory_space<vmem>>, %arg7: memref<8x128xf32, #tpu.memory_space<vmem>>, %arg8: memref<1568x64xf32, #tpu.memory_space<vmem>>) attributes {dimension_semantics = [#tpu.dimension_semantics<arbitrary>], iteration_bounds = array<i64: 32>, scalar_prefetch = 0 : i64, scratch_operands = 0 : i64, tpu.core_type = #tpu.core_type<tc>, window_params = [{transform_indices = @transform_0, window_bounds = array<i64: 1568, 64>}, {transform_indices = @transform_1, window_bounds = array<i64: 1568, 64>}, {pipeline_mode = #tpu.pipeline_mode<synchronous>, transform_indices = @transform_2, window_bounds = array<i64: 128, 64>}, {pipeline_mode = #tpu.pipeline_mode<synchronous>, transform_indices = @transform_3, window_bounds = array<i64: 8, 128>}, {pipeline_mode = #tpu.pipeline_mode<synchronous>, transform_indices = @transform_4, window_bounds = array<i64: 64, 128>}, {pipeline_mode = #tpu.pipeline_mode<synchronous>, transform_indices = @transform_5, window_bounds = array<i64: 8, 64>}, {pipeline_mode = #tpu.pipeline_mode<synchronous>, transform_indices = @transform_6, window_bounds = array<i64: 8, 128>}, {transform_indices = @transform_7, window_bounds = array<i64: 1568, 64>}]} {
    %get3A = arith.constant 0 : index
    %get3A_0 = arith.constant 0 : index
    %get3A_1 = vector.load %arg1[%get3A, %get3A_0] : memref<1568x64xf32, #tpu.memory_space<vmem>>, vector<1568x64xf32>
    %get3A_2 = arith.constant 0 : index
    %get3A_3 = arith.constant 0 : index
    %get3A_4 = vector.load %arg7[%get3A_2, %get3A_3] : memref<8x128xf32, #tpu.memory_space<vmem>>, vector<1x1xf32>
    %get3A_5 = vector.extract %get3A_4[0, 0] : f32 from vector<1x1xf32>
    %mul3A = vector.broadcast %get3A_5 : f32 to vector<1568x64xf32>
    %mul3A_6 = arith.mulf %get3A_1, %mul3A : vector<1568x64xf32>
    %get3A_7 = arith.constant 0 : index
    %get3A_8 = arith.constant 0 : index
    %get3A_9 = vector.load %arg2[%get3A_7, %get3A_8] : memref<1568x64xf32, #tpu.memory_space<vmem>>, vector<1568x64xf32>
    %add3A = arith.addf %mul3A_6, %get3A_9 : vector<1568x64xf32>
    %get3A_10 = arith.constant 0 : index
    %get3A_11 = arith.constant 0 : index
    %get3A_12 = vector.load %arg3[%get3A_10, %get3A_11] : memref<128x64xf32, #tpu.memory_space<vmem>>, vector<128x64xf32>
    %dot_general3A = arith.constant dense<0.000000e+00> : vector<1568x128xf32>
    %dot_general3A_13 = tpu.matmul %add3A, %get3A_12, %dot_general3A {dimension_numbers = #tpu.dot_dimension_numbers<[1], [1], [0], [0], [0, 0, 1, 0], [], []>, transpose_lhs_hint = false} : vector<1568x64xf32>, vector<128x64xf32>, vector<1568x128xf32> -> vector<1568x128xf32>
    %get3A_14 = arith.constant 0 : index
    %get3A_15 = arith.constant 0 : index
    %get3A_16 = vector.load %arg4[%get3A_14, %get3A_15] : memref<8x128xf32, #tpu.memory_space<vmem>>, vector<1x128xf32>
    %add3A_17 = vector.broadcast %get3A_16 : vector<1x128xf32> to vector<1568x128xf32>
    %add3A_18 = arith.addf %dot_general3A_13, %add3A_17 : vector<1568x128xf32>
    %max3A = arith.constant 0.000000e+00 : f32
    %max3A_19 = vector.broadcast %max3A : f32 to vector<1568x128xf32>
    %max3A_20 = arith.maximumf %add3A_18, %max3A_19 : vector<1568x128xf32>
    %get3A_21 = arith.constant 0 : index
    %get3A_22 = arith.constant 0 : index
    %get3A_23 = vector.load %arg5[%get3A_21, %get3A_22] : memref<64x128xf32, #tpu.memory_space<vmem>>, vector<64x128xf32>
    %dot_general3A_24 = arith.constant dense<0.000000e+00> : vector<1568x64xf32>
    %dot_general3A_25 = tpu.matmul %max3A_20, %get3A_23, %dot_general3A_24 {dimension_numbers = #tpu.dot_dimension_numbers<[1], [1], [0], [0], [0, 0, 1, 0], [], []>, transpose_lhs_hint = false} : vector<1568x128xf32>, vector<64x128xf32>, vector<1568x64xf32> -> vector<1568x64xf32>
    %get3A_26 = arith.constant 0 : index
    %get3A_27 = arith.constant 0 : index
    %get3A_28 = vector.load %arg6[%get3A_26, %get3A_27] : memref<8x64xf32, #tpu.memory_space<vmem>>, vector<1x64xf32>
    %add3A_29 = vector.broadcast %get3A_28 : vector<1x64xf32> to vector<1568x64xf32>
    %add3A_30 = arith.addf %dot_general3A_25, %add3A_29 : vector<1568x64xf32>
    %max3A_31 = arith.constant 0.000000e+00 : f32
    %max3A_32 = vector.broadcast %max3A_31 : f32 to vector<1568x64xf32>
    %max3A_33 = arith.maximumf %add3A_30, %max3A_32 : vector<1568x64xf32>
    %swap3A = arith.constant 0 : index
    %swap3A_34 = arith.constant 0 : index
    %swap3A_35 = vector.load %arg8[%swap3A, %swap3A_34] : memref<1568x64xf32, #tpu.memory_space<vmem>>, vector<1568x64xf32>
    tpu.vector_store %arg8[%swap3A, %swap3A_34], %max3A_33 {strides = array<i32>} : memref<1568x64xf32, #tpu.memory_space<vmem>>, vector<1568x64xf32>,
    return
  }
  func.func @transform_0(%arg0: i32) -> (i32, i32) {
    %c0_i32 = arith.constant 0 : i32
    %c0_i32_0 = arith.constant 0 : i32
    return %arg0, %c0_i32 : i32, i32
  }
  func.func @transform_1(%arg0: i32) -> (i32, i32) {
    %c0_i32 = arith.constant 0 : i32
    %c0_i32_0 = arith.constant 0 : i32
    return %arg0, %c0_i32 : i32, i32
  }
  func.func @transform_2(%arg0: i32) -> (i32, i32) {
    %c0_i32 = arith.constant 0 : i32
    %c0_i32_0 = arith.constant 0 : i32
    %c0_i32_1 = arith.constant 0 : i32
    return %c0_i32, %c0_i32_0 : i32, i32
  }
  func.func @transform_3(%arg0: i32) -> (i32, i32) {
    %c0_i32 = arith.constant 0 : i32
    %c0_i32_0 = arith.constant 0 : i32
    %c0_i32_1 = arith.constant 0 : i32
    return %c0_i32, %c0_i32_0 : i32, i32
  }
  func.func @transform_4(%arg0: i32) -> (i32, i32) {
    %c0_i32 = arith.constant 0 : i32
    %c0_i32_0 = arith.constant 0 : i32
    %c0_i32_1 = arith.constant 0 : i32
    return %c0_i32, %c0_i32_0 : i32, i32
  }
  func.func @transform_5(%arg0: i32) -> (i32, i32) {
    %c0_i32 = arith.constant 0 : i32
    %c0_i32_0 = arith.constant 0 : i32
    %c0_i32_1 = arith.constant 0 : i32
    return %c0_i32, %c0_i32_0 : i32, i32
  }
  func.func @transform_6(%arg0: i32) -> (i32, i32) {
    %c0_i32 = arith.constant 0 : i32
    %c0_i32_0 = arith.constant 0 : i32
    %c0_i32_1 = arith.constant 0 : i32
    return %c0_i32, %c0_i32_0 : i32, i32
  }
  func.func @transform_7(%arg0: i32) -> (i32, i32) {
    %c0_i32 = arith.constant 0 : i32
    %c0_i32_0 = arith.constant 0 : i32
    return %arg0, %c0_i32 : i32, i32
  }
}

module attributes {stable_mosaic.version = 14 : i64} {
  func.func @_mlp_body(%arg0: i32, %arg1: memref<1568x64xf32, #tpu.memory_space<vmem>>, %arg2: memref<1568x64xf32, #tpu.memory_space<vmem>>, %arg3: memref<128x64xf32, #tpu.memory_space<vmem>>, %arg4: memref<8x128xf32, #tpu.memory_space<vmem>>, %arg5: memref<64x128xf32, #tpu.memory_space<vmem>>, %arg6: memref<8x64xf32, #tpu.memory_space<vmem>>, %arg7: memref<8x128xf32, #tpu.memory_space<vmem>>, %arg8: memref<1568x64xf32, #tpu.memory_space<vmem>>) attributes {dimension_semantics = [#tpu.dimension_semantics<arbitrary>], iteration_bounds = array<i64: 32>, scalar_prefetch = 0 : i64, scratch_operands = 0 : i64, tpu.core_type = #tpu.core_type<tc>, window_params = [{transform_indices = @transform_0, window_bounds = array<i64: 1568, 64>}, {transform_indices = @transform_1, window_bounds = array<i64: 1568, 64>}, {pipeline_mode = #tpu.pipeline_mode<synchronous>, transform_indices = @transform_2, window_bounds = array<i64: 128, 64>}, {pipeline_mode = #tpu.pipeline_mode<synchronous>, transform_indices = @transform_3, window_bounds = array<i64: 8, 128>}, {pipeline_mode = #tpu.pipeline_mode<synchronous>, transform_indices = @transform_4, window_bounds = array<i64: 64, 128>}, {pipeline_mode = #tpu.pipeline_mode<synchronous>, transform_indices = @transform_5, window_bounds = array<i64: 8, 64>}, {pipeline_mode = #tpu.pipeline_mode<synchronous>, transform_indices = @transform_6, window_bounds = array<i64: 8, 128>}, {transform_indices = @transform_7, window_bounds = array<i64: 1568, 64>}]} {
    %get3A = arith.constant 0 : index
    %get3A_0 = arith.constant 0 : index
    %get3A_1 = vector.load %arg1[%get3A, %get3A_0] : memref<1568x64xf32, #tpu.memory_space<vmem>>, vector<1568x64xf32>
    %get3A_2 = arith.constant 0 : index
    %get3A_3 = arith.constant 0 : index
    %get3A_4 = vector.load %arg7[%get3A_2, %get3A_3] : memref<8x128xf32, #tpu.memory_space<vmem>>, vector<1x1xf32>
    %get3A_5 = vector.extract %get3A_4[0, 0] : f32 from vector<1x1xf32>
    %mul3A = vector.broadcast %get3A_5 : f32 to vector<1568x64xf32>
    %mul3A_6 = arith.mulf %get3A_1, %mul3A : vector<1568x64xf32>
    %get3A_7 = arith.constant 0 : index
    %get3A_8 = arith.constant 0 : index
    %get3A_9 = vector.load %arg2[%get3A_7, %get3A_8] : memref<1568x64xf32, #tpu.memory_space<vmem>>, vector<1568x64xf32>
    %add3A = arith.addf %mul3A_6, %get3A_9 : vector<1568x64xf32>
    %get3A_10 = arith.constant 0 : index
    %get3A_11 = arith.constant 0 : index
    %get3A_12 = vector.load %arg3[%get3A_10, %get3A_11] : memref<128x64xf32, #tpu.memory_space<vmem>>, vector<128x64xf32>
    %dot_general3A = arith.constant dense<0.000000e+00> : vector<1568x128xf32>
    %dot_general3A_13 = tpu.matmul %add3A, %get3A_12, %dot_general3A {dimension_numbers = #tpu.dot_dimension_numbers<[1], [1], [0], [0], [0, 0, 1, 0], [], []>, transpose_lhs_hint = false} : vector<1568x64xf32>, vector<128x64xf32>, vector<1568x128xf32> -> vector<1568x128xf32>
    %get3A_14 = arith.constant 0 : index
    %get3A_15 = arith.constant 0 : index
    %get3A_16 = vector.load %arg4[%get3A_14, %get3A_15] : memref<8x128xf32, #tpu.memory_space<vmem>>, vector<1x128xf32>
    %add3A_17 = vector.broadcast %get3A_16 : vector<1x128xf32> to vector<1568x128xf32>
    %add3A_18 = arith.addf %dot_general3A_13, %add3A_17 : vector<1568x128xf32>
    %max3A = arith.constant 0.000000e+00 : f32
    %max3A_19 = vector.broadcast %max3A : f32 to vector<1568x128xf32>
    %max3A_20 = arith.maximumf %add3A_18, %max3A_19 : vector<1568x128xf32>
    %get3A_21 = arith.constant 0 : index
    %get3A_22 = arith.constant 0 : index
    %get3A_23 = vector.load %arg5[%get3A_21, %get3A_22] : memref<64x128xf32, #tpu.memory_space<vmem>>, vector<64x128xf32>
    %dot_general3A_24 = arith.constant dense<0.000000e+00> : vector<1568x64xf32>
    %dot_general3A_25 = tpu.matmul %max3A_20, %get3A_23, %dot_general3A_24 {dimension_numbers = #tpu.dot_dimension_numbers<[1], [1], [0], [0], [0, 0, 1, 0], [], []>, transpose_lhs_hint = false} : vector<1568x128xf32>, vector<64x128xf32>, vector<1568x64xf32> -> vector<1568x64xf32>
    %get3A_26 = arith.constant 0 : index
    %get3A_27 = arith.constant 0 : index
    %get3A_28 = vector.load %arg6[%get3A_26, %get3A_27] : memref<8x64xf32, #tpu.memory_space<vmem>>, vector<1x64xf32>
    %add3A_29 = vector.broadcast %get3A_28 : vector<1x64xf32> to vector<1568x64xf32>
    %add3A_30 = arith.addf %dot_general3A_25, %add3A_29 : vector<1568x64xf32>
    %swap3A = arith.constant 0 : index
    %swap3A_31 = arith.constant 0 : index
    %swap3A_32 = vector.load %arg8[%swap3A, %swap3A_31] : memref<1568x64xf32, #tpu.memory_space<vmem>>, vector<1568x64xf32>
    tpu.vector_store %arg8[%swap3A, %swap3A_31], %add3A_30 {strides = array<i32>} : memref<1568x64xf32, #tpu.memory_space<vmem>>, vector<1568x64xf32>,
    return
  }
  func.func @transform_0(%arg0: i32) -> (i32, i32) {
    %c0_i32 = arith.constant 0 : i32
    %c0_i32_0 = arith.constant 0 : i32
    return %arg0, %c0_i32 : i32, i32
  }
  func.func @transform_1(%arg0: i32) -> (i32, i32) {
    %c0_i32 = arith.constant 0 : i32
    %c0_i32_0 = arith.constant 0 : i32
    return %arg0, %c0_i32 : i32, i32
  }
  func.func @transform_2(%arg0: i32) -> (i32, i32) {
    %c0_i32 = arith.constant 0 : i32
    %c0_i32_0 = arith.constant 0 : i32
    %c0_i32_1 = arith.constant 0 : i32
    return %c0_i32, %c0_i32_0 : i32, i32
  }
  func.func @transform_3(%arg0: i32) -> (i32, i32) {
    %c0_i32 = arith.constant 0 : i32
    %c0_i32_0 = arith.constant 0 : i32
    %c0_i32_1 = arith.constant 0 : i32
    return %c0_i32, %c0_i32_0 : i32, i32
  }
  func.func @transform_4(%arg0: i32) -> (i32, i32) {
    %c0_i32 = arith.constant 0 : i32
    %c0_i32_0 = arith.constant 0 : i32
    %c0_i32_1 = arith.constant 0 : i32
    return %c0_i32, %c0_i32_0 : i32, i32
  }
  func.func @transform_5(%arg0: i32) -> (i32, i32) {
    %c0_i32 = arith.constant 0 : i32
    %c0_i32_0 = arith.constant 0 : i32
    %c0_i32_1 = arith.constant 0 : i32
    return %c0_i32, %c0_i32_0 : i32, i32
  }
  func.func @transform_6(%arg0: i32) -> (i32, i32) {
    %c0_i32 = arith.constant 0 : i32
    %c0_i32_0 = arith.constant 0 : i32
    %c0_i32_1 = arith.constant 0 : i32
    return %c0_i32, %c0_i32_0 : i32, i32
  }
  func.func @transform_7(%arg0: i32) -> (i32, i32) {
    %c0_i32 = arith.constant 0 : i32
    %c0_i32_0 = arith.constant 0 : i32
    return %arg0, %c0_i32 : i32, i32
  }
}

module attributes {stable_mosaic.version = 14 : i64} {
  func.func @_readout_body(%arg0: i32, %arg1: memref<1568x64xf32, #tpu.memory_space<vmem>>, %arg2: memref<1x1x1568xi32, #tpu.memory_space<vmem>>, %arg3: memref<4x64xf32, #tpu.memory_space<vmem>>, %arg4: memref<10x256xf32, #tpu.memory_space<vmem>>, %arg5: memref<8x10xf32, #tpu.memory_space<vmem>>, %arg6: memref<64x10xf32, #tpu.memory_space<vmem>>, %arg7: memref<64x256xf32, #tpu.memory_space<vmem>>) attributes {dimension_semantics = [#tpu.dimension_semantics<arbitrary>], iteration_bounds = array<i64: 32>, scalar_prefetch = 0 : i64, scratch_operands = 1 : i64, tpu.core_type = #tpu.core_type<tc>, window_params = [{transform_indices = @transform_0, window_bounds = array<i64: 1568, 64>}, {transform_indices = @transform_1, window_bounds = array<i64: 1, 1, 1568>}, {pipeline_mode = #tpu.pipeline_mode<synchronous>, transform_indices = @transform_2, window_bounds = array<i64: 4, 64>}, {pipeline_mode = #tpu.pipeline_mode<synchronous>, transform_indices = @transform_3, window_bounds = array<i64: 10, 256>}, {pipeline_mode = #tpu.pipeline_mode<synchronous>, transform_indices = @transform_4, window_bounds = array<i64: 8, 10>}, {pipeline_mode = #tpu.pipeline_mode<synchronous>, transform_indices = @transform_5, window_bounds = array<i64: 64, 10>}]} {
    %get3A = arith.constant 0 : index
    %get3A_0 = arith.constant 0 : index
    %get3A_1 = vector.load %arg1[%get3A, %get3A_0] : memref<1568x64xf32, #tpu.memory_space<vmem>>, vector<1568x64xf32>
    %get3A_2 = arith.constant 0 : index
    %get3A_3 = arith.constant 0 : index
    %get3A_4 = vector.load %arg3[%get3A_2, %get3A_3] : memref<4x64xf32, #tpu.memory_space<vmem>>, vector<4x64xf32>
    %dot_general3A = arith.constant dense<0.000000e+00> : vector<1568x4xf32>
    %dot_general3A_5 = tpu.matmul %get3A_1, %get3A_4, %dot_general3A {dimension_numbers = #tpu.dot_dimension_numbers<[1], [1], [0], [0], [0, 0, 1, 0], [], []>, transpose_lhs_hint = false} : vector<1568x64xf32>, vector<4x64xf32>, vector<1568x4xf32> -> vector<1568x4xf32>
    %div3A = arith.constant 0.00999999977 : f32
    %div3A_6 = vector.broadcast %div3A : f32 to vector<1568x4xf32>
    %div3A_7 = arith.divf %dot_general3A_5, %div3A_6 : vector<1568x4xf32>
    %reduce_max3A = arith.constant dense<0xFF800000> : vector<1568xf32>
    %reduce_max3A_8 = vector.multi_reduction <maximumf>, %div3A_7, %reduce_max3A [1] : vector<1568x4xf32> to vector<1568xf32>
    %broadcast_in_dim3A = vector.shape_cast %reduce_max3A_8 : vector<1568xf32> to vector<1568x1xf32>
    %sub3A = vector.broadcast %broadcast_in_dim3A : vector<1568x1xf32> to vector<1568x4xf32>
    %sub3A_9 = arith.subf %div3A_7, %sub3A : vector<1568x4xf32>
    %exp3A = math.exp %sub3A_9 : vector<1568x4xf32>
    %reduce_sum3A = arith.constant dense<0.000000e+00> : vector<1568xf32>
    %reduce_sum3A_10 = vector.multi_reduction <add>, %exp3A, %reduce_sum3A [1] : vector<1568x4xf32> to vector<1568xf32>
    %broadcast_in_dim3A_11 = vector.shape_cast %reduce_sum3A_10 : vector<1568xf32> to vector<1568x1xf32>
    %div3A_12 = vector.broadcast %broadcast_in_dim3A_11 : vector<1568x1xf32> to vector<1568x4xf32>
    %div3A_13 = arith.divf %exp3A, %div3A_12 : vector<1568x4xf32>
    %slice3A = vector.extract_strided_slice %div3A_13 {offsets = [0, 0], sizes = [1568, 1], strides = [1, 1]} : vector<1568x4xf32> to vector<1568x1xf32>
    %mul3A = vector.broadcast %slice3A : vector<1568x1xf32> to vector<1568x64xf32>
    %mul3A_14 = arith.mulf %mul3A, %get3A_1 : vector<1568x64xf32>
    %slice3A_15 = vector.extract_strided_slice %div3A_13 {offsets = [0, 1], sizes = [1568, 1], strides = [1, 1]} : vector<1568x4xf32> to vector<1568x1xf32>
    %mul3A_16 = vector.broadcast %slice3A_15 : vector<1568x1xf32> to vector<1568x64xf32>
    %mul3A_17 = arith.mulf %mul3A_16, %get3A_1 : vector<1568x64xf32>
    %slice3A_18 = vector.extract_strided_slice %div3A_13 {offsets = [0, 2], sizes = [1568, 1], strides = [1, 1]} : vector<1568x4xf32> to vector<1568x1xf32>
    %mul3A_19 = vector.broadcast %slice3A_18 : vector<1568x1xf32> to vector<1568x64xf32>
    %mul3A_20 = arith.mulf %mul3A_19, %get3A_1 : vector<1568x64xf32>
    %slice3A_21 = vector.extract_strided_slice %div3A_13 {offsets = [0, 3], sizes = [1568, 1], strides = [1, 1]} : vector<1568x4xf32> to vector<1568x1xf32>
    %mul3A_22 = vector.broadcast %slice3A_21 : vector<1568x1xf32> to vector<1568x64xf32>
    %mul3A_23 = arith.mulf %mul3A_22, %get3A_1 : vector<1568x64xf32>
    %concatenate3A = tpu.concatenate %mul3A_14, %mul3A_17, %mul3A_20, %mul3A_23 in 1 : vector<1568x64xf32>, vector<1568x64xf32>, vector<1568x64xf32>, vector<1568x64xf32> -> vector<1568x256xf32>
    %get3A_24 = arith.constant 0 : index
    %get3A_25 = arith.constant 0 : index
    %get3A_26 = arith.constant 0 : index
    %get3A_27 = vector.load %arg2[%get3A_24, %get3A_25, %get3A_26] : memref<1x1x1568xi32, #tpu.memory_space<vmem>>, vector<1x1x1568xi32>
    %reshape3A = vector.shape_cast %get3A_27 : vector<1x1x1568xi32> to vector<1x1568xi32>
    %iota3A = tpu.iota {dimensions = array<i32: 0>} : vector<64x1568xi32>
    %eq3A = vector.broadcast %reshape3A : vector<1x1568xi32> to vector<64x1568xi32>
    %eq3A_28 = arith.cmpi eq, %iota3A, %eq3A : vector<64x1568xi32>
    %convert_element_type3A = arith.extui %eq3A_28 : vector<64x1568xi1> to vector<64x1568xi32>
    %convert_element_type3A_29 = arith.sitofp %convert_element_type3A : vector<64x1568xi32> to vector<64x1568xf32>
    %dot_general3A_30 = arith.constant dense<0.000000e+00> : vector<64x256xf32>
    %dot_general3A_31 = tpu.matmul %convert_element_type3A_29, %concatenate3A, %dot_general3A_30 {dimension_numbers = #tpu.dot_dimension_numbers<[1], [0], [0], [1], [0, 0, 1, 1], [], []>, precision = #tpu.contract_precision<fp32>, transpose_lhs_hint = false} : vector<64x1568xf32>, vector<1568x256xf32>, vector<64x256xf32> -> vector<64x256xf32>
    %eq3A_32 = arith.constant 0 : i32
    %eq3A_33 = arith.cmpi eq, %arg0, %eq3A_32 : i32
    %convert_element_type3A_34 = arith.extui %eq3A_33 : i1 to i32
    %cond3A = arith.constant 0 : i32
    %cond3A_35 = arith.cmpi ne, %convert_element_type3A_34, %cond3A : i32
    scf.if %cond3A_35 {
      %swap3A = arith.constant 0 : index
      %swap3A_45 = arith.constant 0 : index
      %swap3A_46 = vector.load %arg7[%swap3A, %swap3A_45] : memref<64x256xf32, #tpu.memory_space<vmem>>, vector<64x256xf32>
      tpu.vector_store %arg7[%swap3A, %swap3A_45], %dot_general3A_31 {strides = array<i32>} : memref<64x256xf32, #tpu.memory_space<vmem>>, vector<64x256xf32>,
    } else {
    }
    %gt3A = arith.constant 0 : i32
    %gt3A_36 = arith.cmpi sgt, %arg0, %gt3A : i32
    %convert_element_type3A_37 = arith.extui %gt3A_36 : i1 to i32
    %cond3A_38 = arith.constant 0 : i32
    %cond3A_39 = arith.cmpi ne, %convert_element_type3A_37, %cond3A_38 : i32
    scf.if %cond3A_39 {
      %get3A_45 = arith.constant 0 : index
      %get3A_46 = arith.constant 0 : index
      %get3A_47 = vector.load %arg7[%get3A_45, %get3A_46] : memref<64x256xf32, #tpu.memory_space<vmem>>, vector<64x256xf32>
      %add3A = arith.addf %get3A_47, %dot_general3A_31 : vector<64x256xf32>
      %swap3A = arith.constant 0 : index
      %swap3A_48 = arith.constant 0 : index
      %swap3A_49 = vector.load %arg7[%swap3A, %swap3A_48] : memref<64x256xf32, #tpu.memory_space<vmem>>, vector<64x256xf32>
      tpu.vector_store %arg7[%swap3A, %swap3A_48], %add3A {strides = array<i32>} : memref<64x256xf32, #tpu.memory_space<vmem>>, vector<64x256xf32>,
    } else {
    }
    %eq3A_40 = arith.constant 31 : i32
    %eq3A_41 = arith.cmpi eq, %arg0, %eq3A_40 : i32
    %convert_element_type3A_42 = arith.extui %eq3A_41 : i1 to i32
    %cond3A_43 = arith.constant 0 : i32
    %cond3A_44 = arith.cmpi ne, %convert_element_type3A_42, %cond3A_43 : i32
    scf.if %cond3A_44 {
      %get3A_45 = arith.constant 0 : index
      %get3A_46 = arith.constant 0 : index
      %get3A_47 = vector.load %arg7[%get3A_45, %get3A_46] : memref<64x256xf32, #tpu.memory_space<vmem>>, vector<64x256xf32>
      %get3A_48 = arith.constant 0 : index
      %get3A_49 = arith.constant 0 : index
      %get3A_50 = vector.load %arg4[%get3A_48, %get3A_49] : memref<10x256xf32, #tpu.memory_space<vmem>>, vector<10x256xf32>
      %dot_general3A_51 = arith.constant dense<0.000000e+00> : vector<64x10xf32>
      %dot_general3A_52 = tpu.matmul %get3A_47, %get3A_50, %dot_general3A_51 {dimension_numbers = #tpu.dot_dimension_numbers<[1], [1], [0], [0], [0, 0, 1, 0], [], []>, transpose_lhs_hint = false} : vector<64x256xf32>, vector<10x256xf32>, vector<64x10xf32> -> vector<64x10xf32>
      %get3A_53 = arith.constant 0 : index
      %get3A_54 = arith.constant 0 : index
      %get3A_55 = vector.load %arg5[%get3A_53, %get3A_54] : memref<8x10xf32, #tpu.memory_space<vmem>>, vector<1x10xf32>
      %add3A = vector.broadcast %get3A_55 : vector<1x10xf32> to vector<64x10xf32>
      %add3A_56 = arith.addf %dot_general3A_52, %add3A : vector<64x10xf32>
      %swap3A = arith.constant 0 : index
      %swap3A_57 = arith.constant 0 : index
      %swap3A_58 = vector.load %arg6[%swap3A, %swap3A_57] : memref<64x10xf32, #tpu.memory_space<vmem>>, vector<64x10xf32>
      tpu.vector_store %arg6[%swap3A, %swap3A_57], %add3A_56 {strides = array<i32>} : memref<64x10xf32, #tpu.memory_space<vmem>>, vector<64x10xf32>,
    } else {
    }
    return
  }
  func.func @transform_0(%arg0: i32) -> (i32, i32) {
    %c0_i32 = arith.constant 0 : i32
    %c0_i32_0 = arith.constant 0 : i32
    return %arg0, %c0_i32 : i32, i32
  }
  func.func @transform_1(%arg0: i32) -> (i32, i32, i32) {
    %c0_i32 = arith.constant 0 : i32
    %c0_i32_0 = arith.constant 0 : i32
    %c0_i32_1 = arith.constant 0 : i32
    return %arg0, %c0_i32, %c0_i32_0 : i32, i32, i32
  }
  func.func @transform_2(%arg0: i32) -> (i32, i32) {
    %c0_i32 = arith.constant 0 : i32
    %c0_i32_0 = arith.constant 0 : i32
    %c0_i32_1 = arith.constant 0 : i32
    return %c0_i32, %c0_i32_0 : i32, i32
  }
  func.func @transform_3(%arg0: i32) -> (i32, i32) {
    %c0_i32 = arith.constant 0 : i32
    %c0_i32_0 = arith.constant 0 : i32
    %c0_i32_1 = arith.constant 0 : i32
    return %c0_i32, %c0_i32_0 : i32, i32
  }
  func.func @transform_4(%arg0: i32) -> (i32, i32) {
    %c0_i32 = arith.constant 0 : i32
    %c0_i32_0 = arith.constant 0 : i32
    %c0_i32_1 = arith.constant 0 : i32
    return %c0_i32, %c0_i32_0 : i32, i32
  }
  func.func @transform_5(%arg0: i32) -> (i32, i32) {
    %c0_i32 = arith.constant 0 : i32
    %c0_i32_0 = arith.constant 0 : i32
    %c0_i32_1 = arith.constant 0 : i32
    return %c0_i32, %c0_i32_0 : i32, i32
  }
}

</mosaic_0001>

<sc_bundles>
// kernel: kernel.14.cloned.1.call-start
scs
__scs_entry_jumppad:
0x0: {  	(pc) =	sbr.rel $0x88, $3  }
0x1: {  	(tag) =	ssettag $0x0;
	lr =	simm.s32 $0x1  }
0x2: {  	[smem:$0x3F93] =	sst lr;
	_ =	strace $0xD0000000  }
0x3: {  	_ = 	snop  }
0x4: {  	_ = 	snop  }
0x5: {  	_ = 	snop  }
0x6: {  	_ = 	snop  }
0x7: {  	_ = 	snop  }
__scs_overlays_trampoline_lowered:
0x8: {  	[smem:$0x3FA2] =	sst s0  }
0x9: {  	[smem:$0x3FA3] =	sst s1  }
0xa: {  	[smem:$0x3FA4] =	sst s2  }
0xb: {  	[smem:$0x3FA5] =	sst s3  }
0xc: {  	[smem:$0x3FA6] =	sst s4  }
0xd: {  	[smem:$0x3FA7] =	sst s5  }
0xe: {  	[smem:$0x3FA8] =	sst s6  }
0xf: {  	[smem:$0x3FA9] =	sst s7  }
0x10: {  	[smem:$0x3FAA] =	sst s8  }
0x11: {  	[smem:$0x3FAB] =	sst s9;
	s0 =	simm.s32 @!p0 $0x0  }
0x12: {  	s1 =	sld [smem:$0x3F91];
	s0 =	simm.s32 @p0 $0x1  }
0x13: {  	[smem:$0x3FAC] =	sst s0;
	s0 =	simm.s32 @!p1 $0x0  }
0x14: {  	s2 =	sld [smem:$0x3F90];
	s0 =	simm.s32 @p1 $0x1  }
0x15: {  	[smem:$0x3FAD] =	sst s0;
	s0 =	simm.s32 @!p2 $0x0  }
0x16: {  	s3 =	sld [smem:$0x3FDB];
	s0 =	simm.s32 @p2 $0x1  }
0x17: {  	s4 =	simm.s32 $0x1BF5;
	[smem:$0x3FAF] =	sst s0  }
0x18: {  	s0 =	sld [smem:$0x3F92];
	_ =	swait.ge [sflag:s4], $0x0  }
0x19: {  	s7 =	sld [smem:$0x3F93]  }
0x1a: {  	s8 =	sadd.s32 $0xFFFFE003, lr  }
0x1b: {  	s9 =	sadd.s32 $0xFFFFFEF7, lr;
	s5 =	simm.s32 $0xFFFFFFFF;
	p2 =	slt.u32 s8, $0xFFFFF086  }
0x1c: {  	p1 =	slt.u32 s9, $0xF7A;
	s5 =	simm.s32 @!p2 $0x0  }
0x1d: {  	s5 =	simm.s32 @p1 $0x1;
	p0 =	seq.s32 s7, s2  }
0x1e: {  	s7 =	smul.u32 @!p0 $0xF7A, s2;
	p2 =	seq.s32 @!p0 s5, $0x0  }
0x1f: {  	s9 =	smul.u32 $0xF7A, s1;
	s8 =	simm.s32 @!p0 $0x1BF5;
	p2 =	por !p2, p0  }
0x20: {  	[sflag:s8] =	ssyncset.s32 @!p0 $0xFFFFF086;
	s6 =	sadd.s32 @!p0 s3, s7;
	s7 =	simm.s32 @!p0 $0x108  }
0x21: {  	s3 =	sadd.s32 s3, s9;
	s6 =	sadd.s32 @!p0 $0x88, s6;
	s7 =	simm.s32 @p2 $0x1082  }
0x22: {  	[simem:s7], [sflag:s8] =	dma.local @!p0 [hbm:s6], $0xF7A  }
0x23: {  	s9 =	sor.u32 $0xD0000000, s2;
	s6 =	simm.s32 $0x108;
	_ =	swait.ge @!p0 [sflag:s8], $0x0  }
0x24: {  	s3 =	sadd.s32 $0x88, s3;
	s6 =	simm.s32 @!p1 $0x1082;
	[sflag:s4] =	ssyncset.s32 $0xFFFFF086  }
0x25: {  	[simem:s6], [sflag:s4] =	dma.local [hbm:s3], $0xF7A  }
0x26: {  	[smem:$0x3F93] =	sst s1;
	(tag) =	ssettag s2;
	_ =	strace s9  }
0x27: {  	s1 =	sld [smem:$0x3FA3]  }
0x28: {  	s2 =	sld [smem:$0x3FA4]  }
0x29: {  	s4 =	sld [smem:$0x3FA6]  }
0x2a: {  	p0 =	seq.s32 s5, $0x0;
	s5 =	sld [smem:$0x3FA7]  }
0x2b: {  	s6 =	sld [smem:$0x3FA8]  }
0x2c: {  	s7 =	sld [smem:$0x3FA9]  }
0x2d: {  	s3 =	simm.s32 $0x108;
	s8 =	sld [smem:$0x3FAA]  }
0x2e: {  	s3 =	simm.s32 @!p0 $0x1082;
	s9 =	sld [smem:$0x3FAB]  }
0x2f: {  	lr =	sadd.s32 s0, s3;
	s0 =	sld [smem:$0x3FA2]  }
0x30: {  	s3 =	sld [smem:$0x3FA5]  }
0x31: {  	[smem:$0x3FAE] =	sst s10  }
0x32: {  	s10 =	sld [smem:$0x3FAC];
	_ =	sdelay $0x3  }
0x33: {  	p0 =	seq.s32 s10, $0x1;
	s10 =	sld [smem:$0x3FAE];
	_ =	sdelay $0x3  }
0x34: {  	[smem:$0x3FAE] =	sst s10  }
0x35: {  	s10 =	sld [smem:$0x3FAD];
	_ =	sdelay $0x3  }
0x36: {  	p1 =	seq.s32 s10, $0x1;
	s10 =	sld [smem:$0x3FAE];
	_ =	sdelay $0x3  }
0x37: {  	[smem:$0x3FAE] =	sst s10  }
0x38: {  	s10 =	sld [smem:$0x3FAF]  }
0x39: {  	_ = 	snop;
	(pc) =	sbr.ind lr, $3  }
0x3a: {  	_ = 	snop  }
0x3b: {  	_ = 	snop  }
0x3c: {  	p2 =	seq.s32 s10, $0x1;
	s10 =	sld [smem:$0x3FAE]  }
0x3d: {  	_ =	shalt  }
0x3e: {  	_ =	shalt  }
0x3f: {  	_ =	shalt  }
0x40: {  	_ =	shalt  }
0x41: {  	_ =	shalt  }
0x42: {  	_ =	shalt  }
0x43: {  	_ =	shalt  }
0x44: {  	_ =	shalt  }
0x45: {  	_ =	shalt  }
0x46: {  	_ =	shalt  }
0x47: {  	_ =	shalt  }
0x48: {  	_ =	shalt  }
0x49: {  	_ =	shalt  }
0x4a: {  	_ =	shalt  }
0x4b: {  	_ =	shalt  }
0x4c: {  	_ =	shalt  }
0x4d: {  	_ =	shalt  }
0x4e: {  	_ =	shalt  }
0x4f: {  	_ =	shalt  }
0x50: {  	_ =	shalt  }
0x51: {  	_ =	shalt  }
0x52: {  	_ =	shalt  }
0x53: {  	_ =	shalt  }
0x54: {  	_ =	shalt  }
0x55: {  	_ =	shalt  }
0x56: {  	_ =	shalt  }
0x57: {  	_ =	shalt  }
0x58: {  	_ =	shalt  }
0x59: {  	_ =	shalt  }
0x5a: {  	_ =	shalt  }
0x5b: {  	_ =	shalt  }
0x5c: {  	_ =	shalt  }
0x5d: {  	_ =	shalt  }
0x5e: {  	_ =	shalt  }
0x5f: {  	_ =	shalt  }
0x60: {  	_ =	shalt  }
0x61: {  	_ =	shalt  }
0x62: {  	_ =	shalt  }
0x63: {  	_ =	shalt  }
0x64: {  	_ =	shalt  }
0x65: {  	_ =	shalt  }
0x66: {  	_ =	shalt  }
0x67: {  	_ =	shalt  }
0x68: {  	_ =	shalt  }
0x69: {  	_ =	shalt  }
0x6a: {  	_ =	shalt  }
0x6b: {  	_ =	shalt  }
0x6c: {  	_ =	shalt  }
0x6d: {  	_ =	shalt  }
0x6e: {  	_ =	shalt  }
0x6f: {  	_ =	shalt  }
0x70: {  	_ =	shalt  }
0x71: {  	_ =	shalt  }
0x72: {  	_ =	shalt  }
0x73: {  	_ =	shalt  }
0x74: {  	_ =	shalt  }
0x75: {  	_ =	shalt  }
0x76: {  	_ =	shalt  }
0x77: {  	_ =	shalt  }
0x78: {  	_ =	shalt  }
0x79: {  	_ =	shalt  }
0x7a: {  	_ =	shalt  }
0x7b: {  	_ =	shalt  }
0x7c: {  	_ =	shalt  }
0x7d: {  	_ =	shalt  }
0x7e: {  	_ =	shalt  }
0x7f: {  	_ =	shalt  }
0x80: {  	_ =	shalt  }
0x81: {  	_ =	shalt  }
0x82: {  	_ =	shalt  }
0x83: {  	_ =	shalt  }
0x84: {  	_ =	shalt  }
0x85: {  	_ =	shalt  }
0x86: {  	_ =	shalt  }
0x87: {  	_ =	shalt  }
.Lfunc_end0:
.L_simem_size_0:
called_computation_lowered:
.L_overlay_start_0:
0x88: {  	s2 =	sld [smem:$0x3FD9]  }
0x89: {  	s3 =	sld [smem:$0x3FFE];
	_ =	sdelay $0x1  }
0x8a: {  	s1 =	srdreg.scid  }
0x8b: {  	s0 =	sand.u32 $0x1, s1  }
0x8c: {  	s16 =	sshll.u32 s0, $0xA;
	s2 =	sadd.s32 s3, s2  }
0x8d: {  	s2 =	sadd.s32 s2, s16  }
0x8e: {  	[smem:$0x3FBA] =	sst s2  }
0x8f: {  	_ = 	snop  }
0x90: {  	(tm) =	ssettm $0x1  }
0x91: {  	s17 =	sld [smem:$0x3FFB];
	_ =	sdelay $0x3  }
0x92: {  	_ =	strace s17  }
0x93: {  	s2 =	sld [smem:$0x3FFC];
	_ =	sdelay $0x3  }
0x94: {  	_ =	strace s2  }
0x95: {  	s2 =	sld [smem:$0x3FFD];
	_ =	sdelay $0x3  }
0x96: {  	_ =	strace s2  }
0x97: {  	_ =	strace $0x8FFFFFFF  }
0x98: {  	s18 =	sld [smem:$0x3FDB];
	_ =	sdelay $0x1  }
0x99: {  	s19 =	simm.s32 $_scs_section_size  }
0x9a: {  	s4 =	simm.s32 $_size__tile_overlayer_lowered;
	s5 =	simm.s32 $_tile_overlayer_lowered  }
0x9b: {  	s22 =	simm.s32 $0x1BFF;
	s21 =	sshll.u32 s5, $0x1;
	s2 =	sadd.s32 s19, s18  }
0x9c: {  	s6 =	simm.s32 $0x0;
	s20 =	sshll.u32 s4, $0x1;
	s4 =	sadd.s32 s21, s2  }
0x9d: {  	[timem:s6], [sflag:s22] =	dma.local [hbm:s4], s20  }
0x9e: {  	_ =	swait.ge [sflag:s22], s20  }
0x9f: {  	s3 =	ssub.s32 $0x0, s20;
	[sflag:s22] =	ssyncset.done $0x0  }
0xa0: {  	[sflag:s22] =	ssyncadd.s32 s3;
	_ =	sdelay $0x1  }
0xa1: {  	s23 =	simm.s32 $0x1B8B  }
0xa2: {  	_ =	swait.ge [sflag:s23], $0x1  }
0xa3: {  	[sflag:s23] =	ssyncset.done $0x0  }
0xa4: {  	s25 =	simm.s32 $0x1B8E;
	s24 =	sld [smem:$0x3FFE];
	[sflag:s23] =	ssyncadd.s32 $0xFFFFFFFF  }
0xa5: {  	s26 =	simm.s32 $execute0_lowered;
	[smem:$0x3FD2] =	sst s25  }
0xa6: {  	s4 =	sshll.u32 s26, $0x1;
	_ =	strace $0x80000046;
	[dreg:$0x1] =	wrdreg $0xFFFFFFFF  }
0xa7: {  	s28 =	simm.s32 $_size_execute0_lowered;
	s2 =	sadd.s32 s2, s4;
	[dreg:$0x0] =	wrdreg $0x0  }
0xa8: {  	s4 =	sshll.u32 s28, $0x1;
	[dreg:$0x2] =	wrdreg s2  }
0xa9: {  	[dreg:$0x3] =	wrdreg s4  }
0xaa: {  	[dreg:$0x4] =	wrdreg $0xC0  }
0xab: {  	_ =	task [dreg:s6], $0x5FFFF  }
0xac: {  	[dreg:$0x1] =	wrdreg $0xFFFFFFFF  }
0xad: {  	[dreg:$0x0] =	wrdreg $0x60  }
0xae: {  	[dreg:$0x2] =	wrdreg s24  }
0xaf: {  	[dreg:$0x3] =	wrdreg $0x9  }
0xb0: {  	_ =	task.clear_ibuf [dreg:s6], $0x4FFFF;
	_ =	strace $0x90000046  }
0xb1: {  	s29 =	simm.s32 $0x9;
	_ =	strace $0x80000048  }
0xb2: {  	_ =	swait.ge [sflag:s29], $0x1  }
0xb3: {  	[sflag:s29] =	ssyncadd.s32 $0xFFFFFFFF  }
0xb4: {  	_ =	strace $0x90000048  }
0xb5: {  	_ =	sfence  }
0xb6: {  	s30 =	sld [smem:$0x0];
	_ =	sdelay $0x2  }
0xb7: {  	s31 =	sshll.u32 s1, $0xD;
	s1 =	sshrl.u32 s1, $0x2  }
0xb8: {  	s3 =	sand.u32 $0x4000, s31;
	s1 =	sadd.s32 s1, s30  }
0xb9: {  	s0 =	sor.u32 s3, s0;
	s1 =	sshll.u32 s1, $0x11  }
0xba: {  	s0 =	sor.u32 s1, s0  }
0xbb: {  	s0 =	sadd.s32 $0x8F2B, s0  }
0xbc: {  	[sflag:s0] =	ssyncadd.remote.s32 $0x1  }
0xbd: {  	_ =	sfence.sel $0xFFFF  }
0xbe: {  	[dreg:$0x0] =	wrdreg $0xFFFFFFFF;
	(pc) =	sbr.abs _section_cstart, $3  }
0xbf: {  	[dreg:$0x1] =	wrdreg $0xFFFFFFFF  }
0xc0: {  	_ =	task.clear_ibuf [dreg:s6], $0x2FFFF;
	_ =	strace $0x9FFFFFFF  }
0xc1: {  	(tm) =	ssettm $0x7FFFFFFF  }
tec
execute0_lowered:
.L_overlay_start_1:
0x0: {  	(tag) =	ssettag $0x1  }
0x1: {  	s6 =	rddreg [dreg:$0x0];
	s1 =	simm.s32 $0x0;
	s7 =	srdreg.scid  }
0x2: {  	s2 =	stileid.u32;
	s14 =	simm.s32 $0x200;
	s15 =	simm.s32 $0x400  }
0x3: {  	s16 =	simm.s32 $0x600;
	s17 =	simm.s32 $0x6A00;
	s18 =	simm.s32 $0xCE00  }
0x4: {  	s19 =	simm.s32 $0x13200;
	s20 =	simm.s32 $0x80;
	s21 =	simm.s32 $0x100  }
0x5: {  	s22 =	simm.s32 $0x19600;
	s23 =	simm.s32 $0x0;
	[smem:$0x7FF] =	sst s1  }
0x6: {  	s3 =	sadd.s32 $0x5400, s6;
	s4 =	sadd.s32 $0x1DC00, s6;
	s5 =	sadd.s32 $0x36400, s6  }
0x7: {  	s9 =	sadd.s32 $0x80C00, s6;
	s7 =	sand.u32 $0x1, s7;
	s8 =	sshll.u32 s2, $0x1  }
0x8: {  	s10 =	sadd.s32 $0x4EC00, s6;
	s8 =	sor.u32 s7, s8;
	s7 =	ssub.s32 $0x2, s7  }
0x9: {  	s11 =	sshll.u32 s8, $0x4;
	s12 =	sshrl.u32 s7, $0x1;
	s13 =	smul.u32 $0x1900, s8  }
0xa: {  	v0 =	vlaneseq.u32;
	_ =	strace $0x80000047;
	s11 =	sadd.s32 s11, s6;
	s12 =	ssub.s32 s7, s12  }
0xb: {  	v0 =	vmul.u32 $0xFFFFFFFF, v0;
	s6 =	smul.u32 $0x61A8, s8;
	s7 =	sadd.s32 s9, s13;
	s8 =	sadd.s32 s10, s13  }
0xc: {  	v1 =	vimm.s32 $0x0;
	v2 =	vimm.s32 $0x6200;
	s13 =	sor.u32 $0x10, s13;
	s11 =	sadd.s32 $0xB2C00, s11;
	s12 =	smax.u32 s12, $0x1  }
0xd: {  	vm0 =	vcmask $0x300;
	vm1 =	vcmask $0x704;
	v0 =	vadd.s32 $0x61A8, v0;
	s9 =	sadd.s32 s9, s13;
	s10 =	sadd.s32 s10, s13;
	s13 =	simm.s32 $0x1  }
.LBB2_1:
0xe: {  	s26 =	simm.s32 $0x0  }
0xf: {  	s24 =	simm.s32 $0x0;
	s25 =	simm.s32 $0x0;
	s28 =	simm.s32 $0x0  }
.LBB2_2:
0x10: {  	s29 =	sshll.u32 s28, $0x9  }
0x11: {  	s29 =	sadd.s32 s6, s29  }
0x12: {  	s29 =	sshrl.u32 s29, $0x3  }
0x13: {  	s31 =	simm.s32 $0x0;
	s30 =	sadd.s32 s3, s29  }
0x14: {  	[tilespmem:s31], [sflag:$0x1] =	stream.linear.gather [hbm4b:s30+s31], $0x200, $0x38;
	[tilespmem:$0x19680] =	vst v63  }
0x15: {  	_ =	swait.ge [sflag:s13], $0x200  }
0x16: {  	[sflag:s13] =	ssyncset.done $0x0  }
0x17: {  	s30 =	sadd.s32 s4, s29;
	[sflag:s13] =	ssyncadd.s32 $0xFFFFFE00  }
0x18: {  	[tilespmem:s14], [sflag:$0x1] =	stream.linear.gather [hbm4b:s30+s31], $0x200, $0x38;
	[tilespmem:$0x19680] =	vst v63  }
0x19: {  	_ =	swait.ge [sflag:s13], $0x200  }
0x1a: {  	[sflag:s13] =	ssyncset.done $0x0  }
0x1b: {  	s29 =	sadd.s32 s5, s29;
	[sflag:s13] =	ssyncadd.s32 $0xFFFFFE00  }
0x1c: {  	[tilespmem:s15], [sflag:$0x1] =	stream.linear.gather [hbm4b:s29+s31], $0x200, $0x38;
	[tilespmem:$0x19680] =	vst v63  }
0x1d: {  	_ =	swait.ge [sflag:s13], $0x200  }
0x1e: {  	[sflag:s13] =	ssyncset.done $0x0  }
0x1f: {  	s30 =	simm.s32 $0x0;
	[sflag:s13] =	ssyncadd.s32 $0xFFFFFE00  }
0x20: {  	v3 =	vld [tilespmem:s30+$0x200];
	_ =	sdelay $0x3  }
0x21: {  	v4 =	vmov s26  }
0x22: {  	vm3 =	vlt.u32 v4, v0;
	vm2 =	vlt.s32 v3, $0x6200  }
0x23: {  	vm2 =	vmand vm3, vm2  }
0x24: {  	v4 =	vsel vm2, $0x1, v1  }
0x25: {  	(xrf0) =	vadd.scan.msk.s32 $0xffff, v4;
	_ =	sdelay $0x2  }
0x26: {  	vm4 =	vgt.s32 v3, $0x61FF  }
0x27: {  	vm3 =	vmand vm3, vm4  }
0x28: {  	v6 =	vsel vm3, $0x1, v1  }
0x29: {  	v9, _, _ =	vpop (xrf0);
	(xrf0) =	vadd.scan.msk.s32 $0xffff, v6;
	_ =	sdelay $0x1  }
0x2a: {  	v4 =	vld [tilespmem:s30+$0x400]  }
0x2b: {  	v5 =	vsel vm2, $0xFFFFFFFF, v1  }
0x2c: {  	v8 =	vadd.s32 s25, v5;
	v5 =	vld [tilespmem:s30+$0x0]  }
0x2d: {  	s29 =	simm.s32 $0x40;
	s31 =	simm.s32 $0x80;
	v7 =	vsel vm3, $0xFFFFFFFF, v1;
	s30 =	smov.u32 s26;
	v6 =	vadd.s32 v9, v8;
	(v2sf) =	vpush v9, $0xF  }
.LBB2_3:
0x2e: {  	p0 =	sne.s32 s31, $0x7C0;
	v7 =	vadd.s32 s24, v7;
	v8, _, _ =	vpop (xrf0)  }
0x2f: {  	v4 =	vmul.u32 $0xC400, v4;
	v7 =	vadd.s32 v8, v7;
	(v2sf) =	vpush v8, $0xF;
	_ =	sdelay $0x1  }
0x30: {  	v4 =	vadd.s32 v5, v4  }
0x31: {  	[tilespmem:v6+s16+$0x0] =	vst.idx.msk vm2, v4  }
0x32: {  	[tilespmem:v6+s17+$0x0] =	vst.idx.msk vm2, v3  }
0x33: {  	v3 =	vadd.s32 $0xFFFF9E00, v3;
	[tilespmem:v7+s18+$0x0] =	vst.idx.msk vm3, v4  }
0x34: {  	s0 =	sshra.s32 s29, $0x2;
	s29 =	smov.u32 s31;
	[tilespmem:v7+s19+$0x0] =	vst.idx.msk vm3, v3  }
0x35: {  	v3 =	vld [tilespmem:s0+$0x200]  }
0x36: {  	v4 =	vld [tilespmem:s0+$0x400]  }
0x37: {  	v5 =	vld [tilespmem:s0+$0x0]  }
0x38: {  	s30 =	sadd.s32 $0x10, s30  }
0x39: {  	v6 =	vmov s30  }
0x3a: {  	vm3 =	vlt.u32 v6, v0;
	vm2 =	vlt.s32 v3, $0x6200  }
0x3b: {  	vm2 =	vmand vm3, vm2;
	s0 =	spop (v2sf)  }
0x3c: {  	vm4 =	vgt.s32 v3, $0x61FF;
	v6 =	vsel vm2, $0x1, v1;
	s25 =	sadd.s32 s25, s0  }
0x3d: {  	vm3 =	vmand vm3, vm4;
	(xrf0) =	vadd.scan.msk.s32 $0xffff, v6;
	s0 =	spop (v2sf)  }
0x3e: {  	v6 =	vsel vm3, $0x1, v1;
	s24 =	sadd.s32 s24, s0  }
0x3f: {  	(xrf0) =	vadd.scan.msk.s32 $0xffff, v6  }
.Ltmp0:
0x40: {  	(pc) =	sbr.rel @p0 .LBB2_3-.Ltmp0, $4  }
0x41: {  	_ = 	snop  }
0x42: {  	v6 =	vsel vm2, $0xFFFFFFFF, v1  }
0x43: {  	v6 =	vadd.s32 s25, v6;
	v8, _, _ =	vpop (xrf0)  }
0x44: {  	s31 =	sadd.s32 $0x40, s31;
	v7 =	vsel vm3, $0xFFFFFFFF, v1;
	v6 =	vadd.s32 v8, v6;
	(v2sf) =	vpush v8, $0xF  }
0x45: {  	_ = 	snop  }
0x46: {  	v7 =	vadd.s32 s24, v7;
	v8, _, _ =	vpop (xrf0)  }
0x47: {  	v4 =	vmul.u32 $0xC400, v4;
	v7 =	vadd.s32 v8, v7;
	_ =	sdelay $0x1  }
0x48: {  	v4 =	vadd.s32 v5, v4  }
0x49: {  	[tilespmem:v6+s16+$0x0] =	vst.idx.msk vm2, v4  }
0x4a: {  	[tilespmem:v6+s17+$0x0] =	vst.idx.msk vm2, v3  }
0x4b: {  	v3 =	vadd.s32 $0xFFFF9E00, v3;
	[tilespmem:v7+s18+$0x0] =	vst.idx.msk vm3, v4  }
0x4c: {  	s0 =	sshra.s32 s29, $0x2;
	[tilespmem:v7+s19+$0x0] =	vst.idx.msk vm3, v3  }
0x4d: {  	v3 =	vld [tilespmem:s0+$0x200];
	_ =	sdelay $0x2  }
0x4e: {  	s31 =	sadd.s32 $0x10, s30  }
0x4f: {  	v56 =	vmov s31  }
0x50: {  	vm2 =	vlt.u32 v56, v0;
	vm3 =	vlt.s32 v3, $0x6200  }
0x51: {  	vm4 =	vgt.s32 v3, $0x61FF;
	vm3 =	vmand vm2, vm3  }
0x52: {  	vm2 =	vmand vm2, vm4;
	v57 =	vsel vm3, $0x1, v1  }
0x53: {  	(v2sf) =	vpush v8, $0xF;
	v58 =	vsel vm2, $0x1, v1;
	(xrf0) =	vadd.scan.msk.s32 $0xffff, v57  }
0x54: {  	(xrf0) =	vadd.scan.msk.s32 $0xffff, v58;
	_ =	sdelay $0x4  }
0x55: {  	v59, _, _ =	vpop (xrf0)  }
0x56: {  	(v2sf) =	vpush v59, $0xF;
	v60, _, _ =	vpop (xrf0)  }
0x57: {  	(v2sf) =	vpush v60, $0xF;
	_ =	sdelay $0x4  }
0x58: {  	v6 =	vld [tilespmem:s0+$0x400];
	s30 =	spop (v2sf)  }
0x59: {  	s25 =	sadd.s32 s25, s30;
	v61 =	vsel vm3, $0xFFFFFFFF, v1  }
0x5a: {  	v62 =	vld [tilespmem:s0+$0x0];
	s31 =	spop (v2sf);
	v7 =	vadd.s32 s25, v61  }
0x5b: {  	v63 =	vsel vm2, $0xFFFFFFFF, v1;
	s0 =	sadd.s32 s24, s31;
	v4 =	vadd.s32 v59, v7  }
0x5c: {  	v7 =	vadd.s32 s0, v63  }
0x5d: {  	s28 =	sadd.s32 $0x1, s28;
	v6 =	vmul.u32 $0xC400, v6;
	v5 =	vadd.s32 v60, v7  }
0x5e: {  	p0 =	sne.s32 s28, $0x31  }
.Ltmp1:
0x5f: {  	v6 =	vadd.s32 v62, v6;
	(pc) =	sbr.rel @p0 .LBB2_2-.Ltmp1, $4  }
0x60: {  	[tilespmem:v4+s16+$0x0] =	vst.idx.msk vm3, v6  }
0x61: {  	[tilespmem:v4+s17+$0x0] =	vst.idx.msk vm3, v3;
	s30 =	spop (v2sf)  }
0x62: {  	v3 =	vadd.s32 $0xFFFF9E00, v3;
	[tilespmem:v5+s18+$0x0] =	vst.idx.msk vm2, v6;
	s31 =	spop (v2sf)  }
0x63: {  	s26 =	sadd.s32 $0x200, s26;
	[tilespmem:v5+s19+$0x0] =	vst.idx.msk vm2, v3;
	s25 =	sadd.s32 s25, s30;
	s24 =	sadd.s32 s0, s31  }
0x64: {  	[tilespmem:s25+$0x600] =	vst v1  }
0x65: {  	[tilespmem:s25+$0x6A00] =	vst v2  }
0x66: {  	[tilespmem:s24+$0xCE00] =	vst v1  }
0x67: {  	[tilespmem:s24+$0x13200] =	vst v2  }
0x68: {  	[tilespmem:s25+$0x610] =	vst v1  }
0x69: {  	[tilespmem:s25+$0x6A10] =	vst v2  }
0x6a: {  	[tilespmem:s24+$0xCE10] =	vst v1  }
0x6b: {  	[tilespmem:s24+$0x13210] =	vst v2  }
0x6c: {  	[tilespmem:s25+$0x620] =	vst v1  }
0x6d: {  	[tilespmem:s25+$0x6A20] =	vst v2  }
0x6e: {  	[tilespmem:s24+$0xCE20] =	vst v1  }
0x6f: {  	[tilespmem:s24+$0x13220] =	vst v2  }
0x70: {  	[tilespmem:s25+$0x630] =	vst v1  }
0x71: {  	[tilespmem:s25+$0x6A30] =	vst v2  }
0x72: {  	[tilespmem:s24+$0xCE30] =	vst v1  }
0x73: {  	[tilespmem:s24+$0x13230] =	vst v2  }
0x74: {  	[tilespmem:s25+$0x640] =	vst v1  }
0x75: {  	[tilespmem:s25+$0x6A40] =	vst v2  }
0x76: {  	[tilespmem:s24+$0xCE40] =	vst v1  }
0x77: {  	[tilespmem:s24+$0x13240] =	vst v2  }
0x78: {  	[tilespmem:s25+$0x650] =	vst v1  }
0x79: {  	[tilespmem:s25+$0x6A50] =	vst v2  }
0x7a: {  	[tilespmem:s24+$0xCE50] =	vst v1  }
0x7b: {  	[tilespmem:s24+$0x13250] =	vst v2  }
0x7c: {  	[tilespmem:s25+$0x660] =	vst v1  }
0x7d: {  	[tilespmem:s25+$0x6A60] =	vst v2  }
0x7e: {  	[tilespmem:s24+$0xCE60] =	vst v1  }
0x7f: {  	[tilespmem:s24+$0x13260] =	vst v2  }
0x80: {  	[tilespmem:s25+$0x670] =	vst v1  }
0x81: {  	[tilespmem:s25+$0x6A70] =	vst v2  }
0x82: {  	[tilespmem:s24+$0xCE70] =	vst v1  }
0x83: {  	[tilespmem:s24+$0x13270] =	vst v2  }
0x84: {  	[tilespmem:s25+$0x680] =	vst v1  }
0x85: {  	[tilespmem:s25+$0x6A80] =	vst v2  }
0x86: {  	[tilespmem:s24+$0xCE80] =	vst v1  }
0x87: {  	[tilespmem:s24+$0x13280] =	vst v2  }
0x88: {  	[tilespmem:s25+$0x690] =	vst v1  }
0x89: {  	[tilespmem:s25+$0x6A90] =	vst v2  }
0x8a: {  	[tilespmem:s24+$0xCE90] =	vst v1  }
0x8b: {  	[tilespmem:s24+$0x13290] =	vst v2  }
0x8c: {  	[tilespmem:s25+$0x6A0] =	vst v1  }
0x8d: {  	[tilespmem:s25+$0x6AA0] =	vst v2  }
0x8e: {  	[tilespmem:s24+$0xCEA0] =	vst v1  }
0x8f: {  	[tilespmem:s24+$0x132A0] =	vst v2  }
0x90: {  	[tilespmem:s25+$0x6B0] =	vst v1  }
0x91: {  	[tilespmem:s25+$0x6AB0] =	vst v2  }
0x92: {  	[tilespmem:s24+$0xCEB0] =	vst v1  }
0x93: {  	[tilespmem:s24+$0x132B0] =	vst v2  }
0x94: {  	[hbm4b:s7+s20] =	stream.strided.scatter [tilespmem:s16], [sflag:$0x1], $0x6400, s21, s20, $0x38;
	[tilespmem:$0x19680] =	vst v63  }
0x95: {  	_ =	swait.ge [sflag:s13], $0x6400  }
0x96: {  	[sflag:s13] =	ssyncset.done $0x0  }
0x97: {  	[sflag:s13] =	ssyncadd.s32 $0xFFFF9C00  }
0x98: {  	[hbm4b:s8+s20] =	stream.strided.scatter [tilespmem:s17], [sflag:$0x1], $0x6400, s21, s20, $0x38;
	[tilespmem:$0x19680] =	vst v63  }
0x99: {  	_ =	swait.ge [sflag:s13], $0x6400  }
0x9a: {  	[sflag:s13] =	ssyncset.done $0x0  }
0x9b: {  	[sflag:s13] =	ssyncadd.s32 $0xFFFF9C00  }
0x9c: {  	[hbm4b:s9+s20] =	stream.strided.scatter [tilespmem:s18], [sflag:$0x1], $0x6400, s21, s20, $0x38;
	[tilespmem:$0x19680] =	vst v63  }
0x9d: {  	_ =	swait.ge [sflag:s13], $0x6400  }
0x9e: {  	[sflag:s13] =	ssyncset.done $0x0  }
0x9f: {  	[sflag:s13] =	ssyncadd.s32 $0xFFFF9C00  }
0xa0: {  	[hbm4b:s10+s20] =	stream.strided.scatter [tilespmem:s19], [sflag:$0x1], $0x6400, s21, s20, $0x38;
	[tilespmem:$0x19680] =	vst v63  }
0xa1: {  	v3 =	vmov s25;
	_ =	swait.ge [sflag:s13], $0x6400  }
0xa2: {  	s23 =	sadd.s32 $0x1, s23;
	v3 =	vnsel vm0, $0x0, v3;
	[sflag:s13] =	ssyncset.done $0x0  }
0xa3: {  	p0 =	sne.s32 s23, s12;
	v3 =	vsel vm1, s24, v3;
	[sflag:s13] =	ssyncadd.s32 $0xFFFF9C00  }
.Ltmp2:
0xa4: {  	[tilespmem:$0x19600] =	vst v3;
	(pc) =	sbr.rel @p0 .LBB2_1-.Ltmp2, $4  }
0xa5: {  	[hbm4b:s11+s1] =	stream.linear.scatter [tilespmem:s22], [sflag:$0x1], $0x80, $0x38;
	[tilespmem:$0x19680] =	vst v63  }
0xa6: {  	_ =	swait.ge [sflag:s13], $0x80  }
0xa7: {  	[sflag:s13] =	ssyncset.done $0x0  }
0xa8: {  	[sflag:s13] =	ssyncadd.s32 $0xFFFFFF80  }
0xa9: {  	_ =	sfence.sel $0x180000  }
0xaa: {  	[bflag:$0x0] =	sbarrier.arrive $0xFFFF  }
0xab: {  	_ =	strace $0x90000047  }
0xac: {  	[bflag:$0x2] =	sbarrier.arrive $0xFFFF  }
0xad: {  	p0 =	sne.s32 s2, $0x0;
	s0 =	rddreg [dreg:$0x1]  }
0xae: {  	s0 =	sadd.s32 @!p0 $0x100000, s0  }
0xaf: {  	[sflag:s0] =	ssyncadd.tile.s32 @!p0 $0x1;
	_ =	shalt  }
.Lfunc_end2:
_tile_overlayer_lowered:
.L_overlay_start_2:
0xb0: {  	(tag) =	ssettag $0x2  }
0xb1: {  	s0 =	rddreg [dreg:$0x0];
	s2 =	stileid.u32  }
0xb2: {  	s1 =	rddreg [dreg:$0x1];
	p0 =	sne.s32 s2, $0x0  }
0xb3: {  	s3 =	rddreg [dreg:$0x2];
	[bflag:$0x3] =	sbarrier.arrive $0xFFFF;
	s2 =	simm.s32 @!p0 $0x1C01  }
0xb4: {  	[timem:s3], [sflag:s2] =	dma.local @!p0 [hbm:s0], s1  }
0xb5: {  	s0 =	simm.s32 @!p0 $0x1  }
0xb6: {  	_ =	swait.ge @!p0 [sflag:s0], s1  }
0xb7: {  	s1 =	ssub.s32 @!p0 $0x0, s1;
	[sflag:s0] =	ssyncset.done @!p0 $0x0  }
0xb8: {  	[sflag:s0] =	ssyncadd.s32 @!p0 s1  }
0xb9: {  	[bflag:$0x3] =	sbarrier.arrive $0xFFFF  }
0xba: {  	_ =	shalt  }

// kernel: kernel.17.cloned.1.call-start
scs
__scs_entry_jumppad:
0x0: {  	(pc) =	sbr.rel $0x88, $3  }
0x1: {  	(tag) =	ssettag $0x0;
	lr =	simm.s32 $0x1  }
0x2: {  	[smem:$0x3F93] =	sst lr;
	_ =	strace $0xD0000000  }
0x3: {  	_ = 	snop  }
0x4: {  	_ = 	snop  }
0x5: {  	_ = 	snop  }
0x6: {  	_ = 	snop  }
0x7: {  	_ = 	snop  }
__scs_overlays_trampoline_lowered:
0x8: {  	[smem:$0x3FA2] =	sst s0  }
0x9: {  	[smem:$0x3FA3] =	sst s1  }
0xa: {  	[smem:$0x3FA4] =	sst s2  }
0xb: {  	[smem:$0x3FA5] =	sst s3  }
0xc: {  	[smem:$0x3FA6] =	sst s4  }
0xd: {  	[smem:$0x3FA7] =	sst s5  }
0xe: {  	[smem:$0x3FA8] =	sst s6  }
0xf: {  	[smem:$0x3FA9] =	sst s7  }
0x10: {  	[smem:$0x3FAA] =	sst s8  }
0x11: {  	[smem:$0x3FAB] =	sst s9;
	s0 =	simm.s32 @!p0 $0x0  }
0x12: {  	s1 =	sld [smem:$0x3F91];
	s0 =	simm.s32 @p0 $0x1  }
0x13: {  	[smem:$0x3FAC] =	sst s0;
	s0 =	simm.s32 @!p1 $0x0  }
0x14: {  	s2 =	sld [smem:$0x3F90];
	s0 =	simm.s32 @p1 $0x1  }
0x15: {  	[smem:$0x3FAD] =	sst s0;
	s0 =	simm.s32 @!p2 $0x0  }
0x16: {  	s3 =	sld [smem:$0x3FDB];
	s0 =	simm.s32 @p2 $0x1  }
0x17: {  	s4 =	simm.s32 $0x1BF5;
	[smem:$0x3FAF] =	sst s0  }
0x18: {  	s0 =	sld [smem:$0x3F92];
	_ =	swait.ge [sflag:s4], $0x0  }
0x19: {  	s7 =	sld [smem:$0x3F93]  }
0x1a: {  	s8 =	sadd.s32 $0xFFFFE003, lr  }
0x1b: {  	s9 =	sadd.s32 $0xFFFFFEF7, lr;
	s5 =	simm.s32 $0xFFFFFFFF;
	p2 =	slt.u32 s8, $0xFFFFF086  }
0x1c: {  	p1 =	slt.u32 s9, $0xF7A;
	s5 =	simm.s32 @!p2 $0x0  }
0x1d: {  	s5 =	simm.s32 @p1 $0x1;
	p0 =	seq.s32 s7, s2  }
0x1e: {  	s7 =	smul.u32 @!p0 $0xF7A, s2;
	p2 =	seq.s32 @!p0 s5, $0x0  }
0x1f: {  	s9 =	smul.u32 $0xF7A, s1;
	s8 =	simm.s32 @!p0 $0x1BF5;
	p2 =	por !p2, p0  }
0x20: {  	[sflag:s8] =	ssyncset.s32 @!p0 $0xFFFFF086;
	s6 =	sadd.s32 @!p0 s3, s7;
	s7 =	simm.s32 @!p0 $0x108  }
0x21: {  	s3 =	sadd.s32 s3, s9;
	s6 =	sadd.s32 @!p0 $0x88, s6;
	s7 =	simm.s32 @p2 $0x1082  }
0x22: {  	[simem:s7], [sflag:s8] =	dma.local @!p0 [hbm:s6], $0xF7A  }
0x23: {  	s9 =	sor.u32 $0xD0000000, s2;
	s6 =	simm.s32 $0x108;
	_ =	swait.ge @!p0 [sflag:s8], $0x0  }
0x24: {  	s3 =	sadd.s32 $0x88, s3;
	s6 =	simm.s32 @!p1 $0x1082;
	[sflag:s4] =	ssyncset.s32 $0xFFFFF086  }
0x25: {  	[simem:s6], [sflag:s4] =	dma.local [hbm:s3], $0xF7A  }
0x26: {  	[smem:$0x3F93] =	sst s1;
	(tag) =	ssettag s2;
	_ =	strace s9  }
0x27: {  	s1 =	sld [smem:$0x3FA3]  }
0x28: {  	s2 =	sld [smem:$0x3FA4]  }
0x29: {  	s4 =	sld [smem:$0x3FA6]  }
0x2a: {  	p0 =	seq.s32 s5, $0x0;
	s5 =	sld [smem:$0x3FA7]  }
0x2b: {  	s6 =	sld [smem:$0x3FA8]  }
0x2c: {  	s7 =	sld [smem:$0x3FA9]  }
0x2d: {  	s3 =	simm.s32 $0x108;
	s8 =	sld [smem:$0x3FAA]  }
0x2e: {  	s3 =	simm.s32 @!p0 $0x1082;
	s9 =	sld [smem:$0x3FAB]  }
0x2f: {  	lr =	sadd.s32 s0, s3;
	s0 =	sld [smem:$0x3FA2]  }
0x30: {  	s3 =	sld [smem:$0x3FA5]  }
0x31: {  	[smem:$0x3FAE] =	sst s10  }
0x32: {  	s10 =	sld [smem:$0x3FAC];
	_ =	sdelay $0x3  }
0x33: {  	p0 =	seq.s32 s10, $0x1;
	s10 =	sld [smem:$0x3FAE];
	_ =	sdelay $0x3  }
0x34: {  	[smem:$0x3FAE] =	sst s10  }
0x35: {  	s10 =	sld [smem:$0x3FAD];
	_ =	sdelay $0x3  }
0x36: {  	p1 =	seq.s32 s10, $0x1;
	s10 =	sld [smem:$0x3FAE];
	_ =	sdelay $0x3  }
0x37: {  	[smem:$0x3FAE] =	sst s10  }
0x38: {  	s10 =	sld [smem:$0x3FAF]  }
0x39: {  	_ = 	snop;
	(pc) =	sbr.ind lr, $3  }
0x3a: {  	_ = 	snop  }
0x3b: {  	_ = 	snop  }
0x3c: {  	p2 =	seq.s32 s10, $0x1;
	s10 =	sld [smem:$0x3FAE]  }
0x3d: {  	_ =	shalt  }
0x3e: {  	_ =	shalt  }
0x3f: {  	_ =	shalt  }
0x40: {  	_ =	shalt  }
0x41: {  	_ =	shalt  }
0x42: {  	_ =	shalt  }
0x43: {  	_ =	shalt  }
0x44: {  	_ =	shalt  }
0x45: {  	_ =	shalt  }
0x46: {  	_ =	shalt  }
0x47: {  	_ =	shalt  }
0x48: {  	_ =	shalt  }
0x49: {  	_ =	shalt  }
0x4a: {  	_ =	shalt  }
0x4b: {  	_ =	shalt  }
0x4c: {  	_ =	shalt  }
0x4d: {  	_ =	shalt  }
0x4e: {  	_ =	shalt  }
0x4f: {  	_ =	shalt  }
0x50: {  	_ =	shalt  }
0x51: {  	_ =	shalt  }
0x52: {  	_ =	shalt  }
0x53: {  	_ =	shalt  }
0x54: {  	_ =	shalt  }
0x55: {  	_ =	shalt  }
0x56: {  	_ =	shalt  }
0x57: {  	_ =	shalt  }
0x58: {  	_ =	shalt  }
0x59: {  	_ =	shalt  }
0x5a: {  	_ =	shalt  }
0x5b: {  	_ =	shalt  }
0x5c: {  	_ =	shalt  }
0x5d: {  	_ =	shalt  }
0x5e: {  	_ =	shalt  }
0x5f: {  	_ =	shalt  }
0x60: {  	_ =	shalt  }
0x61: {  	_ =	shalt  }
0x62: {  	_ =	shalt  }
0x63: {  	_ =	shalt  }
0x64: {  	_ =	shalt  }
0x65: {  	_ =	shalt  }
0x66: {  	_ =	shalt  }
0x67: {  	_ =	shalt  }
0x68: {  	_ =	shalt  }
0x69: {  	_ =	shalt  }
0x6a: {  	_ =	shalt  }
0x6b: {  	_ =	shalt  }
0x6c: {  	_ =	shalt  }
0x6d: {  	_ =	shalt  }
0x6e: {  	_ =	shalt  }
0x6f: {  	_ =	shalt  }
0x70: {  	_ =	shalt  }
0x71: {  	_ =	shalt  }
0x72: {  	_ =	shalt  }
0x73: {  	_ =	shalt  }
0x74: {  	_ =	shalt  }
0x75: {  	_ =	shalt  }
0x76: {  	_ =	shalt  }
0x77: {  	_ =	shalt  }
0x78: {  	_ =	shalt  }
0x79: {  	_ =	shalt  }
0x7a: {  	_ =	shalt  }
0x7b: {  	_ =	shalt  }
0x7c: {  	_ =	shalt  }
0x7d: {  	_ =	shalt  }
0x7e: {  	_ =	shalt  }
0x7f: {  	_ =	shalt  }
0x80: {  	_ =	shalt  }
0x81: {  	_ =	shalt  }
0x82: {  	_ =	shalt  }
0x83: {  	_ =	shalt  }
0x84: {  	_ =	shalt  }
0x85: {  	_ =	shalt  }
0x86: {  	_ =	shalt  }
0x87: {  	_ =	shalt  }
.Lfunc_end0:
.L_simem_size_0:
called_computation.1_lowered:
.L_overlay_start_0:
0x88: {  	s2 =	sld [smem:$0x3FD9]  }
0x89: {  	s3 =	sld [smem:$0x3FFE];
	_ =	sdelay $0x1  }
0x8a: {  	s1 =	srdreg.scid  }
0x8b: {  	s0 =	sand.u32 $0x1, s1  }
0x8c: {  	s16 =	sshll.u32 s0, $0xA;
	s2 =	sadd.s32 s3, s2  }
0x8d: {  	s2 =	sadd.s32 s2, s16  }
0x8e: {  	[smem:$0x3FBA] =	sst s2  }
0x8f: {  	_ = 	snop  }
0x90: {  	(tm) =	ssettm $0x1  }
0x91: {  	s17 =	sld [smem:$0x3FFB];
	_ =	sdelay $0x3  }
0x92: {  	_ =	strace s17  }
0x93: {  	s2 =	sld [smem:$0x3FFC];
	_ =	sdelay $0x3  }
0x94: {  	_ =	strace s2  }
0x95: {  	s2 =	sld [smem:$0x3FFD];
	_ =	sdelay $0x3  }
0x96: {  	_ =	strace s2  }
0x97: {  	_ =	strace $0x8FFFFFFF  }
0x98: {  	s18 =	sld [smem:$0x3FDB];
	_ =	sdelay $0x1  }
0x99: {  	s19 =	simm.s32 $_scs_section_size  }
0x9a: {  	s4 =	simm.s32 $_size__tile_overlayer_lowered;
	s5 =	simm.s32 $_tile_overlayer_lowered  }
0x9b: {  	s22 =	simm.s32 $0x1BFF;
	s21 =	sshll.u32 s5, $0x1;
	s2 =	sadd.s32 s19, s18  }
0x9c: {  	s6 =	simm.s32 $0x0;
	s20 =	sshll.u32 s4, $0x1;
	s4 =	sadd.s32 s21, s2  }
0x9d: {  	[timem:s6], [sflag:s22] =	dma.local [hbm:s4], s20  }
0x9e: {  	_ =	swait.ge [sflag:s22], s20  }
0x9f: {  	s3 =	ssub.s32 $0x0, s20;
	[sflag:s22] =	ssyncset.done $0x0  }
0xa0: {  	[sflag:s22] =	ssyncadd.s32 s3;
	_ =	sdelay $0x1  }
0xa1: {  	s23 =	simm.s32 $0x1B8B  }
0xa2: {  	_ =	swait.ge [sflag:s23], $0x1  }
0xa3: {  	[sflag:s23] =	ssyncset.done $0x0  }
0xa4: {  	s25 =	simm.s32 $0x1B8E;
	s24 =	sld [smem:$0x3FFE];
	[sflag:s23] =	ssyncadd.s32 $0xFFFFFFFF  }
0xa5: {  	s26 =	simm.s32 $execute0_lowered;
	[smem:$0x3FD2] =	sst s25  }
0xa6: {  	s4 =	sshll.u32 s26, $0x1;
	_ =	strace $0x80000049;
	[dreg:$0x1] =	wrdreg $0xFFFFFFFF  }
0xa7: {  	s28 =	simm.s32 $_size_execute0_lowered;
	s2 =	sadd.s32 s2, s4;
	[dreg:$0x0] =	wrdreg $0x0  }
0xa8: {  	s4 =	sshll.u32 s28, $0x1;
	[dreg:$0x2] =	wrdreg s2  }
0xa9: {  	[dreg:$0x3] =	wrdreg s4  }
0xaa: {  	[dreg:$0x4] =	wrdreg $0xC0  }
0xab: {  	_ =	task [dreg:s6], $0x5FFFF  }
0xac: {  	[dreg:$0x1] =	wrdreg $0xFFFFFFFF  }
0xad: {  	[dreg:$0x0] =	wrdreg $0x60  }
0xae: {  	[dreg:$0x2] =	wrdreg s24  }
0xaf: {  	[dreg:$0x3] =	wrdreg $0x0  }
0xb0: {  	[dreg:$0x4] =	wrdreg $0x9  }
0xb1: {  	_ =	task.clear_ibuf [dreg:s6], $0x5FFFF;
	_ =	strace $0x90000049  }
0xb2: {  	s29 =	simm.s32 $0x9;
	_ =	strace $0x8000004B  }
0xb3: {  	_ =	swait.ge [sflag:s29], $0x1  }
0xb4: {  	[sflag:s29] =	ssyncadd.s32 $0xFFFFFFFF  }
0xb5: {  	_ =	strace $0x9000004B  }
0xb6: {  	_ =	sfence  }
0xb7: {  	s30 =	sld [smem:$0x0];
	_ =	sdelay $0x2  }
0xb8: {  	s31 =	sshll.u32 s1, $0xD;
	s1 =	sshrl.u32 s1, $0x2  }
0xb9: {  	s3 =	sand.u32 $0x4000, s31;
	s1 =	sadd.s32 s1, s30  }
0xba: {  	s0 =	sor.u32 s3, s0;
	s1 =	sshll.u32 s1, $0x11  }
0xbb: {  	s0 =	sor.u32 s1, s0  }
0xbc: {  	s0 =	sadd.s32 $0x8F2B, s0  }
0xbd: {  	[sflag:s0] =	ssyncadd.remote.s32 $0x1  }
0xbe: {  	_ =	sfence.sel $0xFFFF  }
0xbf: {  	[dreg:$0x0] =	wrdreg $0xFFFFFFFF;
	(pc) =	sbr.abs _section_cstart, $3  }
0xc0: {  	[dreg:$0x1] =	wrdreg $0xFFFFFFFF  }
0xc1: {  	_ =	task.clear_ibuf [dreg:s6], $0x2FFFF;
	_ =	strace $0x9FFFFFFF  }
0xc2: {  	(tm) =	ssettm $0x7FFFFFFF  }
0xc3: {  	_ =	shalt  }
tec
execute0_lowered:
.L_overlay_start_1:
0x0: {  	(tag) =	ssettag $0x1  }
0x1: {  	s0 =	rddreg [dreg:$0x0]  }
0x2: {  	s2 =	rddreg [dreg:$0x1]  }
0x3: {  	s3 =	simm.s32 $0x0;
	s17 =	stileid.u32;
	s1 =	srdreg.scid  }
0x4: {  	s28 =	simm.s32 $0xC0;
	s29 =	simm.s32 $0x19800;
	s30 =	simm.s32 $0x1F8C0  }
0x5: {  	s31 =	simm.s32 $0x1FA40;
	[smem:$0x7FF] =	sst s3;
	s7 =	smul.u32 $0x19800, s17  }
0x6: {  	s1 =	sand.u32 $0x1, s1;
	s4 =	sadd.s32 $0x54B000, s0;
	s10 =	smul.u32 $0x3100, s17  }
0x7: {  	s5 =	sadd.s32 $0x37400, s0;
	s6 =	sadd.s32 $0x5400, s0;
	s13 =	smul.u32 $0x19000, s17  }
0x8: {  	s11 =	sadd.s32 $0x69400, s0;
	s14 =	sshllo.u32 s17, $0x1;
	s23 =	smul.u32 $0x62000, s17  }
0x9: {  	s18 =	sshll.u32 s17, $0x6;
	s15 =	sshll.u32 s17, $0x2;
	s8 =	smul.u32 $0x31000, s1  }
0xa: {  	_ =	strace $0x8000004A;
	s12 =	ssub.s32 $0x2, s1;
	s26 =	smul.u32 $0x6400, s1  }
0xb: {  	s19 =	smul.u32 $0xC800, s14;
	s15 =	sadd.s32 s11, s15;
	s21 =	sshll.u32 s14, $0x1  }
0xc: {  	v0 =	vmov s1;
	s1 =	simm.s32 $0x1C800;
	s9 =	sshrl.u32 s7, $0x3;
	s25 =	sshrl.u32 s12, $0x1  }
0xd: {  	s7 =	sadd.s32 s7, s2;
	[dreg:$0x6] =	wrdreg s15;
	s11 =	sadd.s32 s11, s21  }
0xe: {  	s9 =	sadd.s32 s9, s0;
	s8 =	sadd.s32 s10, s8;
	s10 =	ssub.s32 s12, s25  }
0xf: {  	s12 =	sadd.s32 s26, s19;
	[dreg:$0x9] =	wrdreg s11;
	s7 =	sshrl.u32 s7, $0x3  }
0x10: {  	s0 =	sadd.s32 s8, s0;
	s16 =	sadd.s32 $0x69600, s9;
	s8 =	sadd.s32 s26, s13  }
0x11: {  	s9 =	sor.u32 $0x1C05, s18;
	s22 =	sshrl.u32 s12, $0x3;
	s26 =	sshrl.u32 s23, $0x2  }
0x12: {  	s10 =	smax.u32 s10, $0x1;
	[dreg:$0xe] =	wrdreg s7;
	s23 =	simm.s32 $0x1F800  }
0x13: {  	s7 =	simm.s32 $0x2;
	[dreg:$0x5] =	wrdreg s16;
	s16 =	sshrl.u32 s8, $0x3  }
0x14: {  	s24 =	sadd.s32 s5, s22;
	s25 =	sadd.s32 s6, s22;
	[dreg:$0xd] =	wrdreg s10  }
0x15: {  	s0 =	sadd.s32 $0x177000, s0;
	s22 =	simm.s32 $0x1;
	[dreg:$0xa] =	wrdreg s24  }
.Ltmp0:
0x16: {  	s10 =	simm.s32 $0x0;
	[dreg:$0xb] =	wrdreg s25;
	(pc) =	sbr.rel .LBB2_1-.Ltmp0, $4  }
0x17: {  	s20 =	sadd.s32 s5, s16;
	s16 =	sadd.s32 s6, s16;
	[dreg:$0xc] =	wrdreg s0  }
0x18: {  	s0 =	sadd.s32 s26, s2;
	s25 =	simm.s32 $0x1F980;
	[dreg:$0x7] =	wrdreg s20  }
0x19: {  	v1 =	vlaneseq.u32;
	s26 =	simm.s32 $0x3;
	[dreg:$0x8] =	wrdreg s16;
	s0 =	sshrl.u32 s0, $0x3  }
0x1a: {  	vm0 =	veq.s32 v0, v1;
	s20 =	simm.s32 $0x5;
	[dreg:$0xf] =	wrdreg s0;
	s0 =	simm.s32 $0x4  }
.LBB2_8:
0x1b: {  	[sflag:s15] =	ssyncset.done @!p1 $0x0;
	s11 =	sshrl.u32 s16, $0x3  }
0x1c: {  	[sflag:s15] =	ssyncadd.s32 @!p1 $0xFFFFD000;
	s13 =	sadd.s32 s5, s11  }
0x1d: {  	[tilespmem:s30], [sflag:$0x4] =	stream.linear.gather [hbm4b:s13+s3], $0xC0, $0x38;
	[tilespmem:$0x1FB10] =	vst v63  }
0x1e: {  	s11 =	sadd.s32 s6, s11  }
0x1f: {  	[tilespmem:s31], [sflag:$0x4] =	stream.linear.gather [hbm4b:s11+s3], $0xC0, $0x38;
	[tilespmem:$0x1FB10] =	vst v63  }
.LBB2_9:
0x20: {  	_ =	swait.ge [sflag:s22], $0x3000  }
0x21: {  	[sflag:s22] =	ssyncset.done $0x0  }
0x22: {  	[sflag:s22] =	ssyncadd.s32 $0xFFFFD000  }
0x23: {  	_ =	swait.ge [sflag:s0], $0xC0  }
0x24: {  	[sflag:s0] =	ssyncset.done $0x0  }
0x25: {  	[sflag:s0] =	ssyncadd.s32 $0xFFFFFF40  }
0x26: {  	_ =	swait.ge [sflag:s0], $0xC0  }
0x27: {  	[sflag:s0] =	ssyncset.done $0x0  }
0x28: {  	[sflag:s0] =	ssyncadd.s32 $0xFFFFFF40  }
0x29: {  	[bflag:$0x0] =	sbarrier.arrive $0xFFFF  }
0x2a: {  	s11 =	rddreg [dreg:$0xc]  }
0x2b: {  	s13 =	rddreg [dreg:$0xf]  }
0x2c: {  	[hbm:s11], [sflag:s9] =	dma.local [spmem:s13], $0x3100  }
0x2d: {  	_ =	swait.ge [sflag:s20], $0x3100  }
0x2e: {  	s10 =	sadd.s32 $0x1, s10;
	s24 =	rddreg [dreg:$0xd]  }
0x2f: {  	p0 =	sne.s32 s10, s24  }
.Ltmp1:
0x30: {  	_ = 	snop;
	(pc) =	sbr.rel @!p0 .LBB2_10-.Ltmp1, $3  }
0x31: {  	_ =	sdelay $0x1  }
0x32: {  	[sflag:s20] =	ssyncset.done $0x0  }
0x33: {  	[sflag:s20] =	ssyncadd.s32 $0xFFFFCF00  }
.LBB2_1:
0x34: {  	s11 =	rddreg [dreg:$0x5]  }
0x35: {  	s13 =	rddreg [dreg:$0xe]  }
0x36: {  	[spmem:s13], [sflag:s9] =	dma.local [hbm:s11], $0x3300  }
0x37: {  	_ =	swait.ge [sflag:s20], $0x3300  }
0x38: {  	[sflag:s20] =	ssyncset.done $0x0  }
0x39: {  	[sflag:s20] =	ssyncadd.s32 $0xFFFFCD00  }
0x3a: {  	[bflag:$0x0] =	sbarrier.arrive $0xFFFF  }
0x3b: {  	s19 =	simm.s32 $0x1FB00;
	s18 =	rddreg [dreg:$0x6]  }
0x3c: {  	[tilespmem:s19], [sflag:$0x5] =	stream.linear.gather [hbm4b:s18+s3], $0x10, $0x38;
	[tilespmem:$0x1FB10] =	vst v63  }
0x3d: {  	_ =	swait.ge [sflag:s20], $0x10  }
0x3e: {  	[sflag:s20] =	ssyncset.done $0x0  }
0x3f: {  	[sflag:s20] =	ssyncadd.s32 $0xFFFFFFF0  }
0x40: {  	v0 =	vld [tilespmem:$0x1FB00];
	_ =	sdelay $0x4  }
0x41: {  	v0 =	vnsel vm0, $0x0, v0  }
0x42: {  	(xrf0) =	vadd.scan.msk.s32 $0xffff, v0;
	_ =	sdelay $0x5  }
0x43: {  	v0, _, _ =	vpop (xrf0)  }
0x44: {  	(v2sf) =	vpush v0, $0xF;
	_ =	sdelay $0xa  }
0x45: {  	s16 =	rddreg [dreg:$0x7]  }
0x46: {  	[tilespmem:s23], [sflag:$0x3] =	stream.linear.gather [hbm4b:s16+s3], $0xC0, $0x38;
	[tilespmem:$0x1FB10] =	vst v63  }
0x47: {  	s17 =	rddreg [dreg:$0x8]  }
0x48: {  	[tilespmem:s25], [sflag:$0x3] =	stream.linear.gather [hbm4b:s17+s3], $0xC0, $0x38;
	[tilespmem:$0x1FB10] =	vst v63  }
0x49: {  	s21 =	spop (v2sf)  }
0x4a: {  	s24 =	sadd.s32 $0xBF, s21  }
0x4b: {  	s14 =	smulhi.u32 $0x2AAAAAAB, s24;
	s15 =	sshra.s32 s24, $0x1F  }
0x4c: {  	_ =	swait.ge [sflag:s26], $0xC0;
	s15 =	smul.u32 $0x2AAAAAAB, s15  }
0x4d: {  	[sflag:s26] =	ssyncset.done $0x0  }
0x4e: {  	[sflag:s26] =	ssyncadd.s32 $0xFFFFFF40;
	s14 =	sadd.s32 s15, s14  }
0x4f: {  	_ =	swait.ge [sflag:s26], $0xC0;
	s15 =	sshrl.u32 s14, $0x1F;
	s14 =	sshra.s32 s14, $0x5  }
0x50: {  	[sflag:s26] =	ssyncset.done $0x0;
	s14 =	sadd.s32 s15, s14  }
0x51: {  	s11 =	ssub.s32 $0xFFFFFF41, s21;
	[sflag:s26] =	ssyncadd.s32 $0xFFFFFF40;
	s15 =	smul.u32 $0xFFFFFF40, s14  }
0x52: {  	[tilespmem:s29], [sflag:$0x1] =	stream.indirect.gather [hbm4b:s4+s28], $0x40, s23, s28, $0xb8;
	[tilespmem:$0x1FB10] =	vst v63  }
0x53: {  	p0 =	slt.s32 s24, $0x1;
	p1 =	sne.s32 s15, s11  }
0x54: {  	p0 =	por !p0, !p1  }
0x55: {  	s11 =	simm.s32 $0x1;
	p0 =	por !p0, !p0  }
0x56: {  	s11 =	simm.s32 @!p0 $0x0  }
0x57: {  	s11 =	ssub.s32 s14, s11  }
0x58: {  	p0 =	sgt.s32 s11, $0x1;
	s13 =	smov.u32 s11  }
0x59: {  	s13 =	simm.s32 @!p0 $0x1  }
0x5a: {  	s13 =	sadd.s32 $0xFFFFFFFF, s13  }
0x5b: {  	s14 =	simm.s32 $0x0;
	p0 =	seq.s32 s13, $0x0  }
0x5c: {  	s14 =	simm.s32 @!p0 $0xC0  }
0x5d: {  	s19 =	sadd.s32 $0x1, s11;
	s14 =	sor.u32 s8, s14  }
0x5e: {  	s21 =	sand.u32 $0x1, s19;
	s14 =	sshrl.u32 s14, $0x3  }
0x5f: {  	p5 =	slt.s32 s11, $0x0;
	p6 =	seq.s32 s21, $0x1;
	s18 =	sadd.s32 s5, s14  }
0x60: {  	[tilespmem:s30], [sflag:$0x4] =	stream.linear.gather [hbm4b:s18+s3], $0xC0, $0x38;
	[tilespmem:$0x1FB10] =	vst v63  }
0x61: {  	s24 =	sshrl.u32 s19, $0x1F;
	p0 =	por !p5, !p6;
	s14 =	sadd.s32 s6, s14  }
0x62: {  	[tilespmem:s31], [sflag:$0x4] =	stream.linear.gather [hbm4b:s14+s3], $0xC0, $0x38;
	[tilespmem:$0x1FB10] =	vst v63  }
0x63: {  	s15 =	simm.s32 $0x1;
	p0 =	por !p0, !p0;
	s14 =	sadd.s32 s24, s19  }
0x64: {  	s15 =	simm.s32 @!p0 $0x0;
	s14 =	sshra.s32 s14, $0x1  }
0x65: {  	s14 =	ssub.s32 s14, s15  }
0x66: {  	p0 =	slt.s32 s14, $0x1  }
.Ltmp2:
0x67: {  	_ = 	snop;
	(pc) =	sbr.rel @p0 .LBB2_5-.Ltmp2, $1  }
0x68: {  	_ =	sdelay $0x3  }
0x69: {  	s15 =	sadd.s32 $0xFFFFFFFF, s11  }
0x6a: {  	[dreg:$0x3] =	wrdreg s15  }
0x6b: {  	_ =	swait.ge [sflag:s0], $0xC0  }
0x6c: {  	[sflag:s0] =	ssyncset.done $0x0  }
0x6d: {  	[sflag:s0] =	ssyncadd.s32 $0xFFFFFF40  }
0x6e: {  	_ =	swait.ge [sflag:s0], $0xC0  }
0x6f: {  	p0 =	slt.s32 s13, $0x2;
	s15 =	simm.s32 $0x2;
	[sflag:s0] =	ssyncset.done $0x0  }
0x70: {  	s15 =	smov.u32 @p0 s13;
	[sflag:s0] =	ssyncadd.s32 $0xFFFFFF40  }
0x71: {  	[tilespmem:s1], [sflag:$0x2] =	stream.indirect.gather [hbm4b:s4+s28], $0x40, s30, s28, $0xb8;
	[tilespmem:$0x1FB10] =	vst v63  }
0x72: {  	p0 =	sle.s32 s11, $0x0;
	s15 =	smul.u32 $0xC0, s15;
	_ =	swait.ge [sflag:s22], $0x3000  }
0x73: {  	s16 =	simm.s32 @!p0 $0x1F980;
	s21 =	simm.s32 @!p0 $0x5;
	[sflag:s22] =	ssyncset.done $0x0  }
0x74: {  	s17 =	simm.s32 @!p0 $0x19800;
	s18 =	simm.s32 @!p0 $0xC0;
	[sflag:s22] =	ssyncadd.s32 $0xFFFFD000  }
0x75: {  	[spmem:s2] =	stream.indirect.scatter.add.f32 @!p0 [tilespmem:s17], [sflag:$0x5], $0x40, s16, s18, $0xb8;
	[tilespmem:$0x1FB10] =	vst v63  }
0x76: {  	s15 =	sadd.s32 s8, s15;
	_ =	swait.ge @!p0 [sflag:s21], $0x3000  }
0x77: {  	s15 =	sshrl.u32 s15, $0x3;
	[sflag:s21] =	ssyncset.done @!p0 $0x0  }
0x78: {  	s19 =	sadd.s32 s5, s15;
	[sflag:s21] =	ssyncadd.s32 @!p0 $0xFFFFD000  }
0x79: {  	[tilespmem:s23], [sflag:$0x3] =	stream.linear.gather [hbm4b:s19+s3], $0xC0, $0x38;
	[tilespmem:$0x1FB10] =	vst v63  }
0x7a: {  	s15 =	sadd.s32 s6, s15  }
0x7b: {  	[tilespmem:s25], [sflag:$0x3] =	stream.linear.gather [hbm4b:s15+s3], $0xC0, $0x38;
	[tilespmem:$0x1FB10] =	vst v63  }
0x7c: {  	_ =	swait.ge [sflag:s26], $0xC0  }
0x7d: {  	[sflag:s26] =	ssyncset.done $0x0  }
0x7e: {  	[sflag:s26] =	ssyncadd.s32 $0xFFFFFF40  }
0x7f: {  	_ =	swait.ge [sflag:s26], $0xC0  }
0x80: {  	s14 =	sadd.s32 $0xFFFFFFFF, s14;
	[sflag:s26] =	ssyncset.done $0x0  }
0x81: {  	s16 =	simm.s32 $0x3;
	p0 =	slt.s32 s13, $0x3;
	[sflag:s26] =	ssyncadd.s32 $0xFFFFFF40  }
0x82: {  	[tilespmem:s29], [sflag:$0x1] =	stream.indirect.gather [hbm4b:s4+s28], $0x40, s23, s28, $0xb8;
	[tilespmem:$0x1FB10] =	vst v63  }
0x83: {  	s16 =	smov.u32 @p0 s13;
	p0 =	sne.s32 s14, $0x0;
	_ =	swait.ge [sflag:s7], $0x3000  }
0x84: {  	s16 =	smul.u32 $0xC0, s16;
	s24 =	rddreg [dreg:$0x3];
	[sflag:s7] =	ssyncset.done $0x0  }
.Ltmp3:
0x85: {  	p1 =	sle.s32 s24, $0x0;
	[sflag:s7] =	ssyncadd.s32 $0xFFFFD000;
	(pc) =	sbr.rel @!p0 .LBB2_4-.Ltmp3, $4  }
0x86: {  	s15 =	simm.s32 @!p1 $0xC0;
	s17 =	simm.s32 @!p1 $0x1FA40;
	s18 =	simm.s32 @!p1 $0x1C800  }
0x87: {  	[spmem:s2] =	stream.indirect.scatter.add.f32 @!p1 [tilespmem:s18], [sflag:$0x5], $0x40, s17, s15, $0xb8;
	[tilespmem:$0x1FB10] =	vst v63  }
0x88: {  	s15 =	simm.s32 @!p1 $0x5  }
0x89: {  	s21 =	simm.s32 $0x2;
	s16 =	sadd.s32 s8, s16;
	_ =	swait.ge @!p1 [sflag:s15], $0x3000  }
.LBB2_3:
0x8a: {  	[sflag:s15] =	ssyncset.done @!p1 $0x0;
	s16 =	sshrl.u32 s16, $0x3  }
0x8b: {  	[sflag:s15] =	ssyncadd.s32 @!p1 $0xFFFFD000;
	s18 =	sadd.s32 s5, s16  }
0x8c: {  	[tilespmem:s30], [sflag:$0x4] =	stream.linear.gather [hbm4b:s18+s3], $0xC0, $0x38;
	[tilespmem:$0x1FB10] =	vst v63  }
0x8d: {  	s16 =	sadd.s32 s6, s16  }
0x8e: {  	[tilespmem:s31], [sflag:$0x4] =	stream.linear.gather [hbm4b:s16+s3], $0xC0, $0x38;
	[tilespmem:$0x1FB10] =	vst v63  }
0x8f: {  	_ =	swait.ge [sflag:s0], $0xC0  }
0x90: {  	[sflag:s0] =	ssyncset.done $0x0  }
0x91: {  	[sflag:s0] =	ssyncadd.s32 $0xFFFFFF40  }
0x92: {  	s15 =	smov.u32 s21;
	s21 =	sadd.s32 $0x2, s21;
	_ =	swait.ge [sflag:s0], $0xC0  }
0x93: {  	p1 =	slt.s32 s13, s21;
	s16 =	smov.u32 s21;
	[sflag:s0] =	ssyncset.done $0x0  }
0x94: {  	s16 =	smov.u32 @p1 s13;
	[sflag:s0] =	ssyncadd.s32 $0xFFFFFF40  }
0x95: {  	[tilespmem:s1], [sflag:$0x2] =	stream.indirect.gather [hbm4b:s4+s28], $0x40, s30, s28, $0xb8;
	[tilespmem:$0x1FB10] =	vst v63  }
0x96: {  	p1 =	sge.s32 s15, s11;
	s16 =	smul.u32 $0xC0, s16;
	_ =	swait.ge [sflag:s22], $0x3000  }
0x97: {  	s17 =	simm.s32 @!p1 $0x1F980;
	s18 =	simm.s32 @!p1 $0x5;
	[sflag:s22] =	ssyncset.done $0x0  }
0x98: {  	s19 =	simm.s32 @!p1 $0x19800;
	s24 =	simm.s32 @!p1 $0xC0;
	[sflag:s22] =	ssyncadd.s32 $0xFFFFD000  }
0x99: {  	[spmem:s2] =	stream.indirect.scatter.add.f32 @!p1 [tilespmem:s19], [sflag:$0x5], $0x40, s17, s24, $0xb8;
	[tilespmem:$0x1FB10] =	vst v63  }
0x9a: {  	s16 =	sadd.s32 s8, s16;
	_ =	swait.ge @!p1 [sflag:s18], $0x3000  }
0x9b: {  	s16 =	sshrl.u32 s16, $0x3;
	[sflag:s18] =	ssyncset.done @!p1 $0x0  }
0x9c: {  	s19 =	sadd.s32 s5, s16;
	[sflag:s18] =	ssyncadd.s32 @!p1 $0xFFFFD000  }
0x9d: {  	[tilespmem:s23], [sflag:$0x3] =	stream.linear.gather [hbm4b:s19+s3], $0xC0, $0x38;
	[tilespmem:$0x1FB10] =	vst v63  }
0x9e: {  	s16 =	sadd.s32 s6, s16  }
0x9f: {  	[tilespmem:s25], [sflag:$0x3] =	stream.linear.gather [hbm4b:s16+s3], $0xC0, $0x38;
	[tilespmem:$0x1FB10] =	vst v63  }
0xa0: {  	_ =	swait.ge [sflag:s26], $0xC0  }
0xa1: {  	[sflag:s26] =	ssyncset.done $0x0  }
0xa2: {  	[sflag:s26] =	ssyncadd.s32 $0xFFFFFF40  }
0xa3: {  	_ =	swait.ge [sflag:s26], $0xC0  }
0xa4: {  	[sflag:s26] =	ssyncset.done $0x0  }
0xa5: {  	s17 =	sadd.s32 $0x3, s15;
	[sflag:s26] =	ssyncadd.s32 $0xFFFFFF40  }
0xa6: {  	[tilespmem:s29], [sflag:$0x1] =	stream.indirect.gather [hbm4b:s4+s28], $0x40, s23, s28, $0xb8;
	[tilespmem:$0x1FB10] =	vst v63  }
0xa7: {  	s14 =	sadd.s32 $0xFFFFFFFF, s14;
	p2 =	slt.s32 s13, s17;
	_ =	swait.ge [sflag:s7], $0x3000  }
0xa8: {  	p0 =	sne.s32 s14, $0x0;
	s17 =	smov.u32 @p2 s13;
	s24 =	rddreg [dreg:$0x3]  }
.Ltmp4:
0xa9: {  	[sflag:s7] =	ssyncset.done $0x0;
	p1 =	sge.s32 s15, s24;
	(pc) =	sbr.rel @p0 .LBB2_3-.Ltmp4, $4  }
0xaa: {  	s17 =	smul.u32 $0xC0, s17;
	[sflag:s7] =	ssyncadd.s32 $0xFFFFD000;
	s16 =	simm.s32 @!p1 $0xC0  }
0xab: {  	s18 =	simm.s32 @!p1 $0x1FA40;
	s19 =	simm.s32 @!p1 $0x1C800;
	s15 =	simm.s32 @!p1 $0x5  }
0xac: {  	[spmem:s2] =	stream.indirect.scatter.add.f32 @!p1 [tilespmem:s19], [sflag:$0x5], $0x40, s18, s16, $0xb8;
	[tilespmem:$0x1FB10] =	vst v63  }
0xad: {  	s16 =	sadd.s32 s8, s17;
	_ =	swait.ge @!p1 [sflag:s15], $0x3000  }
.LBB2_4:
0xae: {  	[sflag:s15] =	ssyncset.done @!p1 $0x0;
	s11 =	sshrl.u32 s16, $0x3  }
0xaf: {  	[sflag:s15] =	ssyncadd.s32 @!p1 $0xFFFFD000;
	s13 =	sadd.s32 s5, s11  }
0xb0: {  	[tilespmem:s30], [sflag:$0x4] =	stream.linear.gather [hbm4b:s13+s3], $0xC0, $0x38;
	[tilespmem:$0x1FB10] =	vst v63  }
0xb1: {  	s11 =	sadd.s32 s6, s11  }
0xb2: {  	[tilespmem:s31], [sflag:$0x4] =	stream.linear.gather [hbm4b:s11+s3], $0xC0, $0x38;
	[tilespmem:$0x1FB10] =	vst v63  }
.LBB2_5:
0xb3: {  	_ =	swait.ge [sflag:s22], $0x3000  }
0xb4: {  	[sflag:s22] =	ssyncset.done $0x0  }
0xb5: {  	[sflag:s22] =	ssyncadd.s32 $0xFFFFD000  }
0xb6: {  	_ =	swait.ge [sflag:s0], $0xC0  }
0xb7: {  	[sflag:s0] =	ssyncset.done $0x0  }
0xb8: {  	[sflag:s0] =	ssyncadd.s32 $0xFFFFFF40  }
0xb9: {  	_ =	swait.ge [sflag:s0], $0xC0  }
0xba: {  	s14 =	simm.s32 $0x0;
	[sflag:s0] =	ssyncset.done $0x0  }
0xbb: {  	s13 =	simm.s32 $0x1FB00;
	s11 =	rddreg [dreg:$0x9];
	[sflag:s0] =	ssyncadd.s32 $0xFFFFFF40  }
0xbc: {  	[tilespmem:s13], [sflag:$0x5] =	stream.linear.gather [hbm4b:s11+s14], $0x10, $0x38;
	[tilespmem:$0x1FB10] =	vst v63  }
0xbd: {  	_ =	swait.ge [sflag:s20], $0x10  }
0xbe: {  	[sflag:s20] =	ssyncset.done $0x0  }
0xbf: {  	[sflag:s20] =	ssyncadd.s32 $0xFFFFFFF0  }
0xc0: {  	v0 =	vld [tilespmem:$0x1FB00];
	_ =	sdelay $0x4  }
0xc1: {  	v0 =	vnsel vm0, $0x0, v0  }
0xc2: {  	(xrf0) =	vadd.scan.msk.s32 $0xffff, v0;
	_ =	sdelay $0x5  }
0xc3: {  	v0, _, _ =	vpop (xrf0)  }
0xc4: {  	(v2sf) =	vpush v0, $0xF;
	_ =	sdelay $0xe  }
0xc5: {  	s21 =	spop (v2sf)  }
0xc6: {  	s24 =	sadd.s32 $0xBF, s21  }
0xc7: {  	s15 =	smulhi.u32 $0x2AAAAAAB, s24;
	s16 =	sshra.s32 s24, $0x1F  }
0xc8: {  	s16 =	smul.u32 $0x2AAAAAAB, s16;
	_ =	sdelay $0x1  }
0xc9: {  	s15 =	sadd.s32 s16, s15  }
0xca: {  	s16 =	sshrl.u32 s15, $0x1F;
	s15 =	sshra.s32 s15, $0x5  }
0xcb: {  	s15 =	sadd.s32 s16, s15  }
0xcc: {  	s16 =	smul.u32 $0xFFFFFF40, s15  }
0xcd: {  	s11 =	ssub.s32 $0xFFFFFF41, s21  }
0xce: {  	p0 =	slt.s32 s24, $0x1;
	p1 =	sne.s32 s16, s11;
	s16 =	rddreg [dreg:$0xa]  }
0xcf: {  	[tilespmem:s23], [sflag:$0x3] =	stream.linear.gather [hbm4b:s16+s14], $0xC0, $0x38;
	[tilespmem:$0x1FB10] =	vst v63  }
0xd0: {  	p0 =	por !p0, !p1  }
0xd1: {  	s17 =	rddreg [dreg:$0xb];
	s11 =	simm.s32 $0x1;
	p0 =	por !p0, !p0  }
0xd2: {  	[tilespmem:s25], [sflag:$0x3] =	stream.linear.gather [hbm4b:s17+s14], $0xC0, $0x38;
	[tilespmem:$0x1FB10] =	vst v63  }
0xd3: {  	s11 =	simm.s32 @!p0 $0x0  }
0xd4: {  	_ =	swait.ge [sflag:s26], $0xC0;
	s11 =	ssub.s32 s15, s11  }
0xd5: {  	[sflag:s26] =	ssyncset.done $0x0;
	p0 =	sgt.s32 s11, $0x1;
	s13 =	smov.u32 s11  }
0xd6: {  	[sflag:s26] =	ssyncadd.s32 $0xFFFFFF40;
	s13 =	simm.s32 @!p0 $0x1  }
0xd7: {  	_ =	swait.ge [sflag:s26], $0xC0;
	s13 =	sadd.s32 $0xFFFFFFFF, s13  }
0xd8: {  	s15 =	simm.s32 $0x0;
	[sflag:s26] =	ssyncset.done $0x0;
	p0 =	seq.s32 s13, $0x0  }
0xd9: {  	[sflag:s26] =	ssyncadd.s32 $0xFFFFFF40;
	s15 =	simm.s32 @!p0 $0xC0  }
0xda: {  	[tilespmem:s29], [sflag:$0x1] =	stream.indirect.gather [hbm4b:s4+s28], $0x40, s23, s28, $0xb8;
	[tilespmem:$0x1FB10] =	vst v63  }
0xdb: {  	s19 =	sadd.s32 $0x1, s11;
	s15 =	sor.u32 s12, s15  }
0xdc: {  	s21 =	sand.u32 $0x1, s19;
	s15 =	sshrl.u32 s15, $0x3  }
0xdd: {  	p5 =	slt.s32 s11, $0x0;
	p6 =	seq.s32 s21, $0x1;
	s18 =	sadd.s32 s5, s15  }
0xde: {  	[tilespmem:s30], [sflag:$0x4] =	stream.linear.gather [hbm4b:s18+s14], $0xC0, $0x38;
	[tilespmem:$0x1FB10] =	vst v63  }
0xdf: {  	s24 =	sshrl.u32 s19, $0x1F;
	p0 =	por !p5, !p6;
	s15 =	sadd.s32 s6, s15  }
0xe0: {  	[tilespmem:s31], [sflag:$0x4] =	stream.linear.gather [hbm4b:s15+s14], $0xC0, $0x38;
	[tilespmem:$0x1FB10] =	vst v63  }
0xe1: {  	p0 =	por !p0, !p0;
	s14 =	sadd.s32 s24, s19;
	s15 =	simm.s32 $0x1  }
0xe2: {  	s14 =	sshra.s32 s14, $0x1;
	s15 =	simm.s32 @!p0 $0x0  }
0xe3: {  	s14 =	ssub.s32 s14, s15  }
0xe4: {  	p0 =	slt.s32 s14, $0x1  }
.Ltmp5:
0xe5: {  	_ = 	snop;
	(pc) =	sbr.rel @p0 .LBB2_9-.Ltmp5, $1  }
0xe6: {  	_ =	sdelay $0x3  }
0xe7: {  	s15 =	sadd.s32 $0xFFFFFFFF, s11  }
0xe8: {  	[dreg:$0x4] =	wrdreg s15  }
0xe9: {  	_ =	swait.ge [sflag:s0], $0xC0  }
0xea: {  	[sflag:s0] =	ssyncset.done $0x0  }
0xeb: {  	[sflag:s0] =	ssyncadd.s32 $0xFFFFFF40  }
0xec: {  	_ =	swait.ge [sflag:s0], $0xC0  }
0xed: {  	p0 =	slt.s32 s13, $0x2;
	s15 =	simm.s32 $0x2;
	[sflag:s0] =	ssyncset.done $0x0  }
0xee: {  	s15 =	smov.u32 @p0 s13;
	[sflag:s0] =	ssyncadd.s32 $0xFFFFFF40  }
0xef: {  	[tilespmem:s1], [sflag:$0x2] =	stream.indirect.gather [hbm4b:s4+s28], $0x40, s30, s28, $0xb8;
	[tilespmem:$0x1FB10] =	vst v63  }
0xf0: {  	p0 =	sle.s32 s11, $0x0;
	s15 =	smul.u32 $0xC0, s15;
	_ =	swait.ge [sflag:s22], $0x3000  }
0xf1: {  	s16 =	simm.s32 @!p0 $0x1F980;
	s17 =	simm.s32 @!p0 $0x5;
	[sflag:s22] =	ssyncset.done $0x0  }
0xf2: {  	s18 =	simm.s32 @!p0 $0x19800;
	s19 =	simm.s32 @!p0 $0xC0;
	[sflag:s22] =	ssyncadd.s32 $0xFFFFD000  }
0xf3: {  	[spmem:s2] =	stream.indirect.scatter.add.f32 @!p0 [tilespmem:s18], [sflag:$0x5], $0x40, s16, s19, $0xb8;
	[tilespmem:$0x1FB10] =	vst v63  }
0xf4: {  	s15 =	sadd.s32 s12, s15;
	_ =	swait.ge @!p0 [sflag:s17], $0x3000  }
0xf5: {  	s15 =	sshrl.u32 s15, $0x3;
	[sflag:s17] =	ssyncset.done @!p0 $0x0  }
0xf6: {  	s21 =	sadd.s32 s5, s15;
	[sflag:s17] =	ssyncadd.s32 @!p0 $0xFFFFD000  }
0xf7: {  	[tilespmem:s23], [sflag:$0x3] =	stream.linear.gather [hbm4b:s21+s3], $0xC0, $0x38;
	[tilespmem:$0x1FB10] =	vst v63  }
0xf8: {  	s15 =	sadd.s32 s6, s15  }
0xf9: {  	[tilespmem:s25], [sflag:$0x3] =	stream.linear.gather [hbm4b:s15+s3], $0xC0, $0x38;
	[tilespmem:$0x1FB10] =	vst v63  }
0xfa: {  	_ =	swait.ge [sflag:s26], $0xC0  }
0xfb: {  	[sflag:s26] =	ssyncset.done $0x0  }
0xfc: {  	[sflag:s26] =	ssyncadd.s32 $0xFFFFFF40  }
0xfd: {  	_ =	swait.ge [sflag:s26], $0xC0  }
0xfe: {  	s14 =	sadd.s32 $0xFFFFFFFF, s14;
	[sflag:s26] =	ssyncset.done $0x0  }
0xff: {  	s16 =	simm.s32 $0x3;
	p0 =	slt.s32 s13, $0x3;
	[sflag:s26] =	ssyncadd.s32 $0xFFFFFF40  }
0x100: {  	[tilespmem:s29], [sflag:$0x1] =	stream.indirect.gather [hbm4b:s4+s28], $0x40, s23, s28, $0xb8;
	[tilespmem:$0x1FB10] =	vst v63  }
0x101: {  	s16 =	smov.u32 @p0 s13;
	p0 =	sne.s32 s14, $0x0;
	_ =	swait.ge [sflag:s7], $0x3000  }
0x102: {  	s16 =	smul.u32 $0xC0, s16;
	s24 =	rddreg [dreg:$0x4];
	[sflag:s7] =	ssyncset.done $0x0  }
.Ltmp6:
0x103: {  	p1 =	sle.s32 s24, $0x0;
	[sflag:s7] =	ssyncadd.s32 $0xFFFFD000;
	(pc) =	sbr.rel @!p0 .LBB2_8-.Ltmp6, $4  }
0x104: {  	s15 =	simm.s32 @!p1 $0xC0;
	s17 =	simm.s32 @!p1 $0x1FA40;
	s18 =	simm.s32 @!p1 $0x1C800  }
0x105: {  	[spmem:s2] =	stream.indirect.scatter.add.f32 @!p1 [tilespmem:s18], [sflag:$0x5], $0x40, s17, s15, $0xb8;
	[tilespmem:$0x1FB10] =	vst v63  }
0x106: {  	s15 =	simm.s32 @!p1 $0x5  }
0x107: {  	s21 =	simm.s32 $0x2;
	s16 =	sadd.s32 s12, s16;
	_ =	swait.ge @!p1 [sflag:s15], $0x3000  }
.LBB2_7:
0x108: {  	[sflag:s15] =	ssyncset.done @!p1 $0x0;
	s16 =	sshrl.u32 s16, $0x3  }
0x109: {  	[sflag:s15] =	ssyncadd.s32 @!p1 $0xFFFFD000;
	s18 =	sadd.s32 s5, s16  }
0x10a: {  	[tilespmem:s30], [sflag:$0x4] =	stream.linear.gather [hbm4b:s18+s3], $0xC0, $0x38;
	[tilespmem:$0x1FB10] =	vst v63  }
0x10b: {  	s16 =	sadd.s32 s6, s16  }
0x10c: {  	[tilespmem:s31], [sflag:$0x4] =	stream.linear.gather [hbm4b:s16+s3], $0xC0, $0x38;
	[tilespmem:$0x1FB10] =	vst v63  }
0x10d: {  	_ =	swait.ge [sflag:s0], $0xC0  }
0x10e: {  	[sflag:s0] =	ssyncset.done $0x0  }
0x10f: {  	[sflag:s0] =	ssyncadd.s32 $0xFFFFFF40  }
0x110: {  	s15 =	smov.u32 s21;
	s21 =	sadd.s32 $0x2, s21;
	_ =	swait.ge [sflag:s0], $0xC0  }
0x111: {  	p1 =	slt.s32 s13, s21;
	s16 =	smov.u32 s21;
	[sflag:s0] =	ssyncset.done $0x0  }
0x112: {  	s16 =	smov.u32 @p1 s13;
	[sflag:s0] =	ssyncadd.s32 $0xFFFFFF40  }
0x113: {  	[tilespmem:s1], [sflag:$0x2] =	stream.indirect.gather [hbm4b:s4+s28], $0x40, s30, s28, $0xb8;
	[tilespmem:$0x1FB10] =	vst v63  }
0x114: {  	p1 =	sge.s32 s15, s11;
	s16 =	smul.u32 $0xC0, s16;
	_ =	swait.ge [sflag:s22], $0x3000  }
0x115: {  	s17 =	simm.s32 @!p1 $0x1F980;
	s18 =	simm.s32 @!p1 $0x5;
	[sflag:s22] =	ssyncset.done $0x0  }
0x116: {  	s19 =	simm.s32 @!p1 $0x19800;
	s24 =	simm.s32 @!p1 $0xC0;
	[sflag:s22] =	ssyncadd.s32 $0xFFFFD000  }
0x117: {  	[spmem:s2] =	stream.indirect.scatter.add.f32 @!p1 [tilespmem:s19], [sflag:$0x5], $0x40, s17, s24, $0xb8;
	[tilespmem:$0x1FB10] =	vst v63  }
0x118: {  	s16 =	sadd.s32 s12, s16;
	_ =	swait.ge @!p1 [sflag:s18], $0x3000  }
0x119: {  	s16 =	sshrl.u32 s16, $0x3;
	[sflag:s18] =	ssyncset.done @!p1 $0x0  }
0x11a: {  	s19 =	sadd.s32 s5, s16;
	[sflag:s18] =	ssyncadd.s32 @!p1 $0xFFFFD000  }
0x11b: {  	[tilespmem:s23], [sflag:$0x3] =	stream.linear.gather [hbm4b:s19+s3], $0xC0, $0x38;
	[tilespmem:$0x1FB10] =	vst v63  }
0x11c: {  	s16 =	sadd.s32 s6, s16  }
0x11d: {  	[tilespmem:s25], [sflag:$0x3] =	stream.linear.gather [hbm4b:s16+s3], $0xC0, $0x38;
	[tilespmem:$0x1FB10] =	vst v63  }
0x11e: {  	_ =	swait.ge [sflag:s26], $0xC0  }
0x11f: {  	[sflag:s26] =	ssyncset.done $0x0  }
0x120: {  	[sflag:s26] =	ssyncadd.s32 $0xFFFFFF40  }
0x121: {  	_ =	swait.ge [sflag:s26], $0xC0  }
0x122: {  	[sflag:s26] =	ssyncset.done $0x0  }
0x123: {  	s17 =	sadd.s32 $0x3, s15;
	[sflag:s26] =	ssyncadd.s32 $0xFFFFFF40  }
0x124: {  	[tilespmem:s29], [sflag:$0x1] =	stream.indirect.gather [hbm4b:s4+s28], $0x40, s23, s28, $0xb8;
	[tilespmem:$0x1FB10] =	vst v63  }
0x125: {  	s14 =	sadd.s32 $0xFFFFFFFF, s14;
	p2 =	slt.s32 s13, s17;
	_ =	swait.ge [sflag:s7], $0x3000  }
0x126: {  	p0 =	sne.s32 s14, $0x0;
	s17 =	smov.u32 @p2 s13;
	s24 =	rddreg [dreg:$0x4]  }
.Ltmp7:
0x127: {  	[sflag:s7] =	ssyncset.done $0x0;
	p1 =	sge.s32 s15, s24;
	(pc) =	sbr.rel @p0 .LBB2_7-.Ltmp7, $4  }
0x128: {  	s17 =	smul.u32 $0xC0, s17;
	[sflag:s7] =	ssyncadd.s32 $0xFFFFD000;
	s16 =	simm.s32 @!p1 $0xC0  }
0x129: {  	s18 =	simm.s32 @!p1 $0x1FA40;
	s19 =	simm.s32 @!p1 $0x1C800;
	s15 =	simm.s32 @!p1 $0x5  }
0x12a: {  	[spmem:s2] =	stream.indirect.scatter.add.f32 @!p1 [tilespmem:s19], [sflag:$0x5], $0x40, s18, s16, $0xb8;
	[tilespmem:$0x1FB10] =	vst v63  }
0x12b: {  	s16 =	sadd.s32 s12, s17;
	_ =	swait.ge @!p1 [sflag:s15], $0x3000  }
.Ltmp8:
0x12c: {  	_ = 	snop;
	(pc) =	sbr.rel .LBB2_8-.Ltmp8, $1  }
0x12d: {  	_ =	sdelay $0x3  }
.LBB2_10:
0x12e: {  	_ =	sfence.sel $0x180000  }
0x12f: {  	[bflag:$0x0] =	sbarrier.arrive $0xFFFF  }
0x130: {  	_ =	strace $0x9000004A  }
0x131: {  	s0 =	stileid.u32;
	[bflag:$0x2] =	sbarrier.arrive $0xFFFF  }
0x132: {  	p0 =	sne.s32 s0, $0x0;
	s0 =	rddreg [dreg:$0x2]  }
0x133: {  	s0 =	sadd.s32 @!p0 $0x100000, s0  }
0x134: {  	[sflag:s0] =	ssyncadd.tile.s32 @!p0 $0x1;
	_ =	shalt  }
.Lfunc_end2:
_tile_overlayer_lowered:
.L_overlay_start_2:
0x135: {  	(tag) =	ssettag $0x2  }
0x136: {  	s0 =	rddreg [dreg:$0x0];
	s2 =	stileid.u32  }
0x137: {  	s1 =	rddreg [dreg:$0x1];
	p0 =	sne.s32 s2, $0x0  }
0x138: {  	s3 =	rddreg [dreg:$0x2];
	[bflag:$0x3] =	sbarrier.arrive $0xFFFF;
	s2 =	simm.s32 @!p0 $0x1C05  }
0x139: {  	[timem:s3], [sflag:s2] =	dma.local @!p0 [hbm:s0], s1  }
0x13a: {  	s0 =	simm.s32 @!p0 $0x5  }
0x13b: {  	_ =	swait.ge @!p0 [sflag:s0], s1  }
0x13c: {  	s1 =	ssub.s32 @!p0 $0x0, s1;
	[sflag:s0] =	ssyncset.done @!p0 $0x0  }
0x13d: {  	[sflag:s0] =	ssyncadd.s32 @!p0 s1  }
0x13e: {  	[bflag:$0x3] =	sbarrier.arrive $0xFFFF  }
0x13f: {  	_ =	shalt  }

// kernel: kernel.20.cloned.1.call-start
scs
__scs_entry_jumppad:
0x0: {  	(pc) =	sbr.rel $0x88, $3  }
0x1: {  	(tag) =	ssettag $0x0;
	lr =	simm.s32 $0x1  }
0x2: {  	[smem:$0x3F93] =	sst lr;
	_ =	strace $0xD0000000  }
0x3: {  	_ = 	snop  }
0x4: {  	_ = 	snop  }
0x5: {  	_ = 	snop  }
0x6: {  	_ = 	snop  }
0x7: {  	_ = 	snop  }
__scs_overlays_trampoline_lowered:
0x8: {  	[smem:$0x3FA2] =	sst s0  }
0x9: {  	[smem:$0x3FA3] =	sst s1  }
0xa: {  	[smem:$0x3FA4] =	sst s2  }
0xb: {  	[smem:$0x3FA5] =	sst s3  }
0xc: {  	[smem:$0x3FA6] =	sst s4  }
0xd: {  	[smem:$0x3FA7] =	sst s5  }
0xe: {  	[smem:$0x3FA8] =	sst s6  }
0xf: {  	[smem:$0x3FA9] =	sst s7  }
0x10: {  	[smem:$0x3FAA] =	sst s8  }
0x11: {  	[smem:$0x3FAB] =	sst s9;
	s0 =	simm.s32 @!p0 $0x0  }
0x12: {  	s1 =	sld [smem:$0x3F91];
	s0 =	simm.s32 @p0 $0x1  }
0x13: {  	[smem:$0x3FAC] =	sst s0;
	s0 =	simm.s32 @!p1 $0x0  }
0x14: {  	s2 =	sld [smem:$0x3F90];
	s0 =	simm.s32 @p1 $0x1  }
0x15: {  	[smem:$0x3FAD] =	sst s0;
	s0 =	simm.s32 @!p2 $0x0  }
0x16: {  	s3 =	sld [smem:$0x3FDB];
	s0 =	simm.s32 @p2 $0x1  }
0x17: {  	s4 =	simm.s32 $0x1BF5;
	[smem:$0x3FAF] =	sst s0  }
0x18: {  	s0 =	sld [smem:$0x3F92];
	_ =	swait.ge [sflag:s4], $0x0  }
0x19: {  	s7 =	sld [smem:$0x3F93]  }
0x1a: {  	s8 =	sadd.s32 $0xFFFFE003, lr  }
0x1b: {  	s9 =	sadd.s32 $0xFFFFFEF7, lr;
	s5 =	simm.s32 $0xFFFFFFFF;
	p2 =	slt.u32 s8, $0xFFFFF086  }
0x1c: {  	p1 =	slt.u32 s9, $0xF7A;
	s5 =	simm.s32 @!p2 $0x0  }
0x1d: {  	s5 =	simm.s32 @p1 $0x1;
	p0 =	seq.s32 s7, s2  }
0x1e: {  	s7 =	smul.u32 @!p0 $0xF7A, s2;
	p2 =	seq.s32 @!p0 s5, $0x0  }
0x1f: {  	s9 =	smul.u32 $0xF7A, s1;
	s8 =	simm.s32 @!p0 $0x1BF5;
	p2 =	por !p2, p0  }
0x20: {  	[sflag:s8] =	ssyncset.s32 @!p0 $0xFFFFF086;
	s6 =	sadd.s32 @!p0 s3, s7;
	s7 =	simm.s32 @!p0 $0x108  }
0x21: {  	s3 =	sadd.s32 s3, s9;
	s6 =	sadd.s32 @!p0 $0x88, s6;
	s7 =	simm.s32 @p2 $0x1082  }
0x22: {  	[simem:s7], [sflag:s8] =	dma.local @!p0 [hbm:s6], $0xF7A  }
0x23: {  	s9 =	sor.u32 $0xD0000000, s2;
	s6 =	simm.s32 $0x108;
	_ =	swait.ge @!p0 [sflag:s8], $0x0  }
0x24: {  	s3 =	sadd.s32 $0x88, s3;
	s6 =	simm.s32 @!p1 $0x1082;
	[sflag:s4] =	ssyncset.s32 $0xFFFFF086  }
0x25: {  	[simem:s6], [sflag:s4] =	dma.local [hbm:s3], $0xF7A  }
0x26: {  	[smem:$0x3F93] =	sst s1;
	(tag) =	ssettag s2;
	_ =	strace s9  }
0x27: {  	s1 =	sld [smem:$0x3FA3]  }
0x28: {  	s2 =	sld [smem:$0x3FA4]  }
0x29: {  	s4 =	sld [smem:$0x3FA6]  }
0x2a: {  	p0 =	seq.s32 s5, $0x0;
	s5 =	sld [smem:$0x3FA7]  }
0x2b: {  	s6 =	sld [smem:$0x3FA8]  }
0x2c: {  	s7 =	sld [smem:$0x3FA9]  }
0x2d: {  	s3 =	simm.s32 $0x108;
	s8 =	sld [smem:$0x3FAA]  }
0x2e: {  	s3 =	simm.s32 @!p0 $0x1082;
	s9 =	sld [smem:$0x3FAB]  }
0x2f: {  	lr =	sadd.s32 s0, s3;
	s0 =	sld [smem:$0x3FA2]  }
0x30: {  	s3 =	sld [smem:$0x3FA5]  }
0x31: {  	[smem:$0x3FAE] =	sst s10  }
0x32: {  	s10 =	sld [smem:$0x3FAC];
	_ =	sdelay $0x3  }
0x33: {  	p0 =	seq.s32 s10, $0x1;
	s10 =	sld [smem:$0x3FAE];
	_ =	sdelay $0x3  }
0x34: {  	[smem:$0x3FAE] =	sst s10  }
0x35: {  	s10 =	sld [smem:$0x3FAD];
	_ =	sdelay $0x3  }
0x36: {  	p1 =	seq.s32 s10, $0x1;
	s10 =	sld [smem:$0x3FAE];
	_ =	sdelay $0x3  }
0x37: {  	[smem:$0x3FAE] =	sst s10  }
0x38: {  	s10 =	sld [smem:$0x3FAF]  }
0x39: {  	_ = 	snop;
	(pc) =	sbr.ind lr, $3  }
0x3a: {  	_ = 	snop  }
0x3b: {  	_ = 	snop  }
0x3c: {  	p2 =	seq.s32 s10, $0x1;
	s10 =	sld [smem:$0x3FAE]  }
0x3d: {  	_ =	shalt  }
0x3e: {  	_ =	shalt  }
0x3f: {  	_ =	shalt  }
0x40: {  	_ =	shalt  }
0x41: {  	_ =	shalt  }
0x42: {  	_ =	shalt  }
0x43: {  	_ =	shalt  }
0x44: {  	_ =	shalt  }
0x45: {  	_ =	shalt  }
0x46: {  	_ =	shalt  }
0x47: {  	_ =	shalt  }
0x48: {  	_ =	shalt  }
0x49: {  	_ =	shalt  }
0x4a: {  	_ =	shalt  }
0x4b: {  	_ =	shalt  }
0x4c: {  	_ =	shalt  }
0x4d: {  	_ =	shalt  }
0x4e: {  	_ =	shalt  }
0x4f: {  	_ =	shalt  }
0x50: {  	_ =	shalt  }
0x51: {  	_ =	shalt  }
0x52: {  	_ =	shalt  }
0x53: {  	_ =	shalt  }
0x54: {  	_ =	shalt  }
0x55: {  	_ =	shalt  }
0x56: {  	_ =	shalt  }
0x57: {  	_ =	shalt  }
0x58: {  	_ =	shalt  }
0x59: {  	_ =	shalt  }
0x5a: {  	_ =	shalt  }
0x5b: {  	_ =	shalt  }
0x5c: {  	_ =	shalt  }
0x5d: {  	_ =	shalt  }
0x5e: {  	_ =	shalt  }
0x5f: {  	_ =	shalt  }
0x60: {  	_ =	shalt  }
0x61: {  	_ =	shalt  }
0x62: {  	_ =	shalt  }
0x63: {  	_ =	shalt  }
0x64: {  	_ =	shalt  }
0x65: {  	_ =	shalt  }
0x66: {  	_ =	shalt  }
0x67: {  	_ =	shalt  }
0x68: {  	_ =	shalt  }
0x69: {  	_ =	shalt  }
0x6a: {  	_ =	shalt  }
0x6b: {  	_ =	shalt  }
0x6c: {  	_ =	shalt  }
0x6d: {  	_ =	shalt  }
0x6e: {  	_ =	shalt  }
0x6f: {  	_ =	shalt  }
0x70: {  	_ =	shalt  }
0x71: {  	_ =	shalt  }
0x72: {  	_ =	shalt  }
0x73: {  	_ =	shalt  }
0x74: {  	_ =	shalt  }
0x75: {  	_ =	shalt  }
0x76: {  	_ =	shalt  }
0x77: {  	_ =	shalt  }
0x78: {  	_ =	shalt  }
0x79: {  	_ =	shalt  }
0x7a: {  	_ =	shalt  }
0x7b: {  	_ =	shalt  }
0x7c: {  	_ =	shalt  }
0x7d: {  	_ =	shalt  }
0x7e: {  	_ =	shalt  }
0x7f: {  	_ =	shalt  }
0x80: {  	_ =	shalt  }
0x81: {  	_ =	shalt  }
0x82: {  	_ =	shalt  }
0x83: {  	_ =	shalt  }
0x84: {  	_ =	shalt  }
0x85: {  	_ =	shalt  }
0x86: {  	_ =	shalt  }
0x87: {  	_ =	shalt  }
.Lfunc_end0:
.L_simem_size_0:
called_computation.2_lowered:
.L_overlay_start_0:
0x88: {  	s2 =	sld [smem:$0x3FD9]  }
0x89: {  	s3 =	sld [smem:$0x3FFE];
	_ =	sdelay $0x1  }
0x8a: {  	s1 =	srdreg.scid  }
0x8b: {  	s0 =	sand.u32 $0x1, s1  }
0x8c: {  	s16 =	sshll.u32 s0, $0xA;
	s2 =	sadd.s32 s3, s2  }
0x8d: {  	s2 =	sadd.s32 s2, s16  }
0x8e: {  	[smem:$0x3FBA] =	sst s2  }
0x8f: {  	_ = 	snop  }
0x90: {  	(tm) =	ssettm $0x1  }
0x91: {  	s17 =	sld [smem:$0x3FFB];
	_ =	sdelay $0x3  }
0x92: {  	_ =	strace s17  }
0x93: {  	s2 =	sld [smem:$0x3FFC];
	_ =	sdelay $0x3  }
0x94: {  	_ =	strace s2  }
0x95: {  	s2 =	sld [smem:$0x3FFD];
	_ =	sdelay $0x3  }
0x96: {  	_ =	strace s2  }
0x97: {  	_ =	strace $0x8FFFFFFF  }
0x98: {  	s18 =	sld [smem:$0x3FDB];
	_ =	sdelay $0x1  }
0x99: {  	s19 =	simm.s32 $_scs_section_size  }
0x9a: {  	s4 =	simm.s32 $_size__tile_overlayer_lowered;
	s5 =	simm.s32 $_tile_overlayer_lowered  }
0x9b: {  	s22 =	simm.s32 $0x1BFF;
	s21 =	sshll.u32 s5, $0x1;
	s2 =	sadd.s32 s19, s18  }
0x9c: {  	s6 =	simm.s32 $0x0;
	s20 =	sshll.u32 s4, $0x1;
	s4 =	sadd.s32 s21, s2  }
0x9d: {  	[timem:s6], [sflag:s22] =	dma.local [hbm:s4], s20  }
0x9e: {  	_ =	swait.ge [sflag:s22], s20  }
0x9f: {  	s3 =	ssub.s32 $0x0, s20;
	[sflag:s22] =	ssyncset.done $0x0  }
0xa0: {  	[sflag:s22] =	ssyncadd.s32 s3;
	_ =	sdelay $0x1  }
0xa1: {  	s23 =	simm.s32 $0x1B8B  }
0xa2: {  	_ =	swait.ge [sflag:s23], $0x1  }
0xa3: {  	[sflag:s23] =	ssyncset.done $0x0  }
0xa4: {  	s25 =	simm.s32 $0x1B8E;
	s24 =	sld [smem:$0x3FFE];
	[sflag:s23] =	ssyncadd.s32 $0xFFFFFFFF  }
0xa5: {  	s26 =	simm.s32 $execute0_lowered;
	[smem:$0x3FD2] =	sst s25  }
0xa6: {  	s4 =	sshll.u32 s26, $0x1;
	_ =	strace $0x8000004C;
	[dreg:$0x1] =	wrdreg $0xFFFFFFFF  }
0xa7: {  	s28 =	simm.s32 $_size_execute0_lowered;
	s2 =	sadd.s32 s2, s4;
	[dreg:$0x0] =	wrdreg $0x0  }
0xa8: {  	s4 =	sshll.u32 s28, $0x1;
	[dreg:$0x2] =	wrdreg s2  }
0xa9: {  	[dreg:$0x3] =	wrdreg s4  }
0xaa: {  	[dreg:$0x4] =	wrdreg $0xC0  }
0xab: {  	_ =	task [dreg:s6], $0x5FFFF  }
0xac: {  	[dreg:$0x1] =	wrdreg $0xFFFFFFFF  }
0xad: {  	[dreg:$0x0] =	wrdreg $0x60  }
0xae: {  	[dreg:$0x2] =	wrdreg s24  }
0xaf: {  	[dreg:$0x3] =	wrdreg $0x0  }
0xb0: {  	[dreg:$0x4] =	wrdreg $0x9  }
0xb1: {  	_ =	task.clear_ibuf [dreg:s6], $0x5FFFF;
	_ =	strace $0x9000004C  }
0xb2: {  	s29 =	simm.s32 $0x9;
	_ =	strace $0x8000004E  }
0xb3: {  	_ =	swait.ge [sflag:s29], $0x1  }
0xb4: {  	[sflag:s29] =	ssyncadd.s32 $0xFFFFFFFF  }
0xb5: {  	_ =	strace $0x9000004E  }
0xb6: {  	_ =	sfence  }
0xb7: {  	s30 =	sld [smem:$0x0];
	_ =	sdelay $0x2  }
0xb8: {  	s31 =	sshll.u32 s1, $0xD;
	s1 =	sshrl.u32 s1, $0x2  }
0xb9: {  	s3 =	sand.u32 $0x4000, s31;
	s1 =	sadd.s32 s1, s30  }
0xba: {  	s0 =	sor.u32 s3, s0;
	s1 =	sshll.u32 s1, $0x11  }
0xbb: {  	s0 =	sor.u32 s1, s0  }
0xbc: {  	s0 =	sadd.s32 $0x8F2B, s0  }
0xbd: {  	[sflag:s0] =	ssyncadd.remote.s32 $0x1  }
0xbe: {  	_ =	sfence.sel $0xFFFF  }
0xbf: {  	[dreg:$0x0] =	wrdreg $0xFFFFFFFF;
	(pc) =	sbr.abs _section_cstart, $3  }
0xc0: {  	[dreg:$0x1] =	wrdreg $0xFFFFFFFF  }
0xc1: {  	_ =	task.clear_ibuf [dreg:s6], $0x2FFFF;
	_ =	strace $0x9FFFFFFF  }
0xc2: {  	(tm) =	ssettm $0x7FFFFFFF  }
0xc3: {  	_ =	shalt  }
tec
execute0_lowered:
.L_overlay_start_1:
0x0: {  	(tag) =	ssettag $0x1  }
0x1: {  	s0 =	rddreg [dreg:$0x0]  }
0x2: {  	s2 =	rddreg [dreg:$0x1]  }
0x3: {  	s3 =	simm.s32 $0x0;
	s17 =	stileid.u32;
	s1 =	srdreg.scid  }
0x4: {  	s28 =	simm.s32 $0xC0;
	s29 =	simm.s32 $0x19800;
	s30 =	simm.s32 $0x1F8C0  }
0x5: {  	s31 =	simm.s32 $0x1FA40;
	[smem:$0x7FF] =	sst s3;
	s7 =	smul.u32 $0x19800, s17  }
0x6: {  	s1 =	sand.u32 $0x1, s1;
	s4 =	sadd.s32 $0x9E400, s0;
	s10 =	smul.u32 $0x3100, s17  }
0x7: {  	s5 =	sadd.s32 $0x37400, s0;
	s6 =	sadd.s32 $0x5400, s0;
	s13 =	smul.u32 $0x19000, s17  }
0x8: {  	s11 =	sadd.s32 $0x69400, s0;
	s14 =	sshllo.u32 s17, $0x1;
	s23 =	smul.u32 $0x62000, s17  }
0x9: {  	s18 =	sshll.u32 s17, $0x6;
	s15 =	sshll.u32 s17, $0x2;
	s8 =	smul.u32 $0x31000, s1  }
0xa: {  	_ =	strace $0x8000004D;
	s12 =	ssub.s32 $0x2, s1;
	s26 =	smul.u32 $0x6400, s1  }
0xb: {  	s19 =	smul.u32 $0xC800, s14;
	s15 =	sadd.s32 s11, s15;
	s21 =	sshll.u32 s14, $0x1  }
0xc: {  	v0 =	vmov s1;
	s1 =	simm.s32 $0x1C800;
	s9 =	sshrl.u32 s7, $0x3;
	s25 =	sshrl.u32 s12, $0x1  }
0xd: {  	s7 =	sadd.s32 s7, s2;
	[dreg:$0x6] =	wrdreg s15;
	s11 =	sadd.s32 s11, s21  }
0xe: {  	s9 =	sadd.s32 s9, s0;
	s8 =	sadd.s32 s10, s8;
	s10 =	ssub.s32 s12, s25  }
0xf: {  	s12 =	sadd.s32 s26, s19;
	[dreg:$0x9] =	wrdreg s11;
	s7 =	sshrl.u32 s7, $0x3  }
0x10: {  	s0 =	sadd.s32 s8, s0;
	s16 =	sadd.s32 $0x69600, s9;
	s8 =	sadd.s32 s26, s13  }
0x11: {  	s9 =	sor.u32 $0x1C05, s18;
	s22 =	sshrl.u32 s12, $0x3;
	s26 =	sshrl.u32 s23, $0x2  }
0x12: {  	s10 =	smax.u32 s10, $0x1;
	[dreg:$0xe] =	wrdreg s7;
	s23 =	simm.s32 $0x1F800  }
0x13: {  	s7 =	simm.s32 $0x2;
	[dreg:$0x5] =	wrdreg s16;
	s16 =	sshrl.u32 s8, $0x3  }
0x14: {  	s24 =	sadd.s32 s5, s22;
	s25 =	sadd.s32 s6, s22;
	[dreg:$0xd] =	wrdreg s10  }
0x15: {  	s0 =	sadd.s32 $0x361000, s0;
	s22 =	simm.s32 $0x1;
	[dreg:$0xa] =	wrdreg s24  }
.Ltmp0:
0x16: {  	s10 =	simm.s32 $0x0;
	[dreg:$0xb] =	wrdreg s25;
	(pc) =	sbr.rel .LBB2_1-.Ltmp0, $4  }
0x17: {  	s20 =	sadd.s32 s5, s16;
	s16 =	sadd.s32 s6, s16;
	[dreg:$0xc] =	wrdreg s0  }
0x18: {  	s0 =	sadd.s32 s26, s2;
	s25 =	simm.s32 $0x1F980;
	[dreg:$0x7] =	wrdreg s20  }
0x19: {  	v1 =	vlaneseq.u32;
	s26 =	simm.s32 $0x3;
	[dreg:$0x8] =	wrdreg s16;
	s0 =	sshrl.u32 s0, $0x3  }
0x1a: {  	vm0 =	veq.s32 v0, v1;
	s20 =	simm.s32 $0x5;
	[dreg:$0xf] =	wrdreg s0;
	s0 =	simm.s32 $0x4  }
.LBB2_8:
0x1b: {  	[sflag:s15] =	ssyncset.done @!p1 $0x0;
	s11 =	sshrl.u32 s16, $0x3  }
0x1c: {  	[sflag:s15] =	ssyncadd.s32 @!p1 $0xFFFFD000;
	s13 =	sadd.s32 s5, s11  }
0x1d: {  	[tilespmem:s30], [sflag:$0x4] =	stream.linear.gather [hbm4b:s13+s3], $0xC0, $0x38;
	[tilespmem:$0x1FB10] =	vst v63  }
0x1e: {  	s11 =	sadd.s32 s6, s11  }
0x1f: {  	[tilespmem:s31], [sflag:$0x4] =	stream.linear.gather [hbm4b:s11+s3], $0xC0, $0x38;
	[tilespmem:$0x1FB10] =	vst v63  }
.LBB2_9:
0x20: {  	_ =	swait.ge [sflag:s22], $0x3000  }
0x21: {  	[sflag:s22] =	ssyncset.done $0x0  }
0x22: {  	[sflag:s22] =	ssyncadd.s32 $0xFFFFD000  }
0x23: {  	_ =	swait.ge [sflag:s0], $0xC0  }
0x24: {  	[sflag:s0] =	ssyncset.done $0x0  }
0x25: {  	[sflag:s0] =	ssyncadd.s32 $0xFFFFFF40  }
0x26: {  	_ =	swait.ge [sflag:s0], $0xC0  }
0x27: {  	[sflag:s0] =	ssyncset.done $0x0  }
0x28: {  	[sflag:s0] =	ssyncadd.s32 $0xFFFFFF40  }
0x29: {  	[bflag:$0x0] =	sbarrier.arrive $0xFFFF  }
0x2a: {  	s11 =	rddreg [dreg:$0xc]  }
0x2b: {  	s13 =	rddreg [dreg:$0xf]  }
0x2c: {  	[hbm:s11], [sflag:s9] =	dma.local [spmem:s13], $0x3100  }
0x2d: {  	_ =	swait.ge [sflag:s20], $0x3100  }
0x2e: {  	s10 =	sadd.s32 $0x1, s10;
	s24 =	rddreg [dreg:$0xd]  }
0x2f: {  	p0 =	sne.s32 s10, s24  }
.Ltmp1:
0x30: {  	_ = 	snop;
	(pc) =	sbr.rel @!p0 .LBB2_10-.Ltmp1, $3  }
0x31: {  	_ =	sdelay $0x1  }
0x32: {  	[sflag:s20] =	ssyncset.done $0x0  }
0x33: {  	[sflag:s20] =	ssyncadd.s32 $0xFFFFCF00  }
.LBB2_1:
0x34: {  	s11 =	rddreg [dreg:$0x5]  }
0x35: {  	s13 =	rddreg [dreg:$0xe]  }
0x36: {  	[spmem:s13], [sflag:s9] =	dma.local [hbm:s11], $0x3300  }
0x37: {  	_ =	swait.ge [sflag:s20], $0x3300  }
0x38: {  	[sflag:s20] =	ssyncset.done $0x0  }
0x39: {  	[sflag:s20] =	ssyncadd.s32 $0xFFFFCD00  }
0x3a: {  	[bflag:$0x0] =	sbarrier.arrive $0xFFFF  }
0x3b: {  	s19 =	simm.s32 $0x1FB00;
	s18 =	rddreg [dreg:$0x6]  }
0x3c: {  	[tilespmem:s19], [sflag:$0x5] =	stream.linear.gather [hbm4b:s18+s3], $0x10, $0x38;
	[tilespmem:$0x1FB10] =	vst v63  }
0x3d: {  	_ =	swait.ge [sflag:s20], $0x10  }
0x3e: {  	[sflag:s20] =	ssyncset.done $0x0  }
0x3f: {  	[sflag:s20] =	ssyncadd.s32 $0xFFFFFFF0  }
0x40: {  	v0 =	vld [tilespmem:$0x1FB00];
	_ =	sdelay $0x4  }
0x41: {  	v0 =	vnsel vm0, $0x0, v0  }
0x42: {  	(xrf0) =	vadd.scan.msk.s32 $0xffff, v0;
	_ =	sdelay $0x5  }
0x43: {  	v0, _, _ =	vpop (xrf0)  }
0x44: {  	(v2sf) =	vpush v0, $0xF;
	_ =	sdelay $0xa  }
0x45: {  	s16 =	rddreg [dreg:$0x7]  }
0x46: {  	[tilespmem:s23], [sflag:$0x3] =	stream.linear.gather [hbm4b:s16+s3], $0xC0, $0x38;
	[tilespmem:$0x1FB10] =	vst v63  }
0x47: {  	s17 =	rddreg [dreg:$0x8]  }
0x48: {  	[tilespmem:s25], [sflag:$0x3] =	stream.linear.gather [hbm4b:s17+s3], $0xC0, $0x38;
	[tilespmem:$0x1FB10] =	vst v63  }
0x49: {  	s21 =	spop (v2sf)  }
0x4a: {  	s24 =	sadd.s32 $0xBF, s21  }
0x4b: {  	s14 =	smulhi.u32 $0x2AAAAAAB, s24;
	s15 =	sshra.s32 s24, $0x1F  }
0x4c: {  	_ =	swait.ge [sflag:s26], $0xC0;
	s15 =	smul.u32 $0x2AAAAAAB, s15  }
0x4d: {  	[sflag:s26] =	ssyncset.done $0x0  }
0x4e: {  	[sflag:s26] =	ssyncadd.s32 $0xFFFFFF40;
	s14 =	sadd.s32 s15, s14  }
0x4f: {  	_ =	swait.ge [sflag:s26], $0xC0;
	s15 =	sshrl.u32 s14, $0x1F;
	s14 =	sshra.s32 s14, $0x5  }
0x50: {  	[sflag:s26] =	ssyncset.done $0x0;
	s14 =	sadd.s32 s15, s14  }
0x51: {  	s11 =	ssub.s32 $0xFFFFFF41, s21;
	[sflag:s26] =	ssyncadd.s32 $0xFFFFFF40;
	s15 =	smul.u32 $0xFFFFFF40, s14  }
0x52: {  	[tilespmem:s29], [sflag:$0x1] =	stream.indirect.gather [hbm4b:s4+s28], $0x40, s23, s28, $0xb8;
	[tilespmem:$0x1FB10] =	vst v63  }
0x53: {  	p0 =	slt.s32 s24, $0x1;
	p1 =	sne.s32 s15, s11  }
0x54: {  	p0 =	por !p0, !p1  }
0x55: {  	s11 =	simm.s32 $0x1;
	p0 =	por !p0, !p0  }
0x56: {  	s11 =	simm.s32 @!p0 $0x0  }
0x57: {  	s11 =	ssub.s32 s14, s11  }
0x58: {  	p0 =	sgt.s32 s11, $0x1;
	s13 =	smov.u32 s11  }
0x59: {  	s13 =	simm.s32 @!p0 $0x1  }
0x5a: {  	s13 =	sadd.s32 $0xFFFFFFFF, s13  }
0x5b: {  	s14 =	simm.s32 $0x0;
	p0 =	seq.s32 s13, $0x0  }
0x5c: {  	s14 =	simm.s32 @!p0 $0xC0  }
0x5d: {  	s19 =	sadd.s32 $0x1, s11;
	s14 =	sor.u32 s8, s14  }
0x5e: {  	s21 =	sand.u32 $0x1, s19;
	s14 =	sshrl.u32 s14, $0x3  }
0x5f: {  	p5 =	slt.s32 s11, $0x0;
	p6 =	seq.s32 s21, $0x1;
	s18 =	sadd.s32 s5, s14  }
0x60: {  	[tilespmem:s30], [sflag:$0x4] =	stream.linear.gather [hbm4b:s18+s3], $0xC0, $0x38;
	[tilespmem:$0x1FB10] =	vst v63  }
0x61: {  	s24 =	sshrl.u32 s19, $0x1F;
	p0 =	por !p5, !p6;
	s14 =	sadd.s32 s6, s14  }
0x62: {  	[tilespmem:s31], [sflag:$0x4] =	stream.linear.gather [hbm4b:s14+s3], $0xC0, $0x38;
	[tilespmem:$0x1FB10] =	vst v63  }
0x63: {  	s15 =	simm.s32 $0x1;
	p0 =	por !p0, !p0;
	s14 =	sadd.s32 s24, s19  }
0x64: {  	s15 =	simm.s32 @!p0 $0x0;
	s14 =	sshra.s32 s14, $0x1  }
0x65: {  	s14 =	ssub.s32 s14, s15  }
0x66: {  	p0 =	slt.s32 s14, $0x1  }
.Ltmp2:
0x67: {  	_ = 	snop;
	(pc) =	sbr.rel @p0 .LBB2_5-.Ltmp2, $1  }
0x68: {  	_ =	sdelay $0x3  }
0x69: {  	s15 =	sadd.s32 $0xFFFFFFFF, s11  }
0x6a: {  	[dreg:$0x3] =	wrdreg s15  }
0x6b: {  	_ =	swait.ge [sflag:s0], $0xC0  }
0x6c: {  	[sflag:s0] =	ssyncset.done $0x0  }
0x6d: {  	[sflag:s0] =	ssyncadd.s32 $0xFFFFFF40  }
0x6e: {  	_ =	swait.ge [sflag:s0], $0xC0  }
0x6f: {  	p0 =	slt.s32 s13, $0x2;
	s15 =	simm.s32 $0x2;
	[sflag:s0] =	ssyncset.done $0x0  }
0x70: {  	s15 =	smov.u32 @p0 s13;
	[sflag:s0] =	ssyncadd.s32 $0xFFFFFF40  }
0x71: {  	[tilespmem:s1], [sflag:$0x2] =	stream.indirect.gather [hbm4b:s4+s28], $0x40, s30, s28, $0xb8;
	[tilespmem:$0x1FB10] =	vst v63  }
0x72: {  	p0 =	sle.s32 s11, $0x0;
	s15 =	smul.u32 $0xC0, s15;
	_ =	swait.ge [sflag:s22], $0x3000  }
0x73: {  	s16 =	simm.s32 @!p0 $0x1F980;
	s21 =	simm.s32 @!p0 $0x5;
	[sflag:s22] =	ssyncset.done $0x0  }
0x74: {  	s17 =	simm.s32 @!p0 $0x19800;
	s18 =	simm.s32 @!p0 $0xC0;
	[sflag:s22] =	ssyncadd.s32 $0xFFFFD000  }
0x75: {  	[spmem:s2] =	stream.indirect.scatter.add.f32 @!p0 [tilespmem:s17], [sflag:$0x5], $0x40, s16, s18, $0xb8;
	[tilespmem:$0x1FB10] =	vst v63  }
0x76: {  	s15 =	sadd.s32 s8, s15;
	_ =	swait.ge @!p0 [sflag:s21], $0x3000  }
0x77: {  	s15 =	sshrl.u32 s15, $0x3;
	[sflag:s21] =	ssyncset.done @!p0 $0x0  }
0x78: {  	s19 =	sadd.s32 s5, s15;
	[sflag:s21] =	ssyncadd.s32 @!p0 $0xFFFFD000  }
0x79: {  	[tilespmem:s23], [sflag:$0x3] =	stream.linear.gather [hbm4b:s19+s3], $0xC0, $0x38;
	[tilespmem:$0x1FB10] =	vst v63  }
0x7a: {  	s15 =	sadd.s32 s6, s15  }
0x7b: {  	[tilespmem:s25], [sflag:$0x3] =	stream.linear.gather [hbm4b:s15+s3], $0xC0, $0x38;
	[tilespmem:$0x1FB10] =	vst v63  }
0x7c: {  	_ =	swait.ge [sflag:s26], $0xC0  }
0x7d: {  	[sflag:s26] =	ssyncset.done $0x0  }
0x7e: {  	[sflag:s26] =	ssyncadd.s32 $0xFFFFFF40  }
0x7f: {  	_ =	swait.ge [sflag:s26], $0xC0  }
0x80: {  	s14 =	sadd.s32 $0xFFFFFFFF, s14;
	[sflag:s26] =	ssyncset.done $0x0  }
0x81: {  	s16 =	simm.s32 $0x3;
	p0 =	slt.s32 s13, $0x3;
	[sflag:s26] =	ssyncadd.s32 $0xFFFFFF40  }
0x82: {  	[tilespmem:s29], [sflag:$0x1] =	stream.indirect.gather [hbm4b:s4+s28], $0x40, s23, s28, $0xb8;
	[tilespmem:$0x1FB10] =	vst v63  }
0x83: {  	s16 =	smov.u32 @p0 s13;
	p0 =	sne.s32 s14, $0x0;
	_ =	swait.ge [sflag:s7], $0x3000  }
0x84: {  	s16 =	smul.u32 $0xC0, s16;
	s24 =	rddreg [dreg:$0x3];
	[sflag:s7] =	ssyncset.done $0x0  }
.Ltmp3:
0x85: {  	p1 =	sle.s32 s24, $0x0;
	[sflag:s7] =	ssyncadd.s32 $0xFFFFD000;
	(pc) =	sbr.rel @!p0 .LBB2_4-.Ltmp3, $4  }
0x86: {  	s15 =	simm.s32 @!p1 $0xC0;
	s17 =	simm.s32 @!p1 $0x1FA40;
	s18 =	simm.s32 @!p1 $0x1C800  }
0x87: {  	[spmem:s2] =	stream.indirect.scatter.add.f32 @!p1 [tilespmem:s18], [sflag:$0x5], $0x40, s17, s15, $0xb8;
	[tilespmem:$0x1FB10] =	vst v63  }
0x88: {  	s15 =	simm.s32 @!p1 $0x5  }
0x89: {  	s21 =	simm.s32 $0x2;
	s16 =	sadd.s32 s8, s16;
	_ =	swait.ge @!p1 [sflag:s15], $0x3000  }
.LBB2_3:
0x8a: {  	[sflag:s15] =	ssyncset.done @!p1 $0x0;
	s16 =	sshrl.u32 s16, $0x3  }
0x8b: {  	[sflag:s15] =	ssyncadd.s32 @!p1 $0xFFFFD000;
	s18 =	sadd.s32 s5, s16  }
0x8c: {  	[tilespmem:s30], [sflag:$0x4] =	stream.linear.gather [hbm4b:s18+s3], $0xC0, $0x38;
	[tilespmem:$0x1FB10] =	vst v63  }
0x8d: {  	s16 =	sadd.s32 s6, s16  }
0x8e: {  	[tilespmem:s31], [sflag:$0x4] =	stream.linear.gather [hbm4b:s16+s3], $0xC0, $0x38;
	[tilespmem:$0x1FB10] =	vst v63  }
0x8f: {  	_ =	swait.ge [sflag:s0], $0xC0  }
0x90: {  	[sflag:s0] =	ssyncset.done $0x0  }
0x91: {  	[sflag:s0] =	ssyncadd.s32 $0xFFFFFF40  }
0x92: {  	s15 =	smov.u32 s21;
	s21 =	sadd.s32 $0x2, s21;
	_ =	swait.ge [sflag:s0], $0xC0  }
0x93: {  	p1 =	slt.s32 s13, s21;
	s16 =	smov.u32 s21;
	[sflag:s0] =	ssyncset.done $0x0  }
0x94: {  	s16 =	smov.u32 @p1 s13;
	[sflag:s0] =	ssyncadd.s32 $0xFFFFFF40  }
0x95: {  	[tilespmem:s1], [sflag:$0x2] =	stream.indirect.gather [hbm4b:s4+s28], $0x40, s30, s28, $0xb8;
	[tilespmem:$0x1FB10] =	vst v63  }
0x96: {  	p1 =	sge.s32 s15, s11;
	s16 =	smul.u32 $0xC0, s16;
	_ =	swait.ge [sflag:s22], $0x3000  }
0x97: {  	s17 =	simm.s32 @!p1 $0x1F980;
	s18 =	simm.s32 @!p1 $0x5;
	[sflag:s22] =	ssyncset.done $0x0  }
0x98: {  	s19 =	simm.s32 @!p1 $0x19800;
	s24 =	simm.s32 @!p1 $0xC0;
	[sflag:s22] =	ssyncadd.s32 $0xFFFFD000  }
0x99: {  	[spmem:s2] =	stream.indirect.scatter.add.f32 @!p1 [tilespmem:s19], [sflag:$0x5], $0x40, s17, s24, $0xb8;
	[tilespmem:$0x1FB10] =	vst v63  }
0x9a: {  	s16 =	sadd.s32 s8, s16;
	_ =	swait.ge @!p1 [sflag:s18], $0x3000  }
0x9b: {  	s16 =	sshrl.u32 s16, $0x3;
	[sflag:s18] =	ssyncset.done @!p1 $0x0  }
0x9c: {  	s19 =	sadd.s32 s5, s16;
	[sflag:s18] =	ssyncadd.s32 @!p1 $0xFFFFD000  }
0x9d: {  	[tilespmem:s23], [sflag:$0x3] =	stream.linear.gather [hbm4b:s19+s3], $0xC0, $0x38;
	[tilespmem:$0x1FB10] =	vst v63  }
0x9e: {  	s16 =	sadd.s32 s6, s16  }
0x9f: {  	[tilespmem:s25], [sflag:$0x3] =	stream.linear.gather [hbm4b:s16+s3], $0xC0, $0x38;
	[tilespmem:$0x1FB10] =	vst v63  }
0xa0: {  	_ =	swait.ge [sflag:s26], $0xC0  }
0xa1: {  	[sflag:s26] =	ssyncset.done $0x0  }
0xa2: {  	[sflag:s26] =	ssyncadd.s32 $0xFFFFFF40  }
0xa3: {  	_ =	swait.ge [sflag:s26], $0xC0  }
0xa4: {  	[sflag:s26] =	ssyncset.done $0x0  }
0xa5: {  	s17 =	sadd.s32 $0x3, s15;
	[sflag:s26] =	ssyncadd.s32 $0xFFFFFF40  }
0xa6: {  	[tilespmem:s29], [sflag:$0x1] =	stream.indirect.gather [hbm4b:s4+s28], $0x40, s23, s28, $0xb8;
	[tilespmem:$0x1FB10] =	vst v63  }
0xa7: {  	s14 =	sadd.s32 $0xFFFFFFFF, s14;
	p2 =	slt.s32 s13, s17;
	_ =	swait.ge [sflag:s7], $0x3000  }
0xa8: {  	p0 =	sne.s32 s14, $0x0;
	s17 =	smov.u32 @p2 s13;
	s24 =	rddreg [dreg:$0x3]  }
.Ltmp4:
0xa9: {  	[sflag:s7] =	ssyncset.done $0x0;
	p1 =	sge.s32 s15, s24;
	(pc) =	sbr.rel @p0 .LBB2_3-.Ltmp4, $4  }
0xaa: {  	s17 =	smul.u32 $0xC0, s17;
	[sflag:s7] =	ssyncadd.s32 $0xFFFFD000;
	s16 =	simm.s32 @!p1 $0xC0  }
0xab: {  	s18 =	simm.s32 @!p1 $0x1FA40;
	s19 =	simm.s32 @!p1 $0x1C800;
	s15 =	simm.s32 @!p1 $0x5  }
0xac: {  	[spmem:s2] =	stream.indirect.scatter.add.f32 @!p1 [tilespmem:s19], [sflag:$0x5], $0x40, s18, s16, $0xb8;
	[tilespmem:$0x1FB10] =	vst v63  }
0xad: {  	s16 =	sadd.s32 s8, s17;
	_ =	swait.ge @!p1 [sflag:s15], $0x3000  }
.LBB2_4:
0xae: {  	[sflag:s15] =	ssyncset.done @!p1 $0x0;
	s11 =	sshrl.u32 s16, $0x3  }
0xaf: {  	[sflag:s15] =	ssyncadd.s32 @!p1 $0xFFFFD000;
	s13 =	sadd.s32 s5, s11  }
0xb0: {  	[tilespmem:s30], [sflag:$0x4] =	stream.linear.gather [hbm4b:s13+s3], $0xC0, $0x38;
	[tilespmem:$0x1FB10] =	vst v63  }
0xb1: {  	s11 =	sadd.s32 s6, s11  }
0xb2: {  	[tilespmem:s31], [sflag:$0x4] =	stream.linear.gather [hbm4b:s11+s3], $0xC0, $0x38;
	[tilespmem:$0x1FB10] =	vst v63  }
.LBB2_5:
0xb3: {  	_ =	swait.ge [sflag:s22], $0x3000  }
0xb4: {  	[sflag:s22] =	ssyncset.done $0x0  }
0xb5: {  	[sflag:s22] =	ssyncadd.s32 $0xFFFFD000  }
0xb6: {  	_ =	swait.ge [sflag:s0], $0xC0  }
0xb7: {  	[sflag:s0] =	ssyncset.done $0x0  }
0xb8: {  	[sflag:s0] =	ssyncadd.s32 $0xFFFFFF40  }
0xb9: {  	_ =	swait.ge [sflag:s0], $0xC0  }
0xba: {  	s14 =	simm.s32 $0x0;
	[sflag:s0] =	ssyncset.done $0x0  }
0xbb: {  	s13 =	simm.s32 $0x1FB00;
	s11 =	rddreg [dreg:$0x9];
	[sflag:s0] =	ssyncadd.s32 $0xFFFFFF40  }
0xbc: {  	[tilespmem:s13], [sflag:$0x5] =	stream.linear.gather [hbm4b:s11+s14], $0x10, $0x38;
	[tilespmem:$0x1FB10] =	vst v63  }
0xbd: {  	_ =	swait.ge [sflag:s20], $0x10  }
0xbe: {  	[sflag:s20] =	ssyncset.done $0x0  }
0xbf: {  	[sflag:s20] =	ssyncadd.s32 $0xFFFFFFF0  }
0xc0: {  	v0 =	vld [tilespmem:$0x1FB00];
	_ =	sdelay $0x4  }
0xc1: {  	v0 =	vnsel vm0, $0x0, v0  }
0xc2: {  	(xrf0) =	vadd.scan.msk.s32 $0xffff, v0;
	_ =	sdelay $0x5  }
0xc3: {  	v0, _, _ =	vpop (xrf0)  }
0xc4: {  	(v2sf) =	vpush v0, $0xF;
	_ =	sdelay $0xe  }
0xc5: {  	s21 =	spop (v2sf)  }
0xc6: {  	s24 =	sadd.s32 $0xBF, s21  }
0xc7: {  	s15 =	smulhi.u32 $0x2AAAAAAB, s24;
	s16 =	sshra.s32 s24, $0x1F  }
0xc8: {  	s16 =	smul.u32 $0x2AAAAAAB, s16;
	_ =	sdelay $0x1  }
0xc9: {  	s15 =	sadd.s32 s16, s15  }
0xca: {  	s16 =	sshrl.u32 s15, $0x1F;
	s15 =	sshra.s32 s15, $0x5  }
0xcb: {  	s15 =	sadd.s32 s16, s15  }
0xcc: {  	s16 =	smul.u32 $0xFFFFFF40, s15  }
0xcd: {  	s11 =	ssub.s32 $0xFFFFFF41, s21  }
0xce: {  	p0 =	slt.s32 s24, $0x1;
	p1 =	sne.s32 s16, s11;
	s16 =	rddreg [dreg:$0xa]  }
0xcf: {  	[tilespmem:s23], [sflag:$0x3] =	stream.linear.gather [hbm4b:s16+s14], $0xC0, $0x38;
	[tilespmem:$0x1FB10] =	vst v63  }
0xd0: {  	p0 =	por !p0, !p1  }
0xd1: {  	s17 =	rddreg [dreg:$0xb];
	s11 =	simm.s32 $0x1;
	p0 =	por !p0, !p0  }
0xd2: {  	[tilespmem:s25], [sflag:$0x3] =	stream.linear.gather [hbm4b:s17+s14], $0xC0, $0x38;
	[tilespmem:$0x1FB10] =	vst v63  }
0xd3: {  	s11 =	simm.s32 @!p0 $0x0  }
0xd4: {  	_ =	swait.ge [sflag:s26], $0xC0;
	s11 =	ssub.s32 s15, s11  }
0xd5: {  	[sflag:s26] =	ssyncset.done $0x0;
	p0 =	sgt.s32 s11, $0x1;
	s13 =	smov.u32 s11  }
0xd6: {  	[sflag:s26] =	ssyncadd.s32 $0xFFFFFF40;
	s13 =	simm.s32 @!p0 $0x1  }
0xd7: {  	_ =	swait.ge [sflag:s26], $0xC0;
	s13 =	sadd.s32 $0xFFFFFFFF, s13  }
0xd8: {  	s15 =	simm.s32 $0x0;
	[sflag:s26] =	ssyncset.done $0x0;
	p0 =	seq.s32 s13, $0x0  }
0xd9: {  	[sflag:s26] =	ssyncadd.s32 $0xFFFFFF40;
	s15 =	simm.s32 @!p0 $0xC0  }
0xda: {  	[tilespmem:s29], [sflag:$0x1] =	stream.indirect.gather [hbm4b:s4+s28], $0x40, s23, s28, $0xb8;
	[tilespmem:$0x1FB10] =	vst v63  }
0xdb: {  	s19 =	sadd.s32 $0x1, s11;
	s15 =	sor.u32 s12, s15  }
0xdc: {  	s21 =	sand.u32 $0x1, s19;
	s15 =	sshrl.u32 s15, $0x3  }
0xdd: {  	p5 =	slt.s32 s11, $0x0;
	p6 =	seq.s32 s21, $0x1;
	s18 =	sadd.s32 s5, s15  }
0xde: {  	[tilespmem:s30], [sflag:$0x4] =	stream.linear.gather [hbm4b:s18+s14], $0xC0, $0x38;
	[tilespmem:$0x1FB10] =	vst v63  }
0xdf: {  	s24 =	sshrl.u32 s19, $0x1F;
	p0 =	por !p5, !p6;
	s15 =	sadd.s32 s6, s15  }
0xe0: {  	[tilespmem:s31], [sflag:$0x4] =	stream.linear.gather [hbm4b:s15+s14], $0xC0, $0x38;
	[tilespmem:$0x1FB10] =	vst v63  }
0xe1: {  	p0 =	por !p0, !p0;
	s14 =	sadd.s32 s24, s19;
	s15 =	simm.s32 $0x1  }
0xe2: {  	s14 =	sshra.s32 s14, $0x1;
	s15 =	simm.s32 @!p0 $0x0  }
0xe3: {  	s14 =	ssub.s32 s14, s15  }
0xe4: {  	p0 =	slt.s32 s14, $0x1  }
.Ltmp5:
0xe5: {  	_ = 	snop;
	(pc) =	sbr.rel @p0 .LBB2_9-.Ltmp5, $1  }
0xe6: {  	_ =	sdelay $0x3  }
0xe7: {  	s15 =	sadd.s32 $0xFFFFFFFF, s11  }
0xe8: {  	[dreg:$0x4] =	wrdreg s15  }
0xe9: {  	_ =	swait.ge [sflag:s0], $0xC0  }
0xea: {  	[sflag:s0] =	ssyncset.done $0x0  }
0xeb: {  	[sflag:s0] =	ssyncadd.s32 $0xFFFFFF40  }
0xec: {  	_ =	swait.ge [sflag:s0], $0xC0  }
0xed: {  	p0 =	slt.s32 s13, $0x2;
	s15 =	simm.s32 $0x2;
	[sflag:s0] =	ssyncset.done $0x0  }
0xee: {  	s15 =	smov.u32 @p0 s13;
	[sflag:s0] =	ssyncadd.s32 $0xFFFFFF40  }
0xef: {  	[tilespmem:s1], [sflag:$0x2] =	stream.indirect.gather [hbm4b:s4+s28], $0x40, s30, s28, $0xb8;
	[tilespmem:$0x1FB10] =	vst v63  }
0xf0: {  	p0 =	sle.s32 s11, $0x0;
	s15 =	smul.u32 $0xC0, s15;
	_ =	swait.ge [sflag:s22], $0x3000  }
0xf1: {  	s16 =	simm.s32 @!p0 $0x1F980;
	s17 =	simm.s32 @!p0 $0x5;
	[sflag:s22] =	ssyncset.done $0x0  }
0xf2: {  	s18 =	simm.s32 @!p0 $0x19800;
	s19 =	simm.s32 @!p0 $0xC0;
	[sflag:s22] =	ssyncadd.s32 $0xFFFFD000  }
0xf3: {  	[spmem:s2] =	stream.indirect.scatter.add.f32 @!p0 [tilespmem:s18], [sflag:$0x5], $0x40, s16, s19, $0xb8;
	[tilespmem:$0x1FB10] =	vst v63  }
0xf4: {  	s15 =	sadd.s32 s12, s15;
	_ =	swait.ge @!p0 [sflag:s17], $0x3000  }
0xf5: {  	s15 =	sshrl.u32 s15, $0x3;
	[sflag:s17] =	ssyncset.done @!p0 $0x0  }
0xf6: {  	s21 =	sadd.s32 s5, s15;
	[sflag:s17] =	ssyncadd.s32 @!p0 $0xFFFFD000  }
0xf7: {  	[tilespmem:s23], [sflag:$0x3] =	stream.linear.gather [hbm4b:s21+s3], $0xC0, $0x38;
	[tilespmem:$0x1FB10] =	vst v63  }
0xf8: {  	s15 =	sadd.s32 s6, s15  }
0xf9: {  	[tilespmem:s25], [sflag:$0x3] =	stream.linear.gather [hbm4b:s15+s3], $0xC0, $0x38;
	[tilespmem:$0x1FB10] =	vst v63  }
0xfa: {  	_ =	swait.ge [sflag:s26], $0xC0  }
0xfb: {  	[sflag:s26] =	ssyncset.done $0x0  }
0xfc: {  	[sflag:s26] =	ssyncadd.s32 $0xFFFFFF40  }
0xfd: {  	_ =	swait.ge [sflag:s26], $0xC0  }
0xfe: {  	s14 =	sadd.s32 $0xFFFFFFFF, s14;
	[sflag:s26] =	ssyncset.done $0x0  }
0xff: {  	s16 =	simm.s32 $0x3;
	p0 =	slt.s32 s13, $0x3;
	[sflag:s26] =	ssyncadd.s32 $0xFFFFFF40  }
0x100: {  	[tilespmem:s29], [sflag:$0x1] =	stream.indirect.gather [hbm4b:s4+s28], $0x40, s23, s28, $0xb8;
	[tilespmem:$0x1FB10] =	vst v63  }
0x101: {  	s16 =	smov.u32 @p0 s13;
	p0 =	sne.s32 s14, $0x0;
	_ =	swait.ge [sflag:s7], $0x3000  }
0x102: {  	s16 =	smul.u32 $0xC0, s16;
	s24 =	rddreg [dreg:$0x4];
	[sflag:s7] =	ssyncset.done $0x0  }
.Ltmp6:
0x103: {  	p1 =	sle.s32 s24, $0x0;
	[sflag:s7] =	ssyncadd.s32 $0xFFFFD000;
	(pc) =	sbr.rel @!p0 .LBB2_8-.Ltmp6, $4  }
0x104: {  	s15 =	simm.s32 @!p1 $0xC0;
	s17 =	simm.s32 @!p1 $0x1FA40;
	s18 =	simm.s32 @!p1 $0x1C800  }
0x105: {  	[spmem:s2] =	stream.indirect.scatter.add.f32 @!p1 [tilespmem:s18], [sflag:$0x5], $0x40, s17, s15, $0xb8;
	[tilespmem:$0x1FB10] =	vst v63  }
0x106: {  	s15 =	simm.s32 @!p1 $0x5  }
0x107: {  	s21 =	simm.s32 $0x2;
	s16 =	sadd.s32 s12, s16;
	_ =	swait.ge @!p1 [sflag:s15], $0x3000  }
.LBB2_7:
0x108: {  	[sflag:s15] =	ssyncset.done @!p1 $0x0;
	s16 =	sshrl.u32 s16, $0x3  }
0x109: {  	[sflag:s15] =	ssyncadd.s32 @!p1 $0xFFFFD000;
	s18 =	sadd.s32 s5, s16  }
0x10a: {  	[tilespmem:s30], [sflag:$0x4] =	stream.linear.gather [hbm4b:s18+s3], $0xC0, $0x38;
	[tilespmem:$0x1FB10] =	vst v63  }
0x10b: {  	s16 =	sadd.s32 s6, s16  }
0x10c: {  	[tilespmem:s31], [sflag:$0x4] =	stream.linear.gather [hbm4b:s16+s3], $0xC0, $0x38;
	[tilespmem:$0x1FB10] =	vst v63  }
0x10d: {  	_ =	swait.ge [sflag:s0], $0xC0  }
0x10e: {  	[sflag:s0] =	ssyncset.done $0x0  }
0x10f: {  	[sflag:s0] =	ssyncadd.s32 $0xFFFFFF40  }
0x110: {  	s15 =	smov.u32 s21;
	s21 =	sadd.s32 $0x2, s21;
	_ =	swait.ge [sflag:s0], $0xC0  }
0x111: {  	p1 =	slt.s32 s13, s21;
	s16 =	smov.u32 s21;
	[sflag:s0] =	ssyncset.done $0x0  }
0x112: {  	s16 =	smov.u32 @p1 s13;
	[sflag:s0] =	ssyncadd.s32 $0xFFFFFF40  }
0x113: {  	[tilespmem:s1], [sflag:$0x2] =	stream.indirect.gather [hbm4b:s4+s28], $0x40, s30, s28, $0xb8;
	[tilespmem:$0x1FB10] =	vst v63  }
0x114: {  	p1 =	sge.s32 s15, s11;
	s16 =	smul.u32 $0xC0, s16;
	_ =	swait.ge [sflag:s22], $0x3000  }
0x115: {  	s17 =	simm.s32 @!p1 $0x1F980;
	s18 =	simm.s32 @!p1 $0x5;
	[sflag:s22] =	ssyncset.done $0x0  }
0x116: {  	s19 =	simm.s32 @!p1 $0x19800;
	s24 =	simm.s32 @!p1 $0xC0;
	[sflag:s22] =	ssyncadd.s32 $0xFFFFD000  }
0x117: {  	[spmem:s2] =	stream.indirect.scatter.add.f32 @!p1 [tilespmem:s19], [sflag:$0x5], $0x40, s17, s24, $0xb8;
	[tilespmem:$0x1FB10] =	vst v63  }
0x118: {  	s16 =	sadd.s32 s12, s16;
	_ =	swait.ge @!p1 [sflag:s18], $0x3000  }
0x119: {  	s16 =	sshrl.u32 s16, $0x3;
	[sflag:s18] =	ssyncset.done @!p1 $0x0  }
0x11a: {  	s19 =	sadd.s32 s5, s16;
	[sflag:s18] =	ssyncadd.s32 @!p1 $0xFFFFD000  }
0x11b: {  	[tilespmem:s23], [sflag:$0x3] =	stream.linear.gather [hbm4b:s19+s3], $0xC0, $0x38;
	[tilespmem:$0x1FB10] =	vst v63  }
0x11c: {  	s16 =	sadd.s32 s6, s16  }
0x11d: {  	[tilespmem:s25], [sflag:$0x3] =	stream.linear.gather [hbm4b:s16+s3], $0xC0, $0x38;
	[tilespmem:$0x1FB10] =	vst v63  }
0x11e: {  	_ =	swait.ge [sflag:s26], $0xC0  }
0x11f: {  	[sflag:s26] =	ssyncset.done $0x0  }
0x120: {  	[sflag:s26] =	ssyncadd.s32 $0xFFFFFF40  }
0x121: {  	_ =	swait.ge [sflag:s26], $0xC0  }
0x122: {  	[sflag:s26] =	ssyncset.done $0x0  }
0x123: {  	s17 =	sadd.s32 $0x3, s15;
	[sflag:s26] =	ssyncadd.s32 $0xFFFFFF40  }
0x124: {  	[tilespmem:s29], [sflag:$0x1] =	stream.indirect.gather [hbm4b:s4+s28], $0x40, s23, s28, $0xb8;
	[tilespmem:$0x1FB10] =	vst v63  }
0x125: {  	s14 =	sadd.s32 $0xFFFFFFFF, s14;
	p2 =	slt.s32 s13, s17;
	_ =	swait.ge [sflag:s7], $0x3000  }
0x126: {  	p0 =	sne.s32 s14, $0x0;
	s17 =	smov.u32 @p2 s13;
	s24 =	rddreg [dreg:$0x4]  }
.Ltmp7:
0x127: {  	[sflag:s7] =	ssyncset.done $0x0;
	p1 =	sge.s32 s15, s24;
	(pc) =	sbr.rel @p0 .LBB2_7-.Ltmp7, $4  }
0x128: {  	s17 =	smul.u32 $0xC0, s17;
	[sflag:s7] =	ssyncadd.s32 $0xFFFFD000;
	s16 =	simm.s32 @!p1 $0xC0  }
0x129: {  	s18 =	simm.s32 @!p1 $0x1FA40;
	s19 =	simm.s32 @!p1 $0x1C800;
	s15 =	simm.s32 @!p1 $0x5  }
0x12a: {  	[spmem:s2] =	stream.indirect.scatter.add.f32 @!p1 [tilespmem:s19], [sflag:$0x5], $0x40, s18, s16, $0xb8;
	[tilespmem:$0x1FB10] =	vst v63  }
0x12b: {  	s16 =	sadd.s32 s12, s17;
	_ =	swait.ge @!p1 [sflag:s15], $0x3000  }
.Ltmp8:
0x12c: {  	_ = 	snop;
	(pc) =	sbr.rel .LBB2_8-.Ltmp8, $1  }
0x12d: {  	_ =	sdelay $0x3  }
.LBB2_10:
0x12e: {  	_ =	sfence.sel $0x180000  }
0x12f: {  	[bflag:$0x0] =	sbarrier.arrive $0xFFFF  }
0x130: {  	_ =	strace $0x9000004D  }
0x131: {  	s0 =	stileid.u32;
	[bflag:$0x2] =	sbarrier.arrive $0xFFFF  }
0x132: {  	p0 =	sne.s32 s0, $0x0;
	s0 =	rddreg [dreg:$0x2]  }
0x133: {  	s0 =	sadd.s32 @!p0 $0x100000, s0  }
0x134: {  	[sflag:s0] =	ssyncadd.tile.s32 @!p0 $0x1;
	_ =	shalt  }
.Lfunc_end2:
_tile_overlayer_lowered:
.L_overlay_start_2:
0x135: {  	(tag) =	ssettag $0x2  }
0x136: {  	s0 =	rddreg [dreg:$0x0];
	s2 =	stileid.u32  }
0x137: {  	s1 =	rddreg [dreg:$0x1];
	p0 =	sne.s32 s2, $0x0  }
0x138: {  	s3 =	rddreg [dreg:$0x2];
	[bflag:$0x3] =	sbarrier.arrive $0xFFFF;
	s2 =	simm.s32 @!p0 $0x1C05  }
0x139: {  	[timem:s3], [sflag:s2] =	dma.local @!p0 [hbm:s0], s1  }
0x13a: {  	s0 =	simm.s32 @!p0 $0x5  }
0x13b: {  	_ =	swait.ge @!p0 [sflag:s0], s1  }
0x13c: {  	s1 =	ssub.s32 @!p0 $0x0, s1;
	[sflag:s0] =	ssyncset.done @!p0 $0x0  }
0x13d: {  	[sflag:s0] =	ssyncadd.s32 @!p0 s1  }
0x13e: {  	[bflag:$0x3] =	sbarrier.arrive $0xFFFF  }
0x13f: {  	_ =	shalt  }

// kernel: kernel.23.cloned.1.call-start
scs
__scs_entry_jumppad:
0x0: {  	(pc) =	sbr.rel $0x88, $3  }
0x1: {  	(tag) =	ssettag $0x0;
	lr =	simm.s32 $0x1  }
0x2: {  	[smem:$0x3F93] =	sst lr;
	_ =	strace $0xD0000000  }
0x3: {  	_ = 	snop  }
0x4: {  	_ = 	snop  }
0x5: {  	_ = 	snop  }
0x6: {  	_ = 	snop  }
0x7: {  	_ = 	snop  }
__scs_overlays_trampoline_lowered:
0x8: {  	[smem:$0x3FA2] =	sst s0  }
0x9: {  	[smem:$0x3FA3] =	sst s1  }
0xa: {  	[smem:$0x3FA4] =	sst s2  }
0xb: {  	[smem:$0x3FA5] =	sst s3  }
0xc: {  	[smem:$0x3FA6] =	sst s4  }
0xd: {  	[smem:$0x3FA7] =	sst s5  }
0xe: {  	[smem:$0x3FA8] =	sst s6  }
0xf: {  	[smem:$0x3FA9] =	sst s7  }
0x10: {  	[smem:$0x3FAA] =	sst s8  }
0x11: {  	[smem:$0x3FAB] =	sst s9;
	s0 =	simm.s32 @!p0 $0x0  }
0x12: {  	s1 =	sld [smem:$0x3F91];
	s0 =	simm.s32 @p0 $0x1  }
0x13: {  	[smem:$0x3FAC] =	sst s0;
	s0 =	simm.s32 @!p1 $0x0  }
0x14: {  	s2 =	sld [smem:$0x3F90];
	s0 =	simm.s32 @p1 $0x1  }
0x15: {  	[smem:$0x3FAD] =	sst s0;
	s0 =	simm.s32 @!p2 $0x0  }
0x16: {  	s3 =	sld [smem:$0x3FDB];
	s0 =	simm.s32 @p2 $0x1  }
0x17: {  	s4 =	simm.s32 $0x1BF5;
	[smem:$0x3FAF] =	sst s0  }
0x18: {  	s0 =	sld [smem:$0x3F92];
	_ =	swait.ge [sflag:s4], $0x0  }
0x19: {  	s7 =	sld [smem:$0x3F93]  }
0x1a: {  	s8 =	sadd.s32 $0xFFFFE003, lr  }
0x1b: {  	s9 =	sadd.s32 $0xFFFFFEF7, lr;
	s5 =	simm.s32 $0xFFFFFFFF;
	p2 =	slt.u32 s8, $0xFFFFF086  }
0x1c: {  	p1 =	slt.u32 s9, $0xF7A;
	s5 =	simm.s32 @!p2 $0x0  }
0x1d: {  	s5 =	simm.s32 @p1 $0x1;
	p0 =	seq.s32 s7, s2  }
0x1e: {  	s7 =	smul.u32 @!p0 $0xF7A, s2;
	p2 =	seq.s32 @!p0 s5, $0x0  }
0x1f: {  	s9 =	smul.u32 $0xF7A, s1;
	s8 =	simm.s32 @!p0 $0x1BF5;
	p2 =	por !p2, p0  }
0x20: {  	[sflag:s8] =	ssyncset.s32 @!p0 $0xFFFFF086;
	s6 =	sadd.s32 @!p0 s3, s7;
	s7 =	simm.s32 @!p0 $0x108  }
0x21: {  	s3 =	sadd.s32 s3, s9;
	s6 =	sadd.s32 @!p0 $0x88, s6;
	s7 =	simm.s32 @p2 $0x1082  }
0x22: {  	[simem:s7], [sflag:s8] =	dma.local @!p0 [hbm:s6], $0xF7A  }
0x23: {  	s9 =	sor.u32 $0xD0000000, s2;
	s6 =	simm.s32 $0x108;
	_ =	swait.ge @!p0 [sflag:s8], $0x0  }
0x24: {  	s3 =	sadd.s32 $0x88, s3;
	s6 =	simm.s32 @!p1 $0x1082;
	[sflag:s4] =	ssyncset.s32 $0xFFFFF086  }
0x25: {  	[simem:s6], [sflag:s4] =	dma.local [hbm:s3], $0xF7A  }
0x26: {  	[smem:$0x3F93] =	sst s1;
	(tag) =	ssettag s2;
	_ =	strace s9  }
0x27: {  	s1 =	sld [smem:$0x3FA3]  }
0x28: {  	s2 =	sld [smem:$0x3FA4]  }
0x29: {  	s4 =	sld [smem:$0x3FA6]  }
0x2a: {  	p0 =	seq.s32 s5, $0x0;
	s5 =	sld [smem:$0x3FA7]  }
0x2b: {  	s6 =	sld [smem:$0x3FA8]  }
0x2c: {  	s7 =	sld [smem:$0x3FA9]  }
0x2d: {  	s3 =	simm.s32 $0x108;
	s8 =	sld [smem:$0x3FAA]  }
0x2e: {  	s3 =	simm.s32 @!p0 $0x1082;
	s9 =	sld [smem:$0x3FAB]  }
0x2f: {  	lr =	sadd.s32 s0, s3;
	s0 =	sld [smem:$0x3FA2]  }
0x30: {  	s3 =	sld [smem:$0x3FA5]  }
0x31: {  	[smem:$0x3FAE] =	sst s10  }
0x32: {  	s10 =	sld [smem:$0x3FAC];
	_ =	sdelay $0x3  }
0x33: {  	p0 =	seq.s32 s10, $0x1;
	s10 =	sld [smem:$0x3FAE];
	_ =	sdelay $0x3  }
0x34: {  	[smem:$0x3FAE] =	sst s10  }
0x35: {  	s10 =	sld [smem:$0x3FAD];
	_ =	sdelay $0x3  }
0x36: {  	p1 =	seq.s32 s10, $0x1;
	s10 =	sld [smem:$0x3FAE];
	_ =	sdelay $0x3  }
0x37: {  	[smem:$0x3FAE] =	sst s10  }
0x38: {  	s10 =	sld [smem:$0x3FAF]  }
0x39: {  	_ = 	snop;
	(pc) =	sbr.ind lr, $3  }
0x3a: {  	_ = 	snop  }
0x3b: {  	_ = 	snop  }
0x3c: {  	p2 =	seq.s32 s10, $0x1;
	s10 =	sld [smem:$0x3FAE]  }
0x3d: {  	_ =	shalt  }
0x3e: {  	_ =	shalt  }
0x3f: {  	_ =	shalt  }
0x40: {  	_ =	shalt  }
0x41: {  	_ =	shalt  }
0x42: {  	_ =	shalt  }
0x43: {  	_ =	shalt  }
0x44: {  	_ =	shalt  }
0x45: {  	_ =	shalt  }
0x46: {  	_ =	shalt  }
0x47: {  	_ =	shalt  }
0x48: {  	_ =	shalt  }
0x49: {  	_ =	shalt  }
0x4a: {  	_ =	shalt  }
0x4b: {  	_ =	shalt  }
0x4c: {  	_ =	shalt  }
0x4d: {  	_ =	shalt  }
0x4e: {  	_ =	shalt  }
0x4f: {  	_ =	shalt  }
0x50: {  	_ =	shalt  }
0x51: {  	_ =	shalt  }
0x52: {  	_ =	shalt  }
0x53: {  	_ =	shalt  }
0x54: {  	_ =	shalt  }
0x55: {  	_ =	shalt  }
0x56: {  	_ =	shalt  }
0x57: {  	_ =	shalt  }
0x58: {  	_ =	shalt  }
0x59: {  	_ =	shalt  }
0x5a: {  	_ =	shalt  }
0x5b: {  	_ =	shalt  }
0x5c: {  	_ =	shalt  }
0x5d: {  	_ =	shalt  }
0x5e: {  	_ =	shalt  }
0x5f: {  	_ =	shalt  }
0x60: {  	_ =	shalt  }
0x61: {  	_ =	shalt  }
0x62: {  	_ =	shalt  }
0x63: {  	_ =	shalt  }
0x64: {  	_ =	shalt  }
0x65: {  	_ =	shalt  }
0x66: {  	_ =	shalt  }
0x67: {  	_ =	shalt  }
0x68: {  	_ =	shalt  }
0x69: {  	_ =	shalt  }
0x6a: {  	_ =	shalt  }
0x6b: {  	_ =	shalt  }
0x6c: {  	_ =	shalt  }
0x6d: {  	_ =	shalt  }
0x6e: {  	_ =	shalt  }
0x6f: {  	_ =	shalt  }
0x70: {  	_ =	shalt  }
0x71: {  	_ =	shalt  }
0x72: {  	_ =	shalt  }
0x73: {  	_ =	shalt  }
0x74: {  	_ =	shalt  }
0x75: {  	_ =	shalt  }
0x76: {  	_ =	shalt  }
0x77: {  	_ =	shalt  }
0x78: {  	_ =	shalt  }
0x79: {  	_ =	shalt  }
0x7a: {  	_ =	shalt  }
0x7b: {  	_ =	shalt  }
0x7c: {  	_ =	shalt  }
0x7d: {  	_ =	shalt  }
0x7e: {  	_ =	shalt  }
0x7f: {  	_ =	shalt  }
0x80: {  	_ =	shalt  }
0x81: {  	_ =	shalt  }
0x82: {  	_ =	shalt  }
0x83: {  	_ =	shalt  }
0x84: {  	_ =	shalt  }
0x85: {  	_ =	shalt  }
0x86: {  	_ =	shalt  }
0x87: {  	_ =	shalt  }
.Lfunc_end0:
.L_simem_size_0:
called_computation.3_lowered:
.L_overlay_start_0:
0x88: {  	s2 =	sld [smem:$0x3FD9]  }
0x89: {  	s3 =	sld [smem:$0x3FFE];
	_ =	sdelay $0x1  }
0x8a: {  	s1 =	srdreg.scid  }
0x8b: {  	s0 =	sand.u32 $0x1, s1  }
0x8c: {  	s16 =	sshll.u32 s0, $0xA;
	s2 =	sadd.s32 s3, s2  }
0x8d: {  	s2 =	sadd.s32 s2, s16  }
0x8e: {  	[smem:$0x3FBA] =	sst s2  }
0x8f: {  	_ = 	snop  }
0x90: {  	(tm) =	ssettm $0x1  }
0x91: {  	s17 =	sld [smem:$0x3FFB];
	_ =	sdelay $0x3  }
0x92: {  	_ =	strace s17  }
0x93: {  	s2 =	sld [smem:$0x3FFC];
	_ =	sdelay $0x3  }
0x94: {  	_ =	strace s2  }
0x95: {  	s2 =	sld [smem:$0x3FFD];
	_ =	sdelay $0x3  }
0x96: {  	_ =	strace s2  }
0x97: {  	_ =	strace $0x8FFFFFFF  }
0x98: {  	s18 =	sld [smem:$0x3FDB];
	_ =	sdelay $0x1  }
0x99: {  	s19 =	simm.s32 $_scs_section_size  }
0x9a: {  	s4 =	simm.s32 $_size__tile_overlayer_lowered;
	s5 =	simm.s32 $_tile_overlayer_lowered  }
0x9b: {  	s22 =	simm.s32 $0x1BFF;
	s21 =	sshll.u32 s5, $0x1;
	s2 =	sadd.s32 s19, s18  }
0x9c: {  	s6 =	simm.s32 $0x0;
	s20 =	sshll.u32 s4, $0x1;
	s4 =	sadd.s32 s21, s2  }
0x9d: {  	[timem:s6], [sflag:s22] =	dma.local [hbm:s4], s20  }
0x9e: {  	_ =	swait.ge [sflag:s22], s20  }
0x9f: {  	s3 =	ssub.s32 $0x0, s20;
	[sflag:s22] =	ssyncset.done $0x0  }
0xa0: {  	[sflag:s22] =	ssyncadd.s32 s3;
	_ =	sdelay $0x1  }
0xa1: {  	s23 =	simm.s32 $0x1B8B  }
0xa2: {  	_ =	swait.ge [sflag:s23], $0x1  }
0xa3: {  	[sflag:s23] =	ssyncset.done $0x0  }
0xa4: {  	s25 =	simm.s32 $0x1B8E;
	s24 =	sld [smem:$0x3FFE];
	[sflag:s23] =	ssyncadd.s32 $0xFFFFFFFF  }
0xa5: {  	s26 =	simm.s32 $execute0_lowered;
	[smem:$0x3FD2] =	sst s25  }
0xa6: {  	s4 =	sshll.u32 s26, $0x1;
	_ =	strace $0x8000004F;
	[dreg:$0x1] =	wrdreg $0xFFFFFFFF  }
0xa7: {  	s28 =	simm.s32 $_size_execute0_lowered;
	s2 =	sadd.s32 s2, s4;
	[dreg:$0x0] =	wrdreg $0x0  }
0xa8: {  	s4 =	sshll.u32 s28, $0x1;
	[dreg:$0x2] =	wrdreg s2  }
0xa9: {  	[dreg:$0x3] =	wrdreg s4  }
0xaa: {  	[dreg:$0x4] =	wrdreg $0xC0  }
0xab: {  	_ =	task [dreg:s6], $0x5FFFF  }
0xac: {  	[dreg:$0x1] =	wrdreg $0xFFFFFFFF  }
0xad: {  	[dreg:$0x0] =	wrdreg $0x60  }
0xae: {  	[dreg:$0x2] =	wrdreg s24  }
0xaf: {  	[dreg:$0x3] =	wrdreg $0x0  }
0xb0: {  	[dreg:$0x4] =	wrdreg $0x9  }
0xb1: {  	_ =	task.clear_ibuf [dreg:s6], $0x5FFFF;
	_ =	strace $0x9000004F  }
0xb2: {  	s29 =	simm.s32 $0x9;
	_ =	strace $0x80000051  }
0xb3: {  	_ =	swait.ge [sflag:s29], $0x1  }
0xb4: {  	[sflag:s29] =	ssyncadd.s32 $0xFFFFFFFF  }
0xb5: {  	_ =	strace $0x90000051  }
0xb6: {  	_ =	sfence  }
0xb7: {  	s30 =	sld [smem:$0x0];
	_ =	sdelay $0x2  }
0xb8: {  	s31 =	sshll.u32 s1, $0xD;
	s1 =	sshrl.u32 s1, $0x2  }
0xb9: {  	s3 =	sand.u32 $0x4000, s31;
	s1 =	sadd.s32 s1, s30  }
0xba: {  	s0 =	sor.u32 s3, s0;
	s1 =	sshll.u32 s1, $0x11  }
0xbb: {  	s0 =	sor.u32 s1, s0  }
0xbc: {  	s0 =	sadd.s32 $0x8F2B, s0  }
0xbd: {  	[sflag:s0] =	ssyncadd.remote.s32 $0x1  }
0xbe: {  	_ =	sfence.sel $0xFFFF  }
0xbf: {  	[dreg:$0x0] =	wrdreg $0xFFFFFFFF;
	(pc) =	sbr.abs _section_cstart, $3  }
0xc0: {  	[dreg:$0x1] =	wrdreg $0xFFFFFFFF  }
0xc1: {  	_ =	task.clear_ibuf [dreg:s6], $0x2FFFF;
	_ =	strace $0x9FFFFFFF  }
0xc2: {  	(tm) =	ssettm $0x7FFFFFFF  }
0xc3: {  	_ =	shalt  }
tec
execute0_lowered:
.L_overlay_start_1:
0x0: {  	(tag) =	ssettag $0x1  }
0x1: {  	s0 =	rddreg [dreg:$0x0]  }
0x2: {  	s2 =	rddreg [dreg:$0x1]  }
0x3: {  	s3 =	simm.s32 $0x0;
	s17 =	stileid.u32;
	s1 =	srdreg.scid  }
0x4: {  	s28 =	simm.s32 $0xC0;
	s29 =	simm.s32 $0x19800;
	s30 =	simm.s32 $0x1F8C0  }
0x5: {  	s31 =	simm.s32 $0x1FA40;
	[smem:$0x7FF] =	sst s3;
	s7 =	smul.u32 $0x19800, s17  }
0x6: {  	s1 =	sand.u32 $0x1, s1;
	s4 =	sadd.s32 $0x5FA400, s0;
	s10 =	smul.u32 $0x3100, s17  }
0x7: {  	s5 =	sadd.s32 $0x37400, s0;
	s6 =	sadd.s32 $0x5400, s0;
	s13 =	smul.u32 $0x19000, s17  }
0x8: {  	s11 =	sadd.s32 $0x69400, s0;
	s14 =	sshllo.u32 s17, $0x1;
	s23 =	smul.u32 $0x62000, s17  }
0x9: {  	s18 =	sshll.u32 s17, $0x6;
	s15 =	sshll.u32 s17, $0x2;
	s8 =	smul.u32 $0x31000, s1  }
0xa: {  	_ =	strace $0x80000050;
	s12 =	ssub.s32 $0x2, s1;
	s26 =	smul.u32 $0x6400, s1  }
0xb: {  	s19 =	smul.u32 $0xC800, s14;
	s15 =	sadd.s32 s11, s15;
	s21 =	sshll.u32 s14, $0x1  }
0xc: {  	v0 =	vmov s1;
	s1 =	simm.s32 $0x1C800;
	s9 =	sshrl.u32 s7, $0x3;
	s25 =	sshrl.u32 s12, $0x1  }
0xd: {  	s7 =	sadd.s32 s7, s2;
	[dreg:$0x6] =	wrdreg s15;
	s11 =	sadd.s32 s11, s21  }
0xe: {  	s9 =	sadd.s32 s9, s0;
	s8 =	sadd.s32 s10, s8;
	s10 =	ssub.s32 s12, s25  }
0xf: {  	s12 =	sadd.s32 s26, s19;
	[dreg:$0x9] =	wrdreg s11;
	s7 =	sshrl.u32 s7, $0x3  }
0x10: {  	s0 =	sadd.s32 s8, s0;
	s16 =	sadd.s32 $0x69600, s9;
	s8 =	sadd.s32 s26, s13  }
0x11: {  	s9 =	sor.u32 $0x1C05, s18;
	s22 =	sshrl.u32 s12, $0x3;
	s26 =	sshrl.u32 s23, $0x2  }
0x12: {  	s10 =	smax.u32 s10, $0x1;
	[dreg:$0xe] =	wrdreg s7;
	s23 =	simm.s32 $0x1F800  }
0x13: {  	s7 =	simm.s32 $0x2;
	[dreg:$0x5] =	wrdreg s16;
	s16 =	sshrl.u32 s8, $0x3  }
0x14: {  	s24 =	sadd.s32 s5, s22;
	s25 =	sadd.s32 s6, s22;
	[dreg:$0xd] =	wrdreg s10  }
0x15: {  	s0 =	sadd.s32 $0x9E400, s0;
	s22 =	simm.s32 $0x1;
	[dreg:$0xa] =	wrdreg s24  }
.Ltmp0:
0x16: {  	s10 =	simm.s32 $0x0;
	[dreg:$0xb] =	wrdreg s25;
	(pc) =	sbr.rel .LBB2_1-.Ltmp0, $4  }
0x17: {  	s20 =	sadd.s32 s5, s16;
	s16 =	sadd.s32 s6, s16;
	[dreg:$0xc] =	wrdreg s0  }
0x18: {  	s0 =	sadd.s32 s26, s2;
	s25 =	simm.s32 $0x1F980;
	[dreg:$0x7] =	wrdreg s20  }
0x19: {  	v1 =	vlaneseq.u32;
	s26 =	simm.s32 $0x3;
	[dreg:$0x8] =	wrdreg s16;
	s0 =	sshrl.u32 s0, $0x3  }
0x1a: {  	vm0 =	veq.s32 v0, v1;
	s20 =	simm.s32 $0x5;
	[dreg:$0xf] =	wrdreg s0;
	s0 =	simm.s32 $0x4  }
.LBB2_8:
0x1b: {  	[sflag:s15] =	ssyncset.done @!p1 $0x0;
	s11 =	sshrl.u32 s16, $0x3  }
0x1c: {  	[sflag:s15] =	ssyncadd.s32 @!p1 $0xFFFFD000;
	s13 =	sadd.s32 s5, s11  }
0x1d: {  	[tilespmem:s30], [sflag:$0x4] =	stream.linear.gather [hbm4b:s13+s3], $0xC0, $0x38;
	[tilespmem:$0x1FB10] =	vst v63  }
0x1e: {  	s11 =	sadd.s32 s6, s11  }
0x1f: {  	[tilespmem:s31], [sflag:$0x4] =	stream.linear.gather [hbm4b:s11+s3], $0xC0, $0x38;
	[tilespmem:$0x1FB10] =	vst v63  }
.LBB2_9:
0x20: {  	_ =	swait.ge [sflag:s22], $0x3000  }
0x21: {  	[sflag:s22] =	ssyncset.done $0x0  }
0x22: {  	[sflag:s22] =	ssyncadd.s32 $0xFFFFD000  }
0x23: {  	_ =	swait.ge [sflag:s0], $0xC0  }
0x24: {  	[sflag:s0] =	ssyncset.done $0x0  }
0x25: {  	[sflag:s0] =	ssyncadd.s32 $0xFFFFFF40  }
0x26: {  	_ =	swait.ge [sflag:s0], $0xC0  }
0x27: {  	[sflag:s0] =	ssyncset.done $0x0  }
0x28: {  	[sflag:s0] =	ssyncadd.s32 $0xFFFFFF40  }
0x29: {  	[bflag:$0x0] =	sbarrier.arrive $0xFFFF  }
0x2a: {  	s11 =	rddreg [dreg:$0xc]  }
0x2b: {  	s13 =	rddreg [dreg:$0xf]  }
0x2c: {  	[hbm:s11], [sflag:s9] =	dma.local [spmem:s13], $0x3100  }
0x2d: {  	_ =	swait.ge [sflag:s20], $0x3100  }
0x2e: {  	s10 =	sadd.s32 $0x1, s10;
	s24 =	rddreg [dreg:$0xd]  }
0x2f: {  	p0 =	sne.s32 s10, s24  }
.Ltmp1:
0x30: {  	_ = 	snop;
	(pc) =	sbr.rel @!p0 .LBB2_10-.Ltmp1, $3  }
0x31: {  	_ =	sdelay $0x1  }
0x32: {  	[sflag:s20] =	ssyncset.done $0x0  }
0x33: {  	[sflag:s20] =	ssyncadd.s32 $0xFFFFCF00  }
.LBB2_1:
0x34: {  	s11 =	rddreg [dreg:$0x5]  }
0x35: {  	s13 =	rddreg [dreg:$0xe]  }
0x36: {  	[spmem:s13], [sflag:s9] =	dma.local [hbm:s11], $0x3300  }
0x37: {  	_ =	swait.ge [sflag:s20], $0x3300  }
0x38: {  	[sflag:s20] =	ssyncset.done $0x0  }
0x39: {  	[sflag:s20] =	ssyncadd.s32 $0xFFFFCD00  }
0x3a: {  	[bflag:$0x0] =	sbarrier.arrive $0xFFFF  }
0x3b: {  	s19 =	simm.s32 $0x1FB00;
	s18 =	rddreg [dreg:$0x6]  }
0x3c: {  	[tilespmem:s19], [sflag:$0x5] =	stream.linear.gather [hbm4b:s18+s3], $0x10, $0x38;
	[tilespmem:$0x1FB10] =	vst v63  }
0x3d: {  	_ =	swait.ge [sflag:s20], $0x10  }
0x3e: {  	[sflag:s20] =	ssyncset.done $0x0  }
0x3f: {  	[sflag:s20] =	ssyncadd.s32 $0xFFFFFFF0  }
0x40: {  	v0 =	vld [tilespmem:$0x1FB00];
	_ =	sdelay $0x4  }
0x41: {  	v0 =	vnsel vm0, $0x0, v0  }
0x42: {  	(xrf0) =	vadd.scan.msk.s32 $0xffff, v0;
	_ =	sdelay $0x5  }
0x43: {  	v0, _, _ =	vpop (xrf0)  }
0x44: {  	(v2sf) =	vpush v0, $0xF;
	_ =	sdelay $0xa  }
0x45: {  	s16 =	rddreg [dreg:$0x7]  }
0x46: {  	[tilespmem:s23], [sflag:$0x3] =	stream.linear.gather [hbm4b:s16+s3], $0xC0, $0x38;
	[tilespmem:$0x1FB10] =	vst v63  }
0x47: {  	s17 =	rddreg [dreg:$0x8]  }
0x48: {  	[tilespmem:s25], [sflag:$0x3] =	stream.linear.gather [hbm4b:s17+s3], $0xC0, $0x38;
	[tilespmem:$0x1FB10] =	vst v63  }
0x49: {  	s21 =	spop (v2sf)  }
0x4a: {  	s24 =	sadd.s32 $0xBF, s21  }
0x4b: {  	s14 =	smulhi.u32 $0x2AAAAAAB, s24;
	s15 =	sshra.s32 s24, $0x1F  }
0x4c: {  	_ =	swait.ge [sflag:s26], $0xC0;
	s15 =	smul.u32 $0x2AAAAAAB, s15  }
0x4d: {  	[sflag:s26] =	ssyncset.done $0x0  }
0x4e: {  	[sflag:s26] =	ssyncadd.s32 $0xFFFFFF40;
	s14 =	sadd.s32 s15, s14  }
0x4f: {  	_ =	swait.ge [sflag:s26], $0xC0;
	s15 =	sshrl.u32 s14, $0x1F;
	s14 =	sshra.s32 s14, $0x5  }
0x50: {  	[sflag:s26] =	ssyncset.done $0x0;
	s14 =	sadd.s32 s15, s14  }
0x51: {  	s11 =	ssub.s32 $0xFFFFFF41, s21;
	[sflag:s26] =	ssyncadd.s32 $0xFFFFFF40;
	s15 =	smul.u32 $0xFFFFFF40, s14  }
0x52: {  	[tilespmem:s29], [sflag:$0x1] =	stream.indirect.gather [hbm4b:s4+s28], $0x40, s23, s28, $0xb8;
	[tilespmem:$0x1FB10] =	vst v63  }
0x53: {  	p0 =	slt.s32 s24, $0x1;
	p1 =	sne.s32 s15, s11  }
0x54: {  	p0 =	por !p0, !p1  }
0x55: {  	s11 =	simm.s32 $0x1;
	p0 =	por !p0, !p0  }
0x56: {  	s11 =	simm.s32 @!p0 $0x0  }
0x57: {  	s11 =	ssub.s32 s14, s11  }
0x58: {  	p0 =	sgt.s32 s11, $0x1;
	s13 =	smov.u32 s11  }
0x59: {  	s13 =	simm.s32 @!p0 $0x1  }
0x5a: {  	s13 =	sadd.s32 $0xFFFFFFFF, s13  }
0x5b: {  	s14 =	simm.s32 $0x0;
	p0 =	seq.s32 s13, $0x0  }
0x5c: {  	s14 =	simm.s32 @!p0 $0xC0  }
0x5d: {  	s19 =	sadd.s32 $0x1, s11;
	s14 =	sor.u32 s8, s14  }
0x5e: {  	s21 =	sand.u32 $0x1, s19;
	s14 =	sshrl.u32 s14, $0x3  }
0x5f: {  	p5 =	slt.s32 s11, $0x0;
	p6 =	seq.s32 s21, $0x1;
	s18 =	sadd.s32 s5, s14  }
0x60: {  	[tilespmem:s30], [sflag:$0x4] =	stream.linear.gather [hbm4b:s18+s3], $0xC0, $0x38;
	[tilespmem:$0x1FB10] =	vst v63  }
0x61: {  	s24 =	sshrl.u32 s19, $0x1F;
	p0 =	por !p5, !p6;
	s14 =	sadd.s32 s6, s14  }
0x62: {  	[tilespmem:s31], [sflag:$0x4] =	stream.linear.gather [hbm4b:s14+s3], $0xC0, $0x38;
	[tilespmem:$0x1FB10] =	vst v63  }
0x63: {  	s15 =	simm.s32 $0x1;
	p0 =	por !p0, !p0;
	s14 =	sadd.s32 s24, s19  }
0x64: {  	s15 =	simm.s32 @!p0 $0x0;
	s14 =	sshra.s32 s14, $0x1  }
0x65: {  	s14 =	ssub.s32 s14, s15  }
0x66: {  	p0 =	slt.s32 s14, $0x1  }
.Ltmp2:
0x67: {  	_ = 	snop;
	(pc) =	sbr.rel @p0 .LBB2_5-.Ltmp2, $1  }
0x68: {  	_ =	sdelay $0x3  }
0x69: {  	s15 =	sadd.s32 $0xFFFFFFFF, s11  }
0x6a: {  	[dreg:$0x3] =	wrdreg s15  }
0x6b: {  	_ =	swait.ge [sflag:s0], $0xC0  }
0x6c: {  	[sflag:s0] =	ssyncset.done $0x0  }
0x6d: {  	[sflag:s0] =	ssyncadd.s32 $0xFFFFFF40  }
0x6e: {  	_ =	swait.ge [sflag:s0], $0xC0  }
0x6f: {  	p0 =	slt.s32 s13, $0x2;
	s15 =	simm.s32 $0x2;
	[sflag:s0] =	ssyncset.done $0x0  }
0x70: {  	s15 =	smov.u32 @p0 s13;
	[sflag:s0] =	ssyncadd.s32 $0xFFFFFF40  }
0x71: {  	[tilespmem:s1], [sflag:$0x2] =	stream.indirect.gather [hbm4b:s4+s28], $0x40, s30, s28, $0xb8;
	[tilespmem:$0x1FB10] =	vst v63  }
0x72: {  	p0 =	sle.s32 s11, $0x0;
	s15 =	smul.u32 $0xC0, s15;
	_ =	swait.ge [sflag:s22], $0x3000  }
0x73: {  	s16 =	simm.s32 @!p0 $0x1F980;
	s21 =	simm.s32 @!p0 $0x5;
	[sflag:s22] =	ssyncset.done $0x0  }
0x74: {  	s17 =	simm.s32 @!p0 $0x19800;
	s18 =	simm.s32 @!p0 $0xC0;
	[sflag:s22] =	ssyncadd.s32 $0xFFFFD000  }
0x75: {  	[spmem:s2] =	stream.indirect.scatter.add.f32 @!p0 [tilespmem:s17], [sflag:$0x5], $0x40, s16, s18, $0xb8;
	[tilespmem:$0x1FB10] =	vst v63  }
0x76: {  	s15 =	sadd.s32 s8, s15;
	_ =	swait.ge @!p0 [sflag:s21], $0x3000  }
0x77: {  	s15 =	sshrl.u32 s15, $0x3;
	[sflag:s21] =	ssyncset.done @!p0 $0x0  }
0x78: {  	s19 =	sadd.s32 s5, s15;
	[sflag:s21] =	ssyncadd.s32 @!p0 $0xFFFFD000  }
0x79: {  	[tilespmem:s23], [sflag:$0x3] =	stream.linear.gather [hbm4b:s19+s3], $0xC0, $0x38;
	[tilespmem:$0x1FB10] =	vst v63  }
0x7a: {  	s15 =	sadd.s32 s6, s15  }
0x7b: {  	[tilespmem:s25], [sflag:$0x3] =	stream.linear.gather [hbm4b:s15+s3], $0xC0, $0x38;
	[tilespmem:$0x1FB10] =	vst v63  }
0x7c: {  	_ =	swait.ge [sflag:s26], $0xC0  }
0x7d: {  	[sflag:s26] =	ssyncset.done $0x0  }
0x7e: {  	[sflag:s26] =	ssyncadd.s32 $0xFFFFFF40  }
0x7f: {  	_ =	swait.ge [sflag:s26], $0xC0  }
0x80: {  	s14 =	sadd.s32 $0xFFFFFFFF, s14;
	[sflag:s26] =	ssyncset.done $0x0  }
0x81: {  	s16 =	simm.s32 $0x3;
	p0 =	slt.s32 s13, $0x3;
	[sflag:s26] =	ssyncadd.s32 $0xFFFFFF40  }
0x82: {  	[tilespmem:s29], [sflag:$0x1] =	stream.indirect.gather [hbm4b:s4+s28], $0x40, s23, s28, $0xb8;
	[tilespmem:$0x1FB10] =	vst v63  }
0x83: {  	s16 =	smov.u32 @p0 s13;
	p0 =	sne.s32 s14, $0x0;
	_ =	swait.ge [sflag:s7], $0x3000  }
0x84: {  	s16 =	smul.u32 $0xC0, s16;
	s24 =	rddreg [dreg:$0x3];
	[sflag:s7] =	ssyncset.done $0x0  }
.Ltmp3:
0x85: {  	p1 =	sle.s32 s24, $0x0;
	[sflag:s7] =	ssyncadd.s32 $0xFFFFD000;
	(pc) =	sbr.rel @!p0 .LBB2_4-.Ltmp3, $4  }
0x86: {  	s15 =	simm.s32 @!p1 $0xC0;
	s17 =	simm.s32 @!p1 $0x1FA40;
	s18 =	simm.s32 @!p1 $0x1C800  }
0x87: {  	[spmem:s2] =	stream.indirect.scatter.add.f32 @!p1 [tilespmem:s18], [sflag:$0x5], $0x40, s17, s15, $0xb8;
	[tilespmem:$0x1FB10] =	vst v63  }
0x88: {  	s15 =	simm.s32 @!p1 $0x5  }
0x89: {  	s21 =	simm.s32 $0x2;
	s16 =	sadd.s32 s8, s16;
	_ =	swait.ge @!p1 [sflag:s15], $0x3000  }
.LBB2_3:
0x8a: {  	[sflag:s15] =	ssyncset.done @!p1 $0x0;
	s16 =	sshrl.u32 s16, $0x3  }
0x8b: {  	[sflag:s15] =	ssyncadd.s32 @!p1 $0xFFFFD000;
	s18 =	sadd.s32 s5, s16  }
0x8c: {  	[tilespmem:s30], [sflag:$0x4] =	stream.linear.gather [hbm4b:s18+s3], $0xC0, $0x38;
	[tilespmem:$0x1FB10] =	vst v63  }
0x8d: {  	s16 =	sadd.s32 s6, s16  }
0x8e: {  	[tilespmem:s31], [sflag:$0x4] =	stream.linear.gather [hbm4b:s16+s3], $0xC0, $0x38;
	[tilespmem:$0x1FB10] =	vst v63  }
0x8f: {  	_ =	swait.ge [sflag:s0], $0xC0  }
0x90: {  	[sflag:s0] =	ssyncset.done $0x0  }
0x91: {  	[sflag:s0] =	ssyncadd.s32 $0xFFFFFF40  }
0x92: {  	s15 =	smov.u32 s21;
	s21 =	sadd.s32 $0x2, s21;
	_ =	swait.ge [sflag:s0], $0xC0  }
0x93: {  	p1 =	slt.s32 s13, s21;
	s16 =	smov.u32 s21;
	[sflag:s0] =	ssyncset.done $0x0  }
0x94: {  	s16 =	smov.u32 @p1 s13;
	[sflag:s0] =	ssyncadd.s32 $0xFFFFFF40  }
0x95: {  	[tilespmem:s1], [sflag:$0x2] =	stream.indirect.gather [hbm4b:s4+s28], $0x40, s30, s28, $0xb8;
	[tilespmem:$0x1FB10] =	vst v63  }
0x96: {  	p1 =	sge.s32 s15, s11;
	s16 =	smul.u32 $0xC0, s16;
	_ =	swait.ge [sflag:s22], $0x3000  }
0x97: {  	s17 =	simm.s32 @!p1 $0x1F980;
	s18 =	simm.s32 @!p1 $0x5;
	[sflag:s22] =	ssyncset.done $0x0  }
0x98: {  	s19 =	simm.s32 @!p1 $0x19800;
	s24 =	simm.s32 @!p1 $0xC0;
	[sflag:s22] =	ssyncadd.s32 $0xFFFFD000  }
0x99: {  	[spmem:s2] =	stream.indirect.scatter.add.f32 @!p1 [tilespmem:s19], [sflag:$0x5], $0x40, s17, s24, $0xb8;
	[tilespmem:$0x1FB10] =	vst v63  }
0x9a: {  	s16 =	sadd.s32 s8, s16;
	_ =	swait.ge @!p1 [sflag:s18], $0x3000  }
0x9b: {  	s16 =	sshrl.u32 s16, $0x3;
	[sflag:s18] =	ssyncset.done @!p1 $0x0  }
0x9c: {  	s19 =	sadd.s32 s5, s16;
	[sflag:s18] =	ssyncadd.s32 @!p1 $0xFFFFD000  }
0x9d: {  	[tilespmem:s23], [sflag:$0x3] =	stream.linear.gather [hbm4b:s19+s3], $0xC0, $0x38;
	[tilespmem:$0x1FB10] =	vst v63  }
0x9e: {  	s16 =	sadd.s32 s6, s16  }
0x9f: {  	[tilespmem:s25], [sflag:$0x3] =	stream.linear.gather [hbm4b:s16+s3], $0xC0, $0x38;
	[tilespmem:$0x1FB10] =	vst v63  }
0xa0: {  	_ =	swait.ge [sflag:s26], $0xC0  }
0xa1: {  	[sflag:s26] =	ssyncset.done $0x0  }
0xa2: {  	[sflag:s26] =	ssyncadd.s32 $0xFFFFFF40  }
0xa3: {  	_ =	swait.ge [sflag:s26], $0xC0  }
0xa4: {  	[sflag:s26] =	ssyncset.done $0x0  }
0xa5: {  	s17 =	sadd.s32 $0x3, s15;
	[sflag:s26] =	ssyncadd.s32 $0xFFFFFF40  }
0xa6: {  	[tilespmem:s29], [sflag:$0x1] =	stream.indirect.gather [hbm4b:s4+s28], $0x40, s23, s28, $0xb8;
	[tilespmem:$0x1FB10] =	vst v63  }
0xa7: {  	s14 =	sadd.s32 $0xFFFFFFFF, s14;
	p2 =	slt.s32 s13, s17;
	_ =	swait.ge [sflag:s7], $0x3000  }
0xa8: {  	p0 =	sne.s32 s14, $0x0;
	s17 =	smov.u32 @p2 s13;
	s24 =	rddreg [dreg:$0x3]  }
.Ltmp4:
0xa9: {  	[sflag:s7] =	ssyncset.done $0x0;
	p1 =	sge.s32 s15, s24;
	(pc) =	sbr.rel @p0 .LBB2_3-.Ltmp4, $4  }
0xaa: {  	s17 =	smul.u32 $0xC0, s17;
	[sflag:s7] =	ssyncadd.s32 $0xFFFFD000;
	s16 =	simm.s32 @!p1 $0xC0  }
0xab: {  	s18 =	simm.s32 @!p1 $0x1FA40;
	s19 =	simm.s32 @!p1 $0x1C800;
	s15 =	simm.s32 @!p1 $0x5  }
0xac: {  	[spmem:s2] =	stream.indirect.scatter.add.f32 @!p1 [tilespmem:s19], [sflag:$0x5], $0x40, s18, s16, $0xb8;
	[tilespmem:$0x1FB10] =	vst v63  }
0xad: {  	s16 =	sadd.s32 s8, s17;
	_ =	swait.ge @!p1 [sflag:s15], $0x3000  }
.LBB2_4:
0xae: {  	[sflag:s15] =	ssyncset.done @!p1 $0x0;
	s11 =	sshrl.u32 s16, $0x3  }
0xaf: {  	[sflag:s15] =	ssyncadd.s32 @!p1 $0xFFFFD000;
	s13 =	sadd.s32 s5, s11  }
0xb0: {  	[tilespmem:s30], [sflag:$0x4] =	stream.linear.gather [hbm4b:s13+s3], $0xC0, $0x38;
	[tilespmem:$0x1FB10] =	vst v63  }
0xb1: {  	s11 =	sadd.s32 s6, s11  }
0xb2: {  	[tilespmem:s31], [sflag:$0x4] =	stream.linear.gather [hbm4b:s11+s3], $0xC0, $0x38;
	[tilespmem:$0x1FB10] =	vst v63  }
.LBB2_5:
0xb3: {  	_ =	swait.ge [sflag:s22], $0x3000  }
0xb4: {  	[sflag:s22] =	ssyncset.done $0x0  }
0xb5: {  	[sflag:s22] =	ssyncadd.s32 $0xFFFFD000  }
0xb6: {  	_ =	swait.ge [sflag:s0], $0xC0  }
0xb7: {  	[sflag:s0] =	ssyncset.done $0x0  }
0xb8: {  	[sflag:s0] =	ssyncadd.s32 $0xFFFFFF40  }
0xb9: {  	_ =	swait.ge [sflag:s0], $0xC0  }
0xba: {  	s14 =	simm.s32 $0x0;
	[sflag:s0] =	ssyncset.done $0x0  }
0xbb: {  	s13 =	simm.s32 $0x1FB00;
	s11 =	rddreg [dreg:$0x9];
	[sflag:s0] =	ssyncadd.s32 $0xFFFFFF40  }
0xbc: {  	[tilespmem:s13], [sflag:$0x5] =	stream.linear.gather [hbm4b:s11+s14], $0x10, $0x38;
	[tilespmem:$0x1FB10] =	vst v63  }
0xbd: {  	_ =	swait.ge [sflag:s20], $0x10  }
0xbe: {  	[sflag:s20] =	ssyncset.done $0x0  }
0xbf: {  	[sflag:s20] =	ssyncadd.s32 $0xFFFFFFF0  }
0xc0: {  	v0 =	vld [tilespmem:$0x1FB00];
	_ =	sdelay $0x4  }
0xc1: {  	v0 =	vnsel vm0, $0x0, v0  }
0xc2: {  	(xrf0) =	vadd.scan.msk.s32 $0xffff, v0;
	_ =	sdelay $0x5  }
0xc3: {  	v0, _, _ =	vpop (xrf0)  }
0xc4: {  	(v2sf) =	vpush v0, $0xF;
	_ =	sdelay $0xe  }
0xc5: {  	s21 =	spop (v2sf)  }
0xc6: {  	s24 =	sadd.s32 $0xBF, s21  }
0xc7: {  	s15 =	smulhi.u32 $0x2AAAAAAB, s24;
	s16 =	sshra.s32 s24, $0x1F  }
0xc8: {  	s16 =	smul.u32 $0x2AAAAAAB, s16;
	_ =	sdelay $0x1  }
0xc9: {  	s15 =	sadd.s32 s16, s15  }
0xca: {  	s16 =	sshrl.u32 s15, $0x1F;
	s15 =	sshra.s32 s15, $0x5  }
0xcb: {  	s15 =	sadd.s32 s16, s15  }
0xcc: {  	s16 =	smul.u32 $0xFFFFFF40, s15  }
0xcd: {  	s11 =	ssub.s32 $0xFFFFFF41, s21  }
0xce: {  	p0 =	slt.s32 s24, $0x1;
	p1 =	sne.s32 s16, s11;
	s16 =	rddreg [dreg:$0xa]  }
0xcf: {  	[tilespmem:s23], [sflag:$0x3] =	stream.linear.gather [hbm4b:s16+s14], $0xC0, $0x38;
	[tilespmem:$0x1FB10] =	vst v63  }
0xd0: {  	p0 =	por !p0, !p1  }
0xd1: {  	s17 =	rddreg [dreg:$0xb];
	s11 =	simm.s32 $0x1;
	p0 =	por !p0, !p0  }
0xd2: {  	[tilespmem:s25], [sflag:$0x3] =	stream.linear.gather [hbm4b:s17+s14], $0xC0, $0x38;
	[tilespmem:$0x1FB10] =	vst v63  }
0xd3: {  	s11 =	simm.s32 @!p0 $0x0  }
0xd4: {  	_ =	swait.ge [sflag:s26], $0xC0;
	s11 =	ssub.s32 s15, s11  }
0xd5: {  	[sflag:s26] =	ssyncset.done $0x0;
	p0 =	sgt.s32 s11, $0x1;
	s13 =	smov.u32 s11  }
0xd6: {  	[sflag:s26] =	ssyncadd.s32 $0xFFFFFF40;
	s13 =	simm.s32 @!p0 $0x1  }
0xd7: {  	_ =	swait.ge [sflag:s26], $0xC0;
	s13 =	sadd.s32 $0xFFFFFFFF, s13  }
0xd8: {  	s15 =	simm.s32 $0x0;
	[sflag:s26] =	ssyncset.done $0x0;
	p0 =	seq.s32 s13, $0x0  }
0xd9: {  	[sflag:s26] =	ssyncadd.s32 $0xFFFFFF40;
	s15 =	simm.s32 @!p0 $0xC0  }
0xda: {  	[tilespmem:s29], [sflag:$0x1] =	stream.indirect.gather [hbm4b:s4+s28], $0x40, s23, s28, $0xb8;
	[tilespmem:$0x1FB10] =	vst v63  }
0xdb: {  	s19 =	sadd.s32 $0x1, s11;
	s15 =	sor.u32 s12, s15  }
0xdc: {  	s21 =	sand.u32 $0x1, s19;
	s15 =	sshrl.u32 s15, $0x3  }
0xdd: {  	p5 =	slt.s32 s11, $0x0;
	p6 =	seq.s32 s21, $0x1;
	s18 =	sadd.s32 s5, s15  }
0xde: {  	[tilespmem:s30], [sflag:$0x4] =	stream.linear.gather [hbm4b:s18+s14], $0xC0, $0x38;
	[tilespmem:$0x1FB10] =	vst v63  }
0xdf: {  	s24 =	sshrl.u32 s19, $0x1F;
	p0 =	por !p5, !p6;
	s15 =	sadd.s32 s6, s15  }
0xe0: {  	[tilespmem:s31], [sflag:$0x4] =	stream.linear.gather [hbm4b:s15+s14], $0xC0, $0x38;
	[tilespmem:$0x1FB10] =	vst v63  }
0xe1: {  	p0 =	por !p0, !p0;
	s14 =	sadd.s32 s24, s19;
	s15 =	simm.s32 $0x1  }
0xe2: {  	s14 =	sshra.s32 s14, $0x1;
	s15 =	simm.s32 @!p0 $0x0  }
0xe3: {  	s14 =	ssub.s32 s14, s15  }
0xe4: {  	p0 =	slt.s32 s14, $0x1  }
.Ltmp5:
0xe5: {  	_ = 	snop;
	(pc) =	sbr.rel @p0 .LBB2_9-.Ltmp5, $1  }
0xe6: {  	_ =	sdelay $0x3  }
0xe7: {  	s15 =	sadd.s32 $0xFFFFFFFF, s11  }
0xe8: {  	[dreg:$0x4] =	wrdreg s15  }
0xe9: {  	_ =	swait.ge [sflag:s0], $0xC0  }
0xea: {  	[sflag:s0] =	ssyncset.done $0x0  }
0xeb: {  	[sflag:s0] =	ssyncadd.s32 $0xFFFFFF40  }
0xec: {  	_ =	swait.ge [sflag:s0], $0xC0  }
0xed: {  	p0 =	slt.s32 s13, $0x2;
	s15 =	simm.s32 $0x2;
	[sflag:s0] =	ssyncset.done $0x0  }
0xee: {  	s15 =	smov.u32 @p0 s13;
	[sflag:s0] =	ssyncadd.s32 $0xFFFFFF40  }
0xef: {  	[tilespmem:s1], [sflag:$0x2] =	stream.indirect.gather [hbm4b:s4+s28], $0x40, s30, s28, $0xb8;
	[tilespmem:$0x1FB10] =	vst v63  }
0xf0: {  	p0 =	sle.s32 s11, $0x0;
	s15 =	smul.u32 $0xC0, s15;
	_ =	swait.ge [sflag:s22], $0x3000  }
0xf1: {  	s16 =	simm.s32 @!p0 $0x1F980;
	s17 =	simm.s32 @!p0 $0x5;
	[sflag:s22] =	ssyncset.done $0x0  }
0xf2: {  	s18 =	simm.s32 @!p0 $0x19800;
	s19 =	simm.s32 @!p0 $0xC0;
	[sflag:s22] =	ssyncadd.s32 $0xFFFFD000  }
0xf3: {  	[spmem:s2] =	stream.indirect.scatter.add.f32 @!p0 [tilespmem:s18], [sflag:$0x5], $0x40, s16, s19, $0xb8;
	[tilespmem:$0x1FB10] =	vst v63  }
0xf4: {  	s15 =	sadd.s32 s12, s15;
	_ =	swait.ge @!p0 [sflag:s17], $0x3000  }
0xf5: {  	s15 =	sshrl.u32 s15, $0x3;
	[sflag:s17] =	ssyncset.done @!p0 $0x0  }
0xf6: {  	s21 =	sadd.s32 s5, s15;
	[sflag:s17] =	ssyncadd.s32 @!p0 $0xFFFFD000  }
0xf7: {  	[tilespmem:s23], [sflag:$0x3] =	stream.linear.gather [hbm4b:s21+s3], $0xC0, $0x38;
	[tilespmem:$0x1FB10] =	vst v63  }
0xf8: {  	s15 =	sadd.s32 s6, s15  }
0xf9: {  	[tilespmem:s25], [sflag:$0x3] =	stream.linear.gather [hbm4b:s15+s3], $0xC0, $0x38;
	[tilespmem:$0x1FB10] =	vst v63  }
0xfa: {  	_ =	swait.ge [sflag:s26], $0xC0  }
0xfb: {  	[sflag:s26] =	ssyncset.done $0x0  }
0xfc: {  	[sflag:s26] =	ssyncadd.s32 $0xFFFFFF40  }
0xfd: {  	_ =	swait.ge [sflag:s26], $0xC0  }
0xfe: {  	s14 =	sadd.s32 $0xFFFFFFFF, s14;
	[sflag:s26] =	ssyncset.done $0x0  }
0xff: {  	s16 =	simm.s32 $0x3;
	p0 =	slt.s32 s13, $0x3;
	[sflag:s26] =	ssyncadd.s32 $0xFFFFFF40  }
0x100: {  	[tilespmem:s29], [sflag:$0x1] =	stream.indirect.gather [hbm4b:s4+s28], $0x40, s23, s28, $0xb8;
	[tilespmem:$0x1FB10] =	vst v63  }
0x101: {  	s16 =	smov.u32 @p0 s13;
	p0 =	sne.s32 s14, $0x0;
	_ =	swait.ge [sflag:s7], $0x3000  }
0x102: {  	s16 =	smul.u32 $0xC0, s16;
	s24 =	rddreg [dreg:$0x4];
	[sflag:s7] =	ssyncset.done $0x0  }
.Ltmp6:
0x103: {  	p1 =	sle.s32 s24, $0x0;
	[sflag:s7] =	ssyncadd.s32 $0xFFFFD000;
	(pc) =	sbr.rel @!p0 .LBB2_8-.Ltmp6, $4  }
0x104: {  	s15 =	simm.s32 @!p1 $0xC0;
	s17 =	simm.s32 @!p1 $0x1FA40;
	s18 =	simm.s32 @!p1 $0x1C800  }
0x105: {  	[spmem:s2] =	stream.indirect.scatter.add.f32 @!p1 [tilespmem:s18], [sflag:$0x5], $0x40, s17, s15, $0xb8;
	[tilespmem:$0x1FB10] =	vst v63  }
0x106: {  	s15 =	simm.s32 @!p1 $0x5  }
0x107: {  	s21 =	simm.s32 $0x2;
	s16 =	sadd.s32 s12, s16;
	_ =	swait.ge @!p1 [sflag:s15], $0x3000  }
.LBB2_7:
0x108: {  	[sflag:s15] =	ssyncset.done @!p1 $0x0;
	s16 =	sshrl.u32 s16, $0x3  }
0x109: {  	[sflag:s15] =	ssyncadd.s32 @!p1 $0xFFFFD000;
	s18 =	sadd.s32 s5, s16  }
0x10a: {  	[tilespmem:s30], [sflag:$0x4] =	stream.linear.gather [hbm4b:s18+s3], $0xC0, $0x38;
	[tilespmem:$0x1FB10] =	vst v63  }
0x10b: {  	s16 =	sadd.s32 s6, s16  }
0x10c: {  	[tilespmem:s31], [sflag:$0x4] =	stream.linear.gather [hbm4b:s16+s3], $0xC0, $0x38;
	[tilespmem:$0x1FB10] =	vst v63  }
0x10d: {  	_ =	swait.ge [sflag:s0], $0xC0  }
0x10e: {  	[sflag:s0] =	ssyncset.done $0x0  }
0x10f: {  	[sflag:s0] =	ssyncadd.s32 $0xFFFFFF40  }
0x110: {  	s15 =	smov.u32 s21;
	s21 =	sadd.s32 $0x2, s21;
	_ =	swait.ge [sflag:s0], $0xC0  }
0x111: {  	p1 =	slt.s32 s13, s21;
	s16 =	smov.u32 s21;
	[sflag:s0] =	ssyncset.done $0x0  }
0x112: {  	s16 =	smov.u32 @p1 s13;
	[sflag:s0] =	ssyncadd.s32 $0xFFFFFF40  }
0x113: {  	[tilespmem:s1], [sflag:$0x2] =	stream.indirect.gather [hbm4b:s4+s28], $0x40, s30, s28, $0xb8;
	[tilespmem:$0x1FB10] =	vst v63  }
0x114: {  	p1 =	sge.s32 s15, s11;
	s16 =	smul.u32 $0xC0, s16;
	_ =	swait.ge [sflag:s22], $0x3000  }
0x115: {  	s17 =	simm.s32 @!p1 $0x1F980;
	s18 =	simm.s32 @!p1 $0x5;
	[sflag:s22] =	ssyncset.done $0x0  }
0x116: {  	s19 =	simm.s32 @!p1 $0x19800;
	s24 =	simm.s32 @!p1 $0xC0;
	[sflag:s22] =	ssyncadd.s32 $0xFFFFD000  }
0x117: {  	[spmem:s2] =	stream.indirect.scatter.add.f32 @!p1 [tilespmem:s19], [sflag:$0x5], $0x40, s17, s24, $0xb8;
	[tilespmem:$0x1FB10] =	vst v63  }
0x118: {  	s16 =	sadd.s32 s12, s16;
	_ =	swait.ge @!p1 [sflag:s18], $0x3000  }
0x119: {  	s16 =	sshrl.u32 s16, $0x3;
	[sflag:s18] =	ssyncset.done @!p1 $0x0  }
0x11a: {  	s19 =	sadd.s32 s5, s16;
	[sflag:s18] =	ssyncadd.s32 @!p1 $0xFFFFD000  }
0x11b: {  	[tilespmem:s23], [sflag:$0x3] =	stream.linear.gather [hbm4b:s19+s3], $0xC0, $0x38;
	[tilespmem:$0x1FB10] =	vst v63  }
0x11c: {  	s16 =	sadd.s32 s6, s16  }
0x11d: {  	[tilespmem:s25], [sflag:$0x3] =	stream.linear.gather [hbm4b:s16+s3], $0xC0, $0x38;
	[tilespmem:$0x1FB10] =	vst v63  }
0x11e: {  	_ =	swait.ge [sflag:s26], $0xC0  }
0x11f: {  	[sflag:s26] =	ssyncset.done $0x0  }
0x120: {  	[sflag:s26] =	ssyncadd.s32 $0xFFFFFF40  }
0x121: {  	_ =	swait.ge [sflag:s26], $0xC0  }
0x122: {  	[sflag:s26] =	ssyncset.done $0x0  }
0x123: {  	s17 =	sadd.s32 $0x3, s15;
	[sflag:s26] =	ssyncadd.s32 $0xFFFFFF40  }
0x124: {  	[tilespmem:s29], [sflag:$0x1] =	stream.indirect.gather [hbm4b:s4+s28], $0x40, s23, s28, $0xb8;
	[tilespmem:$0x1FB10] =	vst v63  }
0x125: {  	s14 =	sadd.s32 $0xFFFFFFFF, s14;
	p2 =	slt.s32 s13, s17;
	_ =	swait.ge [sflag:s7], $0x3000  }
0x126: {  	p0 =	sne.s32 s14, $0x0;
	s17 =	smov.u32 @p2 s13;
	s24 =	rddreg [dreg:$0x4]  }
.Ltmp7:
0x127: {  	[sflag:s7] =	ssyncset.done $0x0;
	p1 =	sge.s32 s15, s24;
	(pc) =	sbr.rel @p0 .LBB2_7-.Ltmp7, $4  }
0x128: {  	s17 =	smul.u32 $0xC0, s17;
	[sflag:s7] =	ssyncadd.s32 $0xFFFFD000;
	s16 =	simm.s32 @!p1 $0xC0  }
0x129: {  	s18 =	simm.s32 @!p1 $0x1FA40;
	s19 =	simm.s32 @!p1 $0x1C800;
	s15 =	simm.s32 @!p1 $0x5  }
0x12a: {  	[spmem:s2] =	stream.indirect.scatter.add.f32 @!p1 [tilespmem:s19], [sflag:$0x5], $0x40, s18, s16, $0xb8;
	[tilespmem:$0x1FB10] =	vst v63  }
0x12b: {  	s16 =	sadd.s32 s12, s17;
	_ =	swait.ge @!p1 [sflag:s15], $0x3000  }
.Ltmp8:
0x12c: {  	_ = 	snop;
	(pc) =	sbr.rel .LBB2_8-.Ltmp8, $1  }
0x12d: {  	_ =	sdelay $0x3  }
.LBB2_10:
0x12e: {  	_ =	sfence.sel $0x180000  }
0x12f: {  	[bflag:$0x0] =	sbarrier.arrive $0xFFFF  }
0x130: {  	_ =	strace $0x90000050  }
0x131: {  	s0 =	stileid.u32;
	[bflag:$0x2] =	sbarrier.arrive $0xFFFF  }
0x132: {  	p0 =	sne.s32 s0, $0x0;
	s0 =	rddreg [dreg:$0x2]  }
0x133: {  	s0 =	sadd.s32 @!p0 $0x100000, s0  }
0x134: {  	[sflag:s0] =	ssyncadd.tile.s32 @!p0 $0x1;
	_ =	shalt  }
.Lfunc_end2:
_tile_overlayer_lowered:
.L_overlay_start_2:
0x135: {  	(tag) =	ssettag $0x2  }
0x136: {  	s0 =	rddreg [dreg:$0x0];
	s2 =	stileid.u32  }
0x137: {  	s1 =	rddreg [dreg:$0x1];
	p0 =	sne.s32 s2, $0x0  }
0x138: {  	s3 =	rddreg [dreg:$0x2];
	[bflag:$0x3] =	sbarrier.arrive $0xFFFF;
	s2 =	simm.s32 @!p0 $0x1C05  }
0x139: {  	[timem:s3], [sflag:s2] =	dma.local @!p0 [hbm:s0], s1  }
0x13a: {  	s0 =	simm.s32 @!p0 $0x5  }
0x13b: {  	_ =	swait.ge @!p0 [sflag:s0], s1  }
0x13c: {  	s1 =	ssub.s32 @!p0 $0x0, s1;
	[sflag:s0] =	ssyncset.done @!p0 $0x0  }
0x13d: {  	[sflag:s0] =	ssyncadd.s32 @!p0 s1  }
0x13e: {  	[bflag:$0x3] =	sbarrier.arrive $0xFFFF  }
0x13f: {  	_ =	shalt  }

</sc_bundles>
